<compile_context>
chip_gen: v7x
topology: tpu7x:2x2x1
jax: 0.10.2.dev20260603
libtpu: 0.0.44.dev20260713+nightly
codegen_flags: <defaults>
</compile_context>

<pallas_src>
import functools

import jax
import jax.numpy as jnp
from jax import lax
from jax.experimental import pallas as pl
from jax.experimental.pallas import tpu as pltpu
from jax.experimental.pallas import tpu_sc as plsc

N = 10000
DEG = 16
F = 128
G4 = 4 * F
NP = 10240
TOT = DEG * NP

NW = 32
NH = NP // 2
TOTH = DEG * NH
ROWS_PER_W = TOTH // NW
CH = 128
NCH = ROWS_PER_W // CH
NCH2 = NCH // 2


def _sc_gather_body(idx_hbm, table_hbm, out_hbm, idx_v, buf_a, buf_b,
                    sem_ga, sem_gb, sem_sa, sem_sb):
    wid = lax.axis_index("s") * 2 + lax.axis_index("c")
    pltpu.sync_copy(idx_hbm.at[wid], idx_v)
    base = wid * ROWS_PER_W
    pltpu.async_copy(table_hbm.at[idx_v.at[0]], buf_a, sem_ga)

    def body(c2, carry):
        c = 2 * c2
        pltpu.make_async_copy(table_hbm.at[idx_v.at[c]], buf_a, sem_ga).wait()
        pltpu.async_copy(buf_a, out_hbm.at[pl.ds(base + c * CH, CH)], sem_sa)

        @pl.when(c2 > 0)
        def _():
            pltpu.make_async_copy(
                buf_b, out_hbm.at[pl.ds(base + (c - 1) * CH, CH)], sem_sb
            ).wait()

        pltpu.async_copy(table_hbm.at[idx_v.at[c + 1]], buf_b, sem_gb)
        pltpu.make_async_copy(
            buf_a, out_hbm.at[pl.ds(base + c * CH, CH)], sem_sa).wait()

        @pl.when(c2 + 1 < NCH2)
        def _():
            pltpu.async_copy(table_hbm.at[idx_v.at[c + 2]], buf_a, sem_ga)

        pltpu.make_async_copy(
            table_hbm.at[idx_v.at[c + 1]], buf_b, sem_gb).wait()
        pltpu.async_copy(
            buf_b, out_hbm.at[pl.ds(base + (c + 1) * CH, CH)], sem_sb)
        return carry

    lax.fori_loop(0, NCH2, body, 0)
    pltpu.make_async_copy(
        buf_b, out_hbm.at[pl.ds(base + (NCH - 1) * CH, CH)], sem_sb).wait()


def _sc_gather(idx3, table):
    mesh = plsc.VectorSubcoreMesh(core_axis_name="c", subcore_axis_name="s")
    kfn = functools.partial(
        pl.kernel,
        mesh=mesh,
        out_type=jax.ShapeDtypeStruct((TOTH, F), jnp.float32),
        scratch_types=[
            pltpu.VMEM((NCH, CH), jnp.int32),
            pltpu.VMEM((CH, F), jnp.float32),
            pltpu.VMEM((CH, F), jnp.float32),
            pltpu.SemaphoreType.DMA,
            pltpu.SemaphoreType.DMA,
            pltpu.SemaphoreType.DMA,
            pltpu.SemaphoreType.DMA,
        ],
    )(_sc_gather_body)
    return kfn(idx3, table)


BN = 1024
NBLK = NH // BN


def _reducer_body(mb_ref, wih_ref, whh_ref, br_ref, wil_ref, bl_ref, xp_ref):
    h = jnp.zeros((BN, F), jnp.float32)
    c = jnp.zeros((BN, F), jnp.float32)
    wih = wih_ref[...]
    whh = whh_ref[...]
    br = br_ref[...]
    for t in range(DEG):
        x = mb_ref[t]
        g = (jnp.dot(x, wih, preferred_element_type=jnp.float32)
             + jnp.dot(h, whh, preferred_element_type=jnp.float32) + br)
        i = 0.5 * jnp.tanh(0.5 * g[:, 0:F]) + 0.5
        f = 0.5 * jnp.tanh(0.5 * g[:, F:2 * F]) + 0.5
        gg = jnp.tanh(g[:, 2 * F:3 * F])
        o = 0.5 * jnp.tanh(0.5 * g[:, 3 * F:4 * F]) + 0.5
        c = f * c + i * gg
        h = o * jnp.tanh(c)
    xp_ref[...] = (jnp.dot(h, wil_ref[...], preferred_element_type=jnp.float32)
                   + bl_ref[...])


def _reducer(mb3, wihrT, whhrT, br, wihlT, bl):
    return pl.pallas_call(
        _reducer_body,
        grid=(NBLK,),
        in_specs=[
            pl.BlockSpec((DEG, BN, F), lambda b: (0, b, 0)),
            pl.BlockSpec((F, G4), lambda b: (0, 0)),
            pl.BlockSpec((F, G4), lambda b: (0, 0)),
            pl.BlockSpec((1, G4), lambda b: (0, 0)),
            pl.BlockSpec((F, G4), lambda b: (0, 0)),
            pl.BlockSpec((1, G4), lambda b: (0, 0)),
        ],
        out_specs=pl.BlockSpec((BN, G4), lambda b: (b, 0)),
        out_shape=jax.ShapeDtypeStruct((NH, G4), jnp.float32),
    )(mb3, wihrT, whhrT, br, wihlT, bl)


CHUNK = 1280
NSEQ = NH // CHUNK
UNROLL = 8


def _seq_body(half, xp_ref, h0_ref, c0_ref, whh_ref, wlin_ref, blin_ref,
              out_ref, hT_ref, cT_ref, h_s, c_s, hs_s):
    b = pl.program_id(0)

    @pl.when(b == 0)
    def _():
        h_s[...] = h0_ref[...]
        c_s[...] = c0_ref[...]

    steps = jnp.minimum(CHUNK, N - (half * NH + b * CHUNK))
    whh = whh_ref[...]

    def step8(j, carry):
        h, c = carry
        base = j * UNROLL
        for u in range(UNROLL):
            hb = h.reshape(F, 1)
            xr = xp_ref[pl.ds(base + u, 1), :]
            p = whh * hb
            gi = jnp.sum(p[:, 0:F], axis=0, keepdims=True) + xr[:, 0:F]
            gf = jnp.sum(p[:, F:2 * F], axis=0, keepdims=True) + xr[:, F:2 * F]
            gg4 = jnp.sum(p[:, 2 * F:3 * F], axis=0, keepdims=True) + xr[:, 2 * F:3 * F]
            go = jnp.sum(p[:, 3 * F:4 * F], axis=0, keepdims=True) + xr[:, 3 * F:4 * F]
            ii = 0.5 * jnp.tanh(0.5 * gi) + 0.5
            f = 0.5 * jnp.tanh(0.5 * gf) + 0.5
            gg = jnp.tanh(gg4)
            o = 0.5 * jnp.tanh(0.5 * go) + 0.5
            c = f * c + ii * gg
            h = o * jnp.tanh(c)
            hs_s[pl.ds(base + u, 1), :] = h
        return (h, c)

    h, c = lax.fori_loop(0, steps // UNROLL, step8, (h_s[...], c_s[...]))
    h_s[...] = h
    c_s[...] = c
    hT_ref[...] = h
    cT_ref[...] = c
    out_ref[...] = (jnp.dot(hs_s[...], wlin_ref[...],
                            preferred_element_type=jnp.float32) + blin_ref[...])


def _seq(half, xp, h0, c0, whhlT, wlinT, blin):
    return pl.pallas_call(
        functools.partial(_seq_body, half),
        grid=(NSEQ,),
        in_specs=[
            pl.BlockSpec((CHUNK, G4), lambda b: (b, 0)),
            pl.BlockSpec((1, F), lambda b: (0, 0)),
            pl.BlockSpec((1, F), lambda b: (0, 0)),
            pl.BlockSpec((F, G4), lambda b: (0, 0)),
            pl.BlockSpec((F, F), lambda b: (0, 0)),
            pl.BlockSpec((1, F), lambda b: (0, 0)),
        ],
        out_specs=[
            pl.BlockSpec((CHUNK, F), lambda b: (b, 0)),
            pl.BlockSpec((1, F), lambda b: (0, 0)),
            pl.BlockSpec((1, F), lambda b: (0, 0)),
        ],
        out_shape=[
            jax.ShapeDtypeStruct((NH, F), jnp.float32),
            jax.ShapeDtypeStruct((1, F), jnp.float32),
            jax.ShapeDtypeStruct((1, F), jnp.float32),
        ],
        scratch_shapes=[
            pltpu.VMEM((1, F), jnp.float32),
            pltpu.VMEM((1, F), jnp.float32),
            pltpu.VMEM((CHUNK, F), jnp.float32),
        ],
    )(xp, h0, c0, whhlT, wlinT, blin)


def kernel(node_feats, neighbor_idx, W_ih_r, W_hh_r, b_ih_r, b_hh_r,
           W_ih_l, W_hh_l, b_ih_l, b_hh_l, W_lin, b_lin, bias):
    idx = jnp.transpose(neighbor_idx)
    pad = (jnp.arange(DEG, dtype=jnp.int32)[:, None] * (NP - N)
           + jnp.arange(NP - N, dtype=jnp.int32)[None, :])
    idx = jnp.concatenate([idx, pad], axis=1)
    idx3_0 = idx[:, :NH].reshape(NW, NCH, CH)
    idx3_1 = idx[:, NH:].reshape(NW, NCH, CH)

    wihrT = jnp.transpose(W_ih_r)
    whhrT = jnp.transpose(W_hh_r)
    br = (b_ih_r + b_hh_r)[None, :]
    wihlT = jnp.transpose(W_ih_l)
    bl = (b_ih_l + b_hh_l)[None, :]
    whhlT = jnp.transpose(W_hh_l)
    wlinT = jnp.transpose(W_lin)
    blin = (b_lin + bias)[None, :]

    z = jnp.zeros((1, F), jnp.float32)
    mb0 = _sc_gather(idx3_0, node_feats).reshape(DEG, NH, F)
    xp0 = _reducer(mb0, wihrT, whhrT, br, wihlT, bl)
    out0, hT, cT = _seq(0, xp0, z, z, whhlT, wlinT, blin)
    mb1 = _sc_gather(idx3_1, node_feats).reshape(DEG, NH, F)
    xp1 = _reducer(mb1, wihrT, whhrT, br, wihlT, bl)
    out1, _, _ = _seq(1, xp1, hT, cT, whhlT, wlinT, blin)
    return jnp.concatenate([out0, out1], axis=0)[:N]

# --- scband reference (transcript-rebuilt; emitter-appended) ---
"""Pipeline reference for scband-mylstm-sageconv-3504693313808 (READ-ONLY COPY).

The authoritative reference and input builder live on the scoring server;
editing this copy changes nothing except your own understanding.
"""

import jax, jax.numpy as jnp
import numpy as np

N = 10000
DEG = 16
IN_FEATS = 128
OUT_FEATS = 128


def _lstm_scan(seq, W_ih, W_hh, b_ih, b_hh, h0, c0):
    # seq: [T, B, input]; PyTorch LSTM gate order i, f, g, o
    def step(carry, x_t):
        h, c = carry
        gates = x_t @ W_ih.T + b_ih + h @ W_hh.T + b_hh
        i, f, g, o = jnp.split(gates, 4, axis=-1)
        i = jax.nn.sigmoid(i)
        f = jax.nn.sigmoid(f)
        g = jnp.tanh(g)
        o = jax.nn.sigmoid(o)
        c = f * c + i * g
        h = o * jnp.tanh(c)
        return (h, c), h
    (hT, cT), hs = jax.lax.scan(step, (h0, c0), seq)
    return hs, hT


def setup_inputs(seed: int = 0):
    key = jax.random.key(seed)
    ks = jax.random.split(key, 16)
    s_in = 1.0 / np.sqrt(IN_FEATS)
    s_out = 1.0 / np.sqrt(OUT_FEATS)
    gain = np.sqrt(2.0)  # calculate_gain('relu')
    xav = gain * np.sqrt(6.0 / (OUT_FEATS + OUT_FEATS))
    inp = {}
    inp["node_feats"] = jax.random.normal(ks[0], (N, IN_FEATS), dtype=jnp.float32)
    inp["neighbor_idx"] = jax.random.randint(ks[1], (N, DEG), 0, N, dtype=jnp.int32)
    # self.lstm (mailbox reducer): input IN_FEATS, hidden IN_FEATS
    inp["W_ih_r"] = jax.random.uniform(ks[2], (4 * IN_FEATS, IN_FEATS), minval=-s_in, maxval=s_in, dtype=jnp.float32)
    inp["W_hh_r"] = jax.random.uniform(ks[3], (4 * IN_FEATS, IN_FEATS), minval=-s_in, maxval=s_in, dtype=jnp.float32)
    inp["b_ih_r"] = jax.random.uniform(ks[4], (4 * IN_FEATS,), minval=-s_in, maxval=s_in, dtype=jnp.float32)
    inp["b_hh_r"] = jax.random.uniform(ks[5], (4 * IN_FEATS,), minval=-s_in, maxval=s_in, dtype=jnp.float32)
    # self.layer: input IN_FEATS, hidden OUT_FEATS
    inp["W_ih_l"] = jax.random.uniform(ks[6], (4 * OUT_FEATS, IN_FEATS), minval=-s_out, maxval=s_out, dtype=jnp.float32)
    inp["W_hh_l"] = jax.random.uniform(ks[7], (4 * OUT_FEATS, OUT_FEATS), minval=-s_out, maxval=s_out, dtype=jnp.float32)
    inp["b_ih_l"] = jax.random.uniform(ks[8], (4 * OUT_FEATS,), minval=-s_out, maxval=s_out, dtype=jnp.float32)
    inp["b_hh_l"] = jax.random.uniform(ks[9], (4 * OUT_FEATS,), minval=-s_out, maxval=s_out, dtype=jnp.float32)
    # self.linear
    inp["W_lin"] = jax.random.uniform(ks[10], (OUT_FEATS, OUT_FEATS), minval=-xav, maxval=xav, dtype=jnp.float32)
    inp["b_lin"] = jax.random.uniform(ks[11], (OUT_FEATS,), minval=-s_out, maxval=s_out, dtype=jnp.float32)
    # self.bias parameter (initialized to zeros)
    inp["bias"] = jnp.zeros((OUT_FEATS,), dtype=jnp.float32)
    return inp


def reference(node_feats, neighbor_idx, W_ih_r, W_hh_r, b_ih_r, b_hh_r,
              W_ih_l, W_hh_l, b_ih_l, b_hh_l, W_lin, b_lin, bias):
    # message passing: gather neighbor features into mailbox [N, DEG, IN]
    m = jnp.take(node_feats, neighbor_idx, axis=0)
    # LSTM reducer over the mailbox (batch_first=True in torch -> time-major here)
    seq = jnp.transpose(m, (1, 0, 2))  # [DEG, N, IN]
    h0 = jnp.zeros((N, IN_FEATS), dtype=node_feats.dtype)
    c0 = jnp.zeros((N, IN_FEATS), dtype=node_feats.dtype)
    _, h_agg = _lstm_scan(seq, W_ih_r, W_hh_r, b_ih_r, b_hh_r, h0, c0)  # [N, IN]
    # self.layer LSTM applied to unbatched sequence of length N
    seq2 = h_agg[:, None, :]  # [N, 1, IN]
    h0l = jnp.zeros((1, OUT_FEATS), dtype=node_feats.dtype)
    c0l = jnp.zeros((1, OUT_FEATS), dtype=node_feats.dtype)
    hs, _ = _lstm_scan(seq2, W_ih_l, W_hh_l, b_ih_l, b_hh_l, h0l, c0l)  # [N, 1, OUT]
    h = jnp.squeeze(hs, axis=1)  # [N, OUT]
    h = h @ W_lin.T + b_lin
    return h + bias


if False:  # reference __main__ guard neutralized (emitter)
    out = reference(**setup_inputs())
    print(out.shape)

if __name__ == "__main__":
    import jax
    _d = setup_inputs()
    print(jax.jit(kernel)(*tuple(_d.values())))

</pallas_src>

<mosaic_0001>
#map = affine_map<(d0, d1) -> (0, 0, 0)>
#map1 = affine_map<(d0, d1) -> (0, 0)>
module attributes {stable_mosaic.version = 14 : i64} {
  func.func @_sc_gather_body(%arg0: i32, %arg1: i32, %arg2: memref<32x20x128xi32, #tpu.memory_space<hbm>>, %arg3: memref<10000x128xf32, #tpu.memory_space<hbm>>, %arg4: memref<81920x128xf32, #tpu.memory_space<hbm>>, %arg5: memref<20x128xi32, #tpu.memory_space<vmem>>, %arg6: memref<128x128xf32, #tpu.memory_space<vmem>>, %arg7: memref<128x128xf32, #tpu.memory_space<vmem>>, %arg8: memref<!tpu.dma_semaphore, #tpu.memory_space<semaphore_mem>>, %arg9: memref<!tpu.dma_semaphore, #tpu.memory_space<semaphore_mem>>, %arg10: memref<!tpu.dma_semaphore, #tpu.memory_space<semaphore_mem>>, %arg11: memref<!tpu.dma_semaphore, #tpu.memory_space<semaphore_mem>>) attributes {dimension_semantics = [#tpu.dimension_semantics<core_parallel>, #tpu.dimension_semantics<subcore_parallel>], iteration_bounds = array<i64: 2, 16>, scalar_prefetch = 0 : i64, scratch_operands = 7 : i64, tpu.core_type = #tpu.core_type<sc_vector_subcore>, window_params = [{transform_indices = #map}, {transform_indices = #map1}, {transform_indices = #map1}]} {
    %mul3A = arith.constant 2 : i32
    %mul3A_0 = arith.muli %arg1, %mul3A : i32
    %add3A = arith.addi %mul3A_0, %arg0 : i32
    "tpu.region"() ({
      %run_scoped3A = tpu.sem_alloc : memref<!tpu.dma_semaphore, #tpu.memory_space<semaphore_mem>>
      %dma_start3A_19 = arith.constant 0 : i32
      %dma_start3A_20 = arith.constant 0 : i32
      %dma_start3A_21 = tpu.memref_slice %arg2[%add3A, %dma_start3A_19, %dma_start3A_20] : memref<32x20x128xi32, #tpu.memory_space<hbm>> -> memref<1x20x128xi32, #tpu.memory_space<hbm>>
      %dma_start3A_22 = tpu.memref_squeeze %dma_start3A_21 : memref<1x20x128xi32, #tpu.memory_space<hbm>> -> memref<20x128xi32, #tpu.memory_space<hbm>>
      %dma_start3A_23 = arith.constant 0 : i32
      %dma_start3A_24 = arith.constant 0 : i32
      %dma_start3A_25 = tpu.memref_slice %arg2[%add3A, %dma_start3A_23, %dma_start3A_24] : memref<32x20x128xi32, #tpu.memory_space<hbm>> -> memref<1x20x128xi32, #tpu.memory_space<hbm>>
      %dma_start3A_26 = tpu.memref_squeeze %dma_start3A_25 : memref<1x20x128xi32, #tpu.memory_space<hbm>> -> memref<20x128xi32, #tpu.memory_space<hbm>>
      tpu.enqueue_dma source(%dma_start3A_26 : memref<20x128xi32, #tpu.memory_space<hbm>>) target(%arg5 : memref<20x128xi32, #tpu.memory_space<vmem>>) target_semaphore(%run_scoped3A : memref<!tpu.dma_semaphore, #tpu.memory_space<semaphore_mem>>)
      %dma_wait3A_27 = arith.constant 0 : i32
      %dma_wait3A_28 = arith.constant 0 : i32
      %dma_wait3A_29 = tpu.memref_slice %arg2[%add3A, %dma_wait3A_27, %dma_wait3A_28] : memref<32x20x128xi32, #tpu.memory_space<hbm>> -> memref<1x20x128xi32, #tpu.memory_space<hbm>>
      %dma_wait3A_30 = tpu.memref_squeeze %dma_wait3A_29 : memref<1x20x128xi32, #tpu.memory_space<hbm>> -> memref<20x128xi32, #tpu.memory_space<hbm>>
      %dma_wait3A_31 = arith.constant 0 : i32
      %dma_wait3A_32 = arith.constant 0 : i32
      %dma_wait3A_33 = tpu.memref_slice %arg2[%add3A, %dma_wait3A_31, %dma_wait3A_32] : memref<32x20x128xi32, #tpu.memory_space<hbm>> -> memref<1x20x128xi32, #tpu.memory_space<hbm>>
      %dma_wait3A_34 = tpu.memref_squeeze %dma_wait3A_33 : memref<1x20x128xi32, #tpu.memory_space<hbm>> -> memref<20x128xi32, #tpu.memory_space<hbm>>
      tpu.wait_dma2 semaphore(%run_scoped3A : memref<!tpu.dma_semaphore, #tpu.memory_space<semaphore_mem>>) src(%dma_wait3A_34 : memref<20x128xi32, #tpu.memory_space<hbm>>) dst(%arg5 : memref<20x128xi32, #tpu.memory_space<vmem>>)
      tpu.yield
    }) : () -> ()
    %mul3A_1 = arith.constant 2560 : i32
    %mul3A_2 = arith.muli %add3A, %mul3A_1 : i32
    %dma_start3A = arith.constant 0 : i32
    %dma_start3A_3 = arith.constant 0 : i32
    %dma_start3A_4 = tpu.memref_slice %arg5[%dma_start3A, %dma_start3A_3] : memref<20x128xi32, #tpu.memory_space<vmem>> -> memref<1x128xi32, #tpu.memory_space<vmem>>
    %dma_start3A_5 = tpu.memref_squeeze %dma_start3A_4 : memref<1x128xi32, #tpu.memory_space<vmem>> -> memref<128xi32, #tpu.memory_space<vmem>>
    %dma_start3A_6 = arith.constant 0 : i32
    %dma_start3A_7 = arith.constant 0 : i32
    %dma_start3A_8 = tpu.memref_slice %arg3[%dma_start3A_6, %dma_start3A_7] : memref<10000x128xf32, #tpu.memory_space<hbm>> -> memref<10000x128xf32, #tpu.memory_space<hbm>>
    tpu.enqueue_indirect_dma source(%dma_start3A_8 : memref<10000x128xf32, #tpu.memory_space<hbm>>) target(%arg6 : memref<128x128xf32, #tpu.memory_space<vmem>>) offsets(%dma_start3A_5 : memref<128xi32, #tpu.memory_space<vmem>>) semaphore(%arg8 : memref<!tpu.dma_semaphore, #tpu.memory_space<semaphore_mem>>)
    %scan3A = arith.constant 0 : i32
    %scan3A_9 = arith.constant 0 : i32
    %scan3A_10 = arith.constant 10 : i32
    %scan3A_11 = arith.addi %scan3A_9, %scan3A_10 : i32
    %scan3A_12 = arith.constant 1 : i32
    scf.for %scan3A_19 = %scan3A_9 to %scan3A_11 step %scan3A_12  : i32 {
      %mul3A_20 = arith.constant 2 : i32
      %mul3A_21 = arith.muli %mul3A_20, %scan3A_19 : i32
      %dma_wait3A_22 = arith.constant 0 : i32
      %dma_wait3A_23 = tpu.memref_slice %arg5[%mul3A_21, %dma_wait3A_22] : memref<20x128xi32, #tpu.memory_space<vmem>> -> memref<1x128xi32, #tpu.memory_space<vmem>>
      %dma_wait3A_24 = tpu.memref_squeeze %dma_wait3A_23 : memref<1x128xi32, #tpu.memory_space<vmem>> -> memref<128xi32, #tpu.memory_space<vmem>>
      %dma_wait3A_25 = arith.constant 0 : i32
      %dma_wait3A_26 = arith.constant 0 : i32
      %dma_wait3A_27 = tpu.memref_slice %arg3[%dma_wait3A_25, %dma_wait3A_26] : memref<10000x128xf32, #tpu.memory_space<hbm>> -> memref<10000x128xf32, #tpu.memory_space<hbm>>
      tpu.wait_indirect_dma semaphore(%arg8 : memref<!tpu.dma_semaphore, #tpu.memory_space<semaphore_mem>>) src(%dma_wait3A_27 : memref<10000x128xf32, #tpu.memory_space<hbm>>) dst(%arg6 : memref<128x128xf32, #tpu.memory_space<vmem>>)
      %mul3A_28 = arith.constant 128 : i32
      %mul3A_29 = arith.muli %mul3A_21, %mul3A_28 : i32
      %add3A_30 = arith.addi %mul3A_2, %mul3A_29 : i32
      %dma_start3A_31 = arith.constant 0 : i32
      %dma_start3A_32 = tpu.memref_slice %arg4[%add3A_30, %dma_start3A_31] : memref<81920x128xf32, #tpu.memory_space<hbm>> -> memref<128x128xf32, #tpu.memory_space<hbm>>
      %dma_start3A_33 = arith.constant 0 : i32
      %dma_start3A_34 = tpu.memref_slice %arg4[%add3A_30, %dma_start3A_33] : memref<81920x128xf32, #tpu.memory_space<hbm>> -> memref<128x128xf32, #tpu.memory_space<hbm>>
      tpu.enqueue_dma source(%arg6 : memref<128x128xf32, #tpu.memory_space<vmem>>) target(%dma_start3A_34 : memref<128x128xf32, #tpu.memory_space<hbm>>) target_semaphore(%arg10 : memref<!tpu.dma_semaphore, #tpu.memory_space<semaphore_mem>>)
      %gt3A = arith.constant 0 : i32
      %gt3A_35 = arith.cmpi sgt, %scan3A_19, %gt3A : i32
      %convert_element_type3A = arith.extui %gt3A_35 : i1 to i32
      %cond3A = arith.constant 0 : i32
      %cond3A_36 = arith.cmpi ne, %convert_element_type3A, %cond3A : i32
      scf.if %cond3A_36 {
        %sub3A = arith.constant 1 : i32
        %sub3A_75 = arith.subi %mul3A_21, %sub3A : i32
        %mul3A_76 = arith.constant 128 : i32
        %mul3A_77 = arith.muli %sub3A_75, %mul3A_76 : i32
        %add3A_78 = arith.addi %mul3A_2, %mul3A_77 : i32
        %dma_wait3A_79 = arith.constant 0 : i32
        %dma_wait3A_80 = tpu.memref_slice %arg4[%add3A_78, %dma_wait3A_79] : memref<81920x128xf32, #tpu.memory_space<hbm>> -> memref<128x128xf32, #tpu.memory_space<hbm>>
        %dma_wait3A_81 = arith.constant 0 : i32
        %dma_wait3A_82 = tpu.memref_slice %arg4[%add3A_78, %dma_wait3A_81] : memref<81920x128xf32, #tpu.memory_space<hbm>> -> memref<128x128xf32, #tpu.memory_space<hbm>>
        tpu.wait_dma2 semaphore(%arg11 : memref<!tpu.dma_semaphore, #tpu.memory_space<semaphore_mem>>) src(%arg7 : memref<128x128xf32, #tpu.memory_space<vmem>>) dst(%dma_wait3A_82 : memref<128x128xf32, #tpu.memory_space<hbm>>)
      } else {
      }
      %add3A_37 = arith.constant 1 : i32
      %add3A_38 = arith.addi %mul3A_21, %add3A_37 : i32
      %dma_start3A_39 = arith.constant 0 : i32
      %dma_start3A_40 = tpu.memref_slice %arg5[%add3A_38, %dma_start3A_39] : memref<20x128xi32, #tpu.memory_space<vmem>> -> memref<1x128xi32, #tpu.memory_space<vmem>>
      %dma_start3A_41 = tpu.memref_squeeze %dma_start3A_40 : memref<1x128xi32, #tpu.memory_space<vmem>> -> memref<128xi32, #tpu.memory_space<vmem>>
      %dma_start3A_42 = arith.constant 0 : i32
      %dma_start3A_43 = arith.constant 0 : i32
      %dma_start3A_44 = tpu.memref_slice %arg3[%dma_start3A_42, %dma_start3A_43] : memref<10000x128xf32, #tpu.memory_space<hbm>> -> memref<10000x128xf32, #tpu.memory_space<hbm>>
      tpu.enqueue_indirect_dma source(%dma_start3A_44 : memref<10000x128xf32, #tpu.memory_space<hbm>>) target(%arg7 : memref<128x128xf32, #tpu.memory_space<vmem>>) offsets(%dma_start3A_41 : memref<128xi32, #tpu.memory_space<vmem>>) semaphore(%arg9 : memref<!tpu.dma_semaphore, #tpu.memory_space<semaphore_mem>>)
      %mul3A_45 = arith.constant 128 : i32
      %mul3A_46 = arith.muli %mul3A_21, %mul3A_45 : i32
      %add3A_47 = arith.addi %mul3A_2, %mul3A_46 : i32
      %dma_wait3A_48 = arith.constant 0 : i32
      %dma_wait3A_49 = tpu.memref_slice %arg4[%add3A_47, %dma_wait3A_48] : memref<81920x128xf32, #tpu.memory_space<hbm>> -> memref<128x128xf32, #tpu.memory_space<hbm>>
      %dma_wait3A_50 = arith.constant 0 : i32
      %dma_wait3A_51 = tpu.memref_slice %arg4[%add3A_47, %dma_wait3A_50] : memref<81920x128xf32, #tpu.memory_space<hbm>> -> memref<128x128xf32, #tpu.memory_space<hbm>>
      tpu.wait_dma2 semaphore(%arg10 : memref<!tpu.dma_semaphore, #tpu.memory_space<semaphore_mem>>) src(%arg6 : memref<128x128xf32, #tpu.memory_space<vmem>>) dst(%dma_wait3A_51 : memref<128x128xf32, #tpu.memory_space<hbm>>)
      %add3A_52 = arith.constant 1 : i32
      %add3A_53 = arith.addi %scan3A_19, %add3A_52 : i32
      %lt3A = arith.constant 10 : i32
      %lt3A_54 = arith.cmpi slt, %add3A_53, %lt3A : i32
      %convert_element_type3A_55 = arith.extui %lt3A_54 : i1 to i32
      %cond3A_56 = arith.constant 0 : i32
      %cond3A_57 = arith.cmpi ne, %convert_element_type3A_55, %cond3A_56 : i32
      scf.if %cond3A_57 {
        %add3A_75 = arith.constant 2 : i32
        %add3A_76 = arith.addi %mul3A_21, %add3A_75 : i32
        %dma_start3A_77 = arith.constant 0 : i32
        %dma_start3A_78 = tpu.memref_slice %arg5[%add3A_76, %dma_start3A_77] : memref<20x128xi32, #tpu.memory_space<vmem>> -> memref<1x128xi32, #tpu.memory_space<vmem>>
        %dma_start3A_79 = tpu.memref_squeeze %dma_start3A_78 : memref<1x128xi32, #tpu.memory_space<vmem>> -> memref<128xi32, #tpu.memory_space<vmem>>
        %dma_start3A_80 = arith.constant 0 : i32
        %dma_start3A_81 = arith.constant 0 : i32
        %dma_start3A_82 = tpu.memref_slice %arg3[%dma_start3A_80, %dma_start3A_81] : memref<10000x128xf32, #tpu.memory_space<hbm>> -> memref<10000x128xf32, #tpu.memory_space<hbm>>
        tpu.enqueue_indirect_dma source(%dma_start3A_82 : memref<10000x128xf32, #tpu.memory_space<hbm>>) target(%arg6 : memref<128x128xf32, #tpu.memory_space<vmem>>) offsets(%dma_start3A_79 : memref<128xi32, #tpu.memory_space<vmem>>) semaphore(%arg8 : memref<!tpu.dma_semaphore, #tpu.memory_space<semaphore_mem>>)
      } else {
      }
      %add3A_58 = arith.constant 1 : i32
      %add3A_59 = arith.addi %mul3A_21, %add3A_58 : i32
      %dma_wait3A_60 = arith.constant 0 : i32
      %dma_wait3A_61 = tpu.memref_slice %arg5[%add3A_59, %dma_wait3A_60] : memref<20x128xi32, #tpu.memory_space<vmem>> -> memref<1x128xi32, #tpu.memory_space<vmem>>
      %dma_wait3A_62 = tpu.memref_squeeze %dma_wait3A_61 : memref<1x128xi32, #tpu.memory_space<vmem>> -> memref<128xi32, #tpu.memory_space<vmem>>
      %dma_wait3A_63 = arith.constant 0 : i32
      %dma_wait3A_64 = arith.constant 0 : i32
      %dma_wait3A_65 = tpu.memref_slice %arg3[%dma_wait3A_63, %dma_wait3A_64] : memref<10000x128xf32, #tpu.memory_space<hbm>> -> memref<10000x128xf32, #tpu.memory_space<hbm>>
      tpu.wait_indirect_dma semaphore(%arg9 : memref<!tpu.dma_semaphore, #tpu.memory_space<semaphore_mem>>) src(%dma_wait3A_65 : memref<10000x128xf32, #tpu.memory_space<hbm>>) dst(%arg7 : memref<128x128xf32, #tpu.memory_space<vmem>>)
      %add3A_66 = arith.constant 1 : i32
      %add3A_67 = arith.addi %mul3A_21, %add3A_66 : i32
      %mul3A_68 = arith.constant 128 : i32
      %mul3A_69 = arith.muli %add3A_67, %mul3A_68 : i32
      %add3A_70 = arith.addi %mul3A_2, %mul3A_69 : i32
      %dma_start3A_71 = arith.constant 0 : i32
      %dma_start3A_72 = tpu.memref_slice %arg4[%add3A_70, %dma_start3A_71] : memref<81920x128xf32, #tpu.memory_space<hbm>> -> memref<128x128xf32, #tpu.memory_space<hbm>>
      %dma_start3A_73 = arith.constant 0 : i32
      %dma_start3A_74 = tpu.memref_slice %arg4[%add3A_70, %dma_start3A_73] : memref<81920x128xf32, #tpu.memory_space<hbm>> -> memref<128x128xf32, #tpu.memory_space<hbm>>
      tpu.enqueue_dma source(%arg7 : memref<128x128xf32, #tpu.memory_space<vmem>>) target(%dma_start3A_74 : memref<128x128xf32, #tpu.memory_space<hbm>>) target_semaphore(%arg11 : memref<!tpu.dma_semaphore, #tpu.memory_space<semaphore_mem>>)
    }
    %scan3A_13 = arith.constant 10 : i32
    %add3A_14 = arith.constant 2432 : i32
    %add3A_15 = arith.addi %mul3A_2, %add3A_14 : i32
    %dma_wait3A = arith.constant 0 : i32
    %dma_wait3A_16 = tpu.memref_slice %arg4[%add3A_15, %dma_wait3A] : memref<81920x128xf32, #tpu.memory_space<hbm>> -> memref<128x128xf32, #tpu.memory_space<hbm>>
    %dma_wait3A_17 = arith.constant 0 : i32
    %dma_wait3A_18 = tpu.memref_slice %arg4[%add3A_15, %dma_wait3A_17] : memref<81920x128xf32, #tpu.memory_space<hbm>> -> memref<128x128xf32, #tpu.memory_space<hbm>>
    tpu.wait_dma2 semaphore(%arg11 : memref<!tpu.dma_semaphore, #tpu.memory_space<semaphore_mem>>) src(%arg7 : memref<128x128xf32, #tpu.memory_space<vmem>>) dst(%dma_wait3A_18 : memref<128x128xf32, #tpu.memory_space<hbm>>)
    return
  }
}

#map = affine_map<(d0, d1) -> (0, 0, 0)>
#map1 = affine_map<(d0, d1) -> (0, 0)>
module attributes {stable_mosaic.version = 14 : i64} {
  func.func @_sc_gather_body(%arg0: i32, %arg1: i32, %arg2: memref<32x20x128xi32, #tpu.memory_space<hbm>>, %arg3: memref<10000x128xf32, #tpu.memory_space<hbm>>, %arg4: memref<81920x128xf32, #tpu.memory_space<hbm>>, %arg5: memref<20x128xi32, #tpu.memory_space<vmem>>, %arg6: memref<128x128xf32, #tpu.memory_space<vmem>>, %arg7: memref<128x128xf32, #tpu.memory_space<vmem>>, %arg8: memref<!tpu.dma_semaphore, #tpu.memory_space<semaphore_mem>>, %arg9: memref<!tpu.dma_semaphore, #tpu.memory_space<semaphore_mem>>, %arg10: memref<!tpu.dma_semaphore, #tpu.memory_space<semaphore_mem>>, %arg11: memref<!tpu.dma_semaphore, #tpu.memory_space<semaphore_mem>>) attributes {dimension_semantics = [#tpu.dimension_semantics<core_parallel>, #tpu.dimension_semantics<subcore_parallel>], iteration_bounds = array<i64: 2, 16>, scalar_prefetch = 0 : i64, scratch_operands = 7 : i64, tpu.core_type = #tpu.core_type<sc_vector_subcore>, window_params = [{transform_indices = #map}, {transform_indices = #map1}, {transform_indices = #map1}]} {
    %mul3A = arith.constant 2 : i32
    %mul3A_0 = arith.muli %arg1, %mul3A : i32
    %add3A = arith.addi %mul3A_0, %arg0 : i32
    "tpu.region"() ({
      %run_scoped3A = tpu.sem_alloc : memref<!tpu.dma_semaphore, #tpu.memory_space<semaphore_mem>>
      %dma_start3A_19 = arith.constant 0 : i32
      %dma_start3A_20 = arith.constant 0 : i32
      %dma_start3A_21 = tpu.memref_slice %arg2[%add3A, %dma_start3A_19, %dma_start3A_20] : memref<32x20x128xi32, #tpu.memory_space<hbm>> -> memref<1x20x128xi32, #tpu.memory_space<hbm>>
      %dma_start3A_22 = tpu.memref_squeeze %dma_start3A_21 : memref<1x20x128xi32, #tpu.memory_space<hbm>> -> memref<20x128xi32, #tpu.memory_space<hbm>>
      %dma_start3A_23 = arith.constant 0 : i32
      %dma_start3A_24 = arith.constant 0 : i32
      %dma_start3A_25 = tpu.memref_slice %arg2[%add3A, %dma_start3A_23, %dma_start3A_24] : memref<32x20x128xi32, #tpu.memory_space<hbm>> -> memref<1x20x128xi32, #tpu.memory_space<hbm>>
      %dma_start3A_26 = tpu.memref_squeeze %dma_start3A_25 : memref<1x20x128xi32, #tpu.memory_space<hbm>> -> memref<20x128xi32, #tpu.memory_space<hbm>>
      tpu.enqueue_dma source(%dma_start3A_26 : memref<20x128xi32, #tpu.memory_space<hbm>>) target(%arg5 : memref<20x128xi32, #tpu.memory_space<vmem>>) target_semaphore(%run_scoped3A : memref<!tpu.dma_semaphore, #tpu.memory_space<semaphore_mem>>)
      %dma_wait3A_27 = arith.constant 0 : i32
      %dma_wait3A_28 = arith.constant 0 : i32
      %dma_wait3A_29 = tpu.memref_slice %arg2[%add3A, %dma_wait3A_27, %dma_wait3A_28] : memref<32x20x128xi32, #tpu.memory_space<hbm>> -> memref<1x20x128xi32, #tpu.memory_space<hbm>>
      %dma_wait3A_30 = tpu.memref_squeeze %dma_wait3A_29 : memref<1x20x128xi32, #tpu.memory_space<hbm>> -> memref<20x128xi32, #tpu.memory_space<hbm>>
      %dma_wait3A_31 = arith.constant 0 : i32
      %dma_wait3A_32 = arith.constant 0 : i32
      %dma_wait3A_33 = tpu.memref_slice %arg2[%add3A, %dma_wait3A_31, %dma_wait3A_32] : memref<32x20x128xi32, #tpu.memory_space<hbm>> -> memref<1x20x128xi32, #tpu.memory_space<hbm>>
      %dma_wait3A_34 = tpu.memref_squeeze %dma_wait3A_33 : memref<1x20x128xi32, #tpu.memory_space<hbm>> -> memref<20x128xi32, #tpu.memory_space<hbm>>
      tpu.wait_dma2 semaphore(%run_scoped3A : memref<!tpu.dma_semaphore, #tpu.memory_space<semaphore_mem>>) src(%dma_wait3A_34 : memref<20x128xi32, #tpu.memory_space<hbm>>) dst(%arg5 : memref<20x128xi32, #tpu.memory_space<vmem>>)
      tpu.yield
    }) : () -> ()
    %mul3A_1 = arith.constant 2560 : i32
    %mul3A_2 = arith.muli %add3A, %mul3A_1 : i32
    %dma_start3A = arith.constant 0 : i32
    %dma_start3A_3 = arith.constant 0 : i32
    %dma_start3A_4 = tpu.memref_slice %arg5[%dma_start3A, %dma_start3A_3] : memref<20x128xi32, #tpu.memory_space<vmem>> -> memref<1x128xi32, #tpu.memory_space<vmem>>
    %dma_start3A_5 = tpu.memref_squeeze %dma_start3A_4 : memref<1x128xi32, #tpu.memory_space<vmem>> -> memref<128xi32, #tpu.memory_space<vmem>>
    %dma_start3A_6 = arith.constant 0 : i32
    %dma_start3A_7 = arith.constant 0 : i32
    %dma_start3A_8 = tpu.memref_slice %arg3[%dma_start3A_6, %dma_start3A_7] : memref<10000x128xf32, #tpu.memory_space<hbm>> -> memref<10000x128xf32, #tpu.memory_space<hbm>>
    tpu.enqueue_indirect_dma source(%dma_start3A_8 : memref<10000x128xf32, #tpu.memory_space<hbm>>) target(%arg6 : memref<128x128xf32, #tpu.memory_space<vmem>>) offsets(%dma_start3A_5 : memref<128xi32, #tpu.memory_space<vmem>>) semaphore(%arg8 : memref<!tpu.dma_semaphore, #tpu.memory_space<semaphore_mem>>)
    %scan3A = arith.constant 0 : i32
    %scan3A_9 = arith.constant 0 : i32
    %scan3A_10 = arith.constant 10 : i32
    %scan3A_11 = arith.addi %scan3A_9, %scan3A_10 : i32
    %scan3A_12 = arith.constant 1 : i32
    scf.for %scan3A_19 = %scan3A_9 to %scan3A_11 step %scan3A_12  : i32 {
      %mul3A_20 = arith.constant 2 : i32
      %mul3A_21 = arith.muli %mul3A_20, %scan3A_19 : i32
      %dma_wait3A_22 = arith.constant 0 : i32
      %dma_wait3A_23 = tpu.memref_slice %arg5[%mul3A_21, %dma_wait3A_22] : memref<20x128xi32, #tpu.memory_space<vmem>> -> memref<1x128xi32, #tpu.memory_space<vmem>>
      %dma_wait3A_24 = tpu.memref_squeeze %dma_wait3A_23 : memref<1x128xi32, #tpu.memory_space<vmem>> -> memref<128xi32, #tpu.memory_space<vmem>>
      %dma_wait3A_25 = arith.constant 0 : i32
      %dma_wait3A_26 = arith.constant 0 : i32
      %dma_wait3A_27 = tpu.memref_slice %arg3[%dma_wait3A_25, %dma_wait3A_26] : memref<10000x128xf32, #tpu.memory_space<hbm>> -> memref<10000x128xf32, #tpu.memory_space<hbm>>
      tpu.wait_indirect_dma semaphore(%arg8 : memref<!tpu.dma_semaphore, #tpu.memory_space<semaphore_mem>>) src(%dma_wait3A_27 : memref<10000x128xf32, #tpu.memory_space<hbm>>) dst(%arg6 : memref<128x128xf32, #tpu.memory_space<vmem>>)
      %mul3A_28 = arith.constant 128 : i32
      %mul3A_29 = arith.muli %mul3A_21, %mul3A_28 : i32
      %add3A_30 = arith.addi %mul3A_2, %mul3A_29 : i32
      %dma_start3A_31 = arith.constant 0 : i32
      %dma_start3A_32 = tpu.memref_slice %arg4[%add3A_30, %dma_start3A_31] : memref<81920x128xf32, #tpu.memory_space<hbm>> -> memref<128x128xf32, #tpu.memory_space<hbm>>
      %dma_start3A_33 = arith.constant 0 : i32
      %dma_start3A_34 = tpu.memref_slice %arg4[%add3A_30, %dma_start3A_33] : memref<81920x128xf32, #tpu.memory_space<hbm>> -> memref<128x128xf32, #tpu.memory_space<hbm>>
      tpu.enqueue_dma source(%arg6 : memref<128x128xf32, #tpu.memory_space<vmem>>) target(%dma_start3A_34 : memref<128x128xf32, #tpu.memory_space<hbm>>) target_semaphore(%arg10 : memref<!tpu.dma_semaphore, #tpu.memory_space<semaphore_mem>>)
      %gt3A = arith.constant 0 : i32
      %gt3A_35 = arith.cmpi sgt, %scan3A_19, %gt3A : i32
      %convert_element_type3A = arith.extui %gt3A_35 : i1 to i32
      %cond3A = arith.constant 0 : i32
      %cond3A_36 = arith.cmpi ne, %convert_element_type3A, %cond3A : i32
      scf.if %cond3A_36 {
        %sub3A = arith.constant 1 : i32
        %sub3A_75 = arith.subi %mul3A_21, %sub3A : i32
        %mul3A_76 = arith.constant 128 : i32
        %mul3A_77 = arith.muli %sub3A_75, %mul3A_76 : i32
        %add3A_78 = arith.addi %mul3A_2, %mul3A_77 : i32
        %dma_wait3A_79 = arith.constant 0 : i32
        %dma_wait3A_80 = tpu.memref_slice %arg4[%add3A_78, %dma_wait3A_79] : memref<81920x128xf32, #tpu.memory_space<hbm>> -> memref<128x128xf32, #tpu.memory_space<hbm>>
        %dma_wait3A_81 = arith.constant 0 : i32
        %dma_wait3A_82 = tpu.memref_slice %arg4[%add3A_78, %dma_wait3A_81] : memref<81920x128xf32, #tpu.memory_space<hbm>> -> memref<128x128xf32, #tpu.memory_space<hbm>>
        tpu.wait_dma2 semaphore(%arg11 : memref<!tpu.dma_semaphore, #tpu.memory_space<semaphore_mem>>) src(%arg7 : memref<128x128xf32, #tpu.memory_space<vmem>>) dst(%dma_wait3A_82 : memref<128x128xf32, #tpu.memory_space<hbm>>)
      } else {
      }
      %add3A_37 = arith.constant 1 : i32
      %add3A_38 = arith.addi %mul3A_21, %add3A_37 : i32
      %dma_start3A_39 = arith.constant 0 : i32
      %dma_start3A_40 = tpu.memref_slice %arg5[%add3A_38, %dma_start3A_39] : memref<20x128xi32, #tpu.memory_space<vmem>> -> memref<1x128xi32, #tpu.memory_space<vmem>>
      %dma_start3A_41 = tpu.memref_squeeze %dma_start3A_40 : memref<1x128xi32, #tpu.memory_space<vmem>> -> memref<128xi32, #tpu.memory_space<vmem>>
      %dma_start3A_42 = arith.constant 0 : i32
      %dma_start3A_43 = arith.constant 0 : i32
      %dma_start3A_44 = tpu.memref_slice %arg3[%dma_start3A_42, %dma_start3A_43] : memref<10000x128xf32, #tpu.memory_space<hbm>> -> memref<10000x128xf32, #tpu.memory_space<hbm>>
      tpu.enqueue_indirect_dma source(%dma_start3A_44 : memref<10000x128xf32, #tpu.memory_space<hbm>>) target(%arg7 : memref<128x128xf32, #tpu.memory_space<vmem>>) offsets(%dma_start3A_41 : memref<128xi32, #tpu.memory_space<vmem>>) semaphore(%arg9 : memref<!tpu.dma_semaphore, #tpu.memory_space<semaphore_mem>>)
      %mul3A_45 = arith.constant 128 : i32
      %mul3A_46 = arith.muli %mul3A_21, %mul3A_45 : i32
      %add3A_47 = arith.addi %mul3A_2, %mul3A_46 : i32
      %dma_wait3A_48 = arith.constant 0 : i32
      %dma_wait3A_49 = tpu.memref_slice %arg4[%add3A_47, %dma_wait3A_48] : memref<81920x128xf32, #tpu.memory_space<hbm>> -> memref<128x128xf32, #tpu.memory_space<hbm>>
      %dma_wait3A_50 = arith.constant 0 : i32
      %dma_wait3A_51 = tpu.memref_slice %arg4[%add3A_47, %dma_wait3A_50] : memref<81920x128xf32, #tpu.memory_space<hbm>> -> memref<128x128xf32, #tpu.memory_space<hbm>>
      tpu.wait_dma2 semaphore(%arg10 : memref<!tpu.dma_semaphore, #tpu.memory_space<semaphore_mem>>) src(%arg6 : memref<128x128xf32, #tpu.memory_space<vmem>>) dst(%dma_wait3A_51 : memref<128x128xf32, #tpu.memory_space<hbm>>)
      %add3A_52 = arith.constant 1 : i32
      %add3A_53 = arith.addi %scan3A_19, %add3A_52 : i32
      %lt3A = arith.constant 10 : i32
      %lt3A_54 = arith.cmpi slt, %add3A_53, %lt3A : i32
      %convert_element_type3A_55 = arith.extui %lt3A_54 : i1 to i32
      %cond3A_56 = arith.constant 0 : i32
      %cond3A_57 = arith.cmpi ne, %convert_element_type3A_55, %cond3A_56 : i32
      scf.if %cond3A_57 {
        %add3A_75 = arith.constant 2 : i32
        %add3A_76 = arith.addi %mul3A_21, %add3A_75 : i32
        %dma_start3A_77 = arith.constant 0 : i32
        %dma_start3A_78 = tpu.memref_slice %arg5[%add3A_76, %dma_start3A_77] : memref<20x128xi32, #tpu.memory_space<vmem>> -> memref<1x128xi32, #tpu.memory_space<vmem>>
        %dma_start3A_79 = tpu.memref_squeeze %dma_start3A_78 : memref<1x128xi32, #tpu.memory_space<vmem>> -> memref<128xi32, #tpu.memory_space<vmem>>
        %dma_start3A_80 = arith.constant 0 : i32
        %dma_start3A_81 = arith.constant 0 : i32
        %dma_start3A_82 = tpu.memref_slice %arg3[%dma_start3A_80, %dma_start3A_81] : memref<10000x128xf32, #tpu.memory_space<hbm>> -> memref<10000x128xf32, #tpu.memory_space<hbm>>
        tpu.enqueue_indirect_dma source(%dma_start3A_82 : memref<10000x128xf32, #tpu.memory_space<hbm>>) target(%arg6 : memref<128x128xf32, #tpu.memory_space<vmem>>) offsets(%dma_start3A_79 : memref<128xi32, #tpu.memory_space<vmem>>) semaphore(%arg8 : memref<!tpu.dma_semaphore, #tpu.memory_space<semaphore_mem>>)
      } else {
      }
      %add3A_58 = arith.constant 1 : i32
      %add3A_59 = arith.addi %mul3A_21, %add3A_58 : i32
      %dma_wait3A_60 = arith.constant 0 : i32
      %dma_wait3A_61 = tpu.memref_slice %arg5[%add3A_59, %dma_wait3A_60] : memref<20x128xi32, #tpu.memory_space<vmem>> -> memref<1x128xi32, #tpu.memory_space<vmem>>
      %dma_wait3A_62 = tpu.memref_squeeze %dma_wait3A_61 : memref<1x128xi32, #tpu.memory_space<vmem>> -> memref<128xi32, #tpu.memory_space<vmem>>
      %dma_wait3A_63 = arith.constant 0 : i32
      %dma_wait3A_64 = arith.constant 0 : i32
      %dma_wait3A_65 = tpu.memref_slice %arg3[%dma_wait3A_63, %dma_wait3A_64] : memref<10000x128xf32, #tpu.memory_space<hbm>> -> memref<10000x128xf32, #tpu.memory_space<hbm>>
      tpu.wait_indirect_dma semaphore(%arg9 : memref<!tpu.dma_semaphore, #tpu.memory_space<semaphore_mem>>) src(%dma_wait3A_65 : memref<10000x128xf32, #tpu.memory_space<hbm>>) dst(%arg7 : memref<128x128xf32, #tpu.memory_space<vmem>>)
      %add3A_66 = arith.constant 1 : i32
      %add3A_67 = arith.addi %mul3A_21, %add3A_66 : i32
      %mul3A_68 = arith.constant 128 : i32
      %mul3A_69 = arith.muli %add3A_67, %mul3A_68 : i32
      %add3A_70 = arith.addi %mul3A_2, %mul3A_69 : i32
      %dma_start3A_71 = arith.constant 0 : i32
      %dma_start3A_72 = tpu.memref_slice %arg4[%add3A_70, %dma_start3A_71] : memref<81920x128xf32, #tpu.memory_space<hbm>> -> memref<128x128xf32, #tpu.memory_space<hbm>>
      %dma_start3A_73 = arith.constant 0 : i32
      %dma_start3A_74 = tpu.memref_slice %arg4[%add3A_70, %dma_start3A_73] : memref<81920x128xf32, #tpu.memory_space<hbm>> -> memref<128x128xf32, #tpu.memory_space<hbm>>
      tpu.enqueue_dma source(%arg7 : memref<128x128xf32, #tpu.memory_space<vmem>>) target(%dma_start3A_74 : memref<128x128xf32, #tpu.memory_space<hbm>>) target_semaphore(%arg11 : memref<!tpu.dma_semaphore, #tpu.memory_space<semaphore_mem>>)
    }
    %scan3A_13 = arith.constant 10 : i32
    %add3A_14 = arith.constant 2432 : i32
    %add3A_15 = arith.addi %mul3A_2, %add3A_14 : i32
    %dma_wait3A = arith.constant 0 : i32
    %dma_wait3A_16 = tpu.memref_slice %arg4[%add3A_15, %dma_wait3A] : memref<81920x128xf32, #tpu.memory_space<hbm>> -> memref<128x128xf32, #tpu.memory_space<hbm>>
    %dma_wait3A_17 = arith.constant 0 : i32
    %dma_wait3A_18 = tpu.memref_slice %arg4[%add3A_15, %dma_wait3A_17] : memref<81920x128xf32, #tpu.memory_space<hbm>> -> memref<128x128xf32, #tpu.memory_space<hbm>>
    tpu.wait_dma2 semaphore(%arg11 : memref<!tpu.dma_semaphore, #tpu.memory_space<semaphore_mem>>) src(%arg7 : memref<128x128xf32, #tpu.memory_space<vmem>>) dst(%dma_wait3A_18 : memref<128x128xf32, #tpu.memory_space<hbm>>)
    return
  }
}

module attributes {stable_mosaic.version = 14 : i64} {
  func.func @_seq_body(%arg0: i32, %arg1: memref<1280x512xf32, #tpu.memory_space<vmem>>, %arg2: memref<1x128xf32, #tpu.memory_space<vmem>>, %arg3: memref<1x128xf32, #tpu.memory_space<vmem>>, %arg4: memref<128x512xf32, #tpu.memory_space<vmem>>, %arg5: memref<128x128xf32, #tpu.memory_space<vmem>>, %arg6: memref<1x128xf32, #tpu.memory_space<vmem>>, %arg7: memref<1280x128xf32, #tpu.memory_space<vmem>>, %arg8: memref<1x128xf32, #tpu.memory_space<vmem>>, %arg9: memref<1x128xf32, #tpu.memory_space<vmem>>, %arg10: memref<1x128xf32, #tpu.memory_space<vmem>>, %arg11: memref<1x128xf32, #tpu.memory_space<vmem>>, %arg12: memref<1280x128xf32, #tpu.memory_space<vmem>>) attributes {dimension_semantics = [#tpu.dimension_semantics<arbitrary>], iteration_bounds = array<i64: 4>, scalar_prefetch = 0 : i64, scratch_operands = 3 : i64, tpu.core_type = #tpu.core_type<tc>, window_params = [{transform_indices = @transform_0, window_bounds = array<i64: 1280, 512>}, {pipeline_mode = #tpu.pipeline_mode<synchronous>, transform_indices = @transform_1, window_bounds = array<i64: 1, 128>}, {pipeline_mode = #tpu.pipeline_mode<synchronous>, transform_indices = @transform_2, window_bounds = array<i64: 1, 128>}, {pipeline_mode = #tpu.pipeline_mode<synchronous>, transform_indices = @transform_3, window_bounds = array<i64: 128, 512>}, {pipeline_mode = #tpu.pipeline_mode<synchronous>, transform_indices = @transform_4, window_bounds = array<i64: 128, 128>}, {pipeline_mode = #tpu.pipeline_mode<synchronous>, transform_indices = @transform_5, window_bounds = array<i64: 1, 128>}, {transform_indices = @transform_6, window_bounds = array<i64: 1280, 128>}, {pipeline_mode = #tpu.pipeline_mode<synchronous>, transform_indices = @transform_7, window_bounds = array<i64: 1, 128>}, {pipeline_mode = #tpu.pipeline_mode<synchronous>, transform_indices = @transform_8, window_bounds = array<i64: 1, 128>}]} {
    %eq3A = arith.constant 0 : i32
    %eq3A_0 = arith.cmpi eq, %arg0, %eq3A : i32
    %convert_element_type3A = arith.extui %eq3A_0 : i1 to i32
    %cond3A = arith.constant 0 : i32
    %cond3A_1 = arith.cmpi ne, %convert_element_type3A, %cond3A : i32
    scf.if %cond3A_1 {
      %get3A_67 = arith.constant 0 : index
      %get3A_68 = arith.constant 0 : index
      %get3A_69 = vector.load %arg2[%get3A_67, %get3A_68] : memref<1x128xf32, #tpu.memory_space<vmem>>, vector<1x128xf32>
      %swap3A_70 = arith.constant 0 : index
      %swap3A_71 = arith.constant 0 : index
      %swap3A_72 = vector.load %arg10[%swap3A_70, %swap3A_71] : memref<1x128xf32, #tpu.memory_space<vmem>>, vector<1x128xf32>
      tpu.vector_store %arg10[%swap3A_70, %swap3A_71], %get3A_69 {strides = array<i32>} : memref<1x128xf32, #tpu.memory_space<vmem>>, vector<1x128xf32>,
      %get3A_73 = arith.constant 0 : index
      %get3A_74 = arith.constant 0 : index
      %get3A_75 = vector.load %arg3[%get3A_73, %get3A_74] : memref<1x128xf32, #tpu.memory_space<vmem>>, vector<1x128xf32>
      %swap3A_76 = arith.constant 0 : index
      %swap3A_77 = arith.constant 0 : index
      %swap3A_78 = vector.load %arg11[%swap3A_76, %swap3A_77] : memref<1x128xf32, #tpu.memory_space<vmem>>, vector<1x128xf32>
      tpu.vector_store %arg11[%swap3A_76, %swap3A_77], %get3A_75 {strides = array<i32>} : memref<1x128xf32, #tpu.memory_space<vmem>>, vector<1x128xf32>,
    } else {
    }
    %mul3A = arith.constant 1280 : i32
    %mul3A_2 = arith.muli %arg0, %mul3A : i32
    %add3A = arith.constant 5120 : i32
    %add3A_3 = arith.addi %add3A, %mul3A_2 : i32
    %sub3A = arith.constant 10000 : i32
    %sub3A_4 = arith.subi %sub3A, %add3A_3 : i32
    %min3A = arith.constant 1280 : i32
    %min3A_5 = arith.minsi %min3A, %sub3A_4 : i32
    %get3A = arith.constant 0 : index
    %get3A_6 = arith.constant 0 : index
    %get3A_7 = vector.load %arg4[%get3A, %get3A_6] : memref<128x512xf32, #tpu.memory_space<vmem>>, vector<128x512xf32>
    %jit3A = arith.constant 8 : i32
    %div3A = arith.divsi %min3A_5, %jit3A : i32
    %sign3A = arith.constant 0 : i32
    %sign3A_8 = arith.cmpi sgt, %min3A_5, %sign3A : i32
    %sign3A_9 = arith.extui %sign3A_8 : i1 to i32
    %sign3A_10 = arith.constant 0 : i32
    %sign3A_11 = arith.cmpi slt, %min3A_5, %sign3A_10 : i32
    %sign3A_12 = arith.extui %sign3A_11 : i1 to i32
    %sign3A_13 = arith.subi %sign3A_9, %sign3A_12 : i32
    %sign3A_14 = arith.constant 0 : i32
    %sign3A_15 = arith.cmpi sgt, %jit3A, %sign3A_14 : i32
    %sign3A_16 = arith.extui %sign3A_15 : i1 to i32
    %sign3A_17 = arith.constant 0 : i32
    %sign3A_18 = arith.cmpi slt, %jit3A, %sign3A_17 : i32
    %sign3A_19 = arith.extui %sign3A_18 : i1 to i32
    %sign3A_20 = arith.subi %sign3A_16, %sign3A_19 : i32
    %ne3A = arith.cmpi ne, %sign3A_13, %sign3A_20 : i32
    %rem3A = arith.remsi %min3A_5, %jit3A : i32
    %ne3A_21 = arith.constant 0 : i32
    %ne3A_22 = arith.cmpi ne, %rem3A, %ne3A_21 : i32
    %and3A = arith.andi %ne3A, %ne3A_22 : i1
    %sub3A_23 = arith.constant 1 : i32
    %sub3A_24 = arith.subi %div3A, %sub3A_23 : i32
    %select_n3A = arith.select %and3A, %sub3A_24, %div3A : i32
    %get3A_25 = arith.constant 0 : index
    %get3A_26 = arith.constant 0 : index
    %get3A_27 = vector.load %arg10[%get3A_25, %get3A_26] : memref<1x128xf32, #tpu.memory_space<vmem>>, vector<1x128xf32>
    %get3A_28 = arith.constant 0 : index
    %get3A_29 = arith.constant 0 : index
    %get3A_30 = vector.load %arg11[%get3A_28, %get3A_29] : memref<1x128xf32, #tpu.memory_space<vmem>>, vector<1x128xf32>
    %while3A = arith.constant 0 : i32
    %while3A_31 = arith.subi %select_n3A, %while3A : i32
    %while3A_32 = arith.addi %while3A, %while3A_31 : i32
    %while3A_33 = arith.constant 1 : i32
    %while3A_34 = arith.divsi %while3A_31, %while3A_33 : i32
    %while3A_35 = arith.muli %while3A_34, %while3A_33 : i32
    %while3A_36 = arith.addi %while3A, %while3A_35 : i32
    %while3A_37 = arith.constant 1 : i32
    %while3A_38:2 = scf.for %while3A_67 = %while3A to %while3A_36 step %while3A_37 iter_args(%while3A_68 = %get3A_27, %while3A_69 = %get3A_30) -> (vector<1x128xf32>, vector<1x128xf32>)  : i32 {
      %mul3A_70 = arith.constant 8 : i32
      %mul3A_71 = arith.muli %while3A_67, %mul3A_70 : i32
      %reshape3A = vector.shape_cast %while3A_68 : vector<1x128xf32> to vector<128x1xf32>
      %add3A_72 = arith.constant 0 : i32
      %add3A_73 = arith.addi %mul3A_71, %add3A_72 : i32
      %get3A_74 = arith.index_cast %add3A_73 : i32 to index
      %get3A_75 = arith.constant 0 : index
      %get3A_76 = vector.load %arg1[%get3A_74, %get3A_75] : memref<1280x512xf32, #tpu.memory_space<vmem>>, vector<1x512xf32>
      %mul3A_77 = vector.broadcast %reshape3A : vector<128x1xf32> to vector<128x512xf32>
      %mul3A_78 = arith.mulf %get3A_7, %mul3A_77 : vector<128x512xf32>
      %slice3A = vector.extract_strided_slice %mul3A_78 {offsets = [0, 0], sizes = [128, 128], strides = [1, 1]} : vector<128x512xf32> to vector<128x128xf32>
      %reduce_sum3A = arith.constant dense<0.000000e+00> : vector<128xf32>
      %reduce_sum3A_79 = vector.multi_reduction <add>, %slice3A, %reduce_sum3A [0] : vector<128x128xf32> to vector<128xf32>
      %broadcast_in_dim3A = vector.shape_cast %reduce_sum3A_79 : vector<128xf32> to vector<1x128xf32>
      %slice3A_80 = vector.extract_strided_slice %get3A_76 {offsets = [0, 0], sizes = [1, 128], strides = [1, 1]} : vector<1x512xf32> to vector<1x128xf32>
      %add3A_81 = arith.addf %broadcast_in_dim3A, %slice3A_80 : vector<1x128xf32>
      %slice3A_82 = vector.extract_strided_slice %mul3A_78 {offsets = [0, 128], sizes = [128, 128], strides = [1, 1]} : vector<128x512xf32> to vector<128x128xf32>
      %reduce_sum3A_83 = arith.constant dense<0.000000e+00> : vector<128xf32>
      %reduce_sum3A_84 = vector.multi_reduction <add>, %slice3A_82, %reduce_sum3A_83 [0] : vector<128x128xf32> to vector<128xf32>
      %broadcast_in_dim3A_85 = vector.shape_cast %reduce_sum3A_84 : vector<128xf32> to vector<1x128xf32>
      %slice3A_86 = vector.extract_strided_slice %get3A_76 {offsets = [0, 128], sizes = [1, 128], strides = [1, 1]} : vector<1x512xf32> to vector<1x128xf32>
      %add3A_87 = arith.addf %broadcast_in_dim3A_85, %slice3A_86 : vector<1x128xf32>
      %slice3A_88 = vector.extract_strided_slice %mul3A_78 {offsets = [0, 256], sizes = [128, 128], strides = [1, 1]} : vector<128x512xf32> to vector<128x128xf32>
      %reduce_sum3A_89 = arith.constant dense<0.000000e+00> : vector<128xf32>
      %reduce_sum3A_90 = vector.multi_reduction <add>, %slice3A_88, %reduce_sum3A_89 [0] : vector<128x128xf32> to vector<128xf32>
      %broadcast_in_dim3A_91 = vector.shape_cast %reduce_sum3A_90 : vector<128xf32> to vector<1x128xf32>
      %slice3A_92 = vector.extract_strided_slice %get3A_76 {offsets = [0, 256], sizes = [1, 128], strides = [1, 1]} : vector<1x512xf32> to vector<1x128xf32>
      %add3A_93 = arith.addf %broadcast_in_dim3A_91, %slice3A_92 : vector<1x128xf32>
      %slice3A_94 = vector.extract_strided_slice %mul3A_78 {offsets = [0, 384], sizes = [128, 128], strides = [1, 1]} : vector<128x512xf32> to vector<128x128xf32>
      %reduce_sum3A_95 = arith.constant dense<0.000000e+00> : vector<128xf32>
      %reduce_sum3A_96 = vector.multi_reduction <add>, %slice3A_94, %reduce_sum3A_95 [0] : vector<128x128xf32> to vector<128xf32>
      %broadcast_in_dim3A_97 = vector.shape_cast %reduce_sum3A_96 : vector<128xf32> to vector<1x128xf32>
      %slice3A_98 = vector.extract_strided_slice %get3A_76 {offsets = [0, 384], sizes = [1, 128], strides = [1, 1]} : vector<1x512xf32> to vector<1x128xf32>
      %add3A_99 = arith.addf %broadcast_in_dim3A_97, %slice3A_98 : vector<1x128xf32>
      %mul3A_100 = arith.constant 5.000000e-01 : f32
      %mul3A_101 = vector.broadcast %mul3A_100 : f32 to vector<1x128xf32>
      %mul3A_102 = arith.mulf %mul3A_101, %add3A_81 : vector<1x128xf32>
      %tanh3A = math.tanh %mul3A_102 : vector<1x128xf32>
      %mul3A_103 = arith.constant 5.000000e-01 : f32
      %mul3A_104 = vector.broadcast %mul3A_103 : f32 to vector<1x128xf32>
      %mul3A_105 = arith.mulf %mul3A_104, %tanh3A : vector<1x128xf32>
      %add3A_106 = arith.constant 5.000000e-01 : f32
      %add3A_107 = vector.broadcast %add3A_106 : f32 to vector<1x128xf32>
      %add3A_108 = arith.addf %mul3A_105, %add3A_107 : vector<1x128xf32>
      %mul3A_109 = arith.constant 5.000000e-01 : f32
      %mul3A_110 = vector.broadcast %mul3A_109 : f32 to vector<1x128xf32>
      %mul3A_111 = arith.mulf %mul3A_110, %add3A_87 : vector<1x128xf32>
      %tanh3A_112 = math.tanh %mul3A_111 : vector<1x128xf32>
      %mul3A_113 = arith.constant 5.000000e-01 : f32
      %mul3A_114 = vector.broadcast %mul3A_113 : f32 to vector<1x128xf32>
      %mul3A_115 = arith.mulf %mul3A_114, %tanh3A_112 : vector<1x128xf32>
      %add3A_116 = arith.constant 5.000000e-01 : f32
      %add3A_117 = vector.broadcast %add3A_116 : f32 to vector<1x128xf32>
      %add3A_118 = arith.addf %mul3A_115, %add3A_117 : vector<1x128xf32>
      %tanh3A_119 = math.tanh %add3A_93 : vector<1x128xf32>
      %mul3A_120 = arith.constant 5.000000e-01 : f32
      %mul3A_121 = vector.broadcast %mul3A_120 : f32 to vector<1x128xf32>
      %mul3A_122 = arith.mulf %mul3A_121, %add3A_99 : vector<1x128xf32>
      %tanh3A_123 = math.tanh %mul3A_122 : vector<1x128xf32>
      %mul3A_124 = arith.constant 5.000000e-01 : f32
      %mul3A_125 = vector.broadcast %mul3A_124 : f32 to vector<1x128xf32>
      %mul3A_126 = arith.mulf %mul3A_125, %tanh3A_123 : vector<1x128xf32>
      %add3A_127 = arith.constant 5.000000e-01 : f32
      %add3A_128 = vector.broadcast %add3A_127 : f32 to vector<1x128xf32>
      %add3A_129 = arith.addf %mul3A_126, %add3A_128 : vector<1x128xf32>
      %mul3A_130 = arith.mulf %add3A_118, %while3A_69 : vector<1x128xf32>
      %mul3A_131 = arith.mulf %add3A_108, %tanh3A_119 : vector<1x128xf32>
      %add3A_132 = arith.addf %mul3A_130, %mul3A_131 : vector<1x128xf32>
      %tanh3A_133 = math.tanh %add3A_132 : vector<1x128xf32>
      %mul3A_134 = arith.mulf %add3A_129, %tanh3A_133 : vector<1x128xf32>
      %add3A_135 = arith.constant 0 : i32
      %add3A_136 = arith.addi %mul3A_71, %add3A_135 : i32
      %swap3A_137 = arith.index_cast %add3A_136 : i32 to index
      %swap3A_138 = arith.constant 0 : index
      %swap3A_139 = vector.load %arg12[%swap3A_137, %swap3A_138] : memref<1280x128xf32, #tpu.memory_space<vmem>>, vector<1x128xf32>
      tpu.vector_store %arg12[%swap3A_137, %swap3A_138], %mul3A_134 {strides = array<i32>} : memref<1280x128xf32, #tpu.memory_space<vmem>>, vector<1x128xf32>,
      %reshape3A_140 = vector.shape_cast %mul3A_134 : vector<1x128xf32> to vector<128x1xf32>
      %add3A_141 = arith.constant 1 : i32
      %add3A_142 = arith.addi %mul3A_71, %add3A_141 : i32
      %get3A_143 = arith.index_cast %add3A_142 : i32 to index
      %get3A_144 = arith.constant 0 : index
      %get3A_145 = vector.load %arg1[%get3A_143, %get3A_144] : memref<1280x512xf32, #tpu.memory_space<vmem>>, vector<1x512xf32>
      %mul3A_146 = vector.broadcast %reshape3A_140 : vector<128x1xf32> to vector<128x512xf32>
      %mul3A_147 = arith.mulf %get3A_7, %mul3A_146 : vector<128x512xf32>
      %slice3A_148 = vector.extract_strided_slice %mul3A_147 {offsets = [0, 0], sizes = [128, 128], strides = [1, 1]} : vector<128x512xf32> to vector<128x128xf32>
      %reduce_sum3A_149 = arith.constant dense<0.000000e+00> : vector<128xf32>
      %reduce_sum3A_150 = vector.multi_reduction <add>, %slice3A_148, %reduce_sum3A_149 [0] : vector<128x128xf32> to vector<128xf32>
      %broadcast_in_dim3A_151 = vector.shape_cast %reduce_sum3A_150 : vector<128xf32> to vector<1x128xf32>
      %slice3A_152 = vector.extract_strided_slice %get3A_145 {offsets = [0, 0], sizes = [1, 128], strides = [1, 1]} : vector<1x512xf32> to vector<1x128xf32>
      %add3A_153 = arith.addf %broadcast_in_dim3A_151, %slice3A_152 : vector<1x128xf32>
      %slice3A_154 = vector.extract_strided_slice %mul3A_147 {offsets = [0, 128], sizes = [128, 128], strides = [1, 1]} : vector<128x512xf32> to vector<128x128xf32>
      %reduce_sum3A_155 = arith.constant dense<0.000000e+00> : vector<128xf32>
      %reduce_sum3A_156 = vector.multi_reduction <add>, %slice3A_154, %reduce_sum3A_155 [0] : vector<128x128xf32> to vector<128xf32>
      %broadcast_in_dim3A_157 = vector.shape_cast %reduce_sum3A_156 : vector<128xf32> to vector<1x128xf32>
      %slice3A_158 = vector.extract_strided_slice %get3A_145 {offsets = [0, 128], sizes = [1, 128], strides = [1, 1]} : vector<1x512xf32> to vector<1x128xf32>
      %add3A_159 = arith.addf %broadcast_in_dim3A_157, %slice3A_158 : vector<1x128xf32>
      %slice3A_160 = vector.extract_strided_slice %mul3A_147 {offsets = [0, 256], sizes = [128, 128], strides = [1, 1]} : vector<128x512xf32> to vector<128x128xf32>
      %reduce_sum3A_161 = arith.constant dense<0.000000e+00> : vector<128xf32>
      %reduce_sum3A_162 = vector.multi_reduction <add>, %slice3A_160, %reduce_sum3A_161 [0] : vector<128x128xf32> to vector<128xf32>
      %broadcast_in_dim3A_163 = vector.shape_cast %reduce_sum3A_162 : vector<128xf32> to vector<1x128xf32>
      %slice3A_164 = vector.extract_strided_slice %get3A_145 {offsets = [0, 256], sizes = [1, 128], strides = [1, 1]} : vector<1x512xf32> to vector<1x128xf32>
      %add3A_165 = arith.addf %broadcast_in_dim3A_163, %slice3A_164 : vector<1x128xf32>
      %slice3A_166 = vector.extract_strided_slice %mul3A_147 {offsets = [0, 384], sizes = [128, 128], strides = [1, 1]} : vector<128x512xf32> to vector<128x128xf32>
      %reduce_sum3A_167 = arith.constant dense<0.000000e+00> : vector<128xf32>
      %reduce_sum3A_168 = vector.multi_reduction <add>, %slice3A_166, %reduce_sum3A_167 [0] : vector<128x128xf32> to vector<128xf32>
      %broadcast_in_dim3A_169 = vector.shape_cast %reduce_sum3A_168 : vector<128xf32> to vector<1x128xf32>
      %slice3A_170 = vector.extract_strided_slice %get3A_145 {offsets = [0, 384], sizes = [1, 128], strides = [1, 1]} : vector<1x512xf32> to vector<1x128xf32>
      %add3A_171 = arith.addf %broadcast_in_dim3A_169, %slice3A_170 : vector<1x128xf32>
      %mul3A_172 = arith.constant 5.000000e-01 : f32
      %mul3A_173 = vector.broadcast %mul3A_172 : f32 to vector<1x128xf32>
      %mul3A_174 = arith.mulf %mul3A_173, %add3A_153 : vector<1x128xf32>
      %tanh3A_175 = math.tanh %mul3A_174 : vector<1x128xf32>
      %mul3A_176 = arith.constant 5.000000e-01 : f32
      %mul3A_177 = vector.broadcast %mul3A_176 : f32 to vector<1x128xf32>
      %mul3A_178 = arith.mulf %mul3A_177, %tanh3A_175 : vector<1x128xf32>
      %add3A_179 = arith.constant 5.000000e-01 : f32
      %add3A_180 = vector.broadcast %add3A_179 : f32 to vector<1x128xf32>
      %add3A_181 = arith.addf %mul3A_178, %add3A_180 : vector<1x128xf32>
      %mul3A_182 = arith.constant 5.000000e-01 : f32
      %mul3A_183 = vector.broadcast %mul3A_182 : f32 to vector<1x128xf32>
      %mul3A_184 = arith.mulf %mul3A_183, %add3A_159 : vector<1x128xf32>
      %tanh3A_185 = math.tanh %mul3A_184 : vector<1x128xf32>
      %mul3A_186 = arith.constant 5.000000e-01 : f32
      %mul3A_187 = vector.broadcast %mul3A_186 : f32 to vector<1x128xf32>
      %mul3A_188 = arith.mulf %mul3A_187, %tanh3A_185 : vector<1x128xf32>
      %add3A_189 = arith.constant 5.000000e-01 : f32
      %add3A_190 = vector.broadcast %add3A_189 : f32 to vector<1x128xf32>
      %add3A_191 = arith.addf %mul3A_188, %add3A_190 : vector<1x128xf32>
      %tanh3A_192 = math.tanh %add3A_165 : vector<1x128xf32>
      %mul3A_193 = arith.constant 5.000000e-01 : f32
      %mul3A_194 = vector.broadcast %mul3A_193 : f32 to vector<1x128xf32>
      %mul3A_195 = arith.mulf %mul3A_194, %add3A_171 : vector<1x128xf32>
      %tanh3A_196 = math.tanh %mul3A_195 : vector<1x128xf32>
      %mul3A_197 = arith.constant 5.000000e-01 : f32
      %mul3A_198 = vector.broadcast %mul3A_197 : f32 to vector<1x128xf32>
      %mul3A_199 = arith.mulf %mul3A_198, %tanh3A_196 : vector<1x128xf32>
      %add3A_200 = arith.constant 5.000000e-01 : f32
      %add3A_201 = vector.broadcast %add3A_200 : f32 to vector<1x128xf32>
      %add3A_202 = arith.addf %mul3A_199, %add3A_201 : vector<1x128xf32>
      %mul3A_203 = arith.mulf %add3A_191, %add3A_132 : vector<1x128xf32>
      %mul3A_204 = arith.mulf %add3A_181, %tanh3A_192 : vector<1x128xf32>
      %add3A_205 = arith.addf %mul3A_203, %mul3A_204 : vector<1x128xf32>
      %tanh3A_206 = math.tanh %add3A_205 : vector<1x128xf32>
      %mul3A_207 = arith.mulf %add3A_202, %tanh3A_206 : vector<1x128xf32>
      %add3A_208 = arith.constant 1 : i32
      %add3A_209 = arith.addi %mul3A_71, %add3A_208 : i32
      %swap3A_210 = arith.index_cast %add3A_209 : i32 to index
      %swap3A_211 = arith.constant 0 : index
      %swap3A_212 = vector.load %arg12[%swap3A_210, %swap3A_211] : memref<1280x128xf32, #tpu.memory_space<vmem>>, vector<1x128xf32>
      tpu.vector_store %arg12[%swap3A_210, %swap3A_211], %mul3A_207 {strides = array<i32>} : memref<1280x128xf32, #tpu.memory_space<vmem>>, vector<1x128xf32>,
      %reshape3A_213 = vector.shape_cast %mul3A_207 : vector<1x128xf32> to vector<128x1xf32>
      %add3A_214 = arith.constant 2 : i32
      %add3A_215 = arith.addi %mul3A_71, %add3A_214 : i32
      %get3A_216 = arith.index_cast %add3A_215 : i32 to index
      %get3A_217 = arith.constant 0 : index
      %get3A_218 = vector.load %arg1[%get3A_216, %get3A_217] : memref<1280x512xf32, #tpu.memory_space<vmem>>, vector<1x512xf32>
      %mul3A_219 = vector.broadcast %reshape3A_213 : vector<128x1xf32> to vector<128x512xf32>
      %mul3A_220 = arith.mulf %get3A_7, %mul3A_219 : vector<128x512xf32>
      %slice3A_221 = vector.extract_strided_slice %mul3A_220 {offsets = [0, 0], sizes = [128, 128], strides = [1, 1]} : vector<128x512xf32> to vector<128x128xf32>
      %reduce_sum3A_222 = arith.constant dense<0.000000e+00> : vector<128xf32>
      %reduce_sum3A_223 = vector.multi_reduction <add>, %slice3A_221, %reduce_sum3A_222 [0] : vector<128x128xf32> to vector<128xf32>
      %broadcast_in_dim3A_224 = vector.shape_cast %reduce_sum3A_223 : vector<128xf32> to vector<1x128xf32>
      %slice3A_225 = vector.extract_strided_slice %get3A_218 {offsets = [0, 0], sizes = [1, 128], strides = [1, 1]} : vector<1x512xf32> to vector<1x128xf32>
      %add3A_226 = arith.addf %broadcast_in_dim3A_224, %slice3A_225 : vector<1x128xf32>
      %slice3A_227 = vector.extract_strided_slice %mul3A_220 {offsets = [0, 128], sizes = [128, 128], strides = [1, 1]} : vector<128x512xf32> to vector<128x128xf32>
      %reduce_sum3A_228 = arith.constant dense<0.000000e+00> : vector<128xf32>
      %reduce_sum3A_229 = vector.multi_reduction <add>, %slice3A_227, %reduce_sum3A_228 [0] : vector<128x128xf32> to vector<128xf32>
      %broadcast_in_dim3A_230 = vector.shape_cast %reduce_sum3A_229 : vector<128xf32> to vector<1x128xf32>
      %slice3A_231 = vector.extract_strided_slice %get3A_218 {offsets = [0, 128], sizes = [1, 128], strides = [1, 1]} : vector<1x512xf32> to vector<1x128xf32>
      %add3A_232 = arith.addf %broadcast_in_dim3A_230, %slice3A_231 : vector<1x128xf32>
      %slice3A_233 = vector.extract_strided_slice %mul3A_220 {offsets = [0, 256], sizes = [128, 128], strides = [1, 1]} : vector<128x512xf32> to vector<128x128xf32>
      %reduce_sum3A_234 = arith.constant dense<0.000000e+00> : vector<128xf32>
      %reduce_sum3A_235 = vector.multi_reduction <add>, %slice3A_233, %reduce_sum3A_234 [0] : vector<128x128xf32> to vector<128xf32>
      %broadcast_in_dim3A_236 = vector.shape_cast %reduce_sum3A_235 : vector<128xf32> to vector<1x128xf32>
      %slice3A_237 = vector.extract_strided_slice %get3A_218 {offsets = [0, 256], sizes = [1, 128], strides = [1, 1]} : vector<1x512xf32> to vector<1x128xf32>
      %add3A_238 = arith.addf %broadcast_in_dim3A_236, %slice3A_237 : vector<1x128xf32>
      %slice3A_239 = vector.extract_strided_slice %mul3A_220 {offsets = [0, 384], sizes = [128, 128], strides = [1, 1]} : vector<128x512xf32> to vector<128x128xf32>
      %reduce_sum3A_240 = arith.constant dense<0.000000e+00> : vector<128xf32>
      %reduce_sum3A_241 = vector.multi_reduction <add>, %slice3A_239, %reduce_sum3A_240 [0] : vector<128x128xf32> to vector<128xf32>
      %broadcast_in_dim3A_242 = vector.shape_cast %reduce_sum3A_241 : vector<128xf32> to vector<1x128xf32>
      %slice3A_243 = vector.extract_strided_slice %get3A_218 {offsets = [0, 384], sizes = [1, 128], strides = [1, 1]} : vector<1x512xf32> to vector<1x128xf32>
      %add3A_244 = arith.addf %broadcast_in_dim3A_242, %slice3A_243 : vector<1x128xf32>
      %mul3A_245 = arith.constant 5.000000e-01 : f32
      %mul3A_246 = vector.broadcast %mul3A_245 : f32 to vector<1x128xf32>
      %mul3A_247 = arith.mulf %mul3A_246, %add3A_226 : vector<1x128xf32>
      %tanh3A_248 = math.tanh %mul3A_247 : vector<1x128xf32>
      %mul3A_249 = arith.constant 5.000000e-01 : f32
      %mul3A_250 = vector.broadcast %mul3A_249 : f32 to vector<1x128xf32>
      %mul3A_251 = arith.mulf %mul3A_250, %tanh3A_248 : vector<1x128xf32>
      %add3A_252 = arith.constant 5.000000e-01 : f32
      %add3A_253 = vector.broadcast %add3A_252 : f32 to vector<1x128xf32>
      %add3A_254 = arith.addf %mul3A_251, %add3A_253 : vector<1x128xf32>
      %mul3A_255 = arith.constant 5.000000e-01 : f32
      %mul3A_256 = vector.broadcast %mul3A_255 : f32 to vector<1x128xf32>
      %mul3A_257 = arith.mulf %mul3A_256, %add3A_232 : vector<1x128xf32>
      %tanh3A_258 = math.tanh %mul3A_257 : vector<1x128xf32>
      %mul3A_259 = arith.constant 5.000000e-01 : f32
      %mul3A_260 = vector.broadcast %mul3A_259 : f32 to vector<1x128xf32>
      %mul3A_261 = arith.mulf %mul3A_260, %tanh3A_258 : vector<1x128xf32>
      %add3A_262 = arith.constant 5.000000e-01 : f32
      %add3A_263 = vector.broadcast %add3A_262 : f32 to vector<1x128xf32>
      %add3A_264 = arith.addf %mul3A_261, %add3A_263 : vector<1x128xf32>
      %tanh3A_265 = math.tanh %add3A_238 : vector<1x128xf32>
      %mul3A_266 = arith.constant 5.000000e-01 : f32
      %mul3A_267 = vector.broadcast %mul3A_266 : f32 to vector<1x128xf32>
      %mul3A_268 = arith.mulf %mul3A_267, %add3A_244 : vector<1x128xf32>
      %tanh3A_269 = math.tanh %mul3A_268 : vector<1x128xf32>
      %mul3A_270 = arith.constant 5.000000e-01 : f32
      %mul3A_271 = vector.broadcast %mul3A_270 : f32 to vector<1x128xf32>
      %mul3A_272 = arith.mulf %mul3A_271, %tanh3A_269 : vector<1x128xf32>
      %add3A_273 = arith.constant 5.000000e-01 : f32
      %add3A_274 = vector.broadcast %add3A_273 : f32 to vector<1x128xf32>
      %add3A_275 = arith.addf %mul3A_272, %add3A_274 : vector<1x128xf32>
      %mul3A_276 = arith.mulf %add3A_264, %add3A_205 : vector<1x128xf32>
      %mul3A_277 = arith.mulf %add3A_254, %tanh3A_265 : vector<1x128xf32>
      %add3A_278 = arith.addf %mul3A_276, %mul3A_277 : vector<1x128xf32>
      %tanh3A_279 = math.tanh %add3A_278 : vector<1x128xf32>
      %mul3A_280 = arith.mulf %add3A_275, %tanh3A_279 : vector<1x128xf32>
      %add3A_281 = arith.constant 2 : i32
      %add3A_282 = arith.addi %mul3A_71, %add3A_281 : i32
      %swap3A_283 = arith.index_cast %add3A_282 : i32 to index
      %swap3A_284 = arith.constant 0 : index
      %swap3A_285 = vector.load %arg12[%swap3A_283, %swap3A_284] : memref<1280x128xf32, #tpu.memory_space<vmem>>, vector<1x128xf32>
      tpu.vector_store %arg12[%swap3A_283, %swap3A_284], %mul3A_280 {strides = array<i32>} : memref<1280x128xf32, #tpu.memory_space<vmem>>, vector<1x128xf32>,
      %reshape3A_286 = vector.shape_cast %mul3A_280 : vector<1x128xf32> to vector<128x1xf32>
      %add3A_287 = arith.constant 3 : i32
      %add3A_288 = arith.addi %mul3A_71, %add3A_287 : i32
      %get3A_289 = arith.index_cast %add3A_288 : i32 to index
      %get3A_290 = arith.constant 0 : index
      %get3A_291 = vector.load %arg1[%get3A_289, %get3A_290] : memref<1280x512xf32, #tpu.memory_space<vmem>>, vector<1x512xf32>
      %mul3A_292 = vector.broadcast %reshape3A_286 : vector<128x1xf32> to vector<128x512xf32>
      %mul3A_293 = arith.mulf %get3A_7, %mul3A_292 : vector<128x512xf32>
      %slice3A_294 = vector.extract_strided_slice %mul3A_293 {offsets = [0, 0], sizes = [128, 128], strides = [1, 1]} : vector<128x512xf32> to vector<128x128xf32>
      %reduce_sum3A_295 = arith.constant dense<0.000000e+00> : vector<128xf32>
      %reduce_sum3A_296 = vector.multi_reduction <add>, %slice3A_294, %reduce_sum3A_295 [0] : vector<128x128xf32> to vector<128xf32>
      %broadcast_in_dim3A_297 = vector.shape_cast %reduce_sum3A_296 : vector<128xf32> to vector<1x128xf32>
      %slice3A_298 = vector.extract_strided_slice %get3A_291 {offsets = [0, 0], sizes = [1, 128], strides = [1, 1]} : vector<1x512xf32> to vector<1x128xf32>
      %add3A_299 = arith.addf %broadcast_in_dim3A_297, %slice3A_298 : vector<1x128xf32>
      %slice3A_300 = vector.extract_strided_slice %mul3A_293 {offsets = [0, 128], sizes = [128, 128], strides = [1, 1]} : vector<128x512xf32> to vector<128x128xf32>
      %reduce_sum3A_301 = arith.constant dense<0.000000e+00> : vector<128xf32>
      %reduce_sum3A_302 = vector.multi_reduction <add>, %slice3A_300, %reduce_sum3A_301 [0] : vector<128x128xf32> to vector<128xf32>
      %broadcast_in_dim3A_303 = vector.shape_cast %reduce_sum3A_302 : vector<128xf32> to vector<1x128xf32>
      %slice3A_304 = vector.extract_strided_slice %get3A_291 {offsets = [0, 128], sizes = [1, 128], strides = [1, 1]} : vector<1x512xf32> to vector<1x128xf32>
      %add3A_305 = arith.addf %broadcast_in_dim3A_303, %slice3A_304 : vector<1x128xf32>
      %slice3A_306 = vector.extract_strided_slice %mul3A_293 {offsets = [0, 256], sizes = [128, 128], strides = [1, 1]} : vector<128x512xf32> to vector<128x128xf32>
      %reduce_sum3A_307 = arith.constant dense<0.000000e+00> : vector<128xf32>
      %reduce_sum3A_308 = vector.multi_reduction <add>, %slice3A_306, %reduce_sum3A_307 [0] : vector<128x128xf32> to vector<128xf32>
      %broadcast_in_dim3A_309 = vector.shape_cast %reduce_sum3A_308 : vector<128xf32> to vector<1x128xf32>
      %slice3A_310 = vector.extract_strided_slice %get3A_291 {offsets = [0, 256], sizes = [1, 128], strides = [1, 1]} : vector<1x512xf32> to vector<1x128xf32>
      %add3A_311 = arith.addf %broadcast_in_dim3A_309, %slice3A_310 : vector<1x128xf32>
      %slice3A_312 = vector.extract_strided_slice %mul3A_293 {offsets = [0, 384], sizes = [128, 128], strides = [1, 1]} : vector<128x512xf32> to vector<128x128xf32>
      %reduce_sum3A_313 = arith.constant dense<0.000000e+00> : vector<128xf32>
      %reduce_sum3A_314 = vector.multi_reduction <add>, %slice3A_312, %reduce_sum3A_313 [0] : vector<128x128xf32> to vector<128xf32>
      %broadcast_in_dim3A_315 = vector.shape_cast %reduce_sum3A_314 : vector<128xf32> to vector<1x128xf32>
      %slice3A_316 = vector.extract_strided_slice %get3A_291 {offsets = [0, 384], sizes = [1, 128], strides = [1, 1]} : vector<1x512xf32> to vector<1x128xf32>
      %add3A_317 = arith.addf %broadcast_in_dim3A_315, %slice3A_316 : vector<1x128xf32>
      %mul3A_318 = arith.constant 5.000000e-01 : f32
      %mul3A_319 = vector.broadcast %mul3A_318 : f32 to vector<1x128xf32>
      %mul3A_320 = arith.mulf %mul3A_319, %add3A_299 : vector<1x128xf32>
      %tanh3A_321 = math.tanh %mul3A_320 : vector<1x128xf32>
      %mul3A_322 = arith.constant 5.000000e-01 : f32
      %mul3A_323 = vector.broadcast %mul3A_322 : f32 to vector<1x128xf32>
      %mul3A_324 = arith.mulf %mul3A_323, %tanh3A_321 : vector<1x128xf32>
      %add3A_325 = arith.constant 5.000000e-01 : f32
      %add3A_326 = vector.broadcast %add3A_325 : f32 to vector<1x128xf32>
      %add3A_327 = arith.addf %mul3A_324, %add3A_326 : vector<1x128xf32>
      %mul3A_328 = arith.constant 5.000000e-01 : f32
      %mul3A_329 = vector.broadcast %mul3A_328 : f32 to vector<1x128xf32>
      %mul3A_330 = arith.mulf %mul3A_329, %add3A_305 : vector<1x128xf32>
      %tanh3A_331 = math.tanh %mul3A_330 : vector<1x128xf32>
      %mul3A_332 = arith.constant 5.000000e-01 : f32
      %mul3A_333 = vector.broadcast %mul3A_332 : f32 to vector<1x128xf32>
      %mul3A_334 = arith.mulf %mul3A_333, %tanh3A_331 : vector<1x128xf32>
      %add3A_335 = arith.constant 5.000000e-01 : f32
      %add3A_336 = vector.broadcast %add3A_335 : f32 to vector<1x128xf32>
      %add3A_337 = arith.addf %mul3A_334, %add3A_336 : vector<1x128xf32>
      %tanh3A_338 = math.tanh %add3A_311 : vector<1x128xf32>
      %mul3A_339 = arith.constant 5.000000e-01 : f32
      %mul3A_340 = vector.broadcast %mul3A_339 : f32 to vector<1x128xf32>
      %mul3A_341 = arith.mulf %mul3A_340, %add3A_317 : vector<1x128xf32>
      %tanh3A_342 = math.tanh %mul3A_341 : vector<1x128xf32>
      %mul3A_343 = arith.constant 5.000000e-01 : f32
      %mul3A_344 = vector.broadcast %mul3A_343 : f32 to vector<1x128xf32>
      %mul3A_345 = arith.mulf %mul3A_344, %tanh3A_342 : vector<1x128xf32>
      %add3A_346 = arith.constant 5.000000e-01 : f32
      %add3A_347 = vector.broadcast %add3A_346 : f32 to vector<1x128xf32>
      %add3A_348 = arith.addf %mul3A_345, %add3A_347 : vector<1x128xf32>
      %mul3A_349 = arith.mulf %add3A_337, %add3A_278 : vector<1x128xf32>
      %mul3A_350 = arith.mulf %add3A_327, %tanh3A_338 : vector<1x128xf32>
      %add3A_351 = arith.addf %mul3A_349, %mul3A_350 : vector<1x128xf32>
      %tanh3A_352 = math.tanh %add3A_351 : vector<1x128xf32>
      %mul3A_353 = arith.mulf %add3A_348, %tanh3A_352 : vector<1x128xf32>
      %add3A_354 = arith.constant 3 : i32
      %add3A_355 = arith.addi %mul3A_71, %add3A_354 : i32
      %swap3A_356 = arith.index_cast %add3A_355 : i32 to index
      %swap3A_357 = arith.constant 0 : index
      %swap3A_358 = vector.load %arg12[%swap3A_356, %swap3A_357] : memref<1280x128xf32, #tpu.memory_space<vmem>>, vector<1x128xf32>
      tpu.vector_store %arg12[%swap3A_356, %swap3A_357], %mul3A_353 {strides = array<i32>} : memref<1280x128xf32, #tpu.memory_space<vmem>>, vector<1x128xf32>,
      %reshape3A_359 = vector.shape_cast %mul3A_353 : vector<1x128xf32> to vector<128x1xf32>
      %add3A_360 = arith.constant 4 : i32
      %add3A_361 = arith.addi %mul3A_71, %add3A_360 : i32
      %get3A_362 = arith.index_cast %add3A_361 : i32 to index
      %get3A_363 = arith.constant 0 : index
      %get3A_364 = vector.load %arg1[%get3A_362, %get3A_363] : memref<1280x512xf32, #tpu.memory_space<vmem>>, vector<1x512xf32>
      %mul3A_365 = vector.broadcast %reshape3A_359 : vector<128x1xf32> to vector<128x512xf32>
      %mul3A_366 = arith.mulf %get3A_7, %mul3A_365 : vector<128x512xf32>
      %slice3A_367 = vector.extract_strided_slice %mul3A_366 {offsets = [0, 0], sizes = [128, 128], strides = [1, 1]} : vector<128x512xf32> to vector<128x128xf32>
      %reduce_sum3A_368 = arith.constant dense<0.000000e+00> : vector<128xf32>
      %reduce_sum3A_369 = vector.multi_reduction <add>, %slice3A_367, %reduce_sum3A_368 [0] : vector<128x128xf32> to vector<128xf32>
      %broadcast_in_dim3A_370 = vector.shape_cast %reduce_sum3A_369 : vector<128xf32> to vector<1x128xf32>
      %slice3A_371 = vector.extract_strided_slice %get3A_364 {offsets = [0, 0], sizes = [1, 128], strides = [1, 1]} : vector<1x512xf32> to vector<1x128xf32>
      %add3A_372 = arith.addf %broadcast_in_dim3A_370, %slice3A_371 : vector<1x128xf32>
      %slice3A_373 = vector.extract_strided_slice %mul3A_366 {offsets = [0, 128], sizes = [128, 128], strides = [1, 1]} : vector<128x512xf32> to vector<128x128xf32>
      %reduce_sum3A_374 = arith.constant dense<0.000000e+00> : vector<128xf32>
      %reduce_sum3A_375 = vector.multi_reduction <add>, %slice3A_373, %reduce_sum3A_374 [0] : vector<128x128xf32> to vector<128xf32>
      %broadcast_in_dim3A_376 = vector.shape_cast %reduce_sum3A_375 : vector<128xf32> to vector<1x128xf32>
      %slice3A_377 = vector.extract_strided_slice %get3A_364 {offsets = [0, 128], sizes = [1, 128], strides = [1, 1]} : vector<1x512xf32> to vector<1x128xf32>
      %add3A_378 = arith.addf %broadcast_in_dim3A_376, %slice3A_377 : vector<1x128xf32>
      %slice3A_379 = vector.extract_strided_slice %mul3A_366 {offsets = [0, 256], sizes = [128, 128], strides = [1, 1]} : vector<128x512xf32> to vector<128x128xf32>
      %reduce_sum3A_380 = arith.constant dense<0.000000e+00> : vector<128xf32>
      %reduce_sum3A_381 = vector.multi_reduction <add>, %slice3A_379, %reduce_sum3A_380 [0] : vector<128x128xf32> to vector<128xf32>
      %broadcast_in_dim3A_382 = vector.shape_cast %reduce_sum3A_381 : vector<128xf32> to vector<1x128xf32>
      %slice3A_383 = vector.extract_strided_slice %get3A_364 {offsets = [0, 256], sizes = [1, 128], strides = [1, 1]} : vector<1x512xf32> to vector<1x128xf32>
      %add3A_384 = arith.addf %broadcast_in_dim3A_382, %slice3A_383 : vector<1x128xf32>
      %slice3A_385 = vector.extract_strided_slice %mul3A_366 {offsets = [0, 384], sizes = [128, 128], strides = [1, 1]} : vector<128x512xf32> to vector<128x128xf32>
      %reduce_sum3A_386 = arith.constant dense<0.000000e+00> : vector<128xf32>
      %reduce_sum3A_387 = vector.multi_reduction <add>, %slice3A_385, %reduce_sum3A_386 [0] : vector<128x128xf32> to vector<128xf32>
      %broadcast_in_dim3A_388 = vector.shape_cast %reduce_sum3A_387 : vector<128xf32> to vector<1x128xf32>
      %slice3A_389 = vector.extract_strided_slice %get3A_364 {offsets = [0, 384], sizes = [1, 128], strides = [1, 1]} : vector<1x512xf32> to vector<1x128xf32>
      %add3A_390 = arith.addf %broadcast_in_dim3A_388, %slice3A_389 : vector<1x128xf32>
      %mul3A_391 = arith.constant 5.000000e-01 : f32
      %mul3A_392 = vector.broadcast %mul3A_391 : f32 to vector<1x128xf32>
      %mul3A_393 = arith.mulf %mul3A_392, %add3A_372 : vector<1x128xf32>
      %tanh3A_394 = math.tanh %mul3A_393 : vector<1x128xf32>
      %mul3A_395 = arith.constant 5.000000e-01 : f32
      %mul3A_396 = vector.broadcast %mul3A_395 : f32 to vector<1x128xf32>
      %mul3A_397 = arith.mulf %mul3A_396, %tanh3A_394 : vector<1x128xf32>
      %add3A_398 = arith.constant 5.000000e-01 : f32
      %add3A_399 = vector.broadcast %add3A_398 : f32 to vector<1x128xf32>
      %add3A_400 = arith.addf %mul3A_397, %add3A_399 : vector<1x128xf32>
      %mul3A_401 = arith.constant 5.000000e-01 : f32
      %mul3A_402 = vector.broadcast %mul3A_401 : f32 to vector<1x128xf32>
      %mul3A_403 = arith.mulf %mul3A_402, %add3A_378 : vector<1x128xf32>
      %tanh3A_404 = math.tanh %mul3A_403 : vector<1x128xf32>
      %mul3A_405 = arith.constant 5.000000e-01 : f32
      %mul3A_406 = vector.broadcast %mul3A_405 : f32 to vector<1x128xf32>
      %mul3A_407 = arith.mulf %mul3A_406, %tanh3A_404 : vector<1x128xf32>
      %add3A_408 = arith.constant 5.000000e-01 : f32
      %add3A_409 = vector.broadcast %add3A_408 : f32 to vector<1x128xf32>
      %add3A_410 = arith.addf %mul3A_407, %add3A_409 : vector<1x128xf32>
      %tanh3A_411 = math.tanh %add3A_384 : vector<1x128xf32>
      %mul3A_412 = arith.constant 5.000000e-01 : f32
      %mul3A_413 = vector.broadcast %mul3A_412 : f32 to vector<1x128xf32>
      %mul3A_414 = arith.mulf %mul3A_413, %add3A_390 : vector<1x128xf32>
      %tanh3A_415 = math.tanh %mul3A_414 : vector<1x128xf32>
      %mul3A_416 = arith.constant 5.000000e-01 : f32
      %mul3A_417 = vector.broadcast %mul3A_416 : f32 to vector<1x128xf32>
      %mul3A_418 = arith.mulf %mul3A_417, %tanh3A_415 : vector<1x128xf32>
      %add3A_419 = arith.constant 5.000000e-01 : f32
      %add3A_420 = vector.broadcast %add3A_419 : f32 to vector<1x128xf32>
      %add3A_421 = arith.addf %mul3A_418, %add3A_420 : vector<1x128xf32>
      %mul3A_422 = arith.mulf %add3A_410, %add3A_351 : vector<1x128xf32>
      %mul3A_423 = arith.mulf %add3A_400, %tanh3A_411 : vector<1x128xf32>
      %add3A_424 = arith.addf %mul3A_422, %mul3A_423 : vector<1x128xf32>
      %tanh3A_425 = math.tanh %add3A_424 : vector<1x128xf32>
      %mul3A_426 = arith.mulf %add3A_421, %tanh3A_425 : vector<1x128xf32>
      %add3A_427 = arith.constant 4 : i32
      %add3A_428 = arith.addi %mul3A_71, %add3A_427 : i32
      %swap3A_429 = arith.index_cast %add3A_428 : i32 to index
      %swap3A_430 = arith.constant 0 : index
      %swap3A_431 = vector.load %arg12[%swap3A_429, %swap3A_430] : memref<1280x128xf32, #tpu.memory_space<vmem>>, vector<1x128xf32>
      tpu.vector_store %arg12[%swap3A_429, %swap3A_430], %mul3A_426 {strides = array<i32>} : memref<1280x128xf32, #tpu.memory_space<vmem>>, vector<1x128xf32>,
      %reshape3A_432 = vector.shape_cast %mul3A_426 : vector<1x128xf32> to vector<128x1xf32>
      %add3A_433 = arith.constant 5 : i32
      %add3A_434 = arith.addi %mul3A_71, %add3A_433 : i32
      %get3A_435 = arith.index_cast %add3A_434 : i32 to index
      %get3A_436 = arith.constant 0 : index
      %get3A_437 = vector.load %arg1[%get3A_435, %get3A_436] : memref<1280x512xf32, #tpu.memory_space<vmem>>, vector<1x512xf32>
      %mul3A_438 = vector.broadcast %reshape3A_432 : vector<128x1xf32> to vector<128x512xf32>
      %mul3A_439 = arith.mulf %get3A_7, %mul3A_438 : vector<128x512xf32>
      %slice3A_440 = vector.extract_strided_slice %mul3A_439 {offsets = [0, 0], sizes = [128, 128], strides = [1, 1]} : vector<128x512xf32> to vector<128x128xf32>
      %reduce_sum3A_441 = arith.constant dense<0.000000e+00> : vector<128xf32>
      %reduce_sum3A_442 = vector.multi_reduction <add>, %slice3A_440, %reduce_sum3A_441 [0] : vector<128x128xf32> to vector<128xf32>
      %broadcast_in_dim3A_443 = vector.shape_cast %reduce_sum3A_442 : vector<128xf32> to vector<1x128xf32>
      %slice3A_444 = vector.extract_strided_slice %get3A_437 {offsets = [0, 0], sizes = [1, 128], strides = [1, 1]} : vector<1x512xf32> to vector<1x128xf32>
      %add3A_445 = arith.addf %broadcast_in_dim3A_443, %slice3A_444 : vector<1x128xf32>
      %slice3A_446 = vector.extract_strided_slice %mul3A_439 {offsets = [0, 128], sizes = [128, 128], strides = [1, 1]} : vector<128x512xf32> to vector<128x128xf32>
      %reduce_sum3A_447 = arith.constant dense<0.000000e+00> : vector<128xf32>
      %reduce_sum3A_448 = vector.multi_reduction <add>, %slice3A_446, %reduce_sum3A_447 [0] : vector<128x128xf32> to vector<128xf32>
      %broadcast_in_dim3A_449 = vector.shape_cast %reduce_sum3A_448 : vector<128xf32> to vector<1x128xf32>
      %slice3A_450 = vector.extract_strided_slice %get3A_437 {offsets = [0, 128], sizes = [1, 128], strides = [1, 1]} : vector<1x512xf32> to vector<1x128xf32>
      %add3A_451 = arith.addf %broadcast_in_dim3A_449, %slice3A_450 : vector<1x128xf32>
      %slice3A_452 = vector.extract_strided_slice %mul3A_439 {offsets = [0, 256], sizes = [128, 128], strides = [1, 1]} : vector<128x512xf32> to vector<128x128xf32>
      %reduce_sum3A_453 = arith.constant dense<0.000000e+00> : vector<128xf32>
      %reduce_sum3A_454 = vector.multi_reduction <add>, %slice3A_452, %reduce_sum3A_453 [0] : vector<128x128xf32> to vector<128xf32>
      %broadcast_in_dim3A_455 = vector.shape_cast %reduce_sum3A_454 : vector<128xf32> to vector<1x128xf32>
      %slice3A_456 = vector.extract_strided_slice %get3A_437 {offsets = [0, 256], sizes = [1, 128], strides = [1, 1]} : vector<1x512xf32> to vector<1x128xf32>
      %add3A_457 = arith.addf %broadcast_in_dim3A_455, %slice3A_456 : vector<1x128xf32>
      %slice3A_458 = vector.extract_strided_slice %mul3A_439 {offsets = [0, 384], sizes = [128, 128], strides = [1, 1]} : vector<128x512xf32> to vector<128x128xf32>
      %reduce_sum3A_459 = arith.constant dense<0.000000e+00> : vector<128xf32>
      %reduce_sum3A_460 = vector.multi_reduction <add>, %slice3A_458, %reduce_sum3A_459 [0] : vector<128x128xf32> to vector<128xf32>
      %broadcast_in_dim3A_461 = vector.shape_cast %reduce_sum3A_460 : vector<128xf32> to vector<1x128xf32>
      %slice3A_462 = vector.extract_strided_slice %get3A_437 {offsets = [0, 384], sizes = [1, 128], strides = [1, 1]} : vector<1x512xf32> to vector<1x128xf32>
      %add3A_463 = arith.addf %broadcast_in_dim3A_461, %slice3A_462 : vector<1x128xf32>
      %mul3A_464 = arith.constant 5.000000e-01 : f32
      %mul3A_465 = vector.broadcast %mul3A_464 : f32 to vector<1x128xf32>
      %mul3A_466 = arith.mulf %mul3A_465, %add3A_445 : vector<1x128xf32>
      %tanh3A_467 = math.tanh %mul3A_466 : vector<1x128xf32>
      %mul3A_468 = arith.constant 5.000000e-01 : f32
      %mul3A_469 = vector.broadcast %mul3A_468 : f32 to vector<1x128xf32>
      %mul3A_470 = arith.mulf %mul3A_469, %tanh3A_467 : vector<1x128xf32>
      %add3A_471 = arith.constant 5.000000e-01 : f32
      %add3A_472 = vector.broadcast %add3A_471 : f32 to vector<1x128xf32>
      %add3A_473 = arith.addf %mul3A_470, %add3A_472 : vector<1x128xf32>
      %mul3A_474 = arith.constant 5.000000e-01 : f32
      %mul3A_475 = vector.broadcast %mul3A_474 : f32 to vector<1x128xf32>
      %mul3A_476 = arith.mulf %mul3A_475, %add3A_451 : vector<1x128xf32>
      %tanh3A_477 = math.tanh %mul3A_476 : vector<1x128xf32>
      %mul3A_478 = arith.constant 5.000000e-01 : f32
      %mul3A_479 = vector.broadcast %mul3A_478 : f32 to vector<1x128xf32>
      %mul3A_480 = arith.mulf %mul3A_479, %tanh3A_477 : vector<1x128xf32>
      %add3A_481 = arith.constant 5.000000e-01 : f32
      %add3A_482 = vector.broadcast %add3A_481 : f32 to vector<1x128xf32>
      %add3A_483 = arith.addf %mul3A_480, %add3A_482 : vector<1x128xf32>
      %tanh3A_484 = math.tanh %add3A_457 : vector<1x128xf32>
      %mul3A_485 = arith.constant 5.000000e-01 : f32
      %mul3A_486 = vector.broadcast %mul3A_485 : f32 to vector<1x128xf32>
      %mul3A_487 = arith.mulf %mul3A_486, %add3A_463 : vector<1x128xf32>
      %tanh3A_488 = math.tanh %mul3A_487 : vector<1x128xf32>
      %mul3A_489 = arith.constant 5.000000e-01 : f32
      %mul3A_490 = vector.broadcast %mul3A_489 : f32 to vector<1x128xf32>
      %mul3A_491 = arith.mulf %mul3A_490, %tanh3A_488 : vector<1x128xf32>
      %add3A_492 = arith.constant 5.000000e-01 : f32
      %add3A_493 = vector.broadcast %add3A_492 : f32 to vector<1x128xf32>
      %add3A_494 = arith.addf %mul3A_491, %add3A_493 : vector<1x128xf32>
      %mul3A_495 = arith.mulf %add3A_483, %add3A_424 : vector<1x128xf32>
      %mul3A_496 = arith.mulf %add3A_473, %tanh3A_484 : vector<1x128xf32>
      %add3A_497 = arith.addf %mul3A_495, %mul3A_496 : vector<1x128xf32>
      %tanh3A_498 = math.tanh %add3A_497 : vector<1x128xf32>
      %mul3A_499 = arith.mulf %add3A_494, %tanh3A_498 : vector<1x128xf32>
      %add3A_500 = arith.constant 5 : i32
      %add3A_501 = arith.addi %mul3A_71, %add3A_500 : i32
      %swap3A_502 = arith.index_cast %add3A_501 : i32 to index
      %swap3A_503 = arith.constant 0 : index
      %swap3A_504 = vector.load %arg12[%swap3A_502, %swap3A_503] : memref<1280x128xf32, #tpu.memory_space<vmem>>, vector<1x128xf32>
      tpu.vector_store %arg12[%swap3A_502, %swap3A_503], %mul3A_499 {strides = array<i32>} : memref<1280x128xf32, #tpu.memory_space<vmem>>, vector<1x128xf32>,
      %reshape3A_505 = vector.shape_cast %mul3A_499 : vector<1x128xf32> to vector<128x1xf32>
      %add3A_506 = arith.constant 6 : i32
      %add3A_507 = arith.addi %mul3A_71, %add3A_506 : i32
      %get3A_508 = arith.index_cast %add3A_507 : i32 to index
      %get3A_509 = arith.constant 0 : index
      %get3A_510 = vector.load %arg1[%get3A_508, %get3A_509] : memref<1280x512xf32, #tpu.memory_space<vmem>>, vector<1x512xf32>
      %mul3A_511 = vector.broadcast %reshape3A_505 : vector<128x1xf32> to vector<128x512xf32>
      %mul3A_512 = arith.mulf %get3A_7, %mul3A_511 : vector<128x512xf32>
      %slice3A_513 = vector.extract_strided_slice %mul3A_512 {offsets = [0, 0], sizes = [128, 128], strides = [1, 1]} : vector<128x512xf32> to vector<128x128xf32>
      %reduce_sum3A_514 = arith.constant dense<0.000000e+00> : vector<128xf32>
      %reduce_sum3A_515 = vector.multi_reduction <add>, %slice3A_513, %reduce_sum3A_514 [0] : vector<128x128xf32> to vector<128xf32>
      %broadcast_in_dim3A_516 = vector.shape_cast %reduce_sum3A_515 : vector<128xf32> to vector<1x128xf32>
      %slice3A_517 = vector.extract_strided_slice %get3A_510 {offsets = [0, 0], sizes = [1, 128], strides = [1, 1]} : vector<1x512xf32> to vector<1x128xf32>
      %add3A_518 = arith.addf %broadcast_in_dim3A_516, %slice3A_517 : vector<1x128xf32>
      %slice3A_519 = vector.extract_strided_slice %mul3A_512 {offsets = [0, 128], sizes = [128, 128], strides = [1, 1]} : vector<128x512xf32> to vector<128x128xf32>
      %reduce_sum3A_520 = arith.constant dense<0.000000e+00> : vector<128xf32>
      %reduce_sum3A_521 = vector.multi_reduction <add>, %slice3A_519, %reduce_sum3A_520 [0] : vector<128x128xf32> to vector<128xf32>
      %broadcast_in_dim3A_522 = vector.shape_cast %reduce_sum3A_521 : vector<128xf32> to vector<1x128xf32>
      %slice3A_523 = vector.extract_strided_slice %get3A_510 {offsets = [0, 128], sizes = [1, 128], strides = [1, 1]} : vector<1x512xf32> to vector<1x128xf32>
      %add3A_524 = arith.addf %broadcast_in_dim3A_522, %slice3A_523 : vector<1x128xf32>
      %slice3A_525 = vector.extract_strided_slice %mul3A_512 {offsets = [0, 256], sizes = [128, 128], strides = [1, 1]} : vector<128x512xf32> to vector<128x128xf32>
      %reduce_sum3A_526 = arith.constant dense<0.000000e+00> : vector<128xf32>
      %reduce_sum3A_527 = vector.multi_reduction <add>, %slice3A_525, %reduce_sum3A_526 [0] : vector<128x128xf32> to vector<128xf32>
      %broadcast_in_dim3A_528 = vector.shape_cast %reduce_sum3A_527 : vector<128xf32> to vector<1x128xf32>
      %slice3A_529 = vector.extract_strided_slice %get3A_510 {offsets = [0, 256], sizes = [1, 128], strides = [1, 1]} : vector<1x512xf32> to vector<1x128xf32>
      %add3A_530 = arith.addf %broadcast_in_dim3A_528, %slice3A_529 : vector<1x128xf32>
      %slice3A_531 = vector.extract_strided_slice %mul3A_512 {offsets = [0, 384], sizes = [128, 128], strides = [1, 1]} : vector<128x512xf32> to vector<128x128xf32>
      %reduce_sum3A_532 = arith.constant dense<0.000000e+00> : vector<128xf32>
      %reduce_sum3A_533 = vector.multi_reduction <add>, %slice3A_531, %reduce_sum3A_532 [0] : vector<128x128xf32> to vector<128xf32>
      %broadcast_in_dim3A_534 = vector.shape_cast %reduce_sum3A_533 : vector<128xf32> to vector<1x128xf32>
      %slice3A_535 = vector.extract_strided_slice %get3A_510 {offsets = [0, 384], sizes = [1, 128], strides = [1, 1]} : vector<1x512xf32> to vector<1x128xf32>
      %add3A_536 = arith.addf %broadcast_in_dim3A_534, %slice3A_535 : vector<1x128xf32>
      %mul3A_537 = arith.constant 5.000000e-01 : f32
      %mul3A_538 = vector.broadcast %mul3A_537 : f32 to vector<1x128xf32>
      %mul3A_539 = arith.mulf %mul3A_538, %add3A_518 : vector<1x128xf32>
      %tanh3A_540 = math.tanh %mul3A_539 : vector<1x128xf32>
      %mul3A_541 = arith.constant 5.000000e-01 : f32
      %mul3A_542 = vector.broadcast %mul3A_541 : f32 to vector<1x128xf32>
      %mul3A_543 = arith.mulf %mul3A_542, %tanh3A_540 : vector<1x128xf32>
      %add3A_544 = arith.constant 5.000000e-01 : f32
      %add3A_545 = vector.broadcast %add3A_544 : f32 to vector<1x128xf32>
      %add3A_546 = arith.addf %mul3A_543, %add3A_545 : vector<1x128xf32>
      %mul3A_547 = arith.constant 5.000000e-01 : f32
      %mul3A_548 = vector.broadcast %mul3A_547 : f32 to vector<1x128xf32>
      %mul3A_549 = arith.mulf %mul3A_548, %add3A_524 : vector<1x128xf32>
      %tanh3A_550 = math.tanh %mul3A_549 : vector<1x128xf32>
      %mul3A_551 = arith.constant 5.000000e-01 : f32
      %mul3A_552 = vector.broadcast %mul3A_551 : f32 to vector<1x128xf32>
      %mul3A_553 = arith.mulf %mul3A_552, %tanh3A_550 : vector<1x128xf32>
      %add3A_554 = arith.constant 5.000000e-01 : f32
      %add3A_555 = vector.broadcast %add3A_554 : f32 to vector<1x128xf32>
      %add3A_556 = arith.addf %mul3A_553, %add3A_555 : vector<1x128xf32>
      %tanh3A_557 = math.tanh %add3A_530 : vector<1x128xf32>
      %mul3A_558 = arith.constant 5.000000e-01 : f32
      %mul3A_559 = vector.broadcast %mul3A_558 : f32 to vector<1x128xf32>
      %mul3A_560 = arith.mulf %mul3A_559, %add3A_536 : vector<1x128xf32>
      %tanh3A_561 = math.tanh %mul3A_560 : vector<1x128xf32>
      %mul3A_562 = arith.constant 5.000000e-01 : f32
      %mul3A_563 = vector.broadcast %mul3A_562 : f32 to vector<1x128xf32>
      %mul3A_564 = arith.mulf %mul3A_563, %tanh3A_561 : vector<1x128xf32>
      %add3A_565 = arith.constant 5.000000e-01 : f32
      %add3A_566 = vector.broadcast %add3A_565 : f32 to vector<1x128xf32>
      %add3A_567 = arith.addf %mul3A_564, %add3A_566 : vector<1x128xf32>
      %mul3A_568 = arith.mulf %add3A_556, %add3A_497 : vector<1x128xf32>
      %mul3A_569 = arith.mulf %add3A_546, %tanh3A_557 : vector<1x128xf32>
      %add3A_570 = arith.addf %mul3A_568, %mul3A_569 : vector<1x128xf32>
      %tanh3A_571 = math.tanh %add3A_570 : vector<1x128xf32>
      %mul3A_572 = arith.mulf %add3A_567, %tanh3A_571 : vector<1x128xf32>
      %add3A_573 = arith.constant 6 : i32
      %add3A_574 = arith.addi %mul3A_71, %add3A_573 : i32
      %swap3A_575 = arith.index_cast %add3A_574 : i32 to index
      %swap3A_576 = arith.constant 0 : index
      %swap3A_577 = vector.load %arg12[%swap3A_575, %swap3A_576] : memref<1280x128xf32, #tpu.memory_space<vmem>>, vector<1x128xf32>
      tpu.vector_store %arg12[%swap3A_575, %swap3A_576], %mul3A_572 {strides = array<i32>} : memref<1280x128xf32, #tpu.memory_space<vmem>>, vector<1x128xf32>,
      %reshape3A_578 = vector.shape_cast %mul3A_572 : vector<1x128xf32> to vector<128x1xf32>
      %add3A_579 = arith.constant 7 : i32
      %add3A_580 = arith.addi %mul3A_71, %add3A_579 : i32
      %get3A_581 = arith.index_cast %add3A_580 : i32 to index
      %get3A_582 = arith.constant 0 : index
      %get3A_583 = vector.load %arg1[%get3A_581, %get3A_582] : memref<1280x512xf32, #tpu.memory_space<vmem>>, vector<1x512xf32>
      %mul3A_584 = vector.broadcast %reshape3A_578 : vector<128x1xf32> to vector<128x512xf32>
      %mul3A_585 = arith.mulf %get3A_7, %mul3A_584 : vector<128x512xf32>
      %slice3A_586 = vector.extract_strided_slice %mul3A_585 {offsets = [0, 0], sizes = [128, 128], strides = [1, 1]} : vector<128x512xf32> to vector<128x128xf32>
      %reduce_sum3A_587 = arith.constant dense<0.000000e+00> : vector<128xf32>
      %reduce_sum3A_588 = vector.multi_reduction <add>, %slice3A_586, %reduce_sum3A_587 [0] : vector<128x128xf32> to vector<128xf32>
      %broadcast_in_dim3A_589 = vector.shape_cast %reduce_sum3A_588 : vector<128xf32> to vector<1x128xf32>
      %slice3A_590 = vector.extract_strided_slice %get3A_583 {offsets = [0, 0], sizes = [1, 128], strides = [1, 1]} : vector<1x512xf32> to vector<1x128xf32>
      %add3A_591 = arith.addf %broadcast_in_dim3A_589, %slice3A_590 : vector<1x128xf32>
      %slice3A_592 = vector.extract_strided_slice %mul3A_585 {offsets = [0, 128], sizes = [128, 128], strides = [1, 1]} : vector<128x512xf32> to vector<128x128xf32>
      %reduce_sum3A_593 = arith.constant dense<0.000000e+00> : vector<128xf32>
      %reduce_sum3A_594 = vector.multi_reduction <add>, %slice3A_592, %reduce_sum3A_593 [0] : vector<128x128xf32> to vector<128xf32>
      %broadcast_in_dim3A_595 = vector.shape_cast %reduce_sum3A_594 : vector<128xf32> to vector<1x128xf32>
      %slice3A_596 = vector.extract_strided_slice %get3A_583 {offsets = [0, 128], sizes = [1, 128], strides = [1, 1]} : vector<1x512xf32> to vector<1x128xf32>
      %add3A_597 = arith.addf %broadcast_in_dim3A_595, %slice3A_596 : vector<1x128xf32>
      %slice3A_598 = vector.extract_strided_slice %mul3A_585 {offsets = [0, 256], sizes = [128, 128], strides = [1, 1]} : vector<128x512xf32> to vector<128x128xf32>
      %reduce_sum3A_599 = arith.constant dense<0.000000e+00> : vector<128xf32>
      %reduce_sum3A_600 = vector.multi_reduction <add>, %slice3A_598, %reduce_sum3A_599 [0] : vector<128x128xf32> to vector<128xf32>
      %broadcast_in_dim3A_601 = vector.shape_cast %reduce_sum3A_600 : vector<128xf32> to vector<1x128xf32>
      %slice3A_602 = vector.extract_strided_slice %get3A_583 {offsets = [0, 256], sizes = [1, 128], strides = [1, 1]} : vector<1x512xf32> to vector<1x128xf32>
      %add3A_603 = arith.addf %broadcast_in_dim3A_601, %slice3A_602 : vector<1x128xf32>
      %slice3A_604 = vector.extract_strided_slice %mul3A_585 {offsets = [0, 384], sizes = [128, 128], strides = [1, 1]} : vector<128x512xf32> to vector<128x128xf32>
      %reduce_sum3A_605 = arith.constant dense<0.000000e+00> : vector<128xf32>
      %reduce_sum3A_606 = vector.multi_reduction <add>, %slice3A_604, %reduce_sum3A_605 [0] : vector<128x128xf32> to vector<128xf32>
      %broadcast_in_dim3A_607 = vector.shape_cast %reduce_sum3A_606 : vector<128xf32> to vector<1x128xf32>
      %slice3A_608 = vector.extract_strided_slice %get3A_583 {offsets = [0, 384], sizes = [1, 128], strides = [1, 1]} : vector<1x512xf32> to vector<1x128xf32>
      %add3A_609 = arith.addf %broadcast_in_dim3A_607, %slice3A_608 : vector<1x128xf32>
      %mul3A_610 = arith.constant 5.000000e-01 : f32
      %mul3A_611 = vector.broadcast %mul3A_610 : f32 to vector<1x128xf32>
      %mul3A_612 = arith.mulf %mul3A_611, %add3A_591 : vector<1x128xf32>
      %tanh3A_613 = math.tanh %mul3A_612 : vector<1x128xf32>
      %mul3A_614 = arith.constant 5.000000e-01 : f32
      %mul3A_615 = vector.broadcast %mul3A_614 : f32 to vector<1x128xf32>
      %mul3A_616 = arith.mulf %mul3A_615, %tanh3A_613 : vector<1x128xf32>
      %add3A_617 = arith.constant 5.000000e-01 : f32
      %add3A_618 = vector.broadcast %add3A_617 : f32 to vector<1x128xf32>
      %add3A_619 = arith.addf %mul3A_616, %add3A_618 : vector<1x128xf32>
      %mul3A_620 = arith.constant 5.000000e-01 : f32
      %mul3A_621 = vector.broadcast %mul3A_620 : f32 to vector<1x128xf32>
      %mul3A_622 = arith.mulf %mul3A_621, %add3A_597 : vector<1x128xf32>
      %tanh3A_623 = math.tanh %mul3A_622 : vector<1x128xf32>
      %mul3A_624 = arith.constant 5.000000e-01 : f32
      %mul3A_625 = vector.broadcast %mul3A_624 : f32 to vector<1x128xf32>
      %mul3A_626 = arith.mulf %mul3A_625, %tanh3A_623 : vector<1x128xf32>
      %add3A_627 = arith.constant 5.000000e-01 : f32
      %add3A_628 = vector.broadcast %add3A_627 : f32 to vector<1x128xf32>
      %add3A_629 = arith.addf %mul3A_626, %add3A_628 : vector<1x128xf32>
      %tanh3A_630 = math.tanh %add3A_603 : vector<1x128xf32>
      %mul3A_631 = arith.constant 5.000000e-01 : f32
      %mul3A_632 = vector.broadcast %mul3A_631 : f32 to vector<1x128xf32>
      %mul3A_633 = arith.mulf %mul3A_632, %add3A_609 : vector<1x128xf32>
      %tanh3A_634 = math.tanh %mul3A_633 : vector<1x128xf32>
      %mul3A_635 = arith.constant 5.000000e-01 : f32
      %mul3A_636 = vector.broadcast %mul3A_635 : f32 to vector<1x128xf32>
      %mul3A_637 = arith.mulf %mul3A_636, %tanh3A_634 : vector<1x128xf32>
      %add3A_638 = arith.constant 5.000000e-01 : f32
      %add3A_639 = vector.broadcast %add3A_638 : f32 to vector<1x128xf32>
      %add3A_640 = arith.addf %mul3A_637, %add3A_639 : vector<1x128xf32>
      %mul3A_641 = arith.mulf %add3A_629, %add3A_570 : vector<1x128xf32>
      %mul3A_642 = arith.mulf %add3A_619, %tanh3A_630 : vector<1x128xf32>
      %add3A_643 = arith.addf %mul3A_641, %mul3A_642 : vector<1x128xf32>
      %tanh3A_644 = math.tanh %add3A_643 : vector<1x128xf32>
      %mul3A_645 = arith.mulf %add3A_640, %tanh3A_644 : vector<1x128xf32>
      %add3A_646 = arith.constant 7 : i32
      %add3A_647 = arith.addi %mul3A_71, %add3A_646 : i32
      %swap3A_648 = arith.index_cast %add3A_647 : i32 to index
      %swap3A_649 = arith.constant 0 : index
      %swap3A_650 = vector.load %arg12[%swap3A_648, %swap3A_649] : memref<1280x128xf32, #tpu.memory_space<vmem>>, vector<1x128xf32>
      tpu.vector_store %arg12[%swap3A_648, %swap3A_649], %mul3A_645 {strides = array<i32>} : memref<1280x128xf32, #tpu.memory_space<vmem>>, vector<1x128xf32>,
      scf.yield %mul3A_645, %add3A_643 : vector<1x128xf32>, vector<1x128xf32>
    }
    %while3A_39 = arith.constant 1 : i32
    %while3A_40:2 = scf.for %while3A_67 = %while3A_36 to %while3A_32 step %while3A_39 iter_args(%while3A_68 = %while3A_38#0, %while3A_69 = %while3A_38#1) -> (vector<1x128xf32>, vector<1x128xf32>)  : i32 {
      %mul3A_70 = arith.constant 8 : i32
      %mul3A_71 = arith.muli %while3A_67, %mul3A_70 : i32
      %reshape3A = vector.shape_cast %while3A_68 : vector<1x128xf32> to vector<128x1xf32>
      %add3A_72 = arith.constant 0 : i32
      %add3A_73 = arith.addi %mul3A_71, %add3A_72 : i32
      %get3A_74 = arith.index_cast %add3A_73 : i32 to index
      %get3A_75 = arith.constant 0 : index
      %get3A_76 = vector.load %arg1[%get3A_74, %get3A_75] : memref<1280x512xf32, #tpu.memory_space<vmem>>, vector<1x512xf32>
      %mul3A_77 = vector.broadcast %reshape3A : vector<128x1xf32> to vector<128x512xf32>
      %mul3A_78 = arith.mulf %get3A_7, %mul3A_77 : vector<128x512xf32>
      %slice3A = vector.extract_strided_slice %mul3A_78 {offsets = [0, 0], sizes = [128, 128], strides = [1, 1]} : vector<128x512xf32> to vector<128x128xf32>
      %reduce_sum3A = arith.constant dense<0.000000e+00> : vector<128xf32>
      %reduce_sum3A_79 = vector.multi_reduction <add>, %slice3A, %reduce_sum3A [0] : vector<128x128xf32> to vector<128xf32>
      %broadcast_in_dim3A = vector.shape_cast %reduce_sum3A_79 : vector<128xf32> to vector<1x128xf32>
      %slice3A_80 = vector.extract_strided_slice %get3A_76 {offsets = [0, 0], sizes = [1, 128], strides = [1, 1]} : vector<1x512xf32> to vector<1x128xf32>
      %add3A_81 = arith.addf %broadcast_in_dim3A, %slice3A_80 : vector<1x128xf32>
      %slice3A_82 = vector.extract_strided_slice %mul3A_78 {offsets = [0, 128], sizes = [128, 128], strides = [1, 1]} : vector<128x512xf32> to vector<128x128xf32>
      %reduce_sum3A_83 = arith.constant dense<0.000000e+00> : vector<128xf32>
      %reduce_sum3A_84 = vector.multi_reduction <add>, %slice3A_82, %reduce_sum3A_83 [0] : vector<128x128xf32> to vector<128xf32>
      %broadcast_in_dim3A_85 = vector.shape_cast %reduce_sum3A_84 : vector<128xf32> to vector<1x128xf32>
      %slice3A_86 = vector.extract_strided_slice %get3A_76 {offsets = [0, 128], sizes = [1, 128], strides = [1, 1]} : vector<1x512xf32> to vector<1x128xf32>
      %add3A_87 = arith.addf %broadcast_in_dim3A_85, %slice3A_86 : vector<1x128xf32>
      %slice3A_88 = vector.extract_strided_slice %mul3A_78 {offsets = [0, 256], sizes = [128, 128], strides = [1, 1]} : vector<128x512xf32> to vector<128x128xf32>
      %reduce_sum3A_89 = arith.constant dense<0.000000e+00> : vector<128xf32>
      %reduce_sum3A_90 = vector.multi_reduction <add>, %slice3A_88, %reduce_sum3A_89 [0] : vector<128x128xf32> to vector<128xf32>
      %broadcast_in_dim3A_91 = vector.shape_cast %reduce_sum3A_90 : vector<128xf32> to vector<1x128xf32>
      %slice3A_92 = vector.extract_strided_slice %get3A_76 {offsets = [0, 256], sizes = [1, 128], strides = [1, 1]} : vector<1x512xf32> to vector<1x128xf32>
      %add3A_93 = arith.addf %broadcast_in_dim3A_91, %slice3A_92 : vector<1x128xf32>
      %slice3A_94 = vector.extract_strided_slice %mul3A_78 {offsets = [0, 384], sizes = [128, 128], strides = [1, 1]} : vector<128x512xf32> to vector<128x128xf32>
      %reduce_sum3A_95 = arith.constant dense<0.000000e+00> : vector<128xf32>
      %reduce_sum3A_96 = vector.multi_reduction <add>, %slice3A_94, %reduce_sum3A_95 [0] : vector<128x128xf32> to vector<128xf32>
      %broadcast_in_dim3A_97 = vector.shape_cast %reduce_sum3A_96 : vector<128xf32> to vector<1x128xf32>
      %slice3A_98 = vector.extract_strided_slice %get3A_76 {offsets = [0, 384], sizes = [1, 128], strides = [1, 1]} : vector<1x512xf32> to vector<1x128xf32>
      %add3A_99 = arith.addf %broadcast_in_dim3A_97, %slice3A_98 : vector<1x128xf32>
      %mul3A_100 = arith.constant 5.000000e-01 : f32
      %mul3A_101 = vector.broadcast %mul3A_100 : f32 to vector<1x128xf32>
      %mul3A_102 = arith.mulf %mul3A_101, %add3A_81 : vector<1x128xf32>
      %tanh3A = math.tanh %mul3A_102 : vector<1x128xf32>
      %mul3A_103 = arith.constant 5.000000e-01 : f32
      %mul3A_104 = vector.broadcast %mul3A_103 : f32 to vector<1x128xf32>
      %mul3A_105 = arith.mulf %mul3A_104, %tanh3A : vector<1x128xf32>
      %add3A_106 = arith.constant 5.000000e-01 : f32
      %add3A_107 = vector.broadcast %add3A_106 : f32 to vector<1x128xf32>
      %add3A_108 = arith.addf %mul3A_105, %add3A_107 : vector<1x128xf32>
      %mul3A_109 = arith.constant 5.000000e-01 : f32
      %mul3A_110 = vector.broadcast %mul3A_109 : f32 to vector<1x128xf32>
      %mul3A_111 = arith.mulf %mul3A_110, %add3A_87 : vector<1x128xf32>
      %tanh3A_112 = math.tanh %mul3A_111 : vector<1x128xf32>
      %mul3A_113 = arith.constant 5.000000e-01 : f32
      %mul3A_114 = vector.broadcast %mul3A_113 : f32 to vector<1x128xf32>
      %mul3A_115 = arith.mulf %mul3A_114, %tanh3A_112 : vector<1x128xf32>
      %add3A_116 = arith.constant 5.000000e-01 : f32
      %add3A_117 = vector.broadcast %add3A_116 : f32 to vector<1x128xf32>
      %add3A_118 = arith.addf %mul3A_115, %add3A_117 : vector<1x128xf32>
      %tanh3A_119 = math.tanh %add3A_93 : vector<1x128xf32>
      %mul3A_120 = arith.constant 5.000000e-01 : f32
      %mul3A_121 = vector.broadcast %mul3A_120 : f32 to vector<1x128xf32>
      %mul3A_122 = arith.mulf %mul3A_121, %add3A_99 : vector<1x128xf32>
      %tanh3A_123 = math.tanh %mul3A_122 : vector<1x128xf32>
      %mul3A_124 = arith.constant 5.000000e-01 : f32
      %mul3A_125 = vector.broadcast %mul3A_124 : f32 to vector<1x128xf32>
      %mul3A_126 = arith.mulf %mul3A_125, %tanh3A_123 : vector<1x128xf32>
      %add3A_127 = arith.constant 5.000000e-01 : f32
      %add3A_128 = vector.broadcast %add3A_127 : f32 to vector<1x128xf32>
      %add3A_129 = arith.addf %mul3A_126, %add3A_128 : vector<1x128xf32>
      %mul3A_130 = arith.mulf %add3A_118, %while3A_69 : vector<1x128xf32>
      %mul3A_131 = arith.mulf %add3A_108, %tanh3A_119 : vector<1x128xf32>
      %add3A_132 = arith.addf %mul3A_130, %mul3A_131 : vector<1x128xf32>
      %tanh3A_133 = math.tanh %add3A_132 : vector<1x128xf32>
      %mul3A_134 = arith.mulf %add3A_129, %tanh3A_133 : vector<1x128xf32>
      %add3A_135 = arith.constant 0 : i32
      %add3A_136 = arith.addi %mul3A_71, %add3A_135 : i32
      %swap3A_137 = arith.index_cast %add3A_136 : i32 to index
      %swap3A_138 = arith.constant 0 : index
      %swap3A_139 = vector.load %arg12[%swap3A_137, %swap3A_138] : memref<1280x128xf32, #tpu.memory_space<vmem>>, vector<1x128xf32>
      tpu.vector_store %arg12[%swap3A_137, %swap3A_138], %mul3A_134 {strides = array<i32>} : memref<1280x128xf32, #tpu.memory_space<vmem>>, vector<1x128xf32>,
      %reshape3A_140 = vector.shape_cast %mul3A_134 : vector<1x128xf32> to vector<128x1xf32>
      %add3A_141 = arith.constant 1 : i32
      %add3A_142 = arith.addi %mul3A_71, %add3A_141 : i32
      %get3A_143 = arith.index_cast %add3A_142 : i32 to index
      %get3A_144 = arith.constant 0 : index
      %get3A_145 = vector.load %arg1[%get3A_143, %get3A_144] : memref<1280x512xf32, #tpu.memory_space<vmem>>, vector<1x512xf32>
      %mul3A_146 = vector.broadcast %reshape3A_140 : vector<128x1xf32> to vector<128x512xf32>
      %mul3A_147 = arith.mulf %get3A_7, %mul3A_146 : vector<128x512xf32>
      %slice3A_148 = vector.extract_strided_slice %mul3A_147 {offsets = [0, 0], sizes = [128, 128], strides = [1, 1]} : vector<128x512xf32> to vector<128x128xf32>
      %reduce_sum3A_149 = arith.constant dense<0.000000e+00> : vector<128xf32>
      %reduce_sum3A_150 = vector.multi_reduction <add>, %slice3A_148, %reduce_sum3A_149 [0] : vector<128x128xf32> to vector<128xf32>
      %broadcast_in_dim3A_151 = vector.shape_cast %reduce_sum3A_150 : vector<128xf32> to vector<1x128xf32>
      %slice3A_152 = vector.extract_strided_slice %get3A_145 {offsets = [0, 0], sizes = [1, 128], strides = [1, 1]} : vector<1x512xf32> to vector<1x128xf32>
      %add3A_153 = arith.addf %broadcast_in_dim3A_151, %slice3A_152 : vector<1x128xf32>
      %slice3A_154 = vector.extract_strided_slice %mul3A_147 {offsets = [0, 128], sizes = [128, 128], strides = [1, 1]} : vector<128x512xf32> to vector<128x128xf32>
      %reduce_sum3A_155 = arith.constant dense<0.000000e+00> : vector<128xf32>
      %reduce_sum3A_156 = vector.multi_reduction <add>, %slice3A_154, %reduce_sum3A_155 [0] : vector<128x128xf32> to vector<128xf32>
      %broadcast_in_dim3A_157 = vector.shape_cast %reduce_sum3A_156 : vector<128xf32> to vector<1x128xf32>
      %slice3A_158 = vector.extract_strided_slice %get3A_145 {offsets = [0, 128], sizes = [1, 128], strides = [1, 1]} : vector<1x512xf32> to vector<1x128xf32>
      %add3A_159 = arith.addf %broadcast_in_dim3A_157, %slice3A_158 : vector<1x128xf32>
      %slice3A_160 = vector.extract_strided_slice %mul3A_147 {offsets = [0, 256], sizes = [128, 128], strides = [1, 1]} : vector<128x512xf32> to vector<128x128xf32>
      %reduce_sum3A_161 = arith.constant dense<0.000000e+00> : vector<128xf32>
      %reduce_sum3A_162 = vector.multi_reduction <add>, %slice3A_160, %reduce_sum3A_161 [0] : vector<128x128xf32> to vector<128xf32>
      %broadcast_in_dim3A_163 = vector.shape_cast %reduce_sum3A_162 : vector<128xf32> to vector<1x128xf32>
      %slice3A_164 = vector.extract_strided_slice %get3A_145 {offsets = [0, 256], sizes = [1, 128], strides = [1, 1]} : vector<1x512xf32> to vector<1x128xf32>
      %add3A_165 = arith.addf %broadcast_in_dim3A_163, %slice3A_164 : vector<1x128xf32>
      %slice3A_166 = vector.extract_strided_slice %mul3A_147 {offsets = [0, 384], sizes = [128, 128], strides = [1, 1]} : vector<128x512xf32> to vector<128x128xf32>
      %reduce_sum3A_167 = arith.constant dense<0.000000e+00> : vector<128xf32>
      %reduce_sum3A_168 = vector.multi_reduction <add>, %slice3A_166, %reduce_sum3A_167 [0] : vector<128x128xf32> to vector<128xf32>
      %broadcast_in_dim3A_169 = vector.shape_cast %reduce_sum3A_168 : vector<128xf32> to vector<1x128xf32>
      %slice3A_170 = vector.extract_strided_slice %get3A_145 {offsets = [0, 384], sizes = [1, 128], strides = [1, 1]} : vector<1x512xf32> to vector<1x128xf32>
      %add3A_171 = arith.addf %broadcast_in_dim3A_169, %slice3A_170 : vector<1x128xf32>
      %mul3A_172 = arith.constant 5.000000e-01 : f32
      %mul3A_173 = vector.broadcast %mul3A_172 : f32 to vector<1x128xf32>
      %mul3A_174 = arith.mulf %mul3A_173, %add3A_153 : vector<1x128xf32>
      %tanh3A_175 = math.tanh %mul3A_174 : vector<1x128xf32>
      %mul3A_176 = arith.constant 5.000000e-01 : f32
      %mul3A_177 = vector.broadcast %mul3A_176 : f32 to vector<1x128xf32>
      %mul3A_178 = arith.mulf %mul3A_177, %tanh3A_175 : vector<1x128xf32>
      %add3A_179 = arith.constant 5.000000e-01 : f32
      %add3A_180 = vector.broadcast %add3A_179 : f32 to vector<1x128xf32>
      %add3A_181 = arith.addf %mul3A_178, %add3A_180 : vector<1x128xf32>
      %mul3A_182 = arith.constant 5.000000e-01 : f32
      %mul3A_183 = vector.broadcast %mul3A_182 : f32 to vector<1x128xf32>
      %mul3A_184 = arith.mulf %mul3A_183, %add3A_159 : vector<1x128xf32>
      %tanh3A_185 = math.tanh %mul3A_184 : vector<1x128xf32>
      %mul3A_186 = arith.constant 5.000000e-01 : f32
      %mul3A_187 = vector.broadcast %mul3A_186 : f32 to vector<1x128xf32>
      %mul3A_188 = arith.mulf %mul3A_187, %tanh3A_185 : vector<1x128xf32>
      %add3A_189 = arith.constant 5.000000e-01 : f32
      %add3A_190 = vector.broadcast %add3A_189 : f32 to vector<1x128xf32>
      %add3A_191 = arith.addf %mul3A_188, %add3A_190 : vector<1x128xf32>
      %tanh3A_192 = math.tanh %add3A_165 : vector<1x128xf32>
      %mul3A_193 = arith.constant 5.000000e-01 : f32
      %mul3A_194 = vector.broadcast %mul3A_193 : f32 to vector<1x128xf32>
      %mul3A_195 = arith.mulf %mul3A_194, %add3A_171 : vector<1x128xf32>
      %tanh3A_196 = math.tanh %mul3A_195 : vector<1x128xf32>
      %mul3A_197 = arith.constant 5.000000e-01 : f32
      %mul3A_198 = vector.broadcast %mul3A_197 : f32 to vector<1x128xf32>
      %mul3A_199 = arith.mulf %mul3A_198, %tanh3A_196 : vector<1x128xf32>
      %add3A_200 = arith.constant 5.000000e-01 : f32
      %add3A_201 = vector.broadcast %add3A_200 : f32 to vector<1x128xf32>
      %add3A_202 = arith.addf %mul3A_199, %add3A_201 : vector<1x128xf32>
      %mul3A_203 = arith.mulf %add3A_191, %add3A_132 : vector<1x128xf32>
      %mul3A_204 = arith.mulf %add3A_181, %tanh3A_192 : vector<1x128xf32>
      %add3A_205 = arith.addf %mul3A_203, %mul3A_204 : vector<1x128xf32>
      %tanh3A_206 = math.tanh %add3A_205 : vector<1x128xf32>
      %mul3A_207 = arith.mulf %add3A_202, %tanh3A_206 : vector<1x128xf32>
      %add3A_208 = arith.constant 1 : i32
      %add3A_209 = arith.addi %mul3A_71, %add3A_208 : i32
      %swap3A_210 = arith.index_cast %add3A_209 : i32 to index
      %swap3A_211 = arith.constant 0 : index
      %swap3A_212 = vector.load %arg12[%swap3A_210, %swap3A_211] : memref<1280x128xf32, #tpu.memory_space<vmem>>, vector<1x128xf32>
      tpu.vector_store %arg12[%swap3A_210, %swap3A_211], %mul3A_207 {strides = array<i32>} : memref<1280x128xf32, #tpu.memory_space<vmem>>, vector<1x128xf32>,
      %reshape3A_213 = vector.shape_cast %mul3A_207 : vector<1x128xf32> to vector<128x1xf32>
      %add3A_214 = arith.constant 2 : i32
      %add3A_215 = arith.addi %mul3A_71, %add3A_214 : i32
      %get3A_216 = arith.index_cast %add3A_215 : i32 to index
      %get3A_217 = arith.constant 0 : index
      %get3A_218 = vector.load %arg1[%get3A_216, %get3A_217] : memref<1280x512xf32, #tpu.memory_space<vmem>>, vector<1x512xf32>
      %mul3A_219 = vector.broadcast %reshape3A_213 : vector<128x1xf32> to vector<128x512xf32>
      %mul3A_220 = arith.mulf %get3A_7, %mul3A_219 : vector<128x512xf32>
      %slice3A_221 = vector.extract_strided_slice %mul3A_220 {offsets = [0, 0], sizes = [128, 128], strides = [1, 1]} : vector<128x512xf32> to vector<128x128xf32>
      %reduce_sum3A_222 = arith.constant dense<0.000000e+00> : vector<128xf32>
      %reduce_sum3A_223 = vector.multi_reduction <add>, %slice3A_221, %reduce_sum3A_222 [0] : vector<128x128xf32> to vector<128xf32>
      %broadcast_in_dim3A_224 = vector.shape_cast %reduce_sum3A_223 : vector<128xf32> to vector<1x128xf32>
      %slice3A_225 = vector.extract_strided_slice %get3A_218 {offsets = [0, 0], sizes = [1, 128], strides = [1, 1]} : vector<1x512xf32> to vector<1x128xf32>
      %add3A_226 = arith.addf %broadcast_in_dim3A_224, %slice3A_225 : vector<1x128xf32>
      %slice3A_227 = vector.extract_strided_slice %mul3A_220 {offsets = [0, 128], sizes = [128, 128], strides = [1, 1]} : vector<128x512xf32> to vector<128x128xf32>
      %reduce_sum3A_228 = arith.constant dense<0.000000e+00> : vector<128xf32>
      %reduce_sum3A_229 = vector.multi_reduction <add>, %slice3A_227, %reduce_sum3A_228 [0] : vector<128x128xf32> to vector<128xf32>
      %broadcast_in_dim3A_230 = vector.shape_cast %reduce_sum3A_229 : vector<128xf32> to vector<1x128xf32>
      %slice3A_231 = vector.extract_strided_slice %get3A_218 {offsets = [0, 128], sizes = [1, 128], strides = [1, 1]} : vector<1x512xf32> to vector<1x128xf32>
      %add3A_232 = arith.addf %broadcast_in_dim3A_230, %slice3A_231 : vector<1x128xf32>
      %slice3A_233 = vector.extract_strided_slice %mul3A_220 {offsets = [0, 256], sizes = [128, 128], strides = [1, 1]} : vector<128x512xf32> to vector<128x128xf32>
      %reduce_sum3A_234 = arith.constant dense<0.000000e+00> : vector<128xf32>
      %reduce_sum3A_235 = vector.multi_reduction <add>, %slice3A_233, %reduce_sum3A_234 [0] : vector<128x128xf32> to vector<128xf32>
      %broadcast_in_dim3A_236 = vector.shape_cast %reduce_sum3A_235 : vector<128xf32> to vector<1x128xf32>
      %slice3A_237 = vector.extract_strided_slice %get3A_218 {offsets = [0, 256], sizes = [1, 128], strides = [1, 1]} : vector<1x512xf32> to vector<1x128xf32>
      %add3A_238 = arith.addf %broadcast_in_dim3A_236, %slice3A_237 : vector<1x128xf32>
      %slice3A_239 = vector.extract_strided_slice %mul3A_220 {offsets = [0, 384], sizes = [128, 128], strides = [1, 1]} : vector<128x512xf32> to vector<128x128xf32>
      %reduce_sum3A_240 = arith.constant dense<0.000000e+00> : vector<128xf32>
      %reduce_sum3A_241 = vector.multi_reduction <add>, %slice3A_239, %reduce_sum3A_240 [0] : vector<128x128xf32> to vector<128xf32>
      %broadcast_in_dim3A_242 = vector.shape_cast %reduce_sum3A_241 : vector<128xf32> to vector<1x128xf32>
      %slice3A_243 = vector.extract_strided_slice %get3A_218 {offsets = [0, 384], sizes = [1, 128], strides = [1, 1]} : vector<1x512xf32> to vector<1x128xf32>
      %add3A_244 = arith.addf %broadcast_in_dim3A_242, %slice3A_243 : vector<1x128xf32>
      %mul3A_245 = arith.constant 5.000000e-01 : f32
      %mul3A_246 = vector.broadcast %mul3A_245 : f32 to vector<1x128xf32>
      %mul3A_247 = arith.mulf %mul3A_246, %add3A_226 : vector<1x128xf32>
      %tanh3A_248 = math.tanh %mul3A_247 : vector<1x128xf32>
      %mul3A_249 = arith.constant 5.000000e-01 : f32
      %mul3A_250 = vector.broadcast %mul3A_249 : f32 to vector<1x128xf32>
      %mul3A_251 = arith.mulf %mul3A_250, %tanh3A_248 : vector<1x128xf32>
      %add3A_252 = arith.constant 5.000000e-01 : f32
      %add3A_253 = vector.broadcast %add3A_252 : f32 to vector<1x128xf32>
      %add3A_254 = arith.addf %mul3A_251, %add3A_253 : vector<1x128xf32>
      %mul3A_255 = arith.constant 5.000000e-01 : f32
      %mul3A_256 = vector.broadcast %mul3A_255 : f32 to vector<1x128xf32>
      %mul3A_257 = arith.mulf %mul3A_256, %add3A_232 : vector<1x128xf32>
      %tanh3A_258 = math.tanh %mul3A_257 : vector<1x128xf32>
      %mul3A_259 = arith.constant 5.000000e-01 : f32
      %mul3A_260 = vector.broadcast %mul3A_259 : f32 to vector<1x128xf32>
      %mul3A_261 = arith.mulf %mul3A_260, %tanh3A_258 : vector<1x128xf32>
      %add3A_262 = arith.constant 5.000000e-01 : f32
      %add3A_263 = vector.broadcast %add3A_262 : f32 to vector<1x128xf32>
      %add3A_264 = arith.addf %mul3A_261, %add3A_263 : vector<1x128xf32>
      %tanh3A_265 = math.tanh %add3A_238 : vector<1x128xf32>
      %mul3A_266 = arith.constant 5.000000e-01 : f32
      %mul3A_267 = vector.broadcast %mul3A_266 : f32 to vector<1x128xf32>
      %mul3A_268 = arith.mulf %mul3A_267, %add3A_244 : vector<1x128xf32>
      %tanh3A_269 = math.tanh %mul3A_268 : vector<1x128xf32>
      %mul3A_270 = arith.constant 5.000000e-01 : f32
      %mul3A_271 = vector.broadcast %mul3A_270 : f32 to vector<1x128xf32>
      %mul3A_272 = arith.mulf %mul3A_271, %tanh3A_269 : vector<1x128xf32>
      %add3A_273 = arith.constant 5.000000e-01 : f32
      %add3A_274 = vector.broadcast %add3A_273 : f32 to vector<1x128xf32>
      %add3A_275 = arith.addf %mul3A_272, %add3A_274 : vector<1x128xf32>
      %mul3A_276 = arith.mulf %add3A_264, %add3A_205 : vector<1x128xf32>
      %mul3A_277 = arith.mulf %add3A_254, %tanh3A_265 : vector<1x128xf32>
      %add3A_278 = arith.addf %mul3A_276, %mul3A_277 : vector<1x128xf32>
      %tanh3A_279 = math.tanh %add3A_278 : vector<1x128xf32>
      %mul3A_280 = arith.mulf %add3A_275, %tanh3A_279 : vector<1x128xf32>
      %add3A_281 = arith.constant 2 : i32
      %add3A_282 = arith.addi %mul3A_71, %add3A_281 : i32
      %swap3A_283 = arith.index_cast %add3A_282 : i32 to index
      %swap3A_284 = arith.constant 0 : index
      %swap3A_285 = vector.load %arg12[%swap3A_283, %swap3A_284] : memref<1280x128xf32, #tpu.memory_space<vmem>>, vector<1x128xf32>
      tpu.vector_store %arg12[%swap3A_283, %swap3A_284], %mul3A_280 {strides = array<i32>} : memref<1280x128xf32, #tpu.memory_space<vmem>>, vector<1x128xf32>,
      %reshape3A_286 = vector.shape_cast %mul3A_280 : vector<1x128xf32> to vector<128x1xf32>
      %add3A_287 = arith.constant 3 : i32
      %add3A_288 = arith.addi %mul3A_71, %add3A_287 : i32
      %get3A_289 = arith.index_cast %add3A_288 : i32 to index
      %get3A_290 = arith.constant 0 : index
      %get3A_291 = vector.load %arg1[%get3A_289, %get3A_290] : memref<1280x512xf32, #tpu.memory_space<vmem>>, vector<1x512xf32>
      %mul3A_292 = vector.broadcast %reshape3A_286 : vector<128x1xf32> to vector<128x512xf32>
      %mul3A_293 = arith.mulf %get3A_7, %mul3A_292 : vector<128x512xf32>
      %slice3A_294 = vector.extract_strided_slice %mul3A_293 {offsets = [0, 0], sizes = [128, 128], strides = [1, 1]} : vector<128x512xf32> to vector<128x128xf32>
      %reduce_sum3A_295 = arith.constant dense<0.000000e+00> : vector<128xf32>
      %reduce_sum3A_296 = vector.multi_reduction <add>, %slice3A_294, %reduce_sum3A_295 [0] : vector<128x128xf32> to vector<128xf32>
      %broadcast_in_dim3A_297 = vector.shape_cast %reduce_sum3A_296 : vector<128xf32> to vector<1x128xf32>
      %slice3A_298 = vector.extract_strided_slice %get3A_291 {offsets = [0, 0], sizes = [1, 128], strides = [1, 1]} : vector<1x512xf32> to vector<1x128xf32>
      %add3A_299 = arith.addf %broadcast_in_dim3A_297, %slice3A_298 : vector<1x128xf32>
      %slice3A_300 = vector.extract_strided_slice %mul3A_293 {offsets = [0, 128], sizes = [128, 128], strides = [1, 1]} : vector<128x512xf32> to vector<128x128xf32>
      %reduce_sum3A_301 = arith.constant dense<0.000000e+00> : vector<128xf32>
      %reduce_sum3A_302 = vector.multi_reduction <add>, %slice3A_300, %reduce_sum3A_301 [0] : vector<128x128xf32> to vector<128xf32>
      %broadcast_in_dim3A_303 = vector.shape_cast %reduce_sum3A_302 : vector<128xf32> to vector<1x128xf32>
      %slice3A_304 = vector.extract_strided_slice %get3A_291 {offsets = [0, 128], sizes = [1, 128], strides = [1, 1]} : vector<1x512xf32> to vector<1x128xf32>
      %add3A_305 = arith.addf %broadcast_in_dim3A_303, %slice3A_304 : vector<1x128xf32>
      %slice3A_306 = vector.extract_strided_slice %mul3A_293 {offsets = [0, 256], sizes = [128, 128], strides = [1, 1]} : vector<128x512xf32> to vector<128x128xf32>
      %reduce_sum3A_307 = arith.constant dense<0.000000e+00> : vector<128xf32>
      %reduce_sum3A_308 = vector.multi_reduction <add>, %slice3A_306, %reduce_sum3A_307 [0] : vector<128x128xf32> to vector<128xf32>
      %broadcast_in_dim3A_309 = vector.shape_cast %reduce_sum3A_308 : vector<128xf32> to vector<1x128xf32>
      %slice3A_310 = vector.extract_strided_slice %get3A_291 {offsets = [0, 256], sizes = [1, 128], strides = [1, 1]} : vector<1x512xf32> to vector<1x128xf32>
      %add3A_311 = arith.addf %broadcast_in_dim3A_309, %slice3A_310 : vector<1x128xf32>
      %slice3A_312 = vector.extract_strided_slice %mul3A_293 {offsets = [0, 384], sizes = [128, 128], strides = [1, 1]} : vector<128x512xf32> to vector<128x128xf32>
      %reduce_sum3A_313 = arith.constant dense<0.000000e+00> : vector<128xf32>
      %reduce_sum3A_314 = vector.multi_reduction <add>, %slice3A_312, %reduce_sum3A_313 [0] : vector<128x128xf32> to vector<128xf32>
      %broadcast_in_dim3A_315 = vector.shape_cast %reduce_sum3A_314 : vector<128xf32> to vector<1x128xf32>
      %slice3A_316 = vector.extract_strided_slice %get3A_291 {offsets = [0, 384], sizes = [1, 128], strides = [1, 1]} : vector<1x512xf32> to vector<1x128xf32>
      %add3A_317 = arith.addf %broadcast_in_dim3A_315, %slice3A_316 : vector<1x128xf32>
      %mul3A_318 = arith.constant 5.000000e-01 : f32
      %mul3A_319 = vector.broadcast %mul3A_318 : f32 to vector<1x128xf32>
      %mul3A_320 = arith.mulf %mul3A_319, %add3A_299 : vector<1x128xf32>
      %tanh3A_321 = math.tanh %mul3A_320 : vector<1x128xf32>
      %mul3A_322 = arith.constant 5.000000e-01 : f32
      %mul3A_323 = vector.broadcast %mul3A_322 : f32 to vector<1x128xf32>
      %mul3A_324 = arith.mulf %mul3A_323, %tanh3A_321 : vector<1x128xf32>
      %add3A_325 = arith.constant 5.000000e-01 : f32
      %add3A_326 = vector.broadcast %add3A_325 : f32 to vector<1x128xf32>
      %add3A_327 = arith.addf %mul3A_324, %add3A_326 : vector<1x128xf32>
      %mul3A_328 = arith.constant 5.000000e-01 : f32
      %mul3A_329 = vector.broadcast %mul3A_328 : f32 to vector<1x128xf32>
      %mul3A_330 = arith.mulf %mul3A_329, %add3A_305 : vector<1x128xf32>
      %tanh3A_331 = math.tanh %mul3A_330 : vector<1x128xf32>
      %mul3A_332 = arith.constant 5.000000e-01 : f32
      %mul3A_333 = vector.broadcast %mul3A_332 : f32 to vector<1x128xf32>
      %mul3A_334 = arith.mulf %mul3A_333, %tanh3A_331 : vector<1x128xf32>
      %add3A_335 = arith.constant 5.000000e-01 : f32
      %add3A_336 = vector.broadcast %add3A_335 : f32 to vector<1x128xf32>
      %add3A_337 = arith.addf %mul3A_334, %add3A_336 : vector<1x128xf32>
      %tanh3A_338 = math.tanh %add3A_311 : vector<1x128xf32>
      %mul3A_339 = arith.constant 5.000000e-01 : f32
      %mul3A_340 = vector.broadcast %mul3A_339 : f32 to vector<1x128xf32>
      %mul3A_341 = arith.mulf %mul3A_340, %add3A_317 : vector<1x128xf32>
      %tanh3A_342 = math.tanh %mul3A_341 : vector<1x128xf32>
      %mul3A_343 = arith.constant 5.000000e-01 : f32
      %mul3A_344 = vector.broadcast %mul3A_343 : f32 to vector<1x128xf32>
      %mul3A_345 = arith.mulf %mul3A_344, %tanh3A_342 : vector<1x128xf32>
      %add3A_346 = arith.constant 5.000000e-01 : f32
      %add3A_347 = vector.broadcast %add3A_346 : f32 to vector<1x128xf32>
      %add3A_348 = arith.addf %mul3A_345, %add3A_347 : vector<1x128xf32>
      %mul3A_349 = arith.mulf %add3A_337, %add3A_278 : vector<1x128xf32>
      %mul3A_350 = arith.mulf %add3A_327, %tanh3A_338 : vector<1x128xf32>
      %add3A_351 = arith.addf %mul3A_349, %mul3A_350 : vector<1x128xf32>
      %tanh3A_352 = math.tanh %add3A_351 : vector<1x128xf32>
      %mul3A_353 = arith.mulf %add3A_348, %tanh3A_352 : vector<1x128xf32>
      %add3A_354 = arith.constant 3 : i32
      %add3A_355 = arith.addi %mul3A_71, %add3A_354 : i32
      %swap3A_356 = arith.index_cast %add3A_355 : i32 to index
      %swap3A_357 = arith.constant 0 : index
      %swap3A_358 = vector.load %arg12[%swap3A_356, %swap3A_357] : memref<1280x128xf32, #tpu.memory_space<vmem>>, vector<1x128xf32>
      tpu.vector_store %arg12[%swap3A_356, %swap3A_357], %mul3A_353 {strides = array<i32>} : memref<1280x128xf32, #tpu.memory_space<vmem>>, vector<1x128xf32>,
      %reshape3A_359 = vector.shape_cast %mul3A_353 : vector<1x128xf32> to vector<128x1xf32>
      %add3A_360 = arith.constant 4 : i32
      %add3A_361 = arith.addi %mul3A_71, %add3A_360 : i32
      %get3A_362 = arith.index_cast %add3A_361 : i32 to index
      %get3A_363 = arith.constant 0 : index
      %get3A_364 = vector.load %arg1[%get3A_362, %get3A_363] : memref<1280x512xf32, #tpu.memory_space<vmem>>, vector<1x512xf32>
      %mul3A_365 = vector.broadcast %reshape3A_359 : vector<128x1xf32> to vector<128x512xf32>
      %mul3A_366 = arith.mulf %get3A_7, %mul3A_365 : vector<128x512xf32>
      %slice3A_367 = vector.extract_strided_slice %mul3A_366 {offsets = [0, 0], sizes = [128, 128], strides = [1, 1]} : vector<128x512xf32> to vector<128x128xf32>
      %reduce_sum3A_368 = arith.constant dense<0.000000e+00> : vector<128xf32>
      %reduce_sum3A_369 = vector.multi_reduction <add>, %slice3A_367, %reduce_sum3A_368 [0] : vector<128x128xf32> to vector<128xf32>
      %broadcast_in_dim3A_370 = vector.shape_cast %reduce_sum3A_369 : vector<128xf32> to vector<1x128xf32>
      %slice3A_371 = vector.extract_strided_slice %get3A_364 {offsets = [0, 0], sizes = [1, 128], strides = [1, 1]} : vector<1x512xf32> to vector<1x128xf32>
      %add3A_372 = arith.addf %broadcast_in_dim3A_370, %slice3A_371 : vector<1x128xf32>
      %slice3A_373 = vector.extract_strided_slice %mul3A_366 {offsets = [0, 128], sizes = [128, 128], strides = [1, 1]} : vector<128x512xf32> to vector<128x128xf32>
      %reduce_sum3A_374 = arith.constant dense<0.000000e+00> : vector<128xf32>
      %reduce_sum3A_375 = vector.multi_reduction <add>, %slice3A_373, %reduce_sum3A_374 [0] : vector<128x128xf32> to vector<128xf32>
      %broadcast_in_dim3A_376 = vector.shape_cast %reduce_sum3A_375 : vector<128xf32> to vector<1x128xf32>
      %slice3A_377 = vector.extract_strided_slice %get3A_364 {offsets = [0, 128], sizes = [1, 128], strides = [1, 1]} : vector<1x512xf32> to vector<1x128xf32>
      %add3A_378 = arith.addf %broadcast_in_dim3A_376, %slice3A_377 : vector<1x128xf32>
      %slice3A_379 = vector.extract_strided_slice %mul3A_366 {offsets = [0, 256], sizes = [128, 128], strides = [1, 1]} : vector<128x512xf32> to vector<128x128xf32>
      %reduce_sum3A_380 = arith.constant dense<0.000000e+00> : vector<128xf32>
      %reduce_sum3A_381 = vector.multi_reduction <add>, %slice3A_379, %reduce_sum3A_380 [0] : vector<128x128xf32> to vector<128xf32>
      %broadcast_in_dim3A_382 = vector.shape_cast %reduce_sum3A_381 : vector<128xf32> to vector<1x128xf32>
      %slice3A_383 = vector.extract_strided_slice %get3A_364 {offsets = [0, 256], sizes = [1, 128], strides = [1, 1]} : vector<1x512xf32> to vector<1x128xf32>
      %add3A_384 = arith.addf %broadcast_in_dim3A_382, %slice3A_383 : vector<1x128xf32>
      %slice3A_385 = vector.extract_strided_slice %mul3A_366 {offsets = [0, 384], sizes = [128, 128], strides = [1, 1]} : vector<128x512xf32> to vector<128x128xf32>
      %reduce_sum3A_386 = arith.constant dense<0.000000e+00> : vector<128xf32>
      %reduce_sum3A_387 = vector.multi_reduction <add>, %slice3A_385, %reduce_sum3A_386 [0] : vector<128x128xf32> to vector<128xf32>
      %broadcast_in_dim3A_388 = vector.shape_cast %reduce_sum3A_387 : vector<128xf32> to vector<1x128xf32>
      %slice3A_389 = vector.extract_strided_slice %get3A_364 {offsets = [0, 384], sizes = [1, 128], strides = [1, 1]} : vector<1x512xf32> to vector<1x128xf32>
      %add3A_390 = arith.addf %broadcast_in_dim3A_388, %slice3A_389 : vector<1x128xf32>
      %mul3A_391 = arith.constant 5.000000e-01 : f32
      %mul3A_392 = vector.broadcast %mul3A_391 : f32 to vector<1x128xf32>
      %mul3A_393 = arith.mulf %mul3A_392, %add3A_372 : vector<1x128xf32>
      %tanh3A_394 = math.tanh %mul3A_393 : vector<1x128xf32>
      %mul3A_395 = arith.constant 5.000000e-01 : f32
      %mul3A_396 = vector.broadcast %mul3A_395 : f32 to vector<1x128xf32>
      %mul3A_397 = arith.mulf %mul3A_396, %tanh3A_394 : vector<1x128xf32>
      %add3A_398 = arith.constant 5.000000e-01 : f32
      %add3A_399 = vector.broadcast %add3A_398 : f32 to vector<1x128xf32>
      %add3A_400 = arith.addf %mul3A_397, %add3A_399 : vector<1x128xf32>
      %mul3A_401 = arith.constant 5.000000e-01 : f32
      %mul3A_402 = vector.broadcast %mul3A_401 : f32 to vector<1x128xf32>
      %mul3A_403 = arith.mulf %mul3A_402, %add3A_378 : vector<1x128xf32>
      %tanh3A_404 = math.tanh %mul3A_403 : vector<1x128xf32>
      %mul3A_405 = arith.constant 5.000000e-01 : f32
      %mul3A_406 = vector.broadcast %mul3A_405 : f32 to vector<1x128xf32>
      %mul3A_407 = arith.mulf %mul3A_406, %tanh3A_404 : vector<1x128xf32>
      %add3A_408 = arith.constant 5.000000e-01 : f32
      %add3A_409 = vector.broadcast %add3A_408 : f32 to vector<1x128xf32>
      %add3A_410 = arith.addf %mul3A_407, %add3A_409 : vector<1x128xf32>
      %tanh3A_411 = math.tanh %add3A_384 : vector<1x128xf32>
      %mul3A_412 = arith.constant 5.000000e-01 : f32
      %mul3A_413 = vector.broadcast %mul3A_412 : f32 to vector<1x128xf32>
      %mul3A_414 = arith.mulf %mul3A_413, %add3A_390 : vector<1x128xf32>
      %tanh3A_415 = math.tanh %mul3A_414 : vector<1x128xf32>
      %mul3A_416 = arith.constant 5.000000e-01 : f32
      %mul3A_417 = vector.broadcast %mul3A_416 : f32 to vector<1x128xf32>
      %mul3A_418 = arith.mulf %mul3A_417, %tanh3A_415 : vector<1x128xf32>
      %add3A_419 = arith.constant 5.000000e-01 : f32
      %add3A_420 = vector.broadcast %add3A_419 : f32 to vector<1x128xf32>
      %add3A_421 = arith.addf %mul3A_418, %add3A_420 : vector<1x128xf32>
      %mul3A_422 = arith.mulf %add3A_410, %add3A_351 : vector<1x128xf32>
      %mul3A_423 = arith.mulf %add3A_400, %tanh3A_411 : vector<1x128xf32>
      %add3A_424 = arith.addf %mul3A_422, %mul3A_423 : vector<1x128xf32>
      %tanh3A_425 = math.tanh %add3A_424 : vector<1x128xf32>
      %mul3A_426 = arith.mulf %add3A_421, %tanh3A_425 : vector<1x128xf32>
      %add3A_427 = arith.constant 4 : i32
      %add3A_428 = arith.addi %mul3A_71, %add3A_427 : i32
      %swap3A_429 = arith.index_cast %add3A_428 : i32 to index
      %swap3A_430 = arith.constant 0 : index
      %swap3A_431 = vector.load %arg12[%swap3A_429, %swap3A_430] : memref<1280x128xf32, #tpu.memory_space<vmem>>, vector<1x128xf32>
      tpu.vector_store %arg12[%swap3A_429, %swap3A_430], %mul3A_426 {strides = array<i32>} : memref<1280x128xf32, #tpu.memory_space<vmem>>, vector<1x128xf32>,
      %reshape3A_432 = vector.shape_cast %mul3A_426 : vector<1x128xf32> to vector<128x1xf32>
      %add3A_433 = arith.constant 5 : i32
      %add3A_434 = arith.addi %mul3A_71, %add3A_433 : i32
      %get3A_435 = arith.index_cast %add3A_434 : i32 to index
      %get3A_436 = arith.constant 0 : index
      %get3A_437 = vector.load %arg1[%get3A_435, %get3A_436] : memref<1280x512xf32, #tpu.memory_space<vmem>>, vector<1x512xf32>
      %mul3A_438 = vector.broadcast %reshape3A_432 : vector<128x1xf32> to vector<128x512xf32>
      %mul3A_439 = arith.mulf %get3A_7, %mul3A_438 : vector<128x512xf32>
      %slice3A_440 = vector.extract_strided_slice %mul3A_439 {offsets = [0, 0], sizes = [128, 128], strides = [1, 1]} : vector<128x512xf32> to vector<128x128xf32>
      %reduce_sum3A_441 = arith.constant dense<0.000000e+00> : vector<128xf32>
      %reduce_sum3A_442 = vector.multi_reduction <add>, %slice3A_440, %reduce_sum3A_441 [0] : vector<128x128xf32> to vector<128xf32>
      %broadcast_in_dim3A_443 = vector.shape_cast %reduce_sum3A_442 : vector<128xf32> to vector<1x128xf32>
      %slice3A_444 = vector.extract_strided_slice %get3A_437 {offsets = [0, 0], sizes = [1, 128], strides = [1, 1]} : vector<1x512xf32> to vector<1x128xf32>
      %add3A_445 = arith.addf %broadcast_in_dim3A_443, %slice3A_444 : vector<1x128xf32>
      %slice3A_446 = vector.extract_strided_slice %mul3A_439 {offsets = [0, 128], sizes = [128, 128], strides = [1, 1]} : vector<128x512xf32> to vector<128x128xf32>
      %reduce_sum3A_447 = arith.constant dense<0.000000e+00> : vector<128xf32>
      %reduce_sum3A_448 = vector.multi_reduction <add>, %slice3A_446, %reduce_sum3A_447 [0] : vector<128x128xf32> to vector<128xf32>
      %broadcast_in_dim3A_449 = vector.shape_cast %reduce_sum3A_448 : vector<128xf32> to vector<1x128xf32>
      %slice3A_450 = vector.extract_strided_slice %get3A_437 {offsets = [0, 128], sizes = [1, 128], strides = [1, 1]} : vector<1x512xf32> to vector<1x128xf32>
      %add3A_451 = arith.addf %broadcast_in_dim3A_449, %slice3A_450 : vector<1x128xf32>
      %slice3A_452 = vector.extract_strided_slice %mul3A_439 {offsets = [0, 256], sizes = [128, 128], strides = [1, 1]} : vector<128x512xf32> to vector<128x128xf32>
      %reduce_sum3A_453 = arith.constant dense<0.000000e+00> : vector<128xf32>
      %reduce_sum3A_454 = vector.multi_reduction <add>, %slice3A_452, %reduce_sum3A_453 [0] : vector<128x128xf32> to vector<128xf32>
      %broadcast_in_dim3A_455 = vector.shape_cast %reduce_sum3A_454 : vector<128xf32> to vector<1x128xf32>
      %slice3A_456 = vector.extract_strided_slice %get3A_437 {offsets = [0, 256], sizes = [1, 128], strides = [1, 1]} : vector<1x512xf32> to vector<1x128xf32>
      %add3A_457 = arith.addf %broadcast_in_dim3A_455, %slice3A_456 : vector<1x128xf32>
      %slice3A_458 = vector.extract_strided_slice %mul3A_439 {offsets = [0, 384], sizes = [128, 128], strides = [1, 1]} : vector<128x512xf32> to vector<128x128xf32>
      %reduce_sum3A_459 = arith.constant dense<0.000000e+00> : vector<128xf32>
      %reduce_sum3A_460 = vector.multi_reduction <add>, %slice3A_458, %reduce_sum3A_459 [0] : vector<128x128xf32> to vector<128xf32>
      %broadcast_in_dim3A_461 = vector.shape_cast %reduce_sum3A_460 : vector<128xf32> to vector<1x128xf32>
      %slice3A_462 = vector.extract_strided_slice %get3A_437 {offsets = [0, 384], sizes = [1, 128], strides = [1, 1]} : vector<1x512xf32> to vector<1x128xf32>
      %add3A_463 = arith.addf %broadcast_in_dim3A_461, %slice3A_462 : vector<1x128xf32>
      %mul3A_464 = arith.constant 5.000000e-01 : f32
      %mul3A_465 = vector.broadcast %mul3A_464 : f32 to vector<1x128xf32>
      %mul3A_466 = arith.mulf %mul3A_465, %add3A_445 : vector<1x128xf32>
      %tanh3A_467 = math.tanh %mul3A_466 : vector<1x128xf32>
      %mul3A_468 = arith.constant 5.000000e-01 : f32
      %mul3A_469 = vector.broadcast %mul3A_468 : f32 to vector<1x128xf32>
      %mul3A_470 = arith.mulf %mul3A_469, %tanh3A_467 : vector<1x128xf32>
      %add3A_471 = arith.constant 5.000000e-01 : f32
      %add3A_472 = vector.broadcast %add3A_471 : f32 to vector<1x128xf32>
      %add3A_473 = arith.addf %mul3A_470, %add3A_472 : vector<1x128xf32>
      %mul3A_474 = arith.constant 5.000000e-01 : f32
      %mul3A_475 = vector.broadcast %mul3A_474 : f32 to vector<1x128xf32>
      %mul3A_476 = arith.mulf %mul3A_475, %add3A_451 : vector<1x128xf32>
      %tanh3A_477 = math.tanh %mul3A_476 : vector<1x128xf32>
      %mul3A_478 = arith.constant 5.000000e-01 : f32
      %mul3A_479 = vector.broadcast %mul3A_478 : f32 to vector<1x128xf32>
      %mul3A_480 = arith.mulf %mul3A_479, %tanh3A_477 : vector<1x128xf32>
      %add3A_481 = arith.constant 5.000000e-01 : f32
      %add3A_482 = vector.broadcast %add3A_481 : f32 to vector<1x128xf32>
      %add3A_483 = arith.addf %mul3A_480, %add3A_482 : vector<1x128xf32>
      %tanh3A_484 = math.tanh %add3A_457 : vector<1x128xf32>
      %mul3A_485 = arith.constant 5.000000e-01 : f32
      %mul3A_486 = vector.broadcast %mul3A_485 : f32 to vector<1x128xf32>
      %mul3A_487 = arith.mulf %mul3A_486, %add3A_463 : vector<1x128xf32>
      %tanh3A_488 = math.tanh %mul3A_487 : vector<1x128xf32>
      %mul3A_489 = arith.constant 5.000000e-01 : f32
      %mul3A_490 = vector.broadcast %mul3A_489 : f32 to vector<1x128xf32>
      %mul3A_491 = arith.mulf %mul3A_490, %tanh3A_488 : vector<1x128xf32>
      %add3A_492 = arith.constant 5.000000e-01 : f32
      %add3A_493 = vector.broadcast %add3A_492 : f32 to vector<1x128xf32>
      %add3A_494 = arith.addf %mul3A_491, %add3A_493 : vector<1x128xf32>
      %mul3A_495 = arith.mulf %add3A_483, %add3A_424 : vector<1x128xf32>
      %mul3A_496 = arith.mulf %add3A_473, %tanh3A_484 : vector<1x128xf32>
      %add3A_497 = arith.addf %mul3A_495, %mul3A_496 : vector<1x128xf32>
      %tanh3A_498 = math.tanh %add3A_497 : vector<1x128xf32>
      %mul3A_499 = arith.mulf %add3A_494, %tanh3A_498 : vector<1x128xf32>
      %add3A_500 = arith.constant 5 : i32
      %add3A_501 = arith.addi %mul3A_71, %add3A_500 : i32
      %swap3A_502 = arith.index_cast %add3A_501 : i32 to index
      %swap3A_503 = arith.constant 0 : index
      %swap3A_504 = vector.load %arg12[%swap3A_502, %swap3A_503] : memref<1280x128xf32, #tpu.memory_space<vmem>>, vector<1x128xf32>
      tpu.vector_store %arg12[%swap3A_502, %swap3A_503], %mul3A_499 {strides = array<i32>} : memref<1280x128xf32, #tpu.memory_space<vmem>>, vector<1x128xf32>,
      %reshape3A_505 = vector.shape_cast %mul3A_499 : vector<1x128xf32> to vector<128x1xf32>
      %add3A_506 = arith.constant 6 : i32
      %add3A_507 = arith.addi %mul3A_71, %add3A_506 : i32
      %get3A_508 = arith.index_cast %add3A_507 : i32 to index
      %get3A_509 = arith.constant 0 : index
      %get3A_510 = vector.load %arg1[%get3A_508, %get3A_509] : memref<1280x512xf32, #tpu.memory_space<vmem>>, vector<1x512xf32>
      %mul3A_511 = vector.broadcast %reshape3A_505 : vector<128x1xf32> to vector<128x512xf32>
      %mul3A_512 = arith.mulf %get3A_7, %mul3A_511 : vector<128x512xf32>
      %slice3A_513 = vector.extract_strided_slice %mul3A_512 {offsets = [0, 0], sizes = [128, 128], strides = [1, 1]} : vector<128x512xf32> to vector<128x128xf32>
      %reduce_sum3A_514 = arith.constant dense<0.000000e+00> : vector<128xf32>
      %reduce_sum3A_515 = vector.multi_reduction <add>, %slice3A_513, %reduce_sum3A_514 [0] : vector<128x128xf32> to vector<128xf32>
      %broadcast_in_dim3A_516 = vector.shape_cast %reduce_sum3A_515 : vector<128xf32> to vector<1x128xf32>
      %slice3A_517 = vector.extract_strided_slice %get3A_510 {offsets = [0, 0], sizes = [1, 128], strides = [1, 1]} : vector<1x512xf32> to vector<1x128xf32>
      %add3A_518 = arith.addf %broadcast_in_dim3A_516, %slice3A_517 : vector<1x128xf32>
      %slice3A_519 = vector.extract_strided_slice %mul3A_512 {offsets = [0, 128], sizes = [128, 128], strides = [1, 1]} : vector<128x512xf32> to vector<128x128xf32>
      %reduce_sum3A_520 = arith.constant dense<0.000000e+00> : vector<128xf32>
      %reduce_sum3A_521 = vector.multi_reduction <add>, %slice3A_519, %reduce_sum3A_520 [0] : vector<128x128xf32> to vector<128xf32>
      %broadcast_in_dim3A_522 = vector.shape_cast %reduce_sum3A_521 : vector<128xf32> to vector<1x128xf32>
      %slice3A_523 = vector.extract_strided_slice %get3A_510 {offsets = [0, 128], sizes = [1, 128], strides = [1, 1]} : vector<1x512xf32> to vector<1x128xf32>
      %add3A_524 = arith.addf %broadcast_in_dim3A_522, %slice3A_523 : vector<1x128xf32>
      %slice3A_525 = vector.extract_strided_slice %mul3A_512 {offsets = [0, 256], sizes = [128, 128], strides = [1, 1]} : vector<128x512xf32> to vector<128x128xf32>
      %reduce_sum3A_526 = arith.constant dense<0.000000e+00> : vector<128xf32>
      %reduce_sum3A_527 = vector.multi_reduction <add>, %slice3A_525, %reduce_sum3A_526 [0] : vector<128x128xf32> to vector<128xf32>
      %broadcast_in_dim3A_528 = vector.shape_cast %reduce_sum3A_527 : vector<128xf32> to vector<1x128xf32>
      %slice3A_529 = vector.extract_strided_slice %get3A_510 {offsets = [0, 256], sizes = [1, 128], strides = [1, 1]} : vector<1x512xf32> to vector<1x128xf32>
      %add3A_530 = arith.addf %broadcast_in_dim3A_528, %slice3A_529 : vector<1x128xf32>
      %slice3A_531 = vector.extract_strided_slice %mul3A_512 {offsets = [0, 384], sizes = [128, 128], strides = [1, 1]} : vector<128x512xf32> to vector<128x128xf32>
      %reduce_sum3A_532 = arith.constant dense<0.000000e+00> : vector<128xf32>
      %reduce_sum3A_533 = vector.multi_reduction <add>, %slice3A_531, %reduce_sum3A_532 [0] : vector<128x128xf32> to vector<128xf32>
      %broadcast_in_dim3A_534 = vector.shape_cast %reduce_sum3A_533 : vector<128xf32> to vector<1x128xf32>
      %slice3A_535 = vector.extract_strided_slice %get3A_510 {offsets = [0, 384], sizes = [1, 128], strides = [1, 1]} : vector<1x512xf32> to vector<1x128xf32>
      %add3A_536 = arith.addf %broadcast_in_dim3A_534, %slice3A_535 : vector<1x128xf32>
      %mul3A_537 = arith.constant 5.000000e-01 : f32
      %mul3A_538 = vector.broadcast %mul3A_537 : f32 to vector<1x128xf32>
      %mul3A_539 = arith.mulf %mul3A_538, %add3A_518 : vector<1x128xf32>
      %tanh3A_540 = math.tanh %mul3A_539 : vector<1x128xf32>
      %mul3A_541 = arith.constant 5.000000e-01 : f32
      %mul3A_542 = vector.broadcast %mul3A_541 : f32 to vector<1x128xf32>
      %mul3A_543 = arith.mulf %mul3A_542, %tanh3A_540 : vector<1x128xf32>
      %add3A_544 = arith.constant 5.000000e-01 : f32
      %add3A_545 = vector.broadcast %add3A_544 : f32 to vector<1x128xf32>
      %add3A_546 = arith.addf %mul3A_543, %add3A_545 : vector<1x128xf32>
      %mul3A_547 = arith.constant 5.000000e-01 : f32
      %mul3A_548 = vector.broadcast %mul3A_547 : f32 to vector<1x128xf32>
      %mul3A_549 = arith.mulf %mul3A_548, %add3A_524 : vector<1x128xf32>
      %tanh3A_550 = math.tanh %mul3A_549 : vector<1x128xf32>
      %mul3A_551 = arith.constant 5.000000e-01 : f32
      %mul3A_552 = vector.broadcast %mul3A_551 : f32 to vector<1x128xf32>
      %mul3A_553 = arith.mulf %mul3A_552, %tanh3A_550 : vector<1x128xf32>
      %add3A_554 = arith.constant 5.000000e-01 : f32
      %add3A_555 = vector.broadcast %add3A_554 : f32 to vector<1x128xf32>
      %add3A_556 = arith.addf %mul3A_553, %add3A_555 : vector<1x128xf32>
      %tanh3A_557 = math.tanh %add3A_530 : vector<1x128xf32>
      %mul3A_558 = arith.constant 5.000000e-01 : f32
      %mul3A_559 = vector.broadcast %mul3A_558 : f32 to vector<1x128xf32>
      %mul3A_560 = arith.mulf %mul3A_559, %add3A_536 : vector<1x128xf32>
      %tanh3A_561 = math.tanh %mul3A_560 : vector<1x128xf32>
      %mul3A_562 = arith.constant 5.000000e-01 : f32
      %mul3A_563 = vector.broadcast %mul3A_562 : f32 to vector<1x128xf32>
      %mul3A_564 = arith.mulf %mul3A_563, %tanh3A_561 : vector<1x128xf32>
      %add3A_565 = arith.constant 5.000000e-01 : f32
      %add3A_566 = vector.broadcast %add3A_565 : f32 to vector<1x128xf32>
      %add3A_567 = arith.addf %mul3A_564, %add3A_566 : vector<1x128xf32>
      %mul3A_568 = arith.mulf %add3A_556, %add3A_497 : vector<1x128xf32>
      %mul3A_569 = arith.mulf %add3A_546, %tanh3A_557 : vector<1x128xf32>
      %add3A_570 = arith.addf %mul3A_568, %mul3A_569 : vector<1x128xf32>
      %tanh3A_571 = math.tanh %add3A_570 : vector<1x128xf32>
      %mul3A_572 = arith.mulf %add3A_567, %tanh3A_571 : vector<1x128xf32>
      %add3A_573 = arith.constant 6 : i32
      %add3A_574 = arith.addi %mul3A_71, %add3A_573 : i32
      %swap3A_575 = arith.index_cast %add3A_574 : i32 to index
      %swap3A_576 = arith.constant 0 : index
      %swap3A_577 = vector.load %arg12[%swap3A_575, %swap3A_576] : memref<1280x128xf32, #tpu.memory_space<vmem>>, vector<1x128xf32>
      tpu.vector_store %arg12[%swap3A_575, %swap3A_576], %mul3A_572 {strides = array<i32>} : memref<1280x128xf32, #tpu.memory_space<vmem>>, vector<1x128xf32>,
      %reshape3A_578 = vector.shape_cast %mul3A_572 : vector<1x128xf32> to vector<128x1xf32>
      %add3A_579 = arith.constant 7 : i32
      %add3A_580 = arith.addi %mul3A_71, %add3A_579 : i32
      %get3A_581 = arith.index_cast %add3A_580 : i32 to index
      %get3A_582 = arith.constant 0 : index
      %get3A_583 = vector.load %arg1[%get3A_581, %get3A_582] : memref<1280x512xf32, #tpu.memory_space<vmem>>, vector<1x512xf32>
      %mul3A_584 = vector.broadcast %reshape3A_578 : vector<128x1xf32> to vector<128x512xf32>
      %mul3A_585 = arith.mulf %get3A_7, %mul3A_584 : vector<128x512xf32>
      %slice3A_586 = vector.extract_strided_slice %mul3A_585 {offsets = [0, 0], sizes = [128, 128], strides = [1, 1]} : vector<128x512xf32> to vector<128x128xf32>
      %reduce_sum3A_587 = arith.constant dense<0.000000e+00> : vector<128xf32>
      %reduce_sum3A_588 = vector.multi_reduction <add>, %slice3A_586, %reduce_sum3A_587 [0] : vector<128x128xf32> to vector<128xf32>
      %broadcast_in_dim3A_589 = vector.shape_cast %reduce_sum3A_588 : vector<128xf32> to vector<1x128xf32>
      %slice3A_590 = vector.extract_strided_slice %get3A_583 {offsets = [0, 0], sizes = [1, 128], strides = [1, 1]} : vector<1x512xf32> to vector<1x128xf32>
      %add3A_591 = arith.addf %broadcast_in_dim3A_589, %slice3A_590 : vector<1x128xf32>
      %slice3A_592 = vector.extract_strided_slice %mul3A_585 {offsets = [0, 128], sizes = [128, 128], strides = [1, 1]} : vector<128x512xf32> to vector<128x128xf32>
      %reduce_sum3A_593 = arith.constant dense<0.000000e+00> : vector<128xf32>
      %reduce_sum3A_594 = vector.multi_reduction <add>, %slice3A_592, %reduce_sum3A_593 [0] : vector<128x128xf32> to vector<128xf32>
      %broadcast_in_dim3A_595 = vector.shape_cast %reduce_sum3A_594 : vector<128xf32> to vector<1x128xf32>
      %slice3A_596 = vector.extract_strided_slice %get3A_583 {offsets = [0, 128], sizes = [1, 128], strides = [1, 1]} : vector<1x512xf32> to vector<1x128xf32>
      %add3A_597 = arith.addf %broadcast_in_dim3A_595, %slice3A_596 : vector<1x128xf32>
      %slice3A_598 = vector.extract_strided_slice %mul3A_585 {offsets = [0, 256], sizes = [128, 128], strides = [1, 1]} : vector<128x512xf32> to vector<128x128xf32>
      %reduce_sum3A_599 = arith.constant dense<0.000000e+00> : vector<128xf32>
      %reduce_sum3A_600 = vector.multi_reduction <add>, %slice3A_598, %reduce_sum3A_599 [0] : vector<128x128xf32> to vector<128xf32>
      %broadcast_in_dim3A_601 = vector.shape_cast %reduce_sum3A_600 : vector<128xf32> to vector<1x128xf32>
      %slice3A_602 = vector.extract_strided_slice %get3A_583 {offsets = [0, 256], sizes = [1, 128], strides = [1, 1]} : vector<1x512xf32> to vector<1x128xf32>
      %add3A_603 = arith.addf %broadcast_in_dim3A_601, %slice3A_602 : vector<1x128xf32>
      %slice3A_604 = vector.extract_strided_slice %mul3A_585 {offsets = [0, 384], sizes = [128, 128], strides = [1, 1]} : vector<128x512xf32> to vector<128x128xf32>
      %reduce_sum3A_605 = arith.constant dense<0.000000e+00> : vector<128xf32>
      %reduce_sum3A_606 = vector.multi_reduction <add>, %slice3A_604, %reduce_sum3A_605 [0] : vector<128x128xf32> to vector<128xf32>
      %broadcast_in_dim3A_607 = vector.shape_cast %reduce_sum3A_606 : vector<128xf32> to vector<1x128xf32>
      %slice3A_608 = vector.extract_strided_slice %get3A_583 {offsets = [0, 384], sizes = [1, 128], strides = [1, 1]} : vector<1x512xf32> to vector<1x128xf32>
      %add3A_609 = arith.addf %broadcast_in_dim3A_607, %slice3A_608 : vector<1x128xf32>
      %mul3A_610 = arith.constant 5.000000e-01 : f32
      %mul3A_611 = vector.broadcast %mul3A_610 : f32 to vector<1x128xf32>
      %mul3A_612 = arith.mulf %mul3A_611, %add3A_591 : vector<1x128xf32>
      %tanh3A_613 = math.tanh %mul3A_612 : vector<1x128xf32>
      %mul3A_614 = arith.constant 5.000000e-01 : f32
      %mul3A_615 = vector.broadcast %mul3A_614 : f32 to vector<1x128xf32>
      %mul3A_616 = arith.mulf %mul3A_615, %tanh3A_613 : vector<1x128xf32>
      %add3A_617 = arith.constant 5.000000e-01 : f32
      %add3A_618 = vector.broadcast %add3A_617 : f32 to vector<1x128xf32>
      %add3A_619 = arith.addf %mul3A_616, %add3A_618 : vector<1x128xf32>
      %mul3A_620 = arith.constant 5.000000e-01 : f32
      %mul3A_621 = vector.broadcast %mul3A_620 : f32 to vector<1x128xf32>
      %mul3A_622 = arith.mulf %mul3A_621, %add3A_597 : vector<1x128xf32>
      %tanh3A_623 = math.tanh %mul3A_622 : vector<1x128xf32>
      %mul3A_624 = arith.constant 5.000000e-01 : f32
      %mul3A_625 = vector.broadcast %mul3A_624 : f32 to vector<1x128xf32>
      %mul3A_626 = arith.mulf %mul3A_625, %tanh3A_623 : vector<1x128xf32>
      %add3A_627 = arith.constant 5.000000e-01 : f32
      %add3A_628 = vector.broadcast %add3A_627 : f32 to vector<1x128xf32>
      %add3A_629 = arith.addf %mul3A_626, %add3A_628 : vector<1x128xf32>
      %tanh3A_630 = math.tanh %add3A_603 : vector<1x128xf32>
      %mul3A_631 = arith.constant 5.000000e-01 : f32
      %mul3A_632 = vector.broadcast %mul3A_631 : f32 to vector<1x128xf32>
      %mul3A_633 = arith.mulf %mul3A_632, %add3A_609 : vector<1x128xf32>
      %tanh3A_634 = math.tanh %mul3A_633 : vector<1x128xf32>
      %mul3A_635 = arith.constant 5.000000e-01 : f32
      %mul3A_636 = vector.broadcast %mul3A_635 : f32 to vector<1x128xf32>
      %mul3A_637 = arith.mulf %mul3A_636, %tanh3A_634 : vector<1x128xf32>
      %add3A_638 = arith.constant 5.000000e-01 : f32
      %add3A_639 = vector.broadcast %add3A_638 : f32 to vector<1x128xf32>
      %add3A_640 = arith.addf %mul3A_637, %add3A_639 : vector<1x128xf32>
      %mul3A_641 = arith.mulf %add3A_629, %add3A_570 : vector<1x128xf32>
      %mul3A_642 = arith.mulf %add3A_619, %tanh3A_630 : vector<1x128xf32>
      %add3A_643 = arith.addf %mul3A_641, %mul3A_642 : vector<1x128xf32>
      %tanh3A_644 = math.tanh %add3A_643 : vector<1x128xf32>
      %mul3A_645 = arith.mulf %add3A_640, %tanh3A_644 : vector<1x128xf32>
      %add3A_646 = arith.constant 7 : i32
      %add3A_647 = arith.addi %mul3A_71, %add3A_646 : i32
      %swap3A_648 = arith.index_cast %add3A_647 : i32 to index
      %swap3A_649 = arith.constant 0 : index
      %swap3A_650 = vector.load %arg12[%swap3A_648, %swap3A_649] : memref<1280x128xf32, #tpu.memory_space<vmem>>, vector<1x128xf32>
      tpu.vector_store %arg12[%swap3A_648, %swap3A_649], %mul3A_645 {strides = array<i32>} : memref<1280x128xf32, #tpu.memory_space<vmem>>, vector<1x128xf32>,
      scf.yield %mul3A_645, %add3A_643 : vector<1x128xf32>, vector<1x128xf32>
    }
    %swap3A = arith.constant 0 : index
    %swap3A_41 = arith.constant 0 : index
    %swap3A_42 = vector.load %arg10[%swap3A, %swap3A_41] : memref<1x128xf32, #tpu.memory_space<vmem>>, vector<1x128xf32>
    tpu.vector_store %arg10[%swap3A, %swap3A_41], %while3A_40#0 {strides = array<i32>} : memref<1x128xf32, #tpu.memory_space<vmem>>, vector<1x128xf32>,
    %swap3A_43 = arith.constant 0 : index
    %swap3A_44 = arith.constant 0 : index
    %swap3A_45 = vector.load %arg11[%swap3A_43, %swap3A_44] : memref<1x128xf32, #tpu.memory_space<vmem>>, vector<1x128xf32>
    tpu.vector_store %arg11[%swap3A_43, %swap3A_44], %while3A_40#1 {strides = array<i32>} : memref<1x128xf32, #tpu.memory_space<vmem>>, vector<1x128xf32>,
    %swap3A_46 = arith.constant 0 : index
    %swap3A_47 = arith.constant 0 : index
    %swap3A_48 = vector.load %arg8[%swap3A_46, %swap3A_47] : memref<1x128xf32, #tpu.memory_space<vmem>>, vector<1x128xf32>
    tpu.vector_store %arg8[%swap3A_46, %swap3A_47], %while3A_40#0 {strides = array<i32>} : memref<1x128xf32, #tpu.memory_space<vmem>>, vector<1x128xf32>,
    %swap3A_49 = arith.constant 0 : index
    %swap3A_50 = arith.constant 0 : index
    %swap3A_51 = vector.load %arg9[%swap3A_49, %swap3A_50] : memref<1x128xf32, #tpu.memory_space<vmem>>, vector<1x128xf32>
    tpu.vector_store %arg9[%swap3A_49, %swap3A_50], %while3A_40#1 {strides = array<i32>} : memref<1x128xf32, #tpu.memory_space<vmem>>, vector<1x128xf32>,
    %get3A_52 = arith.constant 0 : index
    %get3A_53 = arith.constant 0 : index
    %get3A_54 = vector.load %arg12[%get3A_52, %get3A_53] : memref<1280x128xf32, #tpu.memory_space<vmem>>, vector<1280x128xf32>
    %get3A_55 = arith.constant 0 : index
    %get3A_56 = arith.constant 0 : index
    %get3A_57 = vector.load %arg5[%get3A_55, %get3A_56] : memref<128x128xf32, #tpu.memory_space<vmem>>, vector<128x128xf32>
    %dot_general3A = arith.constant dense<0.000000e+00> : vector<1280x128xf32>
    %dot_general3A_58 = tpu.matmul %get3A_54, %get3A_57, %dot_general3A {dimension_numbers = #tpu.dot_dimension_numbers<[1], [0], [0], [1], [0, 0, 1, 1], [], []>, transpose_lhs_hint = false} : vector<1280x128xf32>, vector<128x128xf32>, vector<1280x128xf32> -> vector<1280x128xf32>
    %get3A_59 = arith.constant 0 : index
    %get3A_60 = arith.constant 0 : index
    %get3A_61 = vector.load %arg6[%get3A_59, %get3A_60] : memref<1x128xf32, #tpu.memory_space<vmem>>, vector<1x128xf32>
    %add3A_62 = vector.broadcast %get3A_61 : vector<1x128xf32> to vector<1280x128xf32>
    %add3A_63 = arith.addf %dot_general3A_58, %add3A_62 : vector<1280x128xf32>
    %swap3A_64 = arith.constant 0 : index
    %swap3A_65 = arith.constant 0 : index
    %swap3A_66 = vector.load %arg7[%swap3A_64, %swap3A_65] : memref<1280x128xf32, #tpu.memory_space<vmem>>, vector<1280x128xf32>
    tpu.vector_store %arg7[%swap3A_64, %swap3A_65], %add3A_63 {strides = array<i32>} : memref<1280x128xf32, #tpu.memory_space<vmem>>, vector<1280x128xf32>,
    return
  }
  func.func @transform_0(%arg0: i32) -> (i32, i32) {
    %c0_i32 = arith.constant 0 : i32
    %c0_i32_0 = arith.constant 0 : i32
    return %arg0, %c0_i32 : i32, i32
  }
  func.func @transform_1(%arg0: i32) -> (i32, i32) {
    %c0_i32 = arith.constant 0 : i32
    %c0_i32_0 = arith.constant 0 : i32
    %c0_i32_1 = arith.constant 0 : i32
    return %c0_i32, %c0_i32_0 : i32, i32
  }
  func.func @transform_2(%arg0: i32) -> (i32, i32) {
    %c0_i32 = arith.constant 0 : i32
    %c0_i32_0 = arith.constant 0 : i32
    %c0_i32_1 = arith.constant 0 : i32
    return %c0_i32, %c0_i32_0 : i32, i32
  }
  func.func @transform_3(%arg0: i32) -> (i32, i32) {
    %c0_i32 = arith.constant 0 : i32
    %c0_i32_0 = arith.constant 0 : i32
    %c0_i32_1 = arith.constant 0 : i32
    return %c0_i32, %c0_i32_0 : i32, i32
  }
  func.func @transform_4(%arg0: i32) -> (i32, i32) {
    %c0_i32 = arith.constant 0 : i32
    %c0_i32_0 = arith.constant 0 : i32
    %c0_i32_1 = arith.constant 0 : i32
    return %c0_i32, %c0_i32_0 : i32, i32
  }
  func.func @transform_5(%arg0: i32) -> (i32, i32) {
    %c0_i32 = arith.constant 0 : i32
    %c0_i32_0 = arith.constant 0 : i32
    %c0_i32_1 = arith.constant 0 : i32
    return %c0_i32, %c0_i32_0 : i32, i32
  }
  func.func @transform_6(%arg0: i32) -> (i32, i32) {
    %c0_i32 = arith.constant 0 : i32
    %c0_i32_0 = arith.constant 0 : i32
    return %arg0, %c0_i32 : i32, i32
  }
  func.func @transform_7(%arg0: i32) -> (i32, i32) {
    %c0_i32 = arith.constant 0 : i32
    %c0_i32_0 = arith.constant 0 : i32
    %c0_i32_1 = arith.constant 0 : i32
    return %c0_i32, %c0_i32_0 : i32, i32
  }
  func.func @transform_8(%arg0: i32) -> (i32, i32) {
    %c0_i32 = arith.constant 0 : i32
    %c0_i32_0 = arith.constant 0 : i32
    %c0_i32_1 = arith.constant 0 : i32
    return %c0_i32, %c0_i32_0 : i32, i32
  }
}

module attributes {stable_mosaic.version = 14 : i64} {
  func.func @_reducer_body(%arg0: i32, %arg1: memref<16x1024x128xf32, #tpu.memory_space<vmem>>, %arg2: memref<128x512xf32, #tpu.memory_space<vmem>>, %arg3: memref<128x512xf32, #tpu.memory_space<vmem>>, %arg4: memref<1x512xf32, #tpu.memory_space<vmem>>, %arg5: memref<128x512xf32, #tpu.memory_space<vmem>>, %arg6: memref<1x512xf32, #tpu.memory_space<vmem>>, %arg7: memref<1024x512xf32, #tpu.memory_space<vmem>>) attributes {dimension_semantics = [#tpu.dimension_semantics<arbitrary>], iteration_bounds = array<i64: 5>, scalar_prefetch = 0 : i64, scratch_operands = 0 : i64, tpu.core_type = #tpu.core_type<tc>, window_params = [{transform_indices = @transform_0, window_bounds = array<i64: 16, 1024, 128>}, {pipeline_mode = #tpu.pipeline_mode<synchronous>, transform_indices = @transform_1, window_bounds = array<i64: 128, 512>}, {pipeline_mode = #tpu.pipeline_mode<synchronous>, transform_indices = @transform_2, window_bounds = array<i64: 128, 512>}, {pipeline_mode = #tpu.pipeline_mode<synchronous>, transform_indices = @transform_3, window_bounds = array<i64: 1, 512>}, {pipeline_mode = #tpu.pipeline_mode<synchronous>, transform_indices = @transform_4, window_bounds = array<i64: 128, 512>}, {pipeline_mode = #tpu.pipeline_mode<synchronous>, transform_indices = @transform_5, window_bounds = array<i64: 1, 512>}, {transform_indices = @transform_6, window_bounds = array<i64: 1024, 512>}]} {
    %broadcast_in_dim3A = arith.constant 0.000000e+00 : f32
    %broadcast_in_dim3A_0 = vector.broadcast %broadcast_in_dim3A : f32 to vector<1024x128xf32>
    %broadcast_in_dim3A_1 = arith.constant 0.000000e+00 : f32
    %broadcast_in_dim3A_2 = vector.broadcast %broadcast_in_dim3A_1 : f32 to vector<1024x128xf32>
    %get3A = arith.constant 0 : index
    %get3A_3 = arith.constant 0 : index
    %get3A_4 = vector.load %arg2[%get3A, %get3A_3] : memref<128x512xf32, #tpu.memory_space<vmem>>, vector<128x512xf32>
    %get3A_5 = arith.constant 0 : index
    %get3A_6 = arith.constant 0 : index
    %get3A_7 = vector.load %arg3[%get3A_5, %get3A_6] : memref<128x512xf32, #tpu.memory_space<vmem>>, vector<128x512xf32>
    %get3A_8 = arith.constant 0 : index
    %get3A_9 = arith.constant 0 : index
    %get3A_10 = vector.load %arg4[%get3A_8, %get3A_9] : memref<1x512xf32, #tpu.memory_space<vmem>>, vector<1x512xf32>
    %get3A_11 = arith.constant 0 : index
    %get3A_12 = arith.constant 0 : index
    %get3A_13 = arith.constant 0 : index
    %get3A_14 = vector.load %arg1[%get3A_11, %get3A_12, %get3A_13] : memref<16x1024x128xf32, #tpu.memory_space<vmem>>, vector<1x1024x128xf32>
    %get3A_15 = vector.shape_cast %get3A_14 : vector<1x1024x128xf32> to vector<1024x128xf32>
    %dot_general3A = arith.constant dense<0.000000e+00> : vector<1024x512xf32>
    %dot_general3A_16 = tpu.matmul %get3A_15, %get3A_4, %dot_general3A {dimension_numbers = #tpu.dot_dimension_numbers<[1], [0], [0], [1], [0, 0, 1, 1], [], []>, transpose_lhs_hint = false} : vector<1024x128xf32>, vector<128x512xf32>, vector<1024x512xf32> -> vector<1024x512xf32>
    %dot_general3A_17 = arith.constant dense<0.000000e+00> : vector<1024x512xf32>
    %dot_general3A_18 = tpu.matmul %broadcast_in_dim3A_0, %get3A_7, %dot_general3A_17 {dimension_numbers = #tpu.dot_dimension_numbers<[1], [0], [0], [1], [0, 0, 1, 1], [], []>, transpose_lhs_hint = false} : vector<1024x128xf32>, vector<128x512xf32>, vector<1024x512xf32> -> vector<1024x512xf32>
    %add3A = arith.addf %dot_general3A_16, %dot_general3A_18 : vector<1024x512xf32>
    %add3A_19 = vector.broadcast %get3A_10 : vector<1x512xf32> to vector<1024x512xf32>
    %add3A_20 = arith.addf %add3A, %add3A_19 : vector<1024x512xf32>
    %slice3A = vector.extract_strided_slice %add3A_20 {offsets = [0, 0], sizes = [1024, 128], strides = [1, 1]} : vector<1024x512xf32> to vector<1024x128xf32>
    %mul3A = arith.constant 5.000000e-01 : f32
    %mul3A_21 = vector.broadcast %mul3A : f32 to vector<1024x128xf32>
    %mul3A_22 = arith.mulf %mul3A_21, %slice3A : vector<1024x128xf32>
    %tanh3A = math.tanh %mul3A_22 : vector<1024x128xf32>
    %mul3A_23 = arith.constant 5.000000e-01 : f32
    %mul3A_24 = vector.broadcast %mul3A_23 : f32 to vector<1024x128xf32>
    %mul3A_25 = arith.mulf %mul3A_24, %tanh3A : vector<1024x128xf32>
    %add3A_26 = arith.constant 5.000000e-01 : f32
    %add3A_27 = vector.broadcast %add3A_26 : f32 to vector<1024x128xf32>
    %add3A_28 = arith.addf %mul3A_25, %add3A_27 : vector<1024x128xf32>
    %slice3A_29 = vector.extract_strided_slice %add3A_20 {offsets = [0, 128], sizes = [1024, 128], strides = [1, 1]} : vector<1024x512xf32> to vector<1024x128xf32>
    %mul3A_30 = arith.constant 5.000000e-01 : f32
    %mul3A_31 = vector.broadcast %mul3A_30 : f32 to vector<1024x128xf32>
    %mul3A_32 = arith.mulf %mul3A_31, %slice3A_29 : vector<1024x128xf32>
    %tanh3A_33 = math.tanh %mul3A_32 : vector<1024x128xf32>
    %mul3A_34 = arith.constant 5.000000e-01 : f32
    %mul3A_35 = vector.broadcast %mul3A_34 : f32 to vector<1024x128xf32>
    %mul3A_36 = arith.mulf %mul3A_35, %tanh3A_33 : vector<1024x128xf32>
    %add3A_37 = arith.constant 5.000000e-01 : f32
    %add3A_38 = vector.broadcast %add3A_37 : f32 to vector<1024x128xf32>
    %add3A_39 = arith.addf %mul3A_36, %add3A_38 : vector<1024x128xf32>
    %slice3A_40 = vector.extract_strided_slice %add3A_20 {offsets = [0, 256], sizes = [1024, 128], strides = [1, 1]} : vector<1024x512xf32> to vector<1024x128xf32>
    %tanh3A_41 = math.tanh %slice3A_40 : vector<1024x128xf32>
    %slice3A_42 = vector.extract_strided_slice %add3A_20 {offsets = [0, 384], sizes = [1024, 128], strides = [1, 1]} : vector<1024x512xf32> to vector<1024x128xf32>
    %mul3A_43 = arith.constant 5.000000e-01 : f32
    %mul3A_44 = vector.broadcast %mul3A_43 : f32 to vector<1024x128xf32>
    %mul3A_45 = arith.mulf %mul3A_44, %slice3A_42 : vector<1024x128xf32>
    %tanh3A_46 = math.tanh %mul3A_45 : vector<1024x128xf32>
    %mul3A_47 = arith.constant 5.000000e-01 : f32
    %mul3A_48 = vector.broadcast %mul3A_47 : f32 to vector<1024x128xf32>
    %mul3A_49 = arith.mulf %mul3A_48, %tanh3A_46 : vector<1024x128xf32>
    %add3A_50 = arith.constant 5.000000e-01 : f32
    %add3A_51 = vector.broadcast %add3A_50 : f32 to vector<1024x128xf32>
    %add3A_52 = arith.addf %mul3A_49, %add3A_51 : vector<1024x128xf32>
    %mul3A_53 = arith.mulf %add3A_39, %broadcast_in_dim3A_2 : vector<1024x128xf32>
    %mul3A_54 = arith.mulf %add3A_28, %tanh3A_41 : vector<1024x128xf32>
    %add3A_55 = arith.addf %mul3A_53, %mul3A_54 : vector<1024x128xf32>
    %tanh3A_56 = math.tanh %add3A_55 : vector<1024x128xf32>
    %mul3A_57 = arith.mulf %add3A_52, %tanh3A_56 : vector<1024x128xf32>
    %get3A_58 = arith.constant 1 : index
    %get3A_59 = arith.constant 0 : index
    %get3A_60 = arith.constant 0 : index
    %get3A_61 = vector.load %arg1[%get3A_58, %get3A_59, %get3A_60] : memref<16x1024x128xf32, #tpu.memory_space<vmem>>, vector<1x1024x128xf32>
    %get3A_62 = vector.shape_cast %get3A_61 : vector<1x1024x128xf32> to vector<1024x128xf32>
    %dot_general3A_63 = arith.constant dense<0.000000e+00> : vector<1024x512xf32>
    %dot_general3A_64 = tpu.matmul %get3A_62, %get3A_4, %dot_general3A_63 {dimension_numbers = #tpu.dot_dimension_numbers<[1], [0], [0], [1], [0, 0, 1, 1], [], []>, transpose_lhs_hint = false} : vector<1024x128xf32>, vector<128x512xf32>, vector<1024x512xf32> -> vector<1024x512xf32>
    %dot_general3A_65 = arith.constant dense<0.000000e+00> : vector<1024x512xf32>
    %dot_general3A_66 = tpu.matmul %mul3A_57, %get3A_7, %dot_general3A_65 {dimension_numbers = #tpu.dot_dimension_numbers<[1], [0], [0], [1], [0, 0, 1, 1], [], []>, transpose_lhs_hint = false} : vector<1024x128xf32>, vector<128x512xf32>, vector<1024x512xf32> -> vector<1024x512xf32>
    %add3A_67 = arith.addf %dot_general3A_64, %dot_general3A_66 : vector<1024x512xf32>
    %add3A_68 = vector.broadcast %get3A_10 : vector<1x512xf32> to vector<1024x512xf32>
    %add3A_69 = arith.addf %add3A_67, %add3A_68 : vector<1024x512xf32>
    %slice3A_70 = vector.extract_strided_slice %add3A_69 {offsets = [0, 0], sizes = [1024, 128], strides = [1, 1]} : vector<1024x512xf32> to vector<1024x128xf32>
    %mul3A_71 = arith.constant 5.000000e-01 : f32
    %mul3A_72 = vector.broadcast %mul3A_71 : f32 to vector<1024x128xf32>
    %mul3A_73 = arith.mulf %mul3A_72, %slice3A_70 : vector<1024x128xf32>
    %tanh3A_74 = math.tanh %mul3A_73 : vector<1024x128xf32>
    %mul3A_75 = arith.constant 5.000000e-01 : f32
    %mul3A_76 = vector.broadcast %mul3A_75 : f32 to vector<1024x128xf32>
    %mul3A_77 = arith.mulf %mul3A_76, %tanh3A_74 : vector<1024x128xf32>
    %add3A_78 = arith.constant 5.000000e-01 : f32
    %add3A_79 = vector.broadcast %add3A_78 : f32 to vector<1024x128xf32>
    %add3A_80 = arith.addf %mul3A_77, %add3A_79 : vector<1024x128xf32>
    %slice3A_81 = vector.extract_strided_slice %add3A_69 {offsets = [0, 128], sizes = [1024, 128], strides = [1, 1]} : vector<1024x512xf32> to vector<1024x128xf32>
    %mul3A_82 = arith.constant 5.000000e-01 : f32
    %mul3A_83 = vector.broadcast %mul3A_82 : f32 to vector<1024x128xf32>
    %mul3A_84 = arith.mulf %mul3A_83, %slice3A_81 : vector<1024x128xf32>
    %tanh3A_85 = math.tanh %mul3A_84 : vector<1024x128xf32>
    %mul3A_86 = arith.constant 5.000000e-01 : f32
    %mul3A_87 = vector.broadcast %mul3A_86 : f32 to vector<1024x128xf32>
    %mul3A_88 = arith.mulf %mul3A_87, %tanh3A_85 : vector<1024x128xf32>
    %add3A_89 = arith.constant 5.000000e-01 : f32
    %add3A_90 = vector.broadcast %add3A_89 : f32 to vector<1024x128xf32>
    %add3A_91 = arith.addf %mul3A_88, %add3A_90 : vector<1024x128xf32>
    %slice3A_92 = vector.extract_strided_slice %add3A_69 {offsets = [0, 256], sizes = [1024, 128], strides = [1, 1]} : vector<1024x512xf32> to vector<1024x128xf32>
    %tanh3A_93 = math.tanh %slice3A_92 : vector<1024x128xf32>
    %slice3A_94 = vector.extract_strided_slice %add3A_69 {offsets = [0, 384], sizes = [1024, 128], strides = [1, 1]} : vector<1024x512xf32> to vector<1024x128xf32>
    %mul3A_95 = arith.constant 5.000000e-01 : f32
    %mul3A_96 = vector.broadcast %mul3A_95 : f32 to vector<1024x128xf32>
    %mul3A_97 = arith.mulf %mul3A_96, %slice3A_94 : vector<1024x128xf32>
    %tanh3A_98 = math.tanh %mul3A_97 : vector<1024x128xf32>
    %mul3A_99 = arith.constant 5.000000e-01 : f32
    %mul3A_100 = vector.broadcast %mul3A_99 : f32 to vector<1024x128xf32>
    %mul3A_101 = arith.mulf %mul3A_100, %tanh3A_98 : vector<1024x128xf32>
    %add3A_102 = arith.constant 5.000000e-01 : f32
    %add3A_103 = vector.broadcast %add3A_102 : f32 to vector<1024x128xf32>
    %add3A_104 = arith.addf %mul3A_101, %add3A_103 : vector<1024x128xf32>
    %mul3A_105 = arith.mulf %add3A_91, %add3A_55 : vector<1024x128xf32>
    %mul3A_106 = arith.mulf %add3A_80, %tanh3A_93 : vector<1024x128xf32>
    %add3A_107 = arith.addf %mul3A_105, %mul3A_106 : vector<1024x128xf32>
    %tanh3A_108 = math.tanh %add3A_107 : vector<1024x128xf32>
    %mul3A_109 = arith.mulf %add3A_104, %tanh3A_108 : vector<1024x128xf32>
    %get3A_110 = arith.constant 2 : index
    %get3A_111 = arith.constant 0 : index
    %get3A_112 = arith.constant 0 : index
    %get3A_113 = vector.load %arg1[%get3A_110, %get3A_111, %get3A_112] : memref<16x1024x128xf32, #tpu.memory_space<vmem>>, vector<1x1024x128xf32>
    %get3A_114 = vector.shape_cast %get3A_113 : vector<1x1024x128xf32> to vector<1024x128xf32>
    %dot_general3A_115 = arith.constant dense<0.000000e+00> : vector<1024x512xf32>
    %dot_general3A_116 = tpu.matmul %get3A_114, %get3A_4, %dot_general3A_115 {dimension_numbers = #tpu.dot_dimension_numbers<[1], [0], [0], [1], [0, 0, 1, 1], [], []>, transpose_lhs_hint = false} : vector<1024x128xf32>, vector<128x512xf32>, vector<1024x512xf32> -> vector<1024x512xf32>
    %dot_general3A_117 = arith.constant dense<0.000000e+00> : vector<1024x512xf32>
    %dot_general3A_118 = tpu.matmul %mul3A_109, %get3A_7, %dot_general3A_117 {dimension_numbers = #tpu.dot_dimension_numbers<[1], [0], [0], [1], [0, 0, 1, 1], [], []>, transpose_lhs_hint = false} : vector<1024x128xf32>, vector<128x512xf32>, vector<1024x512xf32> -> vector<1024x512xf32>
    %add3A_119 = arith.addf %dot_general3A_116, %dot_general3A_118 : vector<1024x512xf32>
    %add3A_120 = vector.broadcast %get3A_10 : vector<1x512xf32> to vector<1024x512xf32>
    %add3A_121 = arith.addf %add3A_119, %add3A_120 : vector<1024x512xf32>
    %slice3A_122 = vector.extract_strided_slice %add3A_121 {offsets = [0, 0], sizes = [1024, 128], strides = [1, 1]} : vector<1024x512xf32> to vector<1024x128xf32>
    %mul3A_123 = arith.constant 5.000000e-01 : f32
    %mul3A_124 = vector.broadcast %mul3A_123 : f32 to vector<1024x128xf32>
    %mul3A_125 = arith.mulf %mul3A_124, %slice3A_122 : vector<1024x128xf32>
    %tanh3A_126 = math.tanh %mul3A_125 : vector<1024x128xf32>
    %mul3A_127 = arith.constant 5.000000e-01 : f32
    %mul3A_128 = vector.broadcast %mul3A_127 : f32 to vector<1024x128xf32>
    %mul3A_129 = arith.mulf %mul3A_128, %tanh3A_126 : vector<1024x128xf32>
    %add3A_130 = arith.constant 5.000000e-01 : f32
    %add3A_131 = vector.broadcast %add3A_130 : f32 to vector<1024x128xf32>
    %add3A_132 = arith.addf %mul3A_129, %add3A_131 : vector<1024x128xf32>
    %slice3A_133 = vector.extract_strided_slice %add3A_121 {offsets = [0, 128], sizes = [1024, 128], strides = [1, 1]} : vector<1024x512xf32> to vector<1024x128xf32>
    %mul3A_134 = arith.constant 5.000000e-01 : f32
    %mul3A_135 = vector.broadcast %mul3A_134 : f32 to vector<1024x128xf32>
    %mul3A_136 = arith.mulf %mul3A_135, %slice3A_133 : vector<1024x128xf32>
    %tanh3A_137 = math.tanh %mul3A_136 : vector<1024x128xf32>
    %mul3A_138 = arith.constant 5.000000e-01 : f32
    %mul3A_139 = vector.broadcast %mul3A_138 : f32 to vector<1024x128xf32>
    %mul3A_140 = arith.mulf %mul3A_139, %tanh3A_137 : vector<1024x128xf32>
    %add3A_141 = arith.constant 5.000000e-01 : f32
    %add3A_142 = vector.broadcast %add3A_141 : f32 to vector<1024x128xf32>
    %add3A_143 = arith.addf %mul3A_140, %add3A_142 : vector<1024x128xf32>
    %slice3A_144 = vector.extract_strided_slice %add3A_121 {offsets = [0, 256], sizes = [1024, 128], strides = [1, 1]} : vector<1024x512xf32> to vector<1024x128xf32>
    %tanh3A_145 = math.tanh %slice3A_144 : vector<1024x128xf32>
    %slice3A_146 = vector.extract_strided_slice %add3A_121 {offsets = [0, 384], sizes = [1024, 128], strides = [1, 1]} : vector<1024x512xf32> to vector<1024x128xf32>
    %mul3A_147 = arith.constant 5.000000e-01 : f32
    %mul3A_148 = vector.broadcast %mul3A_147 : f32 to vector<1024x128xf32>
    %mul3A_149 = arith.mulf %mul3A_148, %slice3A_146 : vector<1024x128xf32>
    %tanh3A_150 = math.tanh %mul3A_149 : vector<1024x128xf32>
    %mul3A_151 = arith.constant 5.000000e-01 : f32
    %mul3A_152 = vector.broadcast %mul3A_151 : f32 to vector<1024x128xf32>
    %mul3A_153 = arith.mulf %mul3A_152, %tanh3A_150 : vector<1024x128xf32>
    %add3A_154 = arith.constant 5.000000e-01 : f32
    %add3A_155 = vector.broadcast %add3A_154 : f32 to vector<1024x128xf32>
    %add3A_156 = arith.addf %mul3A_153, %add3A_155 : vector<1024x128xf32>
    %mul3A_157 = arith.mulf %add3A_143, %add3A_107 : vector<1024x128xf32>
    %mul3A_158 = arith.mulf %add3A_132, %tanh3A_145 : vector<1024x128xf32>
    %add3A_159 = arith.addf %mul3A_157, %mul3A_158 : vector<1024x128xf32>
    %tanh3A_160 = math.tanh %add3A_159 : vector<1024x128xf32>
    %mul3A_161 = arith.mulf %add3A_156, %tanh3A_160 : vector<1024x128xf32>
    %get3A_162 = arith.constant 3 : index
    %get3A_163 = arith.constant 0 : index
    %get3A_164 = arith.constant 0 : index
    %get3A_165 = vector.load %arg1[%get3A_162, %get3A_163, %get3A_164] : memref<16x1024x128xf32, #tpu.memory_space<vmem>>, vector<1x1024x128xf32>
    %get3A_166 = vector.shape_cast %get3A_165 : vector<1x1024x128xf32> to vector<1024x128xf32>
    %dot_general3A_167 = arith.constant dense<0.000000e+00> : vector<1024x512xf32>
    %dot_general3A_168 = tpu.matmul %get3A_166, %get3A_4, %dot_general3A_167 {dimension_numbers = #tpu.dot_dimension_numbers<[1], [0], [0], [1], [0, 0, 1, 1], [], []>, transpose_lhs_hint = false} : vector<1024x128xf32>, vector<128x512xf32>, vector<1024x512xf32> -> vector<1024x512xf32>
    %dot_general3A_169 = arith.constant dense<0.000000e+00> : vector<1024x512xf32>
    %dot_general3A_170 = tpu.matmul %mul3A_161, %get3A_7, %dot_general3A_169 {dimension_numbers = #tpu.dot_dimension_numbers<[1], [0], [0], [1], [0, 0, 1, 1], [], []>, transpose_lhs_hint = false} : vector<1024x128xf32>, vector<128x512xf32>, vector<1024x512xf32> -> vector<1024x512xf32>
    %add3A_171 = arith.addf %dot_general3A_168, %dot_general3A_170 : vector<1024x512xf32>
    %add3A_172 = vector.broadcast %get3A_10 : vector<1x512xf32> to vector<1024x512xf32>
    %add3A_173 = arith.addf %add3A_171, %add3A_172 : vector<1024x512xf32>
    %slice3A_174 = vector.extract_strided_slice %add3A_173 {offsets = [0, 0], sizes = [1024, 128], strides = [1, 1]} : vector<1024x512xf32> to vector<1024x128xf32>
    %mul3A_175 = arith.constant 5.000000e-01 : f32
    %mul3A_176 = vector.broadcast %mul3A_175 : f32 to vector<1024x128xf32>
    %mul3A_177 = arith.mulf %mul3A_176, %slice3A_174 : vector<1024x128xf32>
    %tanh3A_178 = math.tanh %mul3A_177 : vector<1024x128xf32>
    %mul3A_179 = arith.constant 5.000000e-01 : f32
    %mul3A_180 = vector.broadcast %mul3A_179 : f32 to vector<1024x128xf32>
    %mul3A_181 = arith.mulf %mul3A_180, %tanh3A_178 : vector<1024x128xf32>
    %add3A_182 = arith.constant 5.000000e-01 : f32
    %add3A_183 = vector.broadcast %add3A_182 : f32 to vector<1024x128xf32>
    %add3A_184 = arith.addf %mul3A_181, %add3A_183 : vector<1024x128xf32>
    %slice3A_185 = vector.extract_strided_slice %add3A_173 {offsets = [0, 128], sizes = [1024, 128], strides = [1, 1]} : vector<1024x512xf32> to vector<1024x128xf32>
    %mul3A_186 = arith.constant 5.000000e-01 : f32
    %mul3A_187 = vector.broadcast %mul3A_186 : f32 to vector<1024x128xf32>
    %mul3A_188 = arith.mulf %mul3A_187, %slice3A_185 : vector<1024x128xf32>
    %tanh3A_189 = math.tanh %mul3A_188 : vector<1024x128xf32>
    %mul3A_190 = arith.constant 5.000000e-01 : f32
    %mul3A_191 = vector.broadcast %mul3A_190 : f32 to vector<1024x128xf32>
    %mul3A_192 = arith.mulf %mul3A_191, %tanh3A_189 : vector<1024x128xf32>
    %add3A_193 = arith.constant 5.000000e-01 : f32
    %add3A_194 = vector.broadcast %add3A_193 : f32 to vector<1024x128xf32>
    %add3A_195 = arith.addf %mul3A_192, %add3A_194 : vector<1024x128xf32>
    %slice3A_196 = vector.extract_strided_slice %add3A_173 {offsets = [0, 256], sizes = [1024, 128], strides = [1, 1]} : vector<1024x512xf32> to vector<1024x128xf32>
    %tanh3A_197 = math.tanh %slice3A_196 : vector<1024x128xf32>
    %slice3A_198 = vector.extract_strided_slice %add3A_173 {offsets = [0, 384], sizes = [1024, 128], strides = [1, 1]} : vector<1024x512xf32> to vector<1024x128xf32>
    %mul3A_199 = arith.constant 5.000000e-01 : f32
    %mul3A_200 = vector.broadcast %mul3A_199 : f32 to vector<1024x128xf32>
    %mul3A_201 = arith.mulf %mul3A_200, %slice3A_198 : vector<1024x128xf32>
    %tanh3A_202 = math.tanh %mul3A_201 : vector<1024x128xf32>
    %mul3A_203 = arith.constant 5.000000e-01 : f32
    %mul3A_204 = vector.broadcast %mul3A_203 : f32 to vector<1024x128xf32>
    %mul3A_205 = arith.mulf %mul3A_204, %tanh3A_202 : vector<1024x128xf32>
    %add3A_206 = arith.constant 5.000000e-01 : f32
    %add3A_207 = vector.broadcast %add3A_206 : f32 to vector<1024x128xf32>
    %add3A_208 = arith.addf %mul3A_205, %add3A_207 : vector<1024x128xf32>
    %mul3A_209 = arith.mulf %add3A_195, %add3A_159 : vector<1024x128xf32>
    %mul3A_210 = arith.mulf %add3A_184, %tanh3A_197 : vector<1024x128xf32>
    %add3A_211 = arith.addf %mul3A_209, %mul3A_210 : vector<1024x128xf32>
    %tanh3A_212 = math.tanh %add3A_211 : vector<1024x128xf32>
    %mul3A_213 = arith.mulf %add3A_208, %tanh3A_212 : vector<1024x128xf32>
    %get3A_214 = arith.constant 4 : index
    %get3A_215 = arith.constant 0 : index
    %get3A_216 = arith.constant 0 : index
    %get3A_217 = vector.load %arg1[%get3A_214, %get3A_215, %get3A_216] : memref<16x1024x128xf32, #tpu.memory_space<vmem>>, vector<1x1024x128xf32>
    %get3A_218 = vector.shape_cast %get3A_217 : vector<1x1024x128xf32> to vector<1024x128xf32>
    %dot_general3A_219 = arith.constant dense<0.000000e+00> : vector<1024x512xf32>
    %dot_general3A_220 = tpu.matmul %get3A_218, %get3A_4, %dot_general3A_219 {dimension_numbers = #tpu.dot_dimension_numbers<[1], [0], [0], [1], [0, 0, 1, 1], [], []>, transpose_lhs_hint = false} : vector<1024x128xf32>, vector<128x512xf32>, vector<1024x512xf32> -> vector<1024x512xf32>
    %dot_general3A_221 = arith.constant dense<0.000000e+00> : vector<1024x512xf32>
    %dot_general3A_222 = tpu.matmul %mul3A_213, %get3A_7, %dot_general3A_221 {dimension_numbers = #tpu.dot_dimension_numbers<[1], [0], [0], [1], [0, 0, 1, 1], [], []>, transpose_lhs_hint = false} : vector<1024x128xf32>, vector<128x512xf32>, vector<1024x512xf32> -> vector<1024x512xf32>
    %add3A_223 = arith.addf %dot_general3A_220, %dot_general3A_222 : vector<1024x512xf32>
    %add3A_224 = vector.broadcast %get3A_10 : vector<1x512xf32> to vector<1024x512xf32>
    %add3A_225 = arith.addf %add3A_223, %add3A_224 : vector<1024x512xf32>
    %slice3A_226 = vector.extract_strided_slice %add3A_225 {offsets = [0, 0], sizes = [1024, 128], strides = [1, 1]} : vector<1024x512xf32> to vector<1024x128xf32>
    %mul3A_227 = arith.constant 5.000000e-01 : f32
    %mul3A_228 = vector.broadcast %mul3A_227 : f32 to vector<1024x128xf32>
    %mul3A_229 = arith.mulf %mul3A_228, %slice3A_226 : vector<1024x128xf32>
    %tanh3A_230 = math.tanh %mul3A_229 : vector<1024x128xf32>
    %mul3A_231 = arith.constant 5.000000e-01 : f32
    %mul3A_232 = vector.broadcast %mul3A_231 : f32 to vector<1024x128xf32>
    %mul3A_233 = arith.mulf %mul3A_232, %tanh3A_230 : vector<1024x128xf32>
    %add3A_234 = arith.constant 5.000000e-01 : f32
    %add3A_235 = vector.broadcast %add3A_234 : f32 to vector<1024x128xf32>
    %add3A_236 = arith.addf %mul3A_233, %add3A_235 : vector<1024x128xf32>
    %slice3A_237 = vector.extract_strided_slice %add3A_225 {offsets = [0, 128], sizes = [1024, 128], strides = [1, 1]} : vector<1024x512xf32> to vector<1024x128xf32>
    %mul3A_238 = arith.constant 5.000000e-01 : f32
    %mul3A_239 = vector.broadcast %mul3A_238 : f32 to vector<1024x128xf32>
    %mul3A_240 = arith.mulf %mul3A_239, %slice3A_237 : vector<1024x128xf32>
    %tanh3A_241 = math.tanh %mul3A_240 : vector<1024x128xf32>
    %mul3A_242 = arith.constant 5.000000e-01 : f32
    %mul3A_243 = vector.broadcast %mul3A_242 : f32 to vector<1024x128xf32>
    %mul3A_244 = arith.mulf %mul3A_243, %tanh3A_241 : vector<1024x128xf32>
    %add3A_245 = arith.constant 5.000000e-01 : f32
    %add3A_246 = vector.broadcast %add3A_245 : f32 to vector<1024x128xf32>
    %add3A_247 = arith.addf %mul3A_244, %add3A_246 : vector<1024x128xf32>
    %slice3A_248 = vector.extract_strided_slice %add3A_225 {offsets = [0, 256], sizes = [1024, 128], strides = [1, 1]} : vector<1024x512xf32> to vector<1024x128xf32>
    %tanh3A_249 = math.tanh %slice3A_248 : vector<1024x128xf32>
    %slice3A_250 = vector.extract_strided_slice %add3A_225 {offsets = [0, 384], sizes = [1024, 128], strides = [1, 1]} : vector<1024x512xf32> to vector<1024x128xf32>
    %mul3A_251 = arith.constant 5.000000e-01 : f32
    %mul3A_252 = vector.broadcast %mul3A_251 : f32 to vector<1024x128xf32>
    %mul3A_253 = arith.mulf %mul3A_252, %slice3A_250 : vector<1024x128xf32>
    %tanh3A_254 = math.tanh %mul3A_253 : vector<1024x128xf32>
    %mul3A_255 = arith.constant 5.000000e-01 : f32
    %mul3A_256 = vector.broadcast %mul3A_255 : f32 to vector<1024x128xf32>
    %mul3A_257 = arith.mulf %mul3A_256, %tanh3A_254 : vector<1024x128xf32>
    %add3A_258 = arith.constant 5.000000e-01 : f32
    %add3A_259 = vector.broadcast %add3A_258 : f32 to vector<1024x128xf32>
    %add3A_260 = arith.addf %mul3A_257, %add3A_259 : vector<1024x128xf32>
    %mul3A_261 = arith.mulf %add3A_247, %add3A_211 : vector<1024x128xf32>
    %mul3A_262 = arith.mulf %add3A_236, %tanh3A_249 : vector<1024x128xf32>
    %add3A_263 = arith.addf %mul3A_261, %mul3A_262 : vector<1024x128xf32>
    %tanh3A_264 = math.tanh %add3A_263 : vector<1024x128xf32>
    %mul3A_265 = arith.mulf %add3A_260, %tanh3A_264 : vector<1024x128xf32>
    %get3A_266 = arith.constant 5 : index
    %get3A_267 = arith.constant 0 : index
    %get3A_268 = arith.constant 0 : index
    %get3A_269 = vector.load %arg1[%get3A_266, %get3A_267, %get3A_268] : memref<16x1024x128xf32, #tpu.memory_space<vmem>>, vector<1x1024x128xf32>
    %get3A_270 = vector.shape_cast %get3A_269 : vector<1x1024x128xf32> to vector<1024x128xf32>
    %dot_general3A_271 = arith.constant dense<0.000000e+00> : vector<1024x512xf32>
    %dot_general3A_272 = tpu.matmul %get3A_270, %get3A_4, %dot_general3A_271 {dimension_numbers = #tpu.dot_dimension_numbers<[1], [0], [0], [1], [0, 0, 1, 1], [], []>, transpose_lhs_hint = false} : vector<1024x128xf32>, vector<128x512xf32>, vector<1024x512xf32> -> vector<1024x512xf32>
    %dot_general3A_273 = arith.constant dense<0.000000e+00> : vector<1024x512xf32>
    %dot_general3A_274 = tpu.matmul %mul3A_265, %get3A_7, %dot_general3A_273 {dimension_numbers = #tpu.dot_dimension_numbers<[1], [0], [0], [1], [0, 0, 1, 1], [], []>, transpose_lhs_hint = false} : vector<1024x128xf32>, vector<128x512xf32>, vector<1024x512xf32> -> vector<1024x512xf32>
    %add3A_275 = arith.addf %dot_general3A_272, %dot_general3A_274 : vector<1024x512xf32>
    %add3A_276 = vector.broadcast %get3A_10 : vector<1x512xf32> to vector<1024x512xf32>
    %add3A_277 = arith.addf %add3A_275, %add3A_276 : vector<1024x512xf32>
    %slice3A_278 = vector.extract_strided_slice %add3A_277 {offsets = [0, 0], sizes = [1024, 128], strides = [1, 1]} : vector<1024x512xf32> to vector<1024x128xf32>
    %mul3A_279 = arith.constant 5.000000e-01 : f32
    %mul3A_280 = vector.broadcast %mul3A_279 : f32 to vector<1024x128xf32>
    %mul3A_281 = arith.mulf %mul3A_280, %slice3A_278 : vector<1024x128xf32>
    %tanh3A_282 = math.tanh %mul3A_281 : vector<1024x128xf32>
    %mul3A_283 = arith.constant 5.000000e-01 : f32
    %mul3A_284 = vector.broadcast %mul3A_283 : f32 to vector<1024x128xf32>
    %mul3A_285 = arith.mulf %mul3A_284, %tanh3A_282 : vector<1024x128xf32>
    %add3A_286 = arith.constant 5.000000e-01 : f32
    %add3A_287 = vector.broadcast %add3A_286 : f32 to vector<1024x128xf32>
    %add3A_288 = arith.addf %mul3A_285, %add3A_287 : vector<1024x128xf32>
    %slice3A_289 = vector.extract_strided_slice %add3A_277 {offsets = [0, 128], sizes = [1024, 128], strides = [1, 1]} : vector<1024x512xf32> to vector<1024x128xf32>
    %mul3A_290 = arith.constant 5.000000e-01 : f32
    %mul3A_291 = vector.broadcast %mul3A_290 : f32 to vector<1024x128xf32>
    %mul3A_292 = arith.mulf %mul3A_291, %slice3A_289 : vector<1024x128xf32>
    %tanh3A_293 = math.tanh %mul3A_292 : vector<1024x128xf32>
    %mul3A_294 = arith.constant 5.000000e-01 : f32
    %mul3A_295 = vector.broadcast %mul3A_294 : f32 to vector<1024x128xf32>
    %mul3A_296 = arith.mulf %mul3A_295, %tanh3A_293 : vector<1024x128xf32>
    %add3A_297 = arith.constant 5.000000e-01 : f32
    %add3A_298 = vector.broadcast %add3A_297 : f32 to vector<1024x128xf32>
    %add3A_299 = arith.addf %mul3A_296, %add3A_298 : vector<1024x128xf32>
    %slice3A_300 = vector.extract_strided_slice %add3A_277 {offsets = [0, 256], sizes = [1024, 128], strides = [1, 1]} : vector<1024x512xf32> to vector<1024x128xf32>
    %tanh3A_301 = math.tanh %slice3A_300 : vector<1024x128xf32>
    %slice3A_302 = vector.extract_strided_slice %add3A_277 {offsets = [0, 384], sizes = [1024, 128], strides = [1, 1]} : vector<1024x512xf32> to vector<1024x128xf32>
    %mul3A_303 = arith.constant 5.000000e-01 : f32
    %mul3A_304 = vector.broadcast %mul3A_303 : f32 to vector<1024x128xf32>
    %mul3A_305 = arith.mulf %mul3A_304, %slice3A_302 : vector<1024x128xf32>
    %tanh3A_306 = math.tanh %mul3A_305 : vector<1024x128xf32>
    %mul3A_307 = arith.constant 5.000000e-01 : f32
    %mul3A_308 = vector.broadcast %mul3A_307 : f32 to vector<1024x128xf32>
    %mul3A_309 = arith.mulf %mul3A_308, %tanh3A_306 : vector<1024x128xf32>
    %add3A_310 = arith.constant 5.000000e-01 : f32
    %add3A_311 = vector.broadcast %add3A_310 : f32 to vector<1024x128xf32>
    %add3A_312 = arith.addf %mul3A_309, %add3A_311 : vector<1024x128xf32>
    %mul3A_313 = arith.mulf %add3A_299, %add3A_263 : vector<1024x128xf32>
    %mul3A_314 = arith.mulf %add3A_288, %tanh3A_301 : vector<1024x128xf32>
    %add3A_315 = arith.addf %mul3A_313, %mul3A_314 : vector<1024x128xf32>
    %tanh3A_316 = math.tanh %add3A_315 : vector<1024x128xf32>
    %mul3A_317 = arith.mulf %add3A_312, %tanh3A_316 : vector<1024x128xf32>
    %get3A_318 = arith.constant 6 : index
    %get3A_319 = arith.constant 0 : index
    %get3A_320 = arith.constant 0 : index
    %get3A_321 = vector.load %arg1[%get3A_318, %get3A_319, %get3A_320] : memref<16x1024x128xf32, #tpu.memory_space<vmem>>, vector<1x1024x128xf32>
    %get3A_322 = vector.shape_cast %get3A_321 : vector<1x1024x128xf32> to vector<1024x128xf32>
    %dot_general3A_323 = arith.constant dense<0.000000e+00> : vector<1024x512xf32>
    %dot_general3A_324 = tpu.matmul %get3A_322, %get3A_4, %dot_general3A_323 {dimension_numbers = #tpu.dot_dimension_numbers<[1], [0], [0], [1], [0, 0, 1, 1], [], []>, transpose_lhs_hint = false} : vector<1024x128xf32>, vector<128x512xf32>, vector<1024x512xf32> -> vector<1024x512xf32>
    %dot_general3A_325 = arith.constant dense<0.000000e+00> : vector<1024x512xf32>
    %dot_general3A_326 = tpu.matmul %mul3A_317, %get3A_7, %dot_general3A_325 {dimension_numbers = #tpu.dot_dimension_numbers<[1], [0], [0], [1], [0, 0, 1, 1], [], []>, transpose_lhs_hint = false} : vector<1024x128xf32>, vector<128x512xf32>, vector<1024x512xf32> -> vector<1024x512xf32>
    %add3A_327 = arith.addf %dot_general3A_324, %dot_general3A_326 : vector<1024x512xf32>
    %add3A_328 = vector.broadcast %get3A_10 : vector<1x512xf32> to vector<1024x512xf32>
    %add3A_329 = arith.addf %add3A_327, %add3A_328 : vector<1024x512xf32>
    %slice3A_330 = vector.extract_strided_slice %add3A_329 {offsets = [0, 0], sizes = [1024, 128], strides = [1, 1]} : vector<1024x512xf32> to vector<1024x128xf32>
    %mul3A_331 = arith.constant 5.000000e-01 : f32
    %mul3A_332 = vector.broadcast %mul3A_331 : f32 to vector<1024x128xf32>
    %mul3A_333 = arith.mulf %mul3A_332, %slice3A_330 : vector<1024x128xf32>
    %tanh3A_334 = math.tanh %mul3A_333 : vector<1024x128xf32>
    %mul3A_335 = arith.constant 5.000000e-01 : f32
    %mul3A_336 = vector.broadcast %mul3A_335 : f32 to vector<1024x128xf32>
    %mul3A_337 = arith.mulf %mul3A_336, %tanh3A_334 : vector<1024x128xf32>
    %add3A_338 = arith.constant 5.000000e-01 : f32
    %add3A_339 = vector.broadcast %add3A_338 : f32 to vector<1024x128xf32>
    %add3A_340 = arith.addf %mul3A_337, %add3A_339 : vector<1024x128xf32>
    %slice3A_341 = vector.extract_strided_slice %add3A_329 {offsets = [0, 128], sizes = [1024, 128], strides = [1, 1]} : vector<1024x512xf32> to vector<1024x128xf32>
    %mul3A_342 = arith.constant 5.000000e-01 : f32
    %mul3A_343 = vector.broadcast %mul3A_342 : f32 to vector<1024x128xf32>
    %mul3A_344 = arith.mulf %mul3A_343, %slice3A_341 : vector<1024x128xf32>
    %tanh3A_345 = math.tanh %mul3A_344 : vector<1024x128xf32>
    %mul3A_346 = arith.constant 5.000000e-01 : f32
    %mul3A_347 = vector.broadcast %mul3A_346 : f32 to vector<1024x128xf32>
    %mul3A_348 = arith.mulf %mul3A_347, %tanh3A_345 : vector<1024x128xf32>
    %add3A_349 = arith.constant 5.000000e-01 : f32
    %add3A_350 = vector.broadcast %add3A_349 : f32 to vector<1024x128xf32>
    %add3A_351 = arith.addf %mul3A_348, %add3A_350 : vector<1024x128xf32>
    %slice3A_352 = vector.extract_strided_slice %add3A_329 {offsets = [0, 256], sizes = [1024, 128], strides = [1, 1]} : vector<1024x512xf32> to vector<1024x128xf32>
    %tanh3A_353 = math.tanh %slice3A_352 : vector<1024x128xf32>
    %slice3A_354 = vector.extract_strided_slice %add3A_329 {offsets = [0, 384], sizes = [1024, 128], strides = [1, 1]} : vector<1024x512xf32> to vector<1024x128xf32>
    %mul3A_355 = arith.constant 5.000000e-01 : f32
    %mul3A_356 = vector.broadcast %mul3A_355 : f32 to vector<1024x128xf32>
    %mul3A_357 = arith.mulf %mul3A_356, %slice3A_354 : vector<1024x128xf32>
    %tanh3A_358 = math.tanh %mul3A_357 : vector<1024x128xf32>
    %mul3A_359 = arith.constant 5.000000e-01 : f32
    %mul3A_360 = vector.broadcast %mul3A_359 : f32 to vector<1024x128xf32>
    %mul3A_361 = arith.mulf %mul3A_360, %tanh3A_358 : vector<1024x128xf32>
    %add3A_362 = arith.constant 5.000000e-01 : f32
    %add3A_363 = vector.broadcast %add3A_362 : f32 to vector<1024x128xf32>
    %add3A_364 = arith.addf %mul3A_361, %add3A_363 : vector<1024x128xf32>
    %mul3A_365 = arith.mulf %add3A_351, %add3A_315 : vector<1024x128xf32>
    %mul3A_366 = arith.mulf %add3A_340, %tanh3A_353 : vector<1024x128xf32>
    %add3A_367 = arith.addf %mul3A_365, %mul3A_366 : vector<1024x128xf32>
    %tanh3A_368 = math.tanh %add3A_367 : vector<1024x128xf32>
    %mul3A_369 = arith.mulf %add3A_364, %tanh3A_368 : vector<1024x128xf32>
    %get3A_370 = arith.constant 7 : index
    %get3A_371 = arith.constant 0 : index
    %get3A_372 = arith.constant 0 : index
    %get3A_373 = vector.load %arg1[%get3A_370, %get3A_371, %get3A_372] : memref<16x1024x128xf32, #tpu.memory_space<vmem>>, vector<1x1024x128xf32>
    %get3A_374 = vector.shape_cast %get3A_373 : vector<1x1024x128xf32> to vector<1024x128xf32>
    %dot_general3A_375 = arith.constant dense<0.000000e+00> : vector<1024x512xf32>
    %dot_general3A_376 = tpu.matmul %get3A_374, %get3A_4, %dot_general3A_375 {dimension_numbers = #tpu.dot_dimension_numbers<[1], [0], [0], [1], [0, 0, 1, 1], [], []>, transpose_lhs_hint = false} : vector<1024x128xf32>, vector<128x512xf32>, vector<1024x512xf32> -> vector<1024x512xf32>
    %dot_general3A_377 = arith.constant dense<0.000000e+00> : vector<1024x512xf32>
    %dot_general3A_378 = tpu.matmul %mul3A_369, %get3A_7, %dot_general3A_377 {dimension_numbers = #tpu.dot_dimension_numbers<[1], [0], [0], [1], [0, 0, 1, 1], [], []>, transpose_lhs_hint = false} : vector<1024x128xf32>, vector<128x512xf32>, vector<1024x512xf32> -> vector<1024x512xf32>
    %add3A_379 = arith.addf %dot_general3A_376, %dot_general3A_378 : vector<1024x512xf32>
    %add3A_380 = vector.broadcast %get3A_10 : vector<1x512xf32> to vector<1024x512xf32>
    %add3A_381 = arith.addf %add3A_379, %add3A_380 : vector<1024x512xf32>
    %slice3A_382 = vector.extract_strided_slice %add3A_381 {offsets = [0, 0], sizes = [1024, 128], strides = [1, 1]} : vector<1024x512xf32> to vector<1024x128xf32>
    %mul3A_383 = arith.constant 5.000000e-01 : f32
    %mul3A_384 = vector.broadcast %mul3A_383 : f32 to vector<1024x128xf32>
    %mul3A_385 = arith.mulf %mul3A_384, %slice3A_382 : vector<1024x128xf32>
    %tanh3A_386 = math.tanh %mul3A_385 : vector<1024x128xf32>
    %mul3A_387 = arith.constant 5.000000e-01 : f32
    %mul3A_388 = vector.broadcast %mul3A_387 : f32 to vector<1024x128xf32>
    %mul3A_389 = arith.mulf %mul3A_388, %tanh3A_386 : vector<1024x128xf32>
    %add3A_390 = arith.constant 5.000000e-01 : f32
    %add3A_391 = vector.broadcast %add3A_390 : f32 to vector<1024x128xf32>
    %add3A_392 = arith.addf %mul3A_389, %add3A_391 : vector<1024x128xf32>
    %slice3A_393 = vector.extract_strided_slice %add3A_381 {offsets = [0, 128], sizes = [1024, 128], strides = [1, 1]} : vector<1024x512xf32> to vector<1024x128xf32>
    %mul3A_394 = arith.constant 5.000000e-01 : f32
    %mul3A_395 = vector.broadcast %mul3A_394 : f32 to vector<1024x128xf32>
    %mul3A_396 = arith.mulf %mul3A_395, %slice3A_393 : vector<1024x128xf32>
    %tanh3A_397 = math.tanh %mul3A_396 : vector<1024x128xf32>
    %mul3A_398 = arith.constant 5.000000e-01 : f32
    %mul3A_399 = vector.broadcast %mul3A_398 : f32 to vector<1024x128xf32>
    %mul3A_400 = arith.mulf %mul3A_399, %tanh3A_397 : vector<1024x128xf32>
    %add3A_401 = arith.constant 5.000000e-01 : f32
    %add3A_402 = vector.broadcast %add3A_401 : f32 to vector<1024x128xf32>
    %add3A_403 = arith.addf %mul3A_400, %add3A_402 : vector<1024x128xf32>
    %slice3A_404 = vector.extract_strided_slice %add3A_381 {offsets = [0, 256], sizes = [1024, 128], strides = [1, 1]} : vector<1024x512xf32> to vector<1024x128xf32>
    %tanh3A_405 = math.tanh %slice3A_404 : vector<1024x128xf32>
    %slice3A_406 = vector.extract_strided_slice %add3A_381 {offsets = [0, 384], sizes = [1024, 128], strides = [1, 1]} : vector<1024x512xf32> to vector<1024x128xf32>
    %mul3A_407 = arith.constant 5.000000e-01 : f32
    %mul3A_408 = vector.broadcast %mul3A_407 : f32 to vector<1024x128xf32>
    %mul3A_409 = arith.mulf %mul3A_408, %slice3A_406 : vector<1024x128xf32>
    %tanh3A_410 = math.tanh %mul3A_409 : vector<1024x128xf32>
    %mul3A_411 = arith.constant 5.000000e-01 : f32
    %mul3A_412 = vector.broadcast %mul3A_411 : f32 to vector<1024x128xf32>
    %mul3A_413 = arith.mulf %mul3A_412, %tanh3A_410 : vector<1024x128xf32>
    %add3A_414 = arith.constant 5.000000e-01 : f32
    %add3A_415 = vector.broadcast %add3A_414 : f32 to vector<1024x128xf32>
    %add3A_416 = arith.addf %mul3A_413, %add3A_415 : vector<1024x128xf32>
    %mul3A_417 = arith.mulf %add3A_403, %add3A_367 : vector<1024x128xf32>
    %mul3A_418 = arith.mulf %add3A_392, %tanh3A_405 : vector<1024x128xf32>
    %add3A_419 = arith.addf %mul3A_417, %mul3A_418 : vector<1024x128xf32>
    %tanh3A_420 = math.tanh %add3A_419 : vector<1024x128xf32>
    %mul3A_421 = arith.mulf %add3A_416, %tanh3A_420 : vector<1024x128xf32>
    %get3A_422 = arith.constant 8 : index
    %get3A_423 = arith.constant 0 : index
    %get3A_424 = arith.constant 0 : index
    %get3A_425 = vector.load %arg1[%get3A_422, %get3A_423, %get3A_424] : memref<16x1024x128xf32, #tpu.memory_space<vmem>>, vector<1x1024x128xf32>
    %get3A_426 = vector.shape_cast %get3A_425 : vector<1x1024x128xf32> to vector<1024x128xf32>
    %dot_general3A_427 = arith.constant dense<0.000000e+00> : vector<1024x512xf32>
    %dot_general3A_428 = tpu.matmul %get3A_426, %get3A_4, %dot_general3A_427 {dimension_numbers = #tpu.dot_dimension_numbers<[1], [0], [0], [1], [0, 0, 1, 1], [], []>, transpose_lhs_hint = false} : vector<1024x128xf32>, vector<128x512xf32>, vector<1024x512xf32> -> vector<1024x512xf32>
    %dot_general3A_429 = arith.constant dense<0.000000e+00> : vector<1024x512xf32>
    %dot_general3A_430 = tpu.matmul %mul3A_421, %get3A_7, %dot_general3A_429 {dimension_numbers = #tpu.dot_dimension_numbers<[1], [0], [0], [1], [0, 0, 1, 1], [], []>, transpose_lhs_hint = false} : vector<1024x128xf32>, vector<128x512xf32>, vector<1024x512xf32> -> vector<1024x512xf32>
    %add3A_431 = arith.addf %dot_general3A_428, %dot_general3A_430 : vector<1024x512xf32>
    %add3A_432 = vector.broadcast %get3A_10 : vector<1x512xf32> to vector<1024x512xf32>
    %add3A_433 = arith.addf %add3A_431, %add3A_432 : vector<1024x512xf32>
    %slice3A_434 = vector.extract_strided_slice %add3A_433 {offsets = [0, 0], sizes = [1024, 128], strides = [1, 1]} : vector<1024x512xf32> to vector<1024x128xf32>
    %mul3A_435 = arith.constant 5.000000e-01 : f32
    %mul3A_436 = vector.broadcast %mul3A_435 : f32 to vector<1024x128xf32>
    %mul3A_437 = arith.mulf %mul3A_436, %slice3A_434 : vector<1024x128xf32>
    %tanh3A_438 = math.tanh %mul3A_437 : vector<1024x128xf32>
    %mul3A_439 = arith.constant 5.000000e-01 : f32
    %mul3A_440 = vector.broadcast %mul3A_439 : f32 to vector<1024x128xf32>
    %mul3A_441 = arith.mulf %mul3A_440, %tanh3A_438 : vector<1024x128xf32>
    %add3A_442 = arith.constant 5.000000e-01 : f32
    %add3A_443 = vector.broadcast %add3A_442 : f32 to vector<1024x128xf32>
    %add3A_444 = arith.addf %mul3A_441, %add3A_443 : vector<1024x128xf32>
    %slice3A_445 = vector.extract_strided_slice %add3A_433 {offsets = [0, 128], sizes = [1024, 128], strides = [1, 1]} : vector<1024x512xf32> to vector<1024x128xf32>
    %mul3A_446 = arith.constant 5.000000e-01 : f32
    %mul3A_447 = vector.broadcast %mul3A_446 : f32 to vector<1024x128xf32>
    %mul3A_448 = arith.mulf %mul3A_447, %slice3A_445 : vector<1024x128xf32>
    %tanh3A_449 = math.tanh %mul3A_448 : vector<1024x128xf32>
    %mul3A_450 = arith.constant 5.000000e-01 : f32
    %mul3A_451 = vector.broadcast %mul3A_450 : f32 to vector<1024x128xf32>
    %mul3A_452 = arith.mulf %mul3A_451, %tanh3A_449 : vector<1024x128xf32>
    %add3A_453 = arith.constant 5.000000e-01 : f32
    %add3A_454 = vector.broadcast %add3A_453 : f32 to vector<1024x128xf32>
    %add3A_455 = arith.addf %mul3A_452, %add3A_454 : vector<1024x128xf32>
    %slice3A_456 = vector.extract_strided_slice %add3A_433 {offsets = [0, 256], sizes = [1024, 128], strides = [1, 1]} : vector<1024x512xf32> to vector<1024x128xf32>
    %tanh3A_457 = math.tanh %slice3A_456 : vector<1024x128xf32>
    %slice3A_458 = vector.extract_strided_slice %add3A_433 {offsets = [0, 384], sizes = [1024, 128], strides = [1, 1]} : vector<1024x512xf32> to vector<1024x128xf32>
    %mul3A_459 = arith.constant 5.000000e-01 : f32
    %mul3A_460 = vector.broadcast %mul3A_459 : f32 to vector<1024x128xf32>
    %mul3A_461 = arith.mulf %mul3A_460, %slice3A_458 : vector<1024x128xf32>
    %tanh3A_462 = math.tanh %mul3A_461 : vector<1024x128xf32>
    %mul3A_463 = arith.constant 5.000000e-01 : f32
    %mul3A_464 = vector.broadcast %mul3A_463 : f32 to vector<1024x128xf32>
    %mul3A_465 = arith.mulf %mul3A_464, %tanh3A_462 : vector<1024x128xf32>
    %add3A_466 = arith.constant 5.000000e-01 : f32
    %add3A_467 = vector.broadcast %add3A_466 : f32 to vector<1024x128xf32>
    %add3A_468 = arith.addf %mul3A_465, %add3A_467 : vector<1024x128xf32>
    %mul3A_469 = arith.mulf %add3A_455, %add3A_419 : vector<1024x128xf32>
    %mul3A_470 = arith.mulf %add3A_444, %tanh3A_457 : vector<1024x128xf32>
    %add3A_471 = arith.addf %mul3A_469, %mul3A_470 : vector<1024x128xf32>
    %tanh3A_472 = math.tanh %add3A_471 : vector<1024x128xf32>
    %mul3A_473 = arith.mulf %add3A_468, %tanh3A_472 : vector<1024x128xf32>
    %get3A_474 = arith.constant 9 : index
    %get3A_475 = arith.constant 0 : index
    %get3A_476 = arith.constant 0 : index
    %get3A_477 = vector.load %arg1[%get3A_474, %get3A_475, %get3A_476] : memref<16x1024x128xf32, #tpu.memory_space<vmem>>, vector<1x1024x128xf32>
    %get3A_478 = vector.shape_cast %get3A_477 : vector<1x1024x128xf32> to vector<1024x128xf32>
    %dot_general3A_479 = arith.constant dense<0.000000e+00> : vector<1024x512xf32>
    %dot_general3A_480 = tpu.matmul %get3A_478, %get3A_4, %dot_general3A_479 {dimension_numbers = #tpu.dot_dimension_numbers<[1], [0], [0], [1], [0, 0, 1, 1], [], []>, transpose_lhs_hint = false} : vector<1024x128xf32>, vector<128x512xf32>, vector<1024x512xf32> -> vector<1024x512xf32>
    %dot_general3A_481 = arith.constant dense<0.000000e+00> : vector<1024x512xf32>
    %dot_general3A_482 = tpu.matmul %mul3A_473, %get3A_7, %dot_general3A_481 {dimension_numbers = #tpu.dot_dimension_numbers<[1], [0], [0], [1], [0, 0, 1, 1], [], []>, transpose_lhs_hint = false} : vector<1024x128xf32>, vector<128x512xf32>, vector<1024x512xf32> -> vector<1024x512xf32>
    %add3A_483 = arith.addf %dot_general3A_480, %dot_general3A_482 : vector<1024x512xf32>
    %add3A_484 = vector.broadcast %get3A_10 : vector<1x512xf32> to vector<1024x512xf32>
    %add3A_485 = arith.addf %add3A_483, %add3A_484 : vector<1024x512xf32>
    %slice3A_486 = vector.extract_strided_slice %add3A_485 {offsets = [0, 0], sizes = [1024, 128], strides = [1, 1]} : vector<1024x512xf32> to vector<1024x128xf32>
    %mul3A_487 = arith.constant 5.000000e-01 : f32
    %mul3A_488 = vector.broadcast %mul3A_487 : f32 to vector<1024x128xf32>
    %mul3A_489 = arith.mulf %mul3A_488, %slice3A_486 : vector<1024x128xf32>
    %tanh3A_490 = math.tanh %mul3A_489 : vector<1024x128xf32>
    %mul3A_491 = arith.constant 5.000000e-01 : f32
    %mul3A_492 = vector.broadcast %mul3A_491 : f32 to vector<1024x128xf32>
    %mul3A_493 = arith.mulf %mul3A_492, %tanh3A_490 : vector<1024x128xf32>
    %add3A_494 = arith.constant 5.000000e-01 : f32
    %add3A_495 = vector.broadcast %add3A_494 : f32 to vector<1024x128xf32>
    %add3A_496 = arith.addf %mul3A_493, %add3A_495 : vector<1024x128xf32>
    %slice3A_497 = vector.extract_strided_slice %add3A_485 {offsets = [0, 128], sizes = [1024, 128], strides = [1, 1]} : vector<1024x512xf32> to vector<1024x128xf32>
    %mul3A_498 = arith.constant 5.000000e-01 : f32
    %mul3A_499 = vector.broadcast %mul3A_498 : f32 to vector<1024x128xf32>
    %mul3A_500 = arith.mulf %mul3A_499, %slice3A_497 : vector<1024x128xf32>
    %tanh3A_501 = math.tanh %mul3A_500 : vector<1024x128xf32>
    %mul3A_502 = arith.constant 5.000000e-01 : f32
    %mul3A_503 = vector.broadcast %mul3A_502 : f32 to vector<1024x128xf32>
    %mul3A_504 = arith.mulf %mul3A_503, %tanh3A_501 : vector<1024x128xf32>
    %add3A_505 = arith.constant 5.000000e-01 : f32
    %add3A_506 = vector.broadcast %add3A_505 : f32 to vector<1024x128xf32>
    %add3A_507 = arith.addf %mul3A_504, %add3A_506 : vector<1024x128xf32>
    %slice3A_508 = vector.extract_strided_slice %add3A_485 {offsets = [0, 256], sizes = [1024, 128], strides = [1, 1]} : vector<1024x512xf32> to vector<1024x128xf32>
    %tanh3A_509 = math.tanh %slice3A_508 : vector<1024x128xf32>
    %slice3A_510 = vector.extract_strided_slice %add3A_485 {offsets = [0, 384], sizes = [1024, 128], strides = [1, 1]} : vector<1024x512xf32> to vector<1024x128xf32>
    %mul3A_511 = arith.constant 5.000000e-01 : f32
    %mul3A_512 = vector.broadcast %mul3A_511 : f32 to vector<1024x128xf32>
    %mul3A_513 = arith.mulf %mul3A_512, %slice3A_510 : vector<1024x128xf32>
    %tanh3A_514 = math.tanh %mul3A_513 : vector<1024x128xf32>
    %mul3A_515 = arith.constant 5.000000e-01 : f32
    %mul3A_516 = vector.broadcast %mul3A_515 : f32 to vector<1024x128xf32>
    %mul3A_517 = arith.mulf %mul3A_516, %tanh3A_514 : vector<1024x128xf32>
    %add3A_518 = arith.constant 5.000000e-01 : f32
    %add3A_519 = vector.broadcast %add3A_518 : f32 to vector<1024x128xf32>
    %add3A_520 = arith.addf %mul3A_517, %add3A_519 : vector<1024x128xf32>
    %mul3A_521 = arith.mulf %add3A_507, %add3A_471 : vector<1024x128xf32>
    %mul3A_522 = arith.mulf %add3A_496, %tanh3A_509 : vector<1024x128xf32>
    %add3A_523 = arith.addf %mul3A_521, %mul3A_522 : vector<1024x128xf32>
    %tanh3A_524 = math.tanh %add3A_523 : vector<1024x128xf32>
    %mul3A_525 = arith.mulf %add3A_520, %tanh3A_524 : vector<1024x128xf32>
    %get3A_526 = arith.constant 10 : index
    %get3A_527 = arith.constant 0 : index
    %get3A_528 = arith.constant 0 : index
    %get3A_529 = vector.load %arg1[%get3A_526, %get3A_527, %get3A_528] : memref<16x1024x128xf32, #tpu.memory_space<vmem>>, vector<1x1024x128xf32>
    %get3A_530 = vector.shape_cast %get3A_529 : vector<1x1024x128xf32> to vector<1024x128xf32>
    %dot_general3A_531 = arith.constant dense<0.000000e+00> : vector<1024x512xf32>
    %dot_general3A_532 = tpu.matmul %get3A_530, %get3A_4, %dot_general3A_531 {dimension_numbers = #tpu.dot_dimension_numbers<[1], [0], [0], [1], [0, 0, 1, 1], [], []>, transpose_lhs_hint = false} : vector<1024x128xf32>, vector<128x512xf32>, vector<1024x512xf32> -> vector<1024x512xf32>
    %dot_general3A_533 = arith.constant dense<0.000000e+00> : vector<1024x512xf32>
    %dot_general3A_534 = tpu.matmul %mul3A_525, %get3A_7, %dot_general3A_533 {dimension_numbers = #tpu.dot_dimension_numbers<[1], [0], [0], [1], [0, 0, 1, 1], [], []>, transpose_lhs_hint = false} : vector<1024x128xf32>, vector<128x512xf32>, vector<1024x512xf32> -> vector<1024x512xf32>
    %add3A_535 = arith.addf %dot_general3A_532, %dot_general3A_534 : vector<1024x512xf32>
    %add3A_536 = vector.broadcast %get3A_10 : vector<1x512xf32> to vector<1024x512xf32>
    %add3A_537 = arith.addf %add3A_535, %add3A_536 : vector<1024x512xf32>
    %slice3A_538 = vector.extract_strided_slice %add3A_537 {offsets = [0, 0], sizes = [1024, 128], strides = [1, 1]} : vector<1024x512xf32> to vector<1024x128xf32>
    %mul3A_539 = arith.constant 5.000000e-01 : f32
    %mul3A_540 = vector.broadcast %mul3A_539 : f32 to vector<1024x128xf32>
    %mul3A_541 = arith.mulf %mul3A_540, %slice3A_538 : vector<1024x128xf32>
    %tanh3A_542 = math.tanh %mul3A_541 : vector<1024x128xf32>
    %mul3A_543 = arith.constant 5.000000e-01 : f32
    %mul3A_544 = vector.broadcast %mul3A_543 : f32 to vector<1024x128xf32>
    %mul3A_545 = arith.mulf %mul3A_544, %tanh3A_542 : vector<1024x128xf32>
    %add3A_546 = arith.constant 5.000000e-01 : f32
    %add3A_547 = vector.broadcast %add3A_546 : f32 to vector<1024x128xf32>
    %add3A_548 = arith.addf %mul3A_545, %add3A_547 : vector<1024x128xf32>
    %slice3A_549 = vector.extract_strided_slice %add3A_537 {offsets = [0, 128], sizes = [1024, 128], strides = [1, 1]} : vector<1024x512xf32> to vector<1024x128xf32>
    %mul3A_550 = arith.constant 5.000000e-01 : f32
    %mul3A_551 = vector.broadcast %mul3A_550 : f32 to vector<1024x128xf32>
    %mul3A_552 = arith.mulf %mul3A_551, %slice3A_549 : vector<1024x128xf32>
    %tanh3A_553 = math.tanh %mul3A_552 : vector<1024x128xf32>
    %mul3A_554 = arith.constant 5.000000e-01 : f32
    %mul3A_555 = vector.broadcast %mul3A_554 : f32 to vector<1024x128xf32>
    %mul3A_556 = arith.mulf %mul3A_555, %tanh3A_553 : vector<1024x128xf32>
    %add3A_557 = arith.constant 5.000000e-01 : f32
    %add3A_558 = vector.broadcast %add3A_557 : f32 to vector<1024x128xf32>
    %add3A_559 = arith.addf %mul3A_556, %add3A_558 : vector<1024x128xf32>
    %slice3A_560 = vector.extract_strided_slice %add3A_537 {offsets = [0, 256], sizes = [1024, 128], strides = [1, 1]} : vector<1024x512xf32> to vector<1024x128xf32>
    %tanh3A_561 = math.tanh %slice3A_560 : vector<1024x128xf32>
    %slice3A_562 = vector.extract_strided_slice %add3A_537 {offsets = [0, 384], sizes = [1024, 128], strides = [1, 1]} : vector<1024x512xf32> to vector<1024x128xf32>
    %mul3A_563 = arith.constant 5.000000e-01 : f32
    %mul3A_564 = vector.broadcast %mul3A_563 : f32 to vector<1024x128xf32>
    %mul3A_565 = arith.mulf %mul3A_564, %slice3A_562 : vector<1024x128xf32>
    %tanh3A_566 = math.tanh %mul3A_565 : vector<1024x128xf32>
    %mul3A_567 = arith.constant 5.000000e-01 : f32
    %mul3A_568 = vector.broadcast %mul3A_567 : f32 to vector<1024x128xf32>
    %mul3A_569 = arith.mulf %mul3A_568, %tanh3A_566 : vector<1024x128xf32>
    %add3A_570 = arith.constant 5.000000e-01 : f32
    %add3A_571 = vector.broadcast %add3A_570 : f32 to vector<1024x128xf32>
    %add3A_572 = arith.addf %mul3A_569, %add3A_571 : vector<1024x128xf32>
    %mul3A_573 = arith.mulf %add3A_559, %add3A_523 : vector<1024x128xf32>
    %mul3A_574 = arith.mulf %add3A_548, %tanh3A_561 : vector<1024x128xf32>
    %add3A_575 = arith.addf %mul3A_573, %mul3A_574 : vector<1024x128xf32>
    %tanh3A_576 = math.tanh %add3A_575 : vector<1024x128xf32>
    %mul3A_577 = arith.mulf %add3A_572, %tanh3A_576 : vector<1024x128xf32>
    %get3A_578 = arith.constant 11 : index
    %get3A_579 = arith.constant 0 : index
    %get3A_580 = arith.constant 0 : index
    %get3A_581 = vector.load %arg1[%get3A_578, %get3A_579, %get3A_580] : memref<16x1024x128xf32, #tpu.memory_space<vmem>>, vector<1x1024x128xf32>
    %get3A_582 = vector.shape_cast %get3A_581 : vector<1x1024x128xf32> to vector<1024x128xf32>
    %dot_general3A_583 = arith.constant dense<0.000000e+00> : vector<1024x512xf32>
    %dot_general3A_584 = tpu.matmul %get3A_582, %get3A_4, %dot_general3A_583 {dimension_numbers = #tpu.dot_dimension_numbers<[1], [0], [0], [1], [0, 0, 1, 1], [], []>, transpose_lhs_hint = false} : vector<1024x128xf32>, vector<128x512xf32>, vector<1024x512xf32> -> vector<1024x512xf32>
    %dot_general3A_585 = arith.constant dense<0.000000e+00> : vector<1024x512xf32>
    %dot_general3A_586 = tpu.matmul %mul3A_577, %get3A_7, %dot_general3A_585 {dimension_numbers = #tpu.dot_dimension_numbers<[1], [0], [0], [1], [0, 0, 1, 1], [], []>, transpose_lhs_hint = false} : vector<1024x128xf32>, vector<128x512xf32>, vector<1024x512xf32> -> vector<1024x512xf32>
    %add3A_587 = arith.addf %dot_general3A_584, %dot_general3A_586 : vector<1024x512xf32>
    %add3A_588 = vector.broadcast %get3A_10 : vector<1x512xf32> to vector<1024x512xf32>
    %add3A_589 = arith.addf %add3A_587, %add3A_588 : vector<1024x512xf32>
    %slice3A_590 = vector.extract_strided_slice %add3A_589 {offsets = [0, 0], sizes = [1024, 128], strides = [1, 1]} : vector<1024x512xf32> to vector<1024x128xf32>
    %mul3A_591 = arith.constant 5.000000e-01 : f32
    %mul3A_592 = vector.broadcast %mul3A_591 : f32 to vector<1024x128xf32>
    %mul3A_593 = arith.mulf %mul3A_592, %slice3A_590 : vector<1024x128xf32>
    %tanh3A_594 = math.tanh %mul3A_593 : vector<1024x128xf32>
    %mul3A_595 = arith.constant 5.000000e-01 : f32
    %mul3A_596 = vector.broadcast %mul3A_595 : f32 to vector<1024x128xf32>
    %mul3A_597 = arith.mulf %mul3A_596, %tanh3A_594 : vector<1024x128xf32>
    %add3A_598 = arith.constant 5.000000e-01 : f32
    %add3A_599 = vector.broadcast %add3A_598 : f32 to vector<1024x128xf32>
    %add3A_600 = arith.addf %mul3A_597, %add3A_599 : vector<1024x128xf32>
    %slice3A_601 = vector.extract_strided_slice %add3A_589 {offsets = [0, 128], sizes = [1024, 128], strides = [1, 1]} : vector<1024x512xf32> to vector<1024x128xf32>
    %mul3A_602 = arith.constant 5.000000e-01 : f32
    %mul3A_603 = vector.broadcast %mul3A_602 : f32 to vector<1024x128xf32>
    %mul3A_604 = arith.mulf %mul3A_603, %slice3A_601 : vector<1024x128xf32>
    %tanh3A_605 = math.tanh %mul3A_604 : vector<1024x128xf32>
    %mul3A_606 = arith.constant 5.000000e-01 : f32
    %mul3A_607 = vector.broadcast %mul3A_606 : f32 to vector<1024x128xf32>
    %mul3A_608 = arith.mulf %mul3A_607, %tanh3A_605 : vector<1024x128xf32>
    %add3A_609 = arith.constant 5.000000e-01 : f32
    %add3A_610 = vector.broadcast %add3A_609 : f32 to vector<1024x128xf32>
    %add3A_611 = arith.addf %mul3A_608, %add3A_610 : vector<1024x128xf32>
    %slice3A_612 = vector.extract_strided_slice %add3A_589 {offsets = [0, 256], sizes = [1024, 128], strides = [1, 1]} : vector<1024x512xf32> to vector<1024x128xf32>
    %tanh3A_613 = math.tanh %slice3A_612 : vector<1024x128xf32>
    %slice3A_614 = vector.extract_strided_slice %add3A_589 {offsets = [0, 384], sizes = [1024, 128], strides = [1, 1]} : vector<1024x512xf32> to vector<1024x128xf32>
    %mul3A_615 = arith.constant 5.000000e-01 : f32
    %mul3A_616 = vector.broadcast %mul3A_615 : f32 to vector<1024x128xf32>
    %mul3A_617 = arith.mulf %mul3A_616, %slice3A_614 : vector<1024x128xf32>
    %tanh3A_618 = math.tanh %mul3A_617 : vector<1024x128xf32>
    %mul3A_619 = arith.constant 5.000000e-01 : f32
    %mul3A_620 = vector.broadcast %mul3A_619 : f32 to vector<1024x128xf32>
    %mul3A_621 = arith.mulf %mul3A_620, %tanh3A_618 : vector<1024x128xf32>
    %add3A_622 = arith.constant 5.000000e-01 : f32
    %add3A_623 = vector.broadcast %add3A_622 : f32 to vector<1024x128xf32>
    %add3A_624 = arith.addf %mul3A_621, %add3A_623 : vector<1024x128xf32>
    %mul3A_625 = arith.mulf %add3A_611, %add3A_575 : vector<1024x128xf32>
    %mul3A_626 = arith.mulf %add3A_600, %tanh3A_613 : vector<1024x128xf32>
    %add3A_627 = arith.addf %mul3A_625, %mul3A_626 : vector<1024x128xf32>
    %tanh3A_628 = math.tanh %add3A_627 : vector<1024x128xf32>
    %mul3A_629 = arith.mulf %add3A_624, %tanh3A_628 : vector<1024x128xf32>
    %get3A_630 = arith.constant 12 : index
    %get3A_631 = arith.constant 0 : index
    %get3A_632 = arith.constant 0 : index
    %get3A_633 = vector.load %arg1[%get3A_630, %get3A_631, %get3A_632] : memref<16x1024x128xf32, #tpu.memory_space<vmem>>, vector<1x1024x128xf32>
    %get3A_634 = vector.shape_cast %get3A_633 : vector<1x1024x128xf32> to vector<1024x128xf32>
    %dot_general3A_635 = arith.constant dense<0.000000e+00> : vector<1024x512xf32>
    %dot_general3A_636 = tpu.matmul %get3A_634, %get3A_4, %dot_general3A_635 {dimension_numbers = #tpu.dot_dimension_numbers<[1], [0], [0], [1], [0, 0, 1, 1], [], []>, transpose_lhs_hint = false} : vector<1024x128xf32>, vector<128x512xf32>, vector<1024x512xf32> -> vector<1024x512xf32>
    %dot_general3A_637 = arith.constant dense<0.000000e+00> : vector<1024x512xf32>
    %dot_general3A_638 = tpu.matmul %mul3A_629, %get3A_7, %dot_general3A_637 {dimension_numbers = #tpu.dot_dimension_numbers<[1], [0], [0], [1], [0, 0, 1, 1], [], []>, transpose_lhs_hint = false} : vector<1024x128xf32>, vector<128x512xf32>, vector<1024x512xf32> -> vector<1024x512xf32>
    %add3A_639 = arith.addf %dot_general3A_636, %dot_general3A_638 : vector<1024x512xf32>
    %add3A_640 = vector.broadcast %get3A_10 : vector<1x512xf32> to vector<1024x512xf32>
    %add3A_641 = arith.addf %add3A_639, %add3A_640 : vector<1024x512xf32>
    %slice3A_642 = vector.extract_strided_slice %add3A_641 {offsets = [0, 0], sizes = [1024, 128], strides = [1, 1]} : vector<1024x512xf32> to vector<1024x128xf32>
    %mul3A_643 = arith.constant 5.000000e-01 : f32
    %mul3A_644 = vector.broadcast %mul3A_643 : f32 to vector<1024x128xf32>
    %mul3A_645 = arith.mulf %mul3A_644, %slice3A_642 : vector<1024x128xf32>
    %tanh3A_646 = math.tanh %mul3A_645 : vector<1024x128xf32>
    %mul3A_647 = arith.constant 5.000000e-01 : f32
    %mul3A_648 = vector.broadcast %mul3A_647 : f32 to vector<1024x128xf32>
    %mul3A_649 = arith.mulf %mul3A_648, %tanh3A_646 : vector<1024x128xf32>
    %add3A_650 = arith.constant 5.000000e-01 : f32
    %add3A_651 = vector.broadcast %add3A_650 : f32 to vector<1024x128xf32>
    %add3A_652 = arith.addf %mul3A_649, %add3A_651 : vector<1024x128xf32>
    %slice3A_653 = vector.extract_strided_slice %add3A_641 {offsets = [0, 128], sizes = [1024, 128], strides = [1, 1]} : vector<1024x512xf32> to vector<1024x128xf32>
    %mul3A_654 = arith.constant 5.000000e-01 : f32
    %mul3A_655 = vector.broadcast %mul3A_654 : f32 to vector<1024x128xf32>
    %mul3A_656 = arith.mulf %mul3A_655, %slice3A_653 : vector<1024x128xf32>
    %tanh3A_657 = math.tanh %mul3A_656 : vector<1024x128xf32>
    %mul3A_658 = arith.constant 5.000000e-01 : f32
    %mul3A_659 = vector.broadcast %mul3A_658 : f32 to vector<1024x128xf32>
    %mul3A_660 = arith.mulf %mul3A_659, %tanh3A_657 : vector<1024x128xf32>
    %add3A_661 = arith.constant 5.000000e-01 : f32
    %add3A_662 = vector.broadcast %add3A_661 : f32 to vector<1024x128xf32>
    %add3A_663 = arith.addf %mul3A_660, %add3A_662 : vector<1024x128xf32>
    %slice3A_664 = vector.extract_strided_slice %add3A_641 {offsets = [0, 256], sizes = [1024, 128], strides = [1, 1]} : vector<1024x512xf32> to vector<1024x128xf32>
    %tanh3A_665 = math.tanh %slice3A_664 : vector<1024x128xf32>
    %slice3A_666 = vector.extract_strided_slice %add3A_641 {offsets = [0, 384], sizes = [1024, 128], strides = [1, 1]} : vector<1024x512xf32> to vector<1024x128xf32>
    %mul3A_667 = arith.constant 5.000000e-01 : f32
    %mul3A_668 = vector.broadcast %mul3A_667 : f32 to vector<1024x128xf32>
    %mul3A_669 = arith.mulf %mul3A_668, %slice3A_666 : vector<1024x128xf32>
    %tanh3A_670 = math.tanh %mul3A_669 : vector<1024x128xf32>
    %mul3A_671 = arith.constant 5.000000e-01 : f32
    %mul3A_672 = vector.broadcast %mul3A_671 : f32 to vector<1024x128xf32>
    %mul3A_673 = arith.mulf %mul3A_672, %tanh3A_670 : vector<1024x128xf32>
    %add3A_674 = arith.constant 5.000000e-01 : f32
    %add3A_675 = vector.broadcast %add3A_674 : f32 to vector<1024x128xf32>
    %add3A_676 = arith.addf %mul3A_673, %add3A_675 : vector<1024x128xf32>
    %mul3A_677 = arith.mulf %add3A_663, %add3A_627 : vector<1024x128xf32>
    %mul3A_678 = arith.mulf %add3A_652, %tanh3A_665 : vector<1024x128xf32>
    %add3A_679 = arith.addf %mul3A_677, %mul3A_678 : vector<1024x128xf32>
    %tanh3A_680 = math.tanh %add3A_679 : vector<1024x128xf32>
    %mul3A_681 = arith.mulf %add3A_676, %tanh3A_680 : vector<1024x128xf32>
    %get3A_682 = arith.constant 13 : index
    %get3A_683 = arith.constant 0 : index
    %get3A_684 = arith.constant 0 : index
    %get3A_685 = vector.load %arg1[%get3A_682, %get3A_683, %get3A_684] : memref<16x1024x128xf32, #tpu.memory_space<vmem>>, vector<1x1024x128xf32>
    %get3A_686 = vector.shape_cast %get3A_685 : vector<1x1024x128xf32> to vector<1024x128xf32>
    %dot_general3A_687 = arith.constant dense<0.000000e+00> : vector<1024x512xf32>
    %dot_general3A_688 = tpu.matmul %get3A_686, %get3A_4, %dot_general3A_687 {dimension_numbers = #tpu.dot_dimension_numbers<[1], [0], [0], [1], [0, 0, 1, 1], [], []>, transpose_lhs_hint = false} : vector<1024x128xf32>, vector<128x512xf32>, vector<1024x512xf32> -> vector<1024x512xf32>
    %dot_general3A_689 = arith.constant dense<0.000000e+00> : vector<1024x512xf32>
    %dot_general3A_690 = tpu.matmul %mul3A_681, %get3A_7, %dot_general3A_689 {dimension_numbers = #tpu.dot_dimension_numbers<[1], [0], [0], [1], [0, 0, 1, 1], [], []>, transpose_lhs_hint = false} : vector<1024x128xf32>, vector<128x512xf32>, vector<1024x512xf32> -> vector<1024x512xf32>
    %add3A_691 = arith.addf %dot_general3A_688, %dot_general3A_690 : vector<1024x512xf32>
    %add3A_692 = vector.broadcast %get3A_10 : vector<1x512xf32> to vector<1024x512xf32>
    %add3A_693 = arith.addf %add3A_691, %add3A_692 : vector<1024x512xf32>
    %slice3A_694 = vector.extract_strided_slice %add3A_693 {offsets = [0, 0], sizes = [1024, 128], strides = [1, 1]} : vector<1024x512xf32> to vector<1024x128xf32>
    %mul3A_695 = arith.constant 5.000000e-01 : f32
    %mul3A_696 = vector.broadcast %mul3A_695 : f32 to vector<1024x128xf32>
    %mul3A_697 = arith.mulf %mul3A_696, %slice3A_694 : vector<1024x128xf32>
    %tanh3A_698 = math.tanh %mul3A_697 : vector<1024x128xf32>
    %mul3A_699 = arith.constant 5.000000e-01 : f32
    %mul3A_700 = vector.broadcast %mul3A_699 : f32 to vector<1024x128xf32>
    %mul3A_701 = arith.mulf %mul3A_700, %tanh3A_698 : vector<1024x128xf32>
    %add3A_702 = arith.constant 5.000000e-01 : f32
    %add3A_703 = vector.broadcast %add3A_702 : f32 to vector<1024x128xf32>
    %add3A_704 = arith.addf %mul3A_701, %add3A_703 : vector<1024x128xf32>
    %slice3A_705 = vector.extract_strided_slice %add3A_693 {offsets = [0, 128], sizes = [1024, 128], strides = [1, 1]} : vector<1024x512xf32> to vector<1024x128xf32>
    %mul3A_706 = arith.constant 5.000000e-01 : f32
    %mul3A_707 = vector.broadcast %mul3A_706 : f32 to vector<1024x128xf32>
    %mul3A_708 = arith.mulf %mul3A_707, %slice3A_705 : vector<1024x128xf32>
    %tanh3A_709 = math.tanh %mul3A_708 : vector<1024x128xf32>
    %mul3A_710 = arith.constant 5.000000e-01 : f32
    %mul3A_711 = vector.broadcast %mul3A_710 : f32 to vector<1024x128xf32>
    %mul3A_712 = arith.mulf %mul3A_711, %tanh3A_709 : vector<1024x128xf32>
    %add3A_713 = arith.constant 5.000000e-01 : f32
    %add3A_714 = vector.broadcast %add3A_713 : f32 to vector<1024x128xf32>
    %add3A_715 = arith.addf %mul3A_712, %add3A_714 : vector<1024x128xf32>
    %slice3A_716 = vector.extract_strided_slice %add3A_693 {offsets = [0, 256], sizes = [1024, 128], strides = [1, 1]} : vector<1024x512xf32> to vector<1024x128xf32>
    %tanh3A_717 = math.tanh %slice3A_716 : vector<1024x128xf32>
    %slice3A_718 = vector.extract_strided_slice %add3A_693 {offsets = [0, 384], sizes = [1024, 128], strides = [1, 1]} : vector<1024x512xf32> to vector<1024x128xf32>
    %mul3A_719 = arith.constant 5.000000e-01 : f32
    %mul3A_720 = vector.broadcast %mul3A_719 : f32 to vector<1024x128xf32>
    %mul3A_721 = arith.mulf %mul3A_720, %slice3A_718 : vector<1024x128xf32>
    %tanh3A_722 = math.tanh %mul3A_721 : vector<1024x128xf32>
    %mul3A_723 = arith.constant 5.000000e-01 : f32
    %mul3A_724 = vector.broadcast %mul3A_723 : f32 to vector<1024x128xf32>
    %mul3A_725 = arith.mulf %mul3A_724, %tanh3A_722 : vector<1024x128xf32>
    %add3A_726 = arith.constant 5.000000e-01 : f32
    %add3A_727 = vector.broadcast %add3A_726 : f32 to vector<1024x128xf32>
    %add3A_728 = arith.addf %mul3A_725, %add3A_727 : vector<1024x128xf32>
    %mul3A_729 = arith.mulf %add3A_715, %add3A_679 : vector<1024x128xf32>
    %mul3A_730 = arith.mulf %add3A_704, %tanh3A_717 : vector<1024x128xf32>
    %add3A_731 = arith.addf %mul3A_729, %mul3A_730 : vector<1024x128xf32>
    %tanh3A_732 = math.tanh %add3A_731 : vector<1024x128xf32>
    %mul3A_733 = arith.mulf %add3A_728, %tanh3A_732 : vector<1024x128xf32>
    %get3A_734 = arith.constant 14 : index
    %get3A_735 = arith.constant 0 : index
    %get3A_736 = arith.constant 0 : index
    %get3A_737 = vector.load %arg1[%get3A_734, %get3A_735, %get3A_736] : memref<16x1024x128xf32, #tpu.memory_space<vmem>>, vector<1x1024x128xf32>
    %get3A_738 = vector.shape_cast %get3A_737 : vector<1x1024x128xf32> to vector<1024x128xf32>
    %dot_general3A_739 = arith.constant dense<0.000000e+00> : vector<1024x512xf32>
    %dot_general3A_740 = tpu.matmul %get3A_738, %get3A_4, %dot_general3A_739 {dimension_numbers = #tpu.dot_dimension_numbers<[1], [0], [0], [1], [0, 0, 1, 1], [], []>, transpose_lhs_hint = false} : vector<1024x128xf32>, vector<128x512xf32>, vector<1024x512xf32> -> vector<1024x512xf32>
    %dot_general3A_741 = arith.constant dense<0.000000e+00> : vector<1024x512xf32>
    %dot_general3A_742 = tpu.matmul %mul3A_733, %get3A_7, %dot_general3A_741 {dimension_numbers = #tpu.dot_dimension_numbers<[1], [0], [0], [1], [0, 0, 1, 1], [], []>, transpose_lhs_hint = false} : vector<1024x128xf32>, vector<128x512xf32>, vector<1024x512xf32> -> vector<1024x512xf32>
    %add3A_743 = arith.addf %dot_general3A_740, %dot_general3A_742 : vector<1024x512xf32>
    %add3A_744 = vector.broadcast %get3A_10 : vector<1x512xf32> to vector<1024x512xf32>
    %add3A_745 = arith.addf %add3A_743, %add3A_744 : vector<1024x512xf32>
    %slice3A_746 = vector.extract_strided_slice %add3A_745 {offsets = [0, 0], sizes = [1024, 128], strides = [1, 1]} : vector<1024x512xf32> to vector<1024x128xf32>
    %mul3A_747 = arith.constant 5.000000e-01 : f32
    %mul3A_748 = vector.broadcast %mul3A_747 : f32 to vector<1024x128xf32>
    %mul3A_749 = arith.mulf %mul3A_748, %slice3A_746 : vector<1024x128xf32>
    %tanh3A_750 = math.tanh %mul3A_749 : vector<1024x128xf32>
    %mul3A_751 = arith.constant 5.000000e-01 : f32
    %mul3A_752 = vector.broadcast %mul3A_751 : f32 to vector<1024x128xf32>
    %mul3A_753 = arith.mulf %mul3A_752, %tanh3A_750 : vector<1024x128xf32>
    %add3A_754 = arith.constant 5.000000e-01 : f32
    %add3A_755 = vector.broadcast %add3A_754 : f32 to vector<1024x128xf32>
    %add3A_756 = arith.addf %mul3A_753, %add3A_755 : vector<1024x128xf32>
    %slice3A_757 = vector.extract_strided_slice %add3A_745 {offsets = [0, 128], sizes = [1024, 128], strides = [1, 1]} : vector<1024x512xf32> to vector<1024x128xf32>
    %mul3A_758 = arith.constant 5.000000e-01 : f32
    %mul3A_759 = vector.broadcast %mul3A_758 : f32 to vector<1024x128xf32>
    %mul3A_760 = arith.mulf %mul3A_759, %slice3A_757 : vector<1024x128xf32>
    %tanh3A_761 = math.tanh %mul3A_760 : vector<1024x128xf32>
    %mul3A_762 = arith.constant 5.000000e-01 : f32
    %mul3A_763 = vector.broadcast %mul3A_762 : f32 to vector<1024x128xf32>
    %mul3A_764 = arith.mulf %mul3A_763, %tanh3A_761 : vector<1024x128xf32>
    %add3A_765 = arith.constant 5.000000e-01 : f32
    %add3A_766 = vector.broadcast %add3A_765 : f32 to vector<1024x128xf32>
    %add3A_767 = arith.addf %mul3A_764, %add3A_766 : vector<1024x128xf32>
    %slice3A_768 = vector.extract_strided_slice %add3A_745 {offsets = [0, 256], sizes = [1024, 128], strides = [1, 1]} : vector<1024x512xf32> to vector<1024x128xf32>
    %tanh3A_769 = math.tanh %slice3A_768 : vector<1024x128xf32>
    %slice3A_770 = vector.extract_strided_slice %add3A_745 {offsets = [0, 384], sizes = [1024, 128], strides = [1, 1]} : vector<1024x512xf32> to vector<1024x128xf32>
    %mul3A_771 = arith.constant 5.000000e-01 : f32
    %mul3A_772 = vector.broadcast %mul3A_771 : f32 to vector<1024x128xf32>
    %mul3A_773 = arith.mulf %mul3A_772, %slice3A_770 : vector<1024x128xf32>
    %tanh3A_774 = math.tanh %mul3A_773 : vector<1024x128xf32>
    %mul3A_775 = arith.constant 5.000000e-01 : f32
    %mul3A_776 = vector.broadcast %mul3A_775 : f32 to vector<1024x128xf32>
    %mul3A_777 = arith.mulf %mul3A_776, %tanh3A_774 : vector<1024x128xf32>
    %add3A_778 = arith.constant 5.000000e-01 : f32
    %add3A_779 = vector.broadcast %add3A_778 : f32 to vector<1024x128xf32>
    %add3A_780 = arith.addf %mul3A_777, %add3A_779 : vector<1024x128xf32>
    %mul3A_781 = arith.mulf %add3A_767, %add3A_731 : vector<1024x128xf32>
    %mul3A_782 = arith.mulf %add3A_756, %tanh3A_769 : vector<1024x128xf32>
    %add3A_783 = arith.addf %mul3A_781, %mul3A_782 : vector<1024x128xf32>
    %tanh3A_784 = math.tanh %add3A_783 : vector<1024x128xf32>
    %mul3A_785 = arith.mulf %add3A_780, %tanh3A_784 : vector<1024x128xf32>
    %get3A_786 = arith.constant 15 : index
    %get3A_787 = arith.constant 0 : index
    %get3A_788 = arith.constant 0 : index
    %get3A_789 = vector.load %arg1[%get3A_786, %get3A_787, %get3A_788] : memref<16x1024x128xf32, #tpu.memory_space<vmem>>, vector<1x1024x128xf32>
    %get3A_790 = vector.shape_cast %get3A_789 : vector<1x1024x128xf32> to vector<1024x128xf32>
    %dot_general3A_791 = arith.constant dense<0.000000e+00> : vector<1024x512xf32>
    %dot_general3A_792 = tpu.matmul %get3A_790, %get3A_4, %dot_general3A_791 {dimension_numbers = #tpu.dot_dimension_numbers<[1], [0], [0], [1], [0, 0, 1, 1], [], []>, transpose_lhs_hint = false} : vector<1024x128xf32>, vector<128x512xf32>, vector<1024x512xf32> -> vector<1024x512xf32>
    %dot_general3A_793 = arith.constant dense<0.000000e+00> : vector<1024x512xf32>
    %dot_general3A_794 = tpu.matmul %mul3A_785, %get3A_7, %dot_general3A_793 {dimension_numbers = #tpu.dot_dimension_numbers<[1], [0], [0], [1], [0, 0, 1, 1], [], []>, transpose_lhs_hint = false} : vector<1024x128xf32>, vector<128x512xf32>, vector<1024x512xf32> -> vector<1024x512xf32>
    %add3A_795 = arith.addf %dot_general3A_792, %dot_general3A_794 : vector<1024x512xf32>
    %add3A_796 = vector.broadcast %get3A_10 : vector<1x512xf32> to vector<1024x512xf32>
    %add3A_797 = arith.addf %add3A_795, %add3A_796 : vector<1024x512xf32>
    %slice3A_798 = vector.extract_strided_slice %add3A_797 {offsets = [0, 0], sizes = [1024, 128], strides = [1, 1]} : vector<1024x512xf32> to vector<1024x128xf32>
    %mul3A_799 = arith.constant 5.000000e-01 : f32
    %mul3A_800 = vector.broadcast %mul3A_799 : f32 to vector<1024x128xf32>
    %mul3A_801 = arith.mulf %mul3A_800, %slice3A_798 : vector<1024x128xf32>
    %tanh3A_802 = math.tanh %mul3A_801 : vector<1024x128xf32>
    %mul3A_803 = arith.constant 5.000000e-01 : f32
    %mul3A_804 = vector.broadcast %mul3A_803 : f32 to vector<1024x128xf32>
    %mul3A_805 = arith.mulf %mul3A_804, %tanh3A_802 : vector<1024x128xf32>
    %add3A_806 = arith.constant 5.000000e-01 : f32
    %add3A_807 = vector.broadcast %add3A_806 : f32 to vector<1024x128xf32>
    %add3A_808 = arith.addf %mul3A_805, %add3A_807 : vector<1024x128xf32>
    %slice3A_809 = vector.extract_strided_slice %add3A_797 {offsets = [0, 128], sizes = [1024, 128], strides = [1, 1]} : vector<1024x512xf32> to vector<1024x128xf32>
    %mul3A_810 = arith.constant 5.000000e-01 : f32
    %mul3A_811 = vector.broadcast %mul3A_810 : f32 to vector<1024x128xf32>
    %mul3A_812 = arith.mulf %mul3A_811, %slice3A_809 : vector<1024x128xf32>
    %tanh3A_813 = math.tanh %mul3A_812 : vector<1024x128xf32>
    %mul3A_814 = arith.constant 5.000000e-01 : f32
    %mul3A_815 = vector.broadcast %mul3A_814 : f32 to vector<1024x128xf32>
    %mul3A_816 = arith.mulf %mul3A_815, %tanh3A_813 : vector<1024x128xf32>
    %add3A_817 = arith.constant 5.000000e-01 : f32
    %add3A_818 = vector.broadcast %add3A_817 : f32 to vector<1024x128xf32>
    %add3A_819 = arith.addf %mul3A_816, %add3A_818 : vector<1024x128xf32>
    %slice3A_820 = vector.extract_strided_slice %add3A_797 {offsets = [0, 256], sizes = [1024, 128], strides = [1, 1]} : vector<1024x512xf32> to vector<1024x128xf32>
    %tanh3A_821 = math.tanh %slice3A_820 : vector<1024x128xf32>
    %slice3A_822 = vector.extract_strided_slice %add3A_797 {offsets = [0, 384], sizes = [1024, 128], strides = [1, 1]} : vector<1024x512xf32> to vector<1024x128xf32>
    %mul3A_823 = arith.constant 5.000000e-01 : f32
    %mul3A_824 = vector.broadcast %mul3A_823 : f32 to vector<1024x128xf32>
    %mul3A_825 = arith.mulf %mul3A_824, %slice3A_822 : vector<1024x128xf32>
    %tanh3A_826 = math.tanh %mul3A_825 : vector<1024x128xf32>
    %mul3A_827 = arith.constant 5.000000e-01 : f32
    %mul3A_828 = vector.broadcast %mul3A_827 : f32 to vector<1024x128xf32>
    %mul3A_829 = arith.mulf %mul3A_828, %tanh3A_826 : vector<1024x128xf32>
    %add3A_830 = arith.constant 5.000000e-01 : f32
    %add3A_831 = vector.broadcast %add3A_830 : f32 to vector<1024x128xf32>
    %add3A_832 = arith.addf %mul3A_829, %add3A_831 : vector<1024x128xf32>
    %mul3A_833 = arith.mulf %add3A_819, %add3A_783 : vector<1024x128xf32>
    %mul3A_834 = arith.mulf %add3A_808, %tanh3A_821 : vector<1024x128xf32>
    %add3A_835 = arith.addf %mul3A_833, %mul3A_834 : vector<1024x128xf32>
    %tanh3A_836 = math.tanh %add3A_835 : vector<1024x128xf32>
    %mul3A_837 = arith.mulf %add3A_832, %tanh3A_836 : vector<1024x128xf32>
    %get3A_838 = arith.constant 0 : index
    %get3A_839 = arith.constant 0 : index
    %get3A_840 = vector.load %arg5[%get3A_838, %get3A_839] : memref<128x512xf32, #tpu.memory_space<vmem>>, vector<128x512xf32>
    %dot_general3A_841 = arith.constant dense<0.000000e+00> : vector<1024x512xf32>
    %dot_general3A_842 = tpu.matmul %mul3A_837, %get3A_840, %dot_general3A_841 {dimension_numbers = #tpu.dot_dimension_numbers<[1], [0], [0], [1], [0, 0, 1, 1], [], []>, transpose_lhs_hint = false} : vector<1024x128xf32>, vector<128x512xf32>, vector<1024x512xf32> -> vector<1024x512xf32>
    %get3A_843 = arith.constant 0 : index
    %get3A_844 = arith.constant 0 : index
    %get3A_845 = vector.load %arg6[%get3A_843, %get3A_844] : memref<1x512xf32, #tpu.memory_space<vmem>>, vector<1x512xf32>
    %add3A_846 = vector.broadcast %get3A_845 : vector<1x512xf32> to vector<1024x512xf32>
    %add3A_847 = arith.addf %dot_general3A_842, %add3A_846 : vector<1024x512xf32>
    %swap3A = arith.constant 0 : index
    %swap3A_848 = arith.constant 0 : index
    %swap3A_849 = vector.load %arg7[%swap3A, %swap3A_848] : memref<1024x512xf32, #tpu.memory_space<vmem>>, vector<1024x512xf32>
    tpu.vector_store %arg7[%swap3A, %swap3A_848], %add3A_847 {strides = array<i32>} : memref<1024x512xf32, #tpu.memory_space<vmem>>, vector<1024x512xf32>,
    return
  }
  func.func @transform_0(%arg0: i32) -> (i32, i32, i32) {
    %c0_i32 = arith.constant 0 : i32
    %c0_i32_0 = arith.constant 0 : i32
    %c0_i32_1 = arith.constant 0 : i32
    return %c0_i32, %arg0, %c0_i32_0 : i32, i32, i32
  }
  func.func @transform_1(%arg0: i32) -> (i32, i32) {
    %c0_i32 = arith.constant 0 : i32
    %c0_i32_0 = arith.constant 0 : i32
    %c0_i32_1 = arith.constant 0 : i32
    return %c0_i32, %c0_i32_0 : i32, i32
  }
  func.func @transform_2(%arg0: i32) -> (i32, i32) {
    %c0_i32 = arith.constant 0 : i32
    %c0_i32_0 = arith.constant 0 : i32
    %c0_i32_1 = arith.constant 0 : i32
    return %c0_i32, %c0_i32_0 : i32, i32
  }
  func.func @transform_3(%arg0: i32) -> (i32, i32) {
    %c0_i32 = arith.constant 0 : i32
    %c0_i32_0 = arith.constant 0 : i32
    %c0_i32_1 = arith.constant 0 : i32
    return %c0_i32, %c0_i32_0 : i32, i32
  }
  func.func @transform_4(%arg0: i32) -> (i32, i32) {
    %c0_i32 = arith.constant 0 : i32
    %c0_i32_0 = arith.constant 0 : i32
    %c0_i32_1 = arith.constant 0 : i32
    return %c0_i32, %c0_i32_0 : i32, i32
  }
  func.func @transform_5(%arg0: i32) -> (i32, i32) {
    %c0_i32 = arith.constant 0 : i32
    %c0_i32_0 = arith.constant 0 : i32
    %c0_i32_1 = arith.constant 0 : i32
    return %c0_i32, %c0_i32_0 : i32, i32
  }
  func.func @transform_6(%arg0: i32) -> (i32, i32) {
    %c0_i32 = arith.constant 0 : i32
    %c0_i32_0 = arith.constant 0 : i32
    return %arg0, %c0_i32 : i32, i32
  }
}

module attributes {stable_mosaic.version = 14 : i64} {
  func.func @_seq_body(%arg0: i32, %arg1: memref<1280x512xf32, #tpu.memory_space<vmem>>, %arg2: memref<1x128xf32, #tpu.memory_space<vmem>>, %arg3: memref<1x128xf32, #tpu.memory_space<vmem>>, %arg4: memref<128x512xf32, #tpu.memory_space<vmem>>, %arg5: memref<128x128xf32, #tpu.memory_space<vmem>>, %arg6: memref<1x128xf32, #tpu.memory_space<vmem>>, %arg7: memref<1280x128xf32, #tpu.memory_space<vmem>>, %arg8: memref<1x128xf32, #tpu.memory_space<vmem>>, %arg9: memref<1x128xf32, #tpu.memory_space<vmem>>, %arg10: memref<1x128xf32, #tpu.memory_space<vmem>>, %arg11: memref<1x128xf32, #tpu.memory_space<vmem>>, %arg12: memref<1280x128xf32, #tpu.memory_space<vmem>>) attributes {dimension_semantics = [#tpu.dimension_semantics<arbitrary>], iteration_bounds = array<i64: 4>, scalar_prefetch = 0 : i64, scratch_operands = 3 : i64, tpu.core_type = #tpu.core_type<tc>, window_params = [{transform_indices = @transform_0, window_bounds = array<i64: 1280, 512>}, {pipeline_mode = #tpu.pipeline_mode<synchronous>, transform_indices = @transform_1, window_bounds = array<i64: 1, 128>}, {pipeline_mode = #tpu.pipeline_mode<synchronous>, transform_indices = @transform_2, window_bounds = array<i64: 1, 128>}, {pipeline_mode = #tpu.pipeline_mode<synchronous>, transform_indices = @transform_3, window_bounds = array<i64: 128, 512>}, {pipeline_mode = #tpu.pipeline_mode<synchronous>, transform_indices = @transform_4, window_bounds = array<i64: 128, 128>}, {pipeline_mode = #tpu.pipeline_mode<synchronous>, transform_indices = @transform_5, window_bounds = array<i64: 1, 128>}, {transform_indices = @transform_6, window_bounds = array<i64: 1280, 128>}, {pipeline_mode = #tpu.pipeline_mode<synchronous>, transform_indices = @transform_7, window_bounds = array<i64: 1, 128>}, {pipeline_mode = #tpu.pipeline_mode<synchronous>, transform_indices = @transform_8, window_bounds = array<i64: 1, 128>}]} {
    %eq3A = arith.constant 0 : i32
    %eq3A_0 = arith.cmpi eq, %arg0, %eq3A : i32
    %convert_element_type3A = arith.extui %eq3A_0 : i1 to i32
    %cond3A = arith.constant 0 : i32
    %cond3A_1 = arith.cmpi ne, %convert_element_type3A, %cond3A : i32
    scf.if %cond3A_1 {
      %get3A_67 = arith.constant 0 : index
      %get3A_68 = arith.constant 0 : index
      %get3A_69 = vector.load %arg2[%get3A_67, %get3A_68] : memref<1x128xf32, #tpu.memory_space<vmem>>, vector<1x128xf32>
      %swap3A_70 = arith.constant 0 : index
      %swap3A_71 = arith.constant 0 : index
      %swap3A_72 = vector.load %arg10[%swap3A_70, %swap3A_71] : memref<1x128xf32, #tpu.memory_space<vmem>>, vector<1x128xf32>
      tpu.vector_store %arg10[%swap3A_70, %swap3A_71], %get3A_69 {strides = array<i32>} : memref<1x128xf32, #tpu.memory_space<vmem>>, vector<1x128xf32>,
      %get3A_73 = arith.constant 0 : index
      %get3A_74 = arith.constant 0 : index
      %get3A_75 = vector.load %arg3[%get3A_73, %get3A_74] : memref<1x128xf32, #tpu.memory_space<vmem>>, vector<1x128xf32>
      %swap3A_76 = arith.constant 0 : index
      %swap3A_77 = arith.constant 0 : index
      %swap3A_78 = vector.load %arg11[%swap3A_76, %swap3A_77] : memref<1x128xf32, #tpu.memory_space<vmem>>, vector<1x128xf32>
      tpu.vector_store %arg11[%swap3A_76, %swap3A_77], %get3A_75 {strides = array<i32>} : memref<1x128xf32, #tpu.memory_space<vmem>>, vector<1x128xf32>,
    } else {
    }
    %mul3A = arith.constant 1280 : i32
    %mul3A_2 = arith.muli %arg0, %mul3A : i32
    %add3A = arith.constant 0 : i32
    %add3A_3 = arith.addi %add3A, %mul3A_2 : i32
    %sub3A = arith.constant 10000 : i32
    %sub3A_4 = arith.subi %sub3A, %add3A_3 : i32
    %min3A = arith.constant 1280 : i32
    %min3A_5 = arith.minsi %min3A, %sub3A_4 : i32
    %get3A = arith.constant 0 : index
    %get3A_6 = arith.constant 0 : index
    %get3A_7 = vector.load %arg4[%get3A, %get3A_6] : memref<128x512xf32, #tpu.memory_space<vmem>>, vector<128x512xf32>
    %jit3A = arith.constant 8 : i32
    %div3A = arith.divsi %min3A_5, %jit3A : i32
    %sign3A = arith.constant 0 : i32
    %sign3A_8 = arith.cmpi sgt, %min3A_5, %sign3A : i32
    %sign3A_9 = arith.extui %sign3A_8 : i1 to i32
    %sign3A_10 = arith.constant 0 : i32
    %sign3A_11 = arith.cmpi slt, %min3A_5, %sign3A_10 : i32
    %sign3A_12 = arith.extui %sign3A_11 : i1 to i32
    %sign3A_13 = arith.subi %sign3A_9, %sign3A_12 : i32
    %sign3A_14 = arith.constant 0 : i32
    %sign3A_15 = arith.cmpi sgt, %jit3A, %sign3A_14 : i32
    %sign3A_16 = arith.extui %sign3A_15 : i1 to i32
    %sign3A_17 = arith.constant 0 : i32
    %sign3A_18 = arith.cmpi slt, %jit3A, %sign3A_17 : i32
    %sign3A_19 = arith.extui %sign3A_18 : i1 to i32
    %sign3A_20 = arith.subi %sign3A_16, %sign3A_19 : i32
    %ne3A = arith.cmpi ne, %sign3A_13, %sign3A_20 : i32
    %rem3A = arith.remsi %min3A_5, %jit3A : i32
    %ne3A_21 = arith.constant 0 : i32
    %ne3A_22 = arith.cmpi ne, %rem3A, %ne3A_21 : i32
    %and3A = arith.andi %ne3A, %ne3A_22 : i1
    %sub3A_23 = arith.constant 1 : i32
    %sub3A_24 = arith.subi %div3A, %sub3A_23 : i32
    %select_n3A = arith.select %and3A, %sub3A_24, %div3A : i32
    %get3A_25 = arith.constant 0 : index
    %get3A_26 = arith.constant 0 : index
    %get3A_27 = vector.load %arg10[%get3A_25, %get3A_26] : memref<1x128xf32, #tpu.memory_space<vmem>>, vector<1x128xf32>
    %get3A_28 = arith.constant 0 : index
    %get3A_29 = arith.constant 0 : index
    %get3A_30 = vector.load %arg11[%get3A_28, %get3A_29] : memref<1x128xf32, #tpu.memory_space<vmem>>, vector<1x128xf32>
    %while3A = arith.constant 0 : i32
    %while3A_31 = arith.subi %select_n3A, %while3A : i32
    %while3A_32 = arith.addi %while3A, %while3A_31 : i32
    %while3A_33 = arith.constant 1 : i32
    %while3A_34 = arith.divsi %while3A_31, %while3A_33 : i32
    %while3A_35 = arith.muli %while3A_34, %while3A_33 : i32
    %while3A_36 = arith.addi %while3A, %while3A_35 : i32
    %while3A_37 = arith.constant 1 : i32
    %while3A_38:2 = scf.for %while3A_67 = %while3A to %while3A_36 step %while3A_37 iter_args(%while3A_68 = %get3A_27, %while3A_69 = %get3A_30) -> (vector<1x128xf32>, vector<1x128xf32>)  : i32 {
      %mul3A_70 = arith.constant 8 : i32
      %mul3A_71 = arith.muli %while3A_67, %mul3A_70 : i32
      %reshape3A = vector.shape_cast %while3A_68 : vector<1x128xf32> to vector<128x1xf32>
      %add3A_72 = arith.constant 0 : i32
      %add3A_73 = arith.addi %mul3A_71, %add3A_72 : i32
      %get3A_74 = arith.index_cast %add3A_73 : i32 to index
      %get3A_75 = arith.constant 0 : index
      %get3A_76 = vector.load %arg1[%get3A_74, %get3A_75] : memref<1280x512xf32, #tpu.memory_space<vmem>>, vector<1x512xf32>
      %mul3A_77 = vector.broadcast %reshape3A : vector<128x1xf32> to vector<128x512xf32>
      %mul3A_78 = arith.mulf %get3A_7, %mul3A_77 : vector<128x512xf32>
      %slice3A = vector.extract_strided_slice %mul3A_78 {offsets = [0, 0], sizes = [128, 128], strides = [1, 1]} : vector<128x512xf32> to vector<128x128xf32>
      %reduce_sum3A = arith.constant dense<0.000000e+00> : vector<128xf32>
      %reduce_sum3A_79 = vector.multi_reduction <add>, %slice3A, %reduce_sum3A [0] : vector<128x128xf32> to vector<128xf32>
      %broadcast_in_dim3A = vector.shape_cast %reduce_sum3A_79 : vector<128xf32> to vector<1x128xf32>
      %slice3A_80 = vector.extract_strided_slice %get3A_76 {offsets = [0, 0], sizes = [1, 128], strides = [1, 1]} : vector<1x512xf32> to vector<1x128xf32>
      %add3A_81 = arith.addf %broadcast_in_dim3A, %slice3A_80 : vector<1x128xf32>
      %slice3A_82 = vector.extract_strided_slice %mul3A_78 {offsets = [0, 128], sizes = [128, 128], strides = [1, 1]} : vector<128x512xf32> to vector<128x128xf32>
      %reduce_sum3A_83 = arith.constant dense<0.000000e+00> : vector<128xf32>
      %reduce_sum3A_84 = vector.multi_reduction <add>, %slice3A_82, %reduce_sum3A_83 [0] : vector<128x128xf32> to vector<128xf32>
      %broadcast_in_dim3A_85 = vector.shape_cast %reduce_sum3A_84 : vector<128xf32> to vector<1x128xf32>
      %slice3A_86 = vector.extract_strided_slice %get3A_76 {offsets = [0, 128], sizes = [1, 128], strides = [1, 1]} : vector<1x512xf32> to vector<1x128xf32>
      %add3A_87 = arith.addf %broadcast_in_dim3A_85, %slice3A_86 : vector<1x128xf32>
      %slice3A_88 = vector.extract_strided_slice %mul3A_78 {offsets = [0, 256], sizes = [128, 128], strides = [1, 1]} : vector<128x512xf32> to vector<128x128xf32>
      %reduce_sum3A_89 = arith.constant dense<0.000000e+00> : vector<128xf32>
      %reduce_sum3A_90 = vector.multi_reduction <add>, %slice3A_88, %reduce_sum3A_89 [0] : vector<128x128xf32> to vector<128xf32>
      %broadcast_in_dim3A_91 = vector.shape_cast %reduce_sum3A_90 : vector<128xf32> to vector<1x128xf32>
      %slice3A_92 = vector.extract_strided_slice %get3A_76 {offsets = [0, 256], sizes = [1, 128], strides = [1, 1]} : vector<1x512xf32> to vector<1x128xf32>
      %add3A_93 = arith.addf %broadcast_in_dim3A_91, %slice3A_92 : vector<1x128xf32>
      %slice3A_94 = vector.extract_strided_slice %mul3A_78 {offsets = [0, 384], sizes = [128, 128], strides = [1, 1]} : vector<128x512xf32> to vector<128x128xf32>
      %reduce_sum3A_95 = arith.constant dense<0.000000e+00> : vector<128xf32>
      %reduce_sum3A_96 = vector.multi_reduction <add>, %slice3A_94, %reduce_sum3A_95 [0] : vector<128x128xf32> to vector<128xf32>
      %broadcast_in_dim3A_97 = vector.shape_cast %reduce_sum3A_96 : vector<128xf32> to vector<1x128xf32>
      %slice3A_98 = vector.extract_strided_slice %get3A_76 {offsets = [0, 384], sizes = [1, 128], strides = [1, 1]} : vector<1x512xf32> to vector<1x128xf32>
      %add3A_99 = arith.addf %broadcast_in_dim3A_97, %slice3A_98 : vector<1x128xf32>
      %mul3A_100 = arith.constant 5.000000e-01 : f32
      %mul3A_101 = vector.broadcast %mul3A_100 : f32 to vector<1x128xf32>
      %mul3A_102 = arith.mulf %mul3A_101, %add3A_81 : vector<1x128xf32>
      %tanh3A = math.tanh %mul3A_102 : vector<1x128xf32>
      %mul3A_103 = arith.constant 5.000000e-01 : f32
      %mul3A_104 = vector.broadcast %mul3A_103 : f32 to vector<1x128xf32>
      %mul3A_105 = arith.mulf %mul3A_104, %tanh3A : vector<1x128xf32>
      %add3A_106 = arith.constant 5.000000e-01 : f32
      %add3A_107 = vector.broadcast %add3A_106 : f32 to vector<1x128xf32>
      %add3A_108 = arith.addf %mul3A_105, %add3A_107 : vector<1x128xf32>
      %mul3A_109 = arith.constant 5.000000e-01 : f32
      %mul3A_110 = vector.broadcast %mul3A_109 : f32 to vector<1x128xf32>
      %mul3A_111 = arith.mulf %mul3A_110, %add3A_87 : vector<1x128xf32>
      %tanh3A_112 = math.tanh %mul3A_111 : vector<1x128xf32>
      %mul3A_113 = arith.constant 5.000000e-01 : f32
      %mul3A_114 = vector.broadcast %mul3A_113 : f32 to vector<1x128xf32>
      %mul3A_115 = arith.mulf %mul3A_114, %tanh3A_112 : vector<1x128xf32>
      %add3A_116 = arith.constant 5.000000e-01 : f32
      %add3A_117 = vector.broadcast %add3A_116 : f32 to vector<1x128xf32>
      %add3A_118 = arith.addf %mul3A_115, %add3A_117 : vector<1x128xf32>
      %tanh3A_119 = math.tanh %add3A_93 : vector<1x128xf32>
      %mul3A_120 = arith.constant 5.000000e-01 : f32
      %mul3A_121 = vector.broadcast %mul3A_120 : f32 to vector<1x128xf32>
      %mul3A_122 = arith.mulf %mul3A_121, %add3A_99 : vector<1x128xf32>
      %tanh3A_123 = math.tanh %mul3A_122 : vector<1x128xf32>
      %mul3A_124 = arith.constant 5.000000e-01 : f32
      %mul3A_125 = vector.broadcast %mul3A_124 : f32 to vector<1x128xf32>
      %mul3A_126 = arith.mulf %mul3A_125, %tanh3A_123 : vector<1x128xf32>
      %add3A_127 = arith.constant 5.000000e-01 : f32
      %add3A_128 = vector.broadcast %add3A_127 : f32 to vector<1x128xf32>
      %add3A_129 = arith.addf %mul3A_126, %add3A_128 : vector<1x128xf32>
      %mul3A_130 = arith.mulf %add3A_118, %while3A_69 : vector<1x128xf32>
      %mul3A_131 = arith.mulf %add3A_108, %tanh3A_119 : vector<1x128xf32>
      %add3A_132 = arith.addf %mul3A_130, %mul3A_131 : vector<1x128xf32>
      %tanh3A_133 = math.tanh %add3A_132 : vector<1x128xf32>
      %mul3A_134 = arith.mulf %add3A_129, %tanh3A_133 : vector<1x128xf32>
      %add3A_135 = arith.constant 0 : i32
      %add3A_136 = arith.addi %mul3A_71, %add3A_135 : i32
      %swap3A_137 = arith.index_cast %add3A_136 : i32 to index
      %swap3A_138 = arith.constant 0 : index
      %swap3A_139 = vector.load %arg12[%swap3A_137, %swap3A_138] : memref<1280x128xf32, #tpu.memory_space<vmem>>, vector<1x128xf32>
      tpu.vector_store %arg12[%swap3A_137, %swap3A_138], %mul3A_134 {strides = array<i32>} : memref<1280x128xf32, #tpu.memory_space<vmem>>, vector<1x128xf32>,
      %reshape3A_140 = vector.shape_cast %mul3A_134 : vector<1x128xf32> to vector<128x1xf32>
      %add3A_141 = arith.constant 1 : i32
      %add3A_142 = arith.addi %mul3A_71, %add3A_141 : i32
      %get3A_143 = arith.index_cast %add3A_142 : i32 to index
      %get3A_144 = arith.constant 0 : index
      %get3A_145 = vector.load %arg1[%get3A_143, %get3A_144] : memref<1280x512xf32, #tpu.memory_space<vmem>>, vector<1x512xf32>
      %mul3A_146 = vector.broadcast %reshape3A_140 : vector<128x1xf32> to vector<128x512xf32>
      %mul3A_147 = arith.mulf %get3A_7, %mul3A_146 : vector<128x512xf32>
      %slice3A_148 = vector.extract_strided_slice %mul3A_147 {offsets = [0, 0], sizes = [128, 128], strides = [1, 1]} : vector<128x512xf32> to vector<128x128xf32>
      %reduce_sum3A_149 = arith.constant dense<0.000000e+00> : vector<128xf32>
      %reduce_sum3A_150 = vector.multi_reduction <add>, %slice3A_148, %reduce_sum3A_149 [0] : vector<128x128xf32> to vector<128xf32>
      %broadcast_in_dim3A_151 = vector.shape_cast %reduce_sum3A_150 : vector<128xf32> to vector<1x128xf32>
      %slice3A_152 = vector.extract_strided_slice %get3A_145 {offsets = [0, 0], sizes = [1, 128], strides = [1, 1]} : vector<1x512xf32> to vector<1x128xf32>
      %add3A_153 = arith.addf %broadcast_in_dim3A_151, %slice3A_152 : vector<1x128xf32>
      %slice3A_154 = vector.extract_strided_slice %mul3A_147 {offsets = [0, 128], sizes = [128, 128], strides = [1, 1]} : vector<128x512xf32> to vector<128x128xf32>
      %reduce_sum3A_155 = arith.constant dense<0.000000e+00> : vector<128xf32>
      %reduce_sum3A_156 = vector.multi_reduction <add>, %slice3A_154, %reduce_sum3A_155 [0] : vector<128x128xf32> to vector<128xf32>
      %broadcast_in_dim3A_157 = vector.shape_cast %reduce_sum3A_156 : vector<128xf32> to vector<1x128xf32>
      %slice3A_158 = vector.extract_strided_slice %get3A_145 {offsets = [0, 128], sizes = [1, 128], strides = [1, 1]} : vector<1x512xf32> to vector<1x128xf32>
      %add3A_159 = arith.addf %broadcast_in_dim3A_157, %slice3A_158 : vector<1x128xf32>
      %slice3A_160 = vector.extract_strided_slice %mul3A_147 {offsets = [0, 256], sizes = [128, 128], strides = [1, 1]} : vector<128x512xf32> to vector<128x128xf32>
      %reduce_sum3A_161 = arith.constant dense<0.000000e+00> : vector<128xf32>
      %reduce_sum3A_162 = vector.multi_reduction <add>, %slice3A_160, %reduce_sum3A_161 [0] : vector<128x128xf32> to vector<128xf32>
      %broadcast_in_dim3A_163 = vector.shape_cast %reduce_sum3A_162 : vector<128xf32> to vector<1x128xf32>
      %slice3A_164 = vector.extract_strided_slice %get3A_145 {offsets = [0, 256], sizes = [1, 128], strides = [1, 1]} : vector<1x512xf32> to vector<1x128xf32>
      %add3A_165 = arith.addf %broadcast_in_dim3A_163, %slice3A_164 : vector<1x128xf32>
      %slice3A_166 = vector.extract_strided_slice %mul3A_147 {offsets = [0, 384], sizes = [128, 128], strides = [1, 1]} : vector<128x512xf32> to vector<128x128xf32>
      %reduce_sum3A_167 = arith.constant dense<0.000000e+00> : vector<128xf32>
      %reduce_sum3A_168 = vector.multi_reduction <add>, %slice3A_166, %reduce_sum3A_167 [0] : vector<128x128xf32> to vector<128xf32>
      %broadcast_in_dim3A_169 = vector.shape_cast %reduce_sum3A_168 : vector<128xf32> to vector<1x128xf32>
      %slice3A_170 = vector.extract_strided_slice %get3A_145 {offsets = [0, 384], sizes = [1, 128], strides = [1, 1]} : vector<1x512xf32> to vector<1x128xf32>
      %add3A_171 = arith.addf %broadcast_in_dim3A_169, %slice3A_170 : vector<1x128xf32>
      %mul3A_172 = arith.constant 5.000000e-01 : f32
      %mul3A_173 = vector.broadcast %mul3A_172 : f32 to vector<1x128xf32>
      %mul3A_174 = arith.mulf %mul3A_173, %add3A_153 : vector<1x128xf32>
      %tanh3A_175 = math.tanh %mul3A_174 : vector<1x128xf32>
      %mul3A_176 = arith.constant 5.000000e-01 : f32
      %mul3A_177 = vector.broadcast %mul3A_176 : f32 to vector<1x128xf32>
      %mul3A_178 = arith.mulf %mul3A_177, %tanh3A_175 : vector<1x128xf32>
      %add3A_179 = arith.constant 5.000000e-01 : f32
      %add3A_180 = vector.broadcast %add3A_179 : f32 to vector<1x128xf32>
      %add3A_181 = arith.addf %mul3A_178, %add3A_180 : vector<1x128xf32>
      %mul3A_182 = arith.constant 5.000000e-01 : f32
      %mul3A_183 = vector.broadcast %mul3A_182 : f32 to vector<1x128xf32>
      %mul3A_184 = arith.mulf %mul3A_183, %add3A_159 : vector<1x128xf32>
      %tanh3A_185 = math.tanh %mul3A_184 : vector<1x128xf32>
      %mul3A_186 = arith.constant 5.000000e-01 : f32
      %mul3A_187 = vector.broadcast %mul3A_186 : f32 to vector<1x128xf32>
      %mul3A_188 = arith.mulf %mul3A_187, %tanh3A_185 : vector<1x128xf32>
      %add3A_189 = arith.constant 5.000000e-01 : f32
      %add3A_190 = vector.broadcast %add3A_189 : f32 to vector<1x128xf32>
      %add3A_191 = arith.addf %mul3A_188, %add3A_190 : vector<1x128xf32>
      %tanh3A_192 = math.tanh %add3A_165 : vector<1x128xf32>
      %mul3A_193 = arith.constant 5.000000e-01 : f32
      %mul3A_194 = vector.broadcast %mul3A_193 : f32 to vector<1x128xf32>
      %mul3A_195 = arith.mulf %mul3A_194, %add3A_171 : vector<1x128xf32>
      %tanh3A_196 = math.tanh %mul3A_195 : vector<1x128xf32>
      %mul3A_197 = arith.constant 5.000000e-01 : f32
      %mul3A_198 = vector.broadcast %mul3A_197 : f32 to vector<1x128xf32>
      %mul3A_199 = arith.mulf %mul3A_198, %tanh3A_196 : vector<1x128xf32>
      %add3A_200 = arith.constant 5.000000e-01 : f32
      %add3A_201 = vector.broadcast %add3A_200 : f32 to vector<1x128xf32>
      %add3A_202 = arith.addf %mul3A_199, %add3A_201 : vector<1x128xf32>
      %mul3A_203 = arith.mulf %add3A_191, %add3A_132 : vector<1x128xf32>
      %mul3A_204 = arith.mulf %add3A_181, %tanh3A_192 : vector<1x128xf32>
      %add3A_205 = arith.addf %mul3A_203, %mul3A_204 : vector<1x128xf32>
      %tanh3A_206 = math.tanh %add3A_205 : vector<1x128xf32>
      %mul3A_207 = arith.mulf %add3A_202, %tanh3A_206 : vector<1x128xf32>
      %add3A_208 = arith.constant 1 : i32
      %add3A_209 = arith.addi %mul3A_71, %add3A_208 : i32
      %swap3A_210 = arith.index_cast %add3A_209 : i32 to index
      %swap3A_211 = arith.constant 0 : index
      %swap3A_212 = vector.load %arg12[%swap3A_210, %swap3A_211] : memref<1280x128xf32, #tpu.memory_space<vmem>>, vector<1x128xf32>
      tpu.vector_store %arg12[%swap3A_210, %swap3A_211], %mul3A_207 {strides = array<i32>} : memref<1280x128xf32, #tpu.memory_space<vmem>>, vector<1x128xf32>,
      %reshape3A_213 = vector.shape_cast %mul3A_207 : vector<1x128xf32> to vector<128x1xf32>
      %add3A_214 = arith.constant 2 : i32
      %add3A_215 = arith.addi %mul3A_71, %add3A_214 : i32
      %get3A_216 = arith.index_cast %add3A_215 : i32 to index
      %get3A_217 = arith.constant 0 : index
      %get3A_218 = vector.load %arg1[%get3A_216, %get3A_217] : memref<1280x512xf32, #tpu.memory_space<vmem>>, vector<1x512xf32>
      %mul3A_219 = vector.broadcast %reshape3A_213 : vector<128x1xf32> to vector<128x512xf32>
      %mul3A_220 = arith.mulf %get3A_7, %mul3A_219 : vector<128x512xf32>
      %slice3A_221 = vector.extract_strided_slice %mul3A_220 {offsets = [0, 0], sizes = [128, 128], strides = [1, 1]} : vector<128x512xf32> to vector<128x128xf32>
      %reduce_sum3A_222 = arith.constant dense<0.000000e+00> : vector<128xf32>
      %reduce_sum3A_223 = vector.multi_reduction <add>, %slice3A_221, %reduce_sum3A_222 [0] : vector<128x128xf32> to vector<128xf32>
      %broadcast_in_dim3A_224 = vector.shape_cast %reduce_sum3A_223 : vector<128xf32> to vector<1x128xf32>
      %slice3A_225 = vector.extract_strided_slice %get3A_218 {offsets = [0, 0], sizes = [1, 128], strides = [1, 1]} : vector<1x512xf32> to vector<1x128xf32>
      %add3A_226 = arith.addf %broadcast_in_dim3A_224, %slice3A_225 : vector<1x128xf32>
      %slice3A_227 = vector.extract_strided_slice %mul3A_220 {offsets = [0, 128], sizes = [128, 128], strides = [1, 1]} : vector<128x512xf32> to vector<128x128xf32>
      %reduce_sum3A_228 = arith.constant dense<0.000000e+00> : vector<128xf32>
      %reduce_sum3A_229 = vector.multi_reduction <add>, %slice3A_227, %reduce_sum3A_228 [0] : vector<128x128xf32> to vector<128xf32>
      %broadcast_in_dim3A_230 = vector.shape_cast %reduce_sum3A_229 : vector<128xf32> to vector<1x128xf32>
      %slice3A_231 = vector.extract_strided_slice %get3A_218 {offsets = [0, 128], sizes = [1, 128], strides = [1, 1]} : vector<1x512xf32> to vector<1x128xf32>
      %add3A_232 = arith.addf %broadcast_in_dim3A_230, %slice3A_231 : vector<1x128xf32>
      %slice3A_233 = vector.extract_strided_slice %mul3A_220 {offsets = [0, 256], sizes = [128, 128], strides = [1, 1]} : vector<128x512xf32> to vector<128x128xf32>
      %reduce_sum3A_234 = arith.constant dense<0.000000e+00> : vector<128xf32>
      %reduce_sum3A_235 = vector.multi_reduction <add>, %slice3A_233, %reduce_sum3A_234 [0] : vector<128x128xf32> to vector<128xf32>
      %broadcast_in_dim3A_236 = vector.shape_cast %reduce_sum3A_235 : vector<128xf32> to vector<1x128xf32>
      %slice3A_237 = vector.extract_strided_slice %get3A_218 {offsets = [0, 256], sizes = [1, 128], strides = [1, 1]} : vector<1x512xf32> to vector<1x128xf32>
      %add3A_238 = arith.addf %broadcast_in_dim3A_236, %slice3A_237 : vector<1x128xf32>
      %slice3A_239 = vector.extract_strided_slice %mul3A_220 {offsets = [0, 384], sizes = [128, 128], strides = [1, 1]} : vector<128x512xf32> to vector<128x128xf32>
      %reduce_sum3A_240 = arith.constant dense<0.000000e+00> : vector<128xf32>
      %reduce_sum3A_241 = vector.multi_reduction <add>, %slice3A_239, %reduce_sum3A_240 [0] : vector<128x128xf32> to vector<128xf32>
      %broadcast_in_dim3A_242 = vector.shape_cast %reduce_sum3A_241 : vector<128xf32> to vector<1x128xf32>
      %slice3A_243 = vector.extract_strided_slice %get3A_218 {offsets = [0, 384], sizes = [1, 128], strides = [1, 1]} : vector<1x512xf32> to vector<1x128xf32>
      %add3A_244 = arith.addf %broadcast_in_dim3A_242, %slice3A_243 : vector<1x128xf32>
      %mul3A_245 = arith.constant 5.000000e-01 : f32
      %mul3A_246 = vector.broadcast %mul3A_245 : f32 to vector<1x128xf32>
      %mul3A_247 = arith.mulf %mul3A_246, %add3A_226 : vector<1x128xf32>
      %tanh3A_248 = math.tanh %mul3A_247 : vector<1x128xf32>
      %mul3A_249 = arith.constant 5.000000e-01 : f32
      %mul3A_250 = vector.broadcast %mul3A_249 : f32 to vector<1x128xf32>
      %mul3A_251 = arith.mulf %mul3A_250, %tanh3A_248 : vector<1x128xf32>
      %add3A_252 = arith.constant 5.000000e-01 : f32
      %add3A_253 = vector.broadcast %add3A_252 : f32 to vector<1x128xf32>
      %add3A_254 = arith.addf %mul3A_251, %add3A_253 : vector<1x128xf32>
      %mul3A_255 = arith.constant 5.000000e-01 : f32
      %mul3A_256 = vector.broadcast %mul3A_255 : f32 to vector<1x128xf32>
      %mul3A_257 = arith.mulf %mul3A_256, %add3A_232 : vector<1x128xf32>
      %tanh3A_258 = math.tanh %mul3A_257 : vector<1x128xf32>
      %mul3A_259 = arith.constant 5.000000e-01 : f32
      %mul3A_260 = vector.broadcast %mul3A_259 : f32 to vector<1x128xf32>
      %mul3A_261 = arith.mulf %mul3A_260, %tanh3A_258 : vector<1x128xf32>
      %add3A_262 = arith.constant 5.000000e-01 : f32
      %add3A_263 = vector.broadcast %add3A_262 : f32 to vector<1x128xf32>
      %add3A_264 = arith.addf %mul3A_261, %add3A_263 : vector<1x128xf32>
      %tanh3A_265 = math.tanh %add3A_238 : vector<1x128xf32>
      %mul3A_266 = arith.constant 5.000000e-01 : f32
      %mul3A_267 = vector.broadcast %mul3A_266 : f32 to vector<1x128xf32>
      %mul3A_268 = arith.mulf %mul3A_267, %add3A_244 : vector<1x128xf32>
      %tanh3A_269 = math.tanh %mul3A_268 : vector<1x128xf32>
      %mul3A_270 = arith.constant 5.000000e-01 : f32
      %mul3A_271 = vector.broadcast %mul3A_270 : f32 to vector<1x128xf32>
      %mul3A_272 = arith.mulf %mul3A_271, %tanh3A_269 : vector<1x128xf32>
      %add3A_273 = arith.constant 5.000000e-01 : f32
      %add3A_274 = vector.broadcast %add3A_273 : f32 to vector<1x128xf32>
      %add3A_275 = arith.addf %mul3A_272, %add3A_274 : vector<1x128xf32>
      %mul3A_276 = arith.mulf %add3A_264, %add3A_205 : vector<1x128xf32>
      %mul3A_277 = arith.mulf %add3A_254, %tanh3A_265 : vector<1x128xf32>
      %add3A_278 = arith.addf %mul3A_276, %mul3A_277 : vector<1x128xf32>
      %tanh3A_279 = math.tanh %add3A_278 : vector<1x128xf32>
      %mul3A_280 = arith.mulf %add3A_275, %tanh3A_279 : vector<1x128xf32>
      %add3A_281 = arith.constant 2 : i32
      %add3A_282 = arith.addi %mul3A_71, %add3A_281 : i32
      %swap3A_283 = arith.index_cast %add3A_282 : i32 to index
      %swap3A_284 = arith.constant 0 : index
      %swap3A_285 = vector.load %arg12[%swap3A_283, %swap3A_284] : memref<1280x128xf32, #tpu.memory_space<vmem>>, vector<1x128xf32>
      tpu.vector_store %arg12[%swap3A_283, %swap3A_284], %mul3A_280 {strides = array<i32>} : memref<1280x128xf32, #tpu.memory_space<vmem>>, vector<1x128xf32>,
      %reshape3A_286 = vector.shape_cast %mul3A_280 : vector<1x128xf32> to vector<128x1xf32>
      %add3A_287 = arith.constant 3 : i32
      %add3A_288 = arith.addi %mul3A_71, %add3A_287 : i32
      %get3A_289 = arith.index_cast %add3A_288 : i32 to index
      %get3A_290 = arith.constant 0 : index
      %get3A_291 = vector.load %arg1[%get3A_289, %get3A_290] : memref<1280x512xf32, #tpu.memory_space<vmem>>, vector<1x512xf32>
      %mul3A_292 = vector.broadcast %reshape3A_286 : vector<128x1xf32> to vector<128x512xf32>
      %mul3A_293 = arith.mulf %get3A_7, %mul3A_292 : vector<128x512xf32>
      %slice3A_294 = vector.extract_strided_slice %mul3A_293 {offsets = [0, 0], sizes = [128, 128], strides = [1, 1]} : vector<128x512xf32> to vector<128x128xf32>
      %reduce_sum3A_295 = arith.constant dense<0.000000e+00> : vector<128xf32>
      %reduce_sum3A_296 = vector.multi_reduction <add>, %slice3A_294, %reduce_sum3A_295 [0] : vector<128x128xf32> to vector<128xf32>
      %broadcast_in_dim3A_297 = vector.shape_cast %reduce_sum3A_296 : vector<128xf32> to vector<1x128xf32>
      %slice3A_298 = vector.extract_strided_slice %get3A_291 {offsets = [0, 0], sizes = [1, 128], strides = [1, 1]} : vector<1x512xf32> to vector<1x128xf32>
      %add3A_299 = arith.addf %broadcast_in_dim3A_297, %slice3A_298 : vector<1x128xf32>
      %slice3A_300 = vector.extract_strided_slice %mul3A_293 {offsets = [0, 128], sizes = [128, 128], strides = [1, 1]} : vector<128x512xf32> to vector<128x128xf32>
      %reduce_sum3A_301 = arith.constant dense<0.000000e+00> : vector<128xf32>
      %reduce_sum3A_302 = vector.multi_reduction <add>, %slice3A_300, %reduce_sum3A_301 [0] : vector<128x128xf32> to vector<128xf32>
      %broadcast_in_dim3A_303 = vector.shape_cast %reduce_sum3A_302 : vector<128xf32> to vector<1x128xf32>
      %slice3A_304 = vector.extract_strided_slice %get3A_291 {offsets = [0, 128], sizes = [1, 128], strides = [1, 1]} : vector<1x512xf32> to vector<1x128xf32>
      %add3A_305 = arith.addf %broadcast_in_dim3A_303, %slice3A_304 : vector<1x128xf32>
      %slice3A_306 = vector.extract_strided_slice %mul3A_293 {offsets = [0, 256], sizes = [128, 128], strides = [1, 1]} : vector<128x512xf32> to vector<128x128xf32>
      %reduce_sum3A_307 = arith.constant dense<0.000000e+00> : vector<128xf32>
      %reduce_sum3A_308 = vector.multi_reduction <add>, %slice3A_306, %reduce_sum3A_307 [0] : vector<128x128xf32> to vector<128xf32>
      %broadcast_in_dim3A_309 = vector.shape_cast %reduce_sum3A_308 : vector<128xf32> to vector<1x128xf32>
      %slice3A_310 = vector.extract_strided_slice %get3A_291 {offsets = [0, 256], sizes = [1, 128], strides = [1, 1]} : vector<1x512xf32> to vector<1x128xf32>
      %add3A_311 = arith.addf %broadcast_in_dim3A_309, %slice3A_310 : vector<1x128xf32>
      %slice3A_312 = vector.extract_strided_slice %mul3A_293 {offsets = [0, 384], sizes = [128, 128], strides = [1, 1]} : vector<128x512xf32> to vector<128x128xf32>
      %reduce_sum3A_313 = arith.constant dense<0.000000e+00> : vector<128xf32>
      %reduce_sum3A_314 = vector.multi_reduction <add>, %slice3A_312, %reduce_sum3A_313 [0] : vector<128x128xf32> to vector<128xf32>
      %broadcast_in_dim3A_315 = vector.shape_cast %reduce_sum3A_314 : vector<128xf32> to vector<1x128xf32>
      %slice3A_316 = vector.extract_strided_slice %get3A_291 {offsets = [0, 384], sizes = [1, 128], strides = [1, 1]} : vector<1x512xf32> to vector<1x128xf32>
      %add3A_317 = arith.addf %broadcast_in_dim3A_315, %slice3A_316 : vector<1x128xf32>
      %mul3A_318 = arith.constant 5.000000e-01 : f32
      %mul3A_319 = vector.broadcast %mul3A_318 : f32 to vector<1x128xf32>
      %mul3A_320 = arith.mulf %mul3A_319, %add3A_299 : vector<1x128xf32>
      %tanh3A_321 = math.tanh %mul3A_320 : vector<1x128xf32>
      %mul3A_322 = arith.constant 5.000000e-01 : f32
      %mul3A_323 = vector.broadcast %mul3A_322 : f32 to vector<1x128xf32>
      %mul3A_324 = arith.mulf %mul3A_323, %tanh3A_321 : vector<1x128xf32>
      %add3A_325 = arith.constant 5.000000e-01 : f32
      %add3A_326 = vector.broadcast %add3A_325 : f32 to vector<1x128xf32>
      %add3A_327 = arith.addf %mul3A_324, %add3A_326 : vector<1x128xf32>
      %mul3A_328 = arith.constant 5.000000e-01 : f32
      %mul3A_329 = vector.broadcast %mul3A_328 : f32 to vector<1x128xf32>
      %mul3A_330 = arith.mulf %mul3A_329, %add3A_305 : vector<1x128xf32>
      %tanh3A_331 = math.tanh %mul3A_330 : vector<1x128xf32>
      %mul3A_332 = arith.constant 5.000000e-01 : f32
      %mul3A_333 = vector.broadcast %mul3A_332 : f32 to vector<1x128xf32>
      %mul3A_334 = arith.mulf %mul3A_333, %tanh3A_331 : vector<1x128xf32>
      %add3A_335 = arith.constant 5.000000e-01 : f32
      %add3A_336 = vector.broadcast %add3A_335 : f32 to vector<1x128xf32>
      %add3A_337 = arith.addf %mul3A_334, %add3A_336 : vector<1x128xf32>
      %tanh3A_338 = math.tanh %add3A_311 : vector<1x128xf32>
      %mul3A_339 = arith.constant 5.000000e-01 : f32
      %mul3A_340 = vector.broadcast %mul3A_339 : f32 to vector<1x128xf32>
      %mul3A_341 = arith.mulf %mul3A_340, %add3A_317 : vector<1x128xf32>
      %tanh3A_342 = math.tanh %mul3A_341 : vector<1x128xf32>
      %mul3A_343 = arith.constant 5.000000e-01 : f32
      %mul3A_344 = vector.broadcast %mul3A_343 : f32 to vector<1x128xf32>
      %mul3A_345 = arith.mulf %mul3A_344, %tanh3A_342 : vector<1x128xf32>
      %add3A_346 = arith.constant 5.000000e-01 : f32
      %add3A_347 = vector.broadcast %add3A_346 : f32 to vector<1x128xf32>
      %add3A_348 = arith.addf %mul3A_345, %add3A_347 : vector<1x128xf32>
      %mul3A_349 = arith.mulf %add3A_337, %add3A_278 : vector<1x128xf32>
      %mul3A_350 = arith.mulf %add3A_327, %tanh3A_338 : vector<1x128xf32>
      %add3A_351 = arith.addf %mul3A_349, %mul3A_350 : vector<1x128xf32>
      %tanh3A_352 = math.tanh %add3A_351 : vector<1x128xf32>
      %mul3A_353 = arith.mulf %add3A_348, %tanh3A_352 : vector<1x128xf32>
      %add3A_354 = arith.constant 3 : i32
      %add3A_355 = arith.addi %mul3A_71, %add3A_354 : i32
      %swap3A_356 = arith.index_cast %add3A_355 : i32 to index
      %swap3A_357 = arith.constant 0 : index
      %swap3A_358 = vector.load %arg12[%swap3A_356, %swap3A_357] : memref<1280x128xf32, #tpu.memory_space<vmem>>, vector<1x128xf32>
      tpu.vector_store %arg12[%swap3A_356, %swap3A_357], %mul3A_353 {strides = array<i32>} : memref<1280x128xf32, #tpu.memory_space<vmem>>, vector<1x128xf32>,
      %reshape3A_359 = vector.shape_cast %mul3A_353 : vector<1x128xf32> to vector<128x1xf32>
      %add3A_360 = arith.constant 4 : i32
      %add3A_361 = arith.addi %mul3A_71, %add3A_360 : i32
      %get3A_362 = arith.index_cast %add3A_361 : i32 to index
      %get3A_363 = arith.constant 0 : index
      %get3A_364 = vector.load %arg1[%get3A_362, %get3A_363] : memref<1280x512xf32, #tpu.memory_space<vmem>>, vector<1x512xf32>
      %mul3A_365 = vector.broadcast %reshape3A_359 : vector<128x1xf32> to vector<128x512xf32>
      %mul3A_366 = arith.mulf %get3A_7, %mul3A_365 : vector<128x512xf32>
      %slice3A_367 = vector.extract_strided_slice %mul3A_366 {offsets = [0, 0], sizes = [128, 128], strides = [1, 1]} : vector<128x512xf32> to vector<128x128xf32>
      %reduce_sum3A_368 = arith.constant dense<0.000000e+00> : vector<128xf32>
      %reduce_sum3A_369 = vector.multi_reduction <add>, %slice3A_367, %reduce_sum3A_368 [0] : vector<128x128xf32> to vector<128xf32>
      %broadcast_in_dim3A_370 = vector.shape_cast %reduce_sum3A_369 : vector<128xf32> to vector<1x128xf32>
      %slice3A_371 = vector.extract_strided_slice %get3A_364 {offsets = [0, 0], sizes = [1, 128], strides = [1, 1]} : vector<1x512xf32> to vector<1x128xf32>
      %add3A_372 = arith.addf %broadcast_in_dim3A_370, %slice3A_371 : vector<1x128xf32>
      %slice3A_373 = vector.extract_strided_slice %mul3A_366 {offsets = [0, 128], sizes = [128, 128], strides = [1, 1]} : vector<128x512xf32> to vector<128x128xf32>
      %reduce_sum3A_374 = arith.constant dense<0.000000e+00> : vector<128xf32>
      %reduce_sum3A_375 = vector.multi_reduction <add>, %slice3A_373, %reduce_sum3A_374 [0] : vector<128x128xf32> to vector<128xf32>
      %broadcast_in_dim3A_376 = vector.shape_cast %reduce_sum3A_375 : vector<128xf32> to vector<1x128xf32>
      %slice3A_377 = vector.extract_strided_slice %get3A_364 {offsets = [0, 128], sizes = [1, 128], strides = [1, 1]} : vector<1x512xf32> to vector<1x128xf32>
      %add3A_378 = arith.addf %broadcast_in_dim3A_376, %slice3A_377 : vector<1x128xf32>
      %slice3A_379 = vector.extract_strided_slice %mul3A_366 {offsets = [0, 256], sizes = [128, 128], strides = [1, 1]} : vector<128x512xf32> to vector<128x128xf32>
      %reduce_sum3A_380 = arith.constant dense<0.000000e+00> : vector<128xf32>
      %reduce_sum3A_381 = vector.multi_reduction <add>, %slice3A_379, %reduce_sum3A_380 [0] : vector<128x128xf32> to vector<128xf32>
      %broadcast_in_dim3A_382 = vector.shape_cast %reduce_sum3A_381 : vector<128xf32> to vector<1x128xf32>
      %slice3A_383 = vector.extract_strided_slice %get3A_364 {offsets = [0, 256], sizes = [1, 128], strides = [1, 1]} : vector<1x512xf32> to vector<1x128xf32>
      %add3A_384 = arith.addf %broadcast_in_dim3A_382, %slice3A_383 : vector<1x128xf32>
      %slice3A_385 = vector.extract_strided_slice %mul3A_366 {offsets = [0, 384], sizes = [128, 128], strides = [1, 1]} : vector<128x512xf32> to vector<128x128xf32>
      %reduce_sum3A_386 = arith.constant dense<0.000000e+00> : vector<128xf32>
      %reduce_sum3A_387 = vector.multi_reduction <add>, %slice3A_385, %reduce_sum3A_386 [0] : vector<128x128xf32> to vector<128xf32>
      %broadcast_in_dim3A_388 = vector.shape_cast %reduce_sum3A_387 : vector<128xf32> to vector<1x128xf32>
      %slice3A_389 = vector.extract_strided_slice %get3A_364 {offsets = [0, 384], sizes = [1, 128], strides = [1, 1]} : vector<1x512xf32> to vector<1x128xf32>
      %add3A_390 = arith.addf %broadcast_in_dim3A_388, %slice3A_389 : vector<1x128xf32>
      %mul3A_391 = arith.constant 5.000000e-01 : f32
      %mul3A_392 = vector.broadcast %mul3A_391 : f32 to vector<1x128xf32>
      %mul3A_393 = arith.mulf %mul3A_392, %add3A_372 : vector<1x128xf32>
      %tanh3A_394 = math.tanh %mul3A_393 : vector<1x128xf32>
      %mul3A_395 = arith.constant 5.000000e-01 : f32
      %mul3A_396 = vector.broadcast %mul3A_395 : f32 to vector<1x128xf32>
      %mul3A_397 = arith.mulf %mul3A_396, %tanh3A_394 : vector<1x128xf32>
      %add3A_398 = arith.constant 5.000000e-01 : f32
      %add3A_399 = vector.broadcast %add3A_398 : f32 to vector<1x128xf32>
      %add3A_400 = arith.addf %mul3A_397, %add3A_399 : vector<1x128xf32>
      %mul3A_401 = arith.constant 5.000000e-01 : f32
      %mul3A_402 = vector.broadcast %mul3A_401 : f32 to vector<1x128xf32>
      %mul3A_403 = arith.mulf %mul3A_402, %add3A_378 : vector<1x128xf32>
      %tanh3A_404 = math.tanh %mul3A_403 : vector<1x128xf32>
      %mul3A_405 = arith.constant 5.000000e-01 : f32
      %mul3A_406 = vector.broadcast %mul3A_405 : f32 to vector<1x128xf32>
      %mul3A_407 = arith.mulf %mul3A_406, %tanh3A_404 : vector<1x128xf32>
      %add3A_408 = arith.constant 5.000000e-01 : f32
      %add3A_409 = vector.broadcast %add3A_408 : f32 to vector<1x128xf32>
      %add3A_410 = arith.addf %mul3A_407, %add3A_409 : vector<1x128xf32>
      %tanh3A_411 = math.tanh %add3A_384 : vector<1x128xf32>
      %mul3A_412 = arith.constant 5.000000e-01 : f32
      %mul3A_413 = vector.broadcast %mul3A_412 : f32 to vector<1x128xf32>
      %mul3A_414 = arith.mulf %mul3A_413, %add3A_390 : vector<1x128xf32>
      %tanh3A_415 = math.tanh %mul3A_414 : vector<1x128xf32>
      %mul3A_416 = arith.constant 5.000000e-01 : f32
      %mul3A_417 = vector.broadcast %mul3A_416 : f32 to vector<1x128xf32>
      %mul3A_418 = arith.mulf %mul3A_417, %tanh3A_415 : vector<1x128xf32>
      %add3A_419 = arith.constant 5.000000e-01 : f32
      %add3A_420 = vector.broadcast %add3A_419 : f32 to vector<1x128xf32>
      %add3A_421 = arith.addf %mul3A_418, %add3A_420 : vector<1x128xf32>
      %mul3A_422 = arith.mulf %add3A_410, %add3A_351 : vector<1x128xf32>
      %mul3A_423 = arith.mulf %add3A_400, %tanh3A_411 : vector<1x128xf32>
      %add3A_424 = arith.addf %mul3A_422, %mul3A_423 : vector<1x128xf32>
      %tanh3A_425 = math.tanh %add3A_424 : vector<1x128xf32>
      %mul3A_426 = arith.mulf %add3A_421, %tanh3A_425 : vector<1x128xf32>
      %add3A_427 = arith.constant 4 : i32
      %add3A_428 = arith.addi %mul3A_71, %add3A_427 : i32
      %swap3A_429 = arith.index_cast %add3A_428 : i32 to index
      %swap3A_430 = arith.constant 0 : index
      %swap3A_431 = vector.load %arg12[%swap3A_429, %swap3A_430] : memref<1280x128xf32, #tpu.memory_space<vmem>>, vector<1x128xf32>
      tpu.vector_store %arg12[%swap3A_429, %swap3A_430], %mul3A_426 {strides = array<i32>} : memref<1280x128xf32, #tpu.memory_space<vmem>>, vector<1x128xf32>,
      %reshape3A_432 = vector.shape_cast %mul3A_426 : vector<1x128xf32> to vector<128x1xf32>
      %add3A_433 = arith.constant 5 : i32
      %add3A_434 = arith.addi %mul3A_71, %add3A_433 : i32
      %get3A_435 = arith.index_cast %add3A_434 : i32 to index
      %get3A_436 = arith.constant 0 : index
      %get3A_437 = vector.load %arg1[%get3A_435, %get3A_436] : memref<1280x512xf32, #tpu.memory_space<vmem>>, vector<1x512xf32>
      %mul3A_438 = vector.broadcast %reshape3A_432 : vector<128x1xf32> to vector<128x512xf32>
      %mul3A_439 = arith.mulf %get3A_7, %mul3A_438 : vector<128x512xf32>
      %slice3A_440 = vector.extract_strided_slice %mul3A_439 {offsets = [0, 0], sizes = [128, 128], strides = [1, 1]} : vector<128x512xf32> to vector<128x128xf32>
      %reduce_sum3A_441 = arith.constant dense<0.000000e+00> : vector<128xf32>
      %reduce_sum3A_442 = vector.multi_reduction <add>, %slice3A_440, %reduce_sum3A_441 [0] : vector<128x128xf32> to vector<128xf32>
      %broadcast_in_dim3A_443 = vector.shape_cast %reduce_sum3A_442 : vector<128xf32> to vector<1x128xf32>
      %slice3A_444 = vector.extract_strided_slice %get3A_437 {offsets = [0, 0], sizes = [1, 128], strides = [1, 1]} : vector<1x512xf32> to vector<1x128xf32>
      %add3A_445 = arith.addf %broadcast_in_dim3A_443, %slice3A_444 : vector<1x128xf32>
      %slice3A_446 = vector.extract_strided_slice %mul3A_439 {offsets = [0, 128], sizes = [128, 128], strides = [1, 1]} : vector<128x512xf32> to vector<128x128xf32>
      %reduce_sum3A_447 = arith.constant dense<0.000000e+00> : vector<128xf32>
      %reduce_sum3A_448 = vector.multi_reduction <add>, %slice3A_446, %reduce_sum3A_447 [0] : vector<128x128xf32> to vector<128xf32>
      %broadcast_in_dim3A_449 = vector.shape_cast %reduce_sum3A_448 : vector<128xf32> to vector<1x128xf32>
      %slice3A_450 = vector.extract_strided_slice %get3A_437 {offsets = [0, 128], sizes = [1, 128], strides = [1, 1]} : vector<1x512xf32> to vector<1x128xf32>
      %add3A_451 = arith.addf %broadcast_in_dim3A_449, %slice3A_450 : vector<1x128xf32>
      %slice3A_452 = vector.extract_strided_slice %mul3A_439 {offsets = [0, 256], sizes = [128, 128], strides = [1, 1]} : vector<128x512xf32> to vector<128x128xf32>
      %reduce_sum3A_453 = arith.constant dense<0.000000e+00> : vector<128xf32>
      %reduce_sum3A_454 = vector.multi_reduction <add>, %slice3A_452, %reduce_sum3A_453 [0] : vector<128x128xf32> to vector<128xf32>
      %broadcast_in_dim3A_455 = vector.shape_cast %reduce_sum3A_454 : vector<128xf32> to vector<1x128xf32>
      %slice3A_456 = vector.extract_strided_slice %get3A_437 {offsets = [0, 256], sizes = [1, 128], strides = [1, 1]} : vector<1x512xf32> to vector<1x128xf32>
      %add3A_457 = arith.addf %broadcast_in_dim3A_455, %slice3A_456 : vector<1x128xf32>
      %slice3A_458 = vector.extract_strided_slice %mul3A_439 {offsets = [0, 384], sizes = [128, 128], strides = [1, 1]} : vector<128x512xf32> to vector<128x128xf32>
      %reduce_sum3A_459 = arith.constant dense<0.000000e+00> : vector<128xf32>
      %reduce_sum3A_460 = vector.multi_reduction <add>, %slice3A_458, %reduce_sum3A_459 [0] : vector<128x128xf32> to vector<128xf32>
      %broadcast_in_dim3A_461 = vector.shape_cast %reduce_sum3A_460 : vector<128xf32> to vector<1x128xf32>
      %slice3A_462 = vector.extract_strided_slice %get3A_437 {offsets = [0, 384], sizes = [1, 128], strides = [1, 1]} : vector<1x512xf32> to vector<1x128xf32>
      %add3A_463 = arith.addf %broadcast_in_dim3A_461, %slice3A_462 : vector<1x128xf32>
      %mul3A_464 = arith.constant 5.000000e-01 : f32
      %mul3A_465 = vector.broadcast %mul3A_464 : f32 to vector<1x128xf32>
      %mul3A_466 = arith.mulf %mul3A_465, %add3A_445 : vector<1x128xf32>
      %tanh3A_467 = math.tanh %mul3A_466 : vector<1x128xf32>
      %mul3A_468 = arith.constant 5.000000e-01 : f32
      %mul3A_469 = vector.broadcast %mul3A_468 : f32 to vector<1x128xf32>
      %mul3A_470 = arith.mulf %mul3A_469, %tanh3A_467 : vector<1x128xf32>
      %add3A_471 = arith.constant 5.000000e-01 : f32
      %add3A_472 = vector.broadcast %add3A_471 : f32 to vector<1x128xf32>
      %add3A_473 = arith.addf %mul3A_470, %add3A_472 : vector<1x128xf32>
      %mul3A_474 = arith.constant 5.000000e-01 : f32
      %mul3A_475 = vector.broadcast %mul3A_474 : f32 to vector<1x128xf32>
      %mul3A_476 = arith.mulf %mul3A_475, %add3A_451 : vector<1x128xf32>
      %tanh3A_477 = math.tanh %mul3A_476 : vector<1x128xf32>
      %mul3A_478 = arith.constant 5.000000e-01 : f32
      %mul3A_479 = vector.broadcast %mul3A_478 : f32 to vector<1x128xf32>
      %mul3A_480 = arith.mulf %mul3A_479, %tanh3A_477 : vector<1x128xf32>
      %add3A_481 = arith.constant 5.000000e-01 : f32
      %add3A_482 = vector.broadcast %add3A_481 : f32 to vector<1x128xf32>
      %add3A_483 = arith.addf %mul3A_480, %add3A_482 : vector<1x128xf32>
      %tanh3A_484 = math.tanh %add3A_457 : vector<1x128xf32>
      %mul3A_485 = arith.constant 5.000000e-01 : f32
      %mul3A_486 = vector.broadcast %mul3A_485 : f32 to vector<1x128xf32>
      %mul3A_487 = arith.mulf %mul3A_486, %add3A_463 : vector<1x128xf32>
      %tanh3A_488 = math.tanh %mul3A_487 : vector<1x128xf32>
      %mul3A_489 = arith.constant 5.000000e-01 : f32
      %mul3A_490 = vector.broadcast %mul3A_489 : f32 to vector<1x128xf32>
      %mul3A_491 = arith.mulf %mul3A_490, %tanh3A_488 : vector<1x128xf32>
      %add3A_492 = arith.constant 5.000000e-01 : f32
      %add3A_493 = vector.broadcast %add3A_492 : f32 to vector<1x128xf32>
      %add3A_494 = arith.addf %mul3A_491, %add3A_493 : vector<1x128xf32>
      %mul3A_495 = arith.mulf %add3A_483, %add3A_424 : vector<1x128xf32>
      %mul3A_496 = arith.mulf %add3A_473, %tanh3A_484 : vector<1x128xf32>
      %add3A_497 = arith.addf %mul3A_495, %mul3A_496 : vector<1x128xf32>
      %tanh3A_498 = math.tanh %add3A_497 : vector<1x128xf32>
      %mul3A_499 = arith.mulf %add3A_494, %tanh3A_498 : vector<1x128xf32>
      %add3A_500 = arith.constant 5 : i32
      %add3A_501 = arith.addi %mul3A_71, %add3A_500 : i32
      %swap3A_502 = arith.index_cast %add3A_501 : i32 to index
      %swap3A_503 = arith.constant 0 : index
      %swap3A_504 = vector.load %arg12[%swap3A_502, %swap3A_503] : memref<1280x128xf32, #tpu.memory_space<vmem>>, vector<1x128xf32>
      tpu.vector_store %arg12[%swap3A_502, %swap3A_503], %mul3A_499 {strides = array<i32>} : memref<1280x128xf32, #tpu.memory_space<vmem>>, vector<1x128xf32>,
      %reshape3A_505 = vector.shape_cast %mul3A_499 : vector<1x128xf32> to vector<128x1xf32>
      %add3A_506 = arith.constant 6 : i32
      %add3A_507 = arith.addi %mul3A_71, %add3A_506 : i32
      %get3A_508 = arith.index_cast %add3A_507 : i32 to index
      %get3A_509 = arith.constant 0 : index
      %get3A_510 = vector.load %arg1[%get3A_508, %get3A_509] : memref<1280x512xf32, #tpu.memory_space<vmem>>, vector<1x512xf32>
      %mul3A_511 = vector.broadcast %reshape3A_505 : vector<128x1xf32> to vector<128x512xf32>
      %mul3A_512 = arith.mulf %get3A_7, %mul3A_511 : vector<128x512xf32>
      %slice3A_513 = vector.extract_strided_slice %mul3A_512 {offsets = [0, 0], sizes = [128, 128], strides = [1, 1]} : vector<128x512xf32> to vector<128x128xf32>
      %reduce_sum3A_514 = arith.constant dense<0.000000e+00> : vector<128xf32>
      %reduce_sum3A_515 = vector.multi_reduction <add>, %slice3A_513, %reduce_sum3A_514 [0] : vector<128x128xf32> to vector<128xf32>
      %broadcast_in_dim3A_516 = vector.shape_cast %reduce_sum3A_515 : vector<128xf32> to vector<1x128xf32>
      %slice3A_517 = vector.extract_strided_slice %get3A_510 {offsets = [0, 0], sizes = [1, 128], strides = [1, 1]} : vector<1x512xf32> to vector<1x128xf32>
      %add3A_518 = arith.addf %broadcast_in_dim3A_516, %slice3A_517 : vector<1x128xf32>
      %slice3A_519 = vector.extract_strided_slice %mul3A_512 {offsets = [0, 128], sizes = [128, 128], strides = [1, 1]} : vector<128x512xf32> to vector<128x128xf32>
      %reduce_sum3A_520 = arith.constant dense<0.000000e+00> : vector<128xf32>
      %reduce_sum3A_521 = vector.multi_reduction <add>, %slice3A_519, %reduce_sum3A_520 [0] : vector<128x128xf32> to vector<128xf32>
      %broadcast_in_dim3A_522 = vector.shape_cast %reduce_sum3A_521 : vector<128xf32> to vector<1x128xf32>
      %slice3A_523 = vector.extract_strided_slice %get3A_510 {offsets = [0, 128], sizes = [1, 128], strides = [1, 1]} : vector<1x512xf32> to vector<1x128xf32>
      %add3A_524 = arith.addf %broadcast_in_dim3A_522, %slice3A_523 : vector<1x128xf32>
      %slice3A_525 = vector.extract_strided_slice %mul3A_512 {offsets = [0, 256], sizes = [128, 128], strides = [1, 1]} : vector<128x512xf32> to vector<128x128xf32>
      %reduce_sum3A_526 = arith.constant dense<0.000000e+00> : vector<128xf32>
      %reduce_sum3A_527 = vector.multi_reduction <add>, %slice3A_525, %reduce_sum3A_526 [0] : vector<128x128xf32> to vector<128xf32>
      %broadcast_in_dim3A_528 = vector.shape_cast %reduce_sum3A_527 : vector<128xf32> to vector<1x128xf32>
      %slice3A_529 = vector.extract_strided_slice %get3A_510 {offsets = [0, 256], sizes = [1, 128], strides = [1, 1]} : vector<1x512xf32> to vector<1x128xf32>
      %add3A_530 = arith.addf %broadcast_in_dim3A_528, %slice3A_529 : vector<1x128xf32>
      %slice3A_531 = vector.extract_strided_slice %mul3A_512 {offsets = [0, 384], sizes = [128, 128], strides = [1, 1]} : vector<128x512xf32> to vector<128x128xf32>
      %reduce_sum3A_532 = arith.constant dense<0.000000e+00> : vector<128xf32>
      %reduce_sum3A_533 = vector.multi_reduction <add>, %slice3A_531, %reduce_sum3A_532 [0] : vector<128x128xf32> to vector<128xf32>
      %broadcast_in_dim3A_534 = vector.shape_cast %reduce_sum3A_533 : vector<128xf32> to vector<1x128xf32>
      %slice3A_535 = vector.extract_strided_slice %get3A_510 {offsets = [0, 384], sizes = [1, 128], strides = [1, 1]} : vector<1x512xf32> to vector<1x128xf32>
      %add3A_536 = arith.addf %broadcast_in_dim3A_534, %slice3A_535 : vector<1x128xf32>
      %mul3A_537 = arith.constant 5.000000e-01 : f32
      %mul3A_538 = vector.broadcast %mul3A_537 : f32 to vector<1x128xf32>
      %mul3A_539 = arith.mulf %mul3A_538, %add3A_518 : vector<1x128xf32>
      %tanh3A_540 = math.tanh %mul3A_539 : vector<1x128xf32>
      %mul3A_541 = arith.constant 5.000000e-01 : f32
      %mul3A_542 = vector.broadcast %mul3A_541 : f32 to vector<1x128xf32>
      %mul3A_543 = arith.mulf %mul3A_542, %tanh3A_540 : vector<1x128xf32>
      %add3A_544 = arith.constant 5.000000e-01 : f32
      %add3A_545 = vector.broadcast %add3A_544 : f32 to vector<1x128xf32>
      %add3A_546 = arith.addf %mul3A_543, %add3A_545 : vector<1x128xf32>
      %mul3A_547 = arith.constant 5.000000e-01 : f32
      %mul3A_548 = vector.broadcast %mul3A_547 : f32 to vector<1x128xf32>
      %mul3A_549 = arith.mulf %mul3A_548, %add3A_524 : vector<1x128xf32>
      %tanh3A_550 = math.tanh %mul3A_549 : vector<1x128xf32>
      %mul3A_551 = arith.constant 5.000000e-01 : f32
      %mul3A_552 = vector.broadcast %mul3A_551 : f32 to vector<1x128xf32>
      %mul3A_553 = arith.mulf %mul3A_552, %tanh3A_550 : vector<1x128xf32>
      %add3A_554 = arith.constant 5.000000e-01 : f32
      %add3A_555 = vector.broadcast %add3A_554 : f32 to vector<1x128xf32>
      %add3A_556 = arith.addf %mul3A_553, %add3A_555 : vector<1x128xf32>
      %tanh3A_557 = math.tanh %add3A_530 : vector<1x128xf32>
      %mul3A_558 = arith.constant 5.000000e-01 : f32
      %mul3A_559 = vector.broadcast %mul3A_558 : f32 to vector<1x128xf32>
      %mul3A_560 = arith.mulf %mul3A_559, %add3A_536 : vector<1x128xf32>
      %tanh3A_561 = math.tanh %mul3A_560 : vector<1x128xf32>
      %mul3A_562 = arith.constant 5.000000e-01 : f32
      %mul3A_563 = vector.broadcast %mul3A_562 : f32 to vector<1x128xf32>
      %mul3A_564 = arith.mulf %mul3A_563, %tanh3A_561 : vector<1x128xf32>
      %add3A_565 = arith.constant 5.000000e-01 : f32
      %add3A_566 = vector.broadcast %add3A_565 : f32 to vector<1x128xf32>
      %add3A_567 = arith.addf %mul3A_564, %add3A_566 : vector<1x128xf32>
      %mul3A_568 = arith.mulf %add3A_556, %add3A_497 : vector<1x128xf32>
      %mul3A_569 = arith.mulf %add3A_546, %tanh3A_557 : vector<1x128xf32>
      %add3A_570 = arith.addf %mul3A_568, %mul3A_569 : vector<1x128xf32>
      %tanh3A_571 = math.tanh %add3A_570 : vector<1x128xf32>
      %mul3A_572 = arith.mulf %add3A_567, %tanh3A_571 : vector<1x128xf32>
      %add3A_573 = arith.constant 6 : i32
      %add3A_574 = arith.addi %mul3A_71, %add3A_573 : i32
      %swap3A_575 = arith.index_cast %add3A_574 : i32 to index
      %swap3A_576 = arith.constant 0 : index
      %swap3A_577 = vector.load %arg12[%swap3A_575, %swap3A_576] : memref<1280x128xf32, #tpu.memory_space<vmem>>, vector<1x128xf32>
      tpu.vector_store %arg12[%swap3A_575, %swap3A_576], %mul3A_572 {strides = array<i32>} : memref<1280x128xf32, #tpu.memory_space<vmem>>, vector<1x128xf32>,
      %reshape3A_578 = vector.shape_cast %mul3A_572 : vector<1x128xf32> to vector<128x1xf32>
      %add3A_579 = arith.constant 7 : i32
      %add3A_580 = arith.addi %mul3A_71, %add3A_579 : i32
      %get3A_581 = arith.index_cast %add3A_580 : i32 to index
      %get3A_582 = arith.constant 0 : index
      %get3A_583 = vector.load %arg1[%get3A_581, %get3A_582] : memref<1280x512xf32, #tpu.memory_space<vmem>>, vector<1x512xf32>
      %mul3A_584 = vector.broadcast %reshape3A_578 : vector<128x1xf32> to vector<128x512xf32>
      %mul3A_585 = arith.mulf %get3A_7, %mul3A_584 : vector<128x512xf32>
      %slice3A_586 = vector.extract_strided_slice %mul3A_585 {offsets = [0, 0], sizes = [128, 128], strides = [1, 1]} : vector<128x512xf32> to vector<128x128xf32>
      %reduce_sum3A_587 = arith.constant dense<0.000000e+00> : vector<128xf32>
      %reduce_sum3A_588 = vector.multi_reduction <add>, %slice3A_586, %reduce_sum3A_587 [0] : vector<128x128xf32> to vector<128xf32>
      %broadcast_in_dim3A_589 = vector.shape_cast %reduce_sum3A_588 : vector<128xf32> to vector<1x128xf32>
      %slice3A_590 = vector.extract_strided_slice %get3A_583 {offsets = [0, 0], sizes = [1, 128], strides = [1, 1]} : vector<1x512xf32> to vector<1x128xf32>
      %add3A_591 = arith.addf %broadcast_in_dim3A_589, %slice3A_590 : vector<1x128xf32>
      %slice3A_592 = vector.extract_strided_slice %mul3A_585 {offsets = [0, 128], sizes = [128, 128], strides = [1, 1]} : vector<128x512xf32> to vector<128x128xf32>
      %reduce_sum3A_593 = arith.constant dense<0.000000e+00> : vector<128xf32>
      %reduce_sum3A_594 = vector.multi_reduction <add>, %slice3A_592, %reduce_sum3A_593 [0] : vector<128x128xf32> to vector<128xf32>
      %broadcast_in_dim3A_595 = vector.shape_cast %reduce_sum3A_594 : vector<128xf32> to vector<1x128xf32>
      %slice3A_596 = vector.extract_strided_slice %get3A_583 {offsets = [0, 128], sizes = [1, 128], strides = [1, 1]} : vector<1x512xf32> to vector<1x128xf32>
      %add3A_597 = arith.addf %broadcast_in_dim3A_595, %slice3A_596 : vector<1x128xf32>
      %slice3A_598 = vector.extract_strided_slice %mul3A_585 {offsets = [0, 256], sizes = [128, 128], strides = [1, 1]} : vector<128x512xf32> to vector<128x128xf32>
      %reduce_sum3A_599 = arith.constant dense<0.000000e+00> : vector<128xf32>
      %reduce_sum3A_600 = vector.multi_reduction <add>, %slice3A_598, %reduce_sum3A_599 [0] : vector<128x128xf32> to vector<128xf32>
      %broadcast_in_dim3A_601 = vector.shape_cast %reduce_sum3A_600 : vector<128xf32> to vector<1x128xf32>
      %slice3A_602 = vector.extract_strided_slice %get3A_583 {offsets = [0, 256], sizes = [1, 128], strides = [1, 1]} : vector<1x512xf32> to vector<1x128xf32>
      %add3A_603 = arith.addf %broadcast_in_dim3A_601, %slice3A_602 : vector<1x128xf32>
      %slice3A_604 = vector.extract_strided_slice %mul3A_585 {offsets = [0, 384], sizes = [128, 128], strides = [1, 1]} : vector<128x512xf32> to vector<128x128xf32>
      %reduce_sum3A_605 = arith.constant dense<0.000000e+00> : vector<128xf32>
      %reduce_sum3A_606 = vector.multi_reduction <add>, %slice3A_604, %reduce_sum3A_605 [0] : vector<128x128xf32> to vector<128xf32>
      %broadcast_in_dim3A_607 = vector.shape_cast %reduce_sum3A_606 : vector<128xf32> to vector<1x128xf32>
      %slice3A_608 = vector.extract_strided_slice %get3A_583 {offsets = [0, 384], sizes = [1, 128], strides = [1, 1]} : vector<1x512xf32> to vector<1x128xf32>
      %add3A_609 = arith.addf %broadcast_in_dim3A_607, %slice3A_608 : vector<1x128xf32>
      %mul3A_610 = arith.constant 5.000000e-01 : f32
      %mul3A_611 = vector.broadcast %mul3A_610 : f32 to vector<1x128xf32>
      %mul3A_612 = arith.mulf %mul3A_611, %add3A_591 : vector<1x128xf32>
      %tanh3A_613 = math.tanh %mul3A_612 : vector<1x128xf32>
      %mul3A_614 = arith.constant 5.000000e-01 : f32
      %mul3A_615 = vector.broadcast %mul3A_614 : f32 to vector<1x128xf32>
      %mul3A_616 = arith.mulf %mul3A_615, %tanh3A_613 : vector<1x128xf32>
      %add3A_617 = arith.constant 5.000000e-01 : f32
      %add3A_618 = vector.broadcast %add3A_617 : f32 to vector<1x128xf32>
      %add3A_619 = arith.addf %mul3A_616, %add3A_618 : vector<1x128xf32>
      %mul3A_620 = arith.constant 5.000000e-01 : f32
      %mul3A_621 = vector.broadcast %mul3A_620 : f32 to vector<1x128xf32>
      %mul3A_622 = arith.mulf %mul3A_621, %add3A_597 : vector<1x128xf32>
      %tanh3A_623 = math.tanh %mul3A_622 : vector<1x128xf32>
      %mul3A_624 = arith.constant 5.000000e-01 : f32
      %mul3A_625 = vector.broadcast %mul3A_624 : f32 to vector<1x128xf32>
      %mul3A_626 = arith.mulf %mul3A_625, %tanh3A_623 : vector<1x128xf32>
      %add3A_627 = arith.constant 5.000000e-01 : f32
      %add3A_628 = vector.broadcast %add3A_627 : f32 to vector<1x128xf32>
      %add3A_629 = arith.addf %mul3A_626, %add3A_628 : vector<1x128xf32>
      %tanh3A_630 = math.tanh %add3A_603 : vector<1x128xf32>
      %mul3A_631 = arith.constant 5.000000e-01 : f32
      %mul3A_632 = vector.broadcast %mul3A_631 : f32 to vector<1x128xf32>
      %mul3A_633 = arith.mulf %mul3A_632, %add3A_609 : vector<1x128xf32>
      %tanh3A_634 = math.tanh %mul3A_633 : vector<1x128xf32>
      %mul3A_635 = arith.constant 5.000000e-01 : f32
      %mul3A_636 = vector.broadcast %mul3A_635 : f32 to vector<1x128xf32>
      %mul3A_637 = arith.mulf %mul3A_636, %tanh3A_634 : vector<1x128xf32>
      %add3A_638 = arith.constant 5.000000e-01 : f32
      %add3A_639 = vector.broadcast %add3A_638 : f32 to vector<1x128xf32>
      %add3A_640 = arith.addf %mul3A_637, %add3A_639 : vector<1x128xf32>
      %mul3A_641 = arith.mulf %add3A_629, %add3A_570 : vector<1x128xf32>
      %mul3A_642 = arith.mulf %add3A_619, %tanh3A_630 : vector<1x128xf32>
      %add3A_643 = arith.addf %mul3A_641, %mul3A_642 : vector<1x128xf32>
      %tanh3A_644 = math.tanh %add3A_643 : vector<1x128xf32>
      %mul3A_645 = arith.mulf %add3A_640, %tanh3A_644 : vector<1x128xf32>
      %add3A_646 = arith.constant 7 : i32
      %add3A_647 = arith.addi %mul3A_71, %add3A_646 : i32
      %swap3A_648 = arith.index_cast %add3A_647 : i32 to index
      %swap3A_649 = arith.constant 0 : index
      %swap3A_650 = vector.load %arg12[%swap3A_648, %swap3A_649] : memref<1280x128xf32, #tpu.memory_space<vmem>>, vector<1x128xf32>
      tpu.vector_store %arg12[%swap3A_648, %swap3A_649], %mul3A_645 {strides = array<i32>} : memref<1280x128xf32, #tpu.memory_space<vmem>>, vector<1x128xf32>,
      scf.yield %mul3A_645, %add3A_643 : vector<1x128xf32>, vector<1x128xf32>
    }
    %while3A_39 = arith.constant 1 : i32
    %while3A_40:2 = scf.for %while3A_67 = %while3A_36 to %while3A_32 step %while3A_39 iter_args(%while3A_68 = %while3A_38#0, %while3A_69 = %while3A_38#1) -> (vector<1x128xf32>, vector<1x128xf32>)  : i32 {
      %mul3A_70 = arith.constant 8 : i32
      %mul3A_71 = arith.muli %while3A_67, %mul3A_70 : i32
      %reshape3A = vector.shape_cast %while3A_68 : vector<1x128xf32> to vector<128x1xf32>
      %add3A_72 = arith.constant 0 : i32
      %add3A_73 = arith.addi %mul3A_71, %add3A_72 : i32
      %get3A_74 = arith.index_cast %add3A_73 : i32 to index
      %get3A_75 = arith.constant 0 : index
      %get3A_76 = vector.load %arg1[%get3A_74, %get3A_75] : memref<1280x512xf32, #tpu.memory_space<vmem>>, vector<1x512xf32>
      %mul3A_77 = vector.broadcast %reshape3A : vector<128x1xf32> to vector<128x512xf32>
      %mul3A_78 = arith.mulf %get3A_7, %mul3A_77 : vector<128x512xf32>
      %slice3A = vector.extract_strided_slice %mul3A_78 {offsets = [0, 0], sizes = [128, 128], strides = [1, 1]} : vector<128x512xf32> to vector<128x128xf32>
      %reduce_sum3A = arith.constant dense<0.000000e+00> : vector<128xf32>
      %reduce_sum3A_79 = vector.multi_reduction <add>, %slice3A, %reduce_sum3A [0] : vector<128x128xf32> to vector<128xf32>
      %broadcast_in_dim3A = vector.shape_cast %reduce_sum3A_79 : vector<128xf32> to vector<1x128xf32>
      %slice3A_80 = vector.extract_strided_slice %get3A_76 {offsets = [0, 0], sizes = [1, 128], strides = [1, 1]} : vector<1x512xf32> to vector<1x128xf32>
      %add3A_81 = arith.addf %broadcast_in_dim3A, %slice3A_80 : vector<1x128xf32>
      %slice3A_82 = vector.extract_strided_slice %mul3A_78 {offsets = [0, 128], sizes = [128, 128], strides = [1, 1]} : vector<128x512xf32> to vector<128x128xf32>
      %reduce_sum3A_83 = arith.constant dense<0.000000e+00> : vector<128xf32>
      %reduce_sum3A_84 = vector.multi_reduction <add>, %slice3A_82, %reduce_sum3A_83 [0] : vector<128x128xf32> to vector<128xf32>
      %broadcast_in_dim3A_85 = vector.shape_cast %reduce_sum3A_84 : vector<128xf32> to vector<1x128xf32>
      %slice3A_86 = vector.extract_strided_slice %get3A_76 {offsets = [0, 128], sizes = [1, 128], strides = [1, 1]} : vector<1x512xf32> to vector<1x128xf32>
      %add3A_87 = arith.addf %broadcast_in_dim3A_85, %slice3A_86 : vector<1x128xf32>
      %slice3A_88 = vector.extract_strided_slice %mul3A_78 {offsets = [0, 256], sizes = [128, 128], strides = [1, 1]} : vector<128x512xf32> to vector<128x128xf32>
      %reduce_sum3A_89 = arith.constant dense<0.000000e+00> : vector<128xf32>
      %reduce_sum3A_90 = vector.multi_reduction <add>, %slice3A_88, %reduce_sum3A_89 [0] : vector<128x128xf32> to vector<128xf32>
      %broadcast_in_dim3A_91 = vector.shape_cast %reduce_sum3A_90 : vector<128xf32> to vector<1x128xf32>
      %slice3A_92 = vector.extract_strided_slice %get3A_76 {offsets = [0, 256], sizes = [1, 128], strides = [1, 1]} : vector<1x512xf32> to vector<1x128xf32>
      %add3A_93 = arith.addf %broadcast_in_dim3A_91, %slice3A_92 : vector<1x128xf32>
      %slice3A_94 = vector.extract_strided_slice %mul3A_78 {offsets = [0, 384], sizes = [128, 128], strides = [1, 1]} : vector<128x512xf32> to vector<128x128xf32>
      %reduce_sum3A_95 = arith.constant dense<0.000000e+00> : vector<128xf32>
      %reduce_sum3A_96 = vector.multi_reduction <add>, %slice3A_94, %reduce_sum3A_95 [0] : vector<128x128xf32> to vector<128xf32>
      %broadcast_in_dim3A_97 = vector.shape_cast %reduce_sum3A_96 : vector<128xf32> to vector<1x128xf32>
      %slice3A_98 = vector.extract_strided_slice %get3A_76 {offsets = [0, 384], sizes = [1, 128], strides = [1, 1]} : vector<1x512xf32> to vector<1x128xf32>
      %add3A_99 = arith.addf %broadcast_in_dim3A_97, %slice3A_98 : vector<1x128xf32>
      %mul3A_100 = arith.constant 5.000000e-01 : f32
      %mul3A_101 = vector.broadcast %mul3A_100 : f32 to vector<1x128xf32>
      %mul3A_102 = arith.mulf %mul3A_101, %add3A_81 : vector<1x128xf32>
      %tanh3A = math.tanh %mul3A_102 : vector<1x128xf32>
      %mul3A_103 = arith.constant 5.000000e-01 : f32
      %mul3A_104 = vector.broadcast %mul3A_103 : f32 to vector<1x128xf32>
      %mul3A_105 = arith.mulf %mul3A_104, %tanh3A : vector<1x128xf32>
      %add3A_106 = arith.constant 5.000000e-01 : f32
      %add3A_107 = vector.broadcast %add3A_106 : f32 to vector<1x128xf32>
      %add3A_108 = arith.addf %mul3A_105, %add3A_107 : vector<1x128xf32>
      %mul3A_109 = arith.constant 5.000000e-01 : f32
      %mul3A_110 = vector.broadcast %mul3A_109 : f32 to vector<1x128xf32>
      %mul3A_111 = arith.mulf %mul3A_110, %add3A_87 : vector<1x128xf32>
      %tanh3A_112 = math.tanh %mul3A_111 : vector<1x128xf32>
      %mul3A_113 = arith.constant 5.000000e-01 : f32
      %mul3A_114 = vector.broadcast %mul3A_113 : f32 to vector<1x128xf32>
      %mul3A_115 = arith.mulf %mul3A_114, %tanh3A_112 : vector<1x128xf32>
      %add3A_116 = arith.constant 5.000000e-01 : f32
      %add3A_117 = vector.broadcast %add3A_116 : f32 to vector<1x128xf32>
      %add3A_118 = arith.addf %mul3A_115, %add3A_117 : vector<1x128xf32>
      %tanh3A_119 = math.tanh %add3A_93 : vector<1x128xf32>
      %mul3A_120 = arith.constant 5.000000e-01 : f32
      %mul3A_121 = vector.broadcast %mul3A_120 : f32 to vector<1x128xf32>
      %mul3A_122 = arith.mulf %mul3A_121, %add3A_99 : vector<1x128xf32>
      %tanh3A_123 = math.tanh %mul3A_122 : vector<1x128xf32>
      %mul3A_124 = arith.constant 5.000000e-01 : f32
      %mul3A_125 = vector.broadcast %mul3A_124 : f32 to vector<1x128xf32>
      %mul3A_126 = arith.mulf %mul3A_125, %tanh3A_123 : vector<1x128xf32>
      %add3A_127 = arith.constant 5.000000e-01 : f32
      %add3A_128 = vector.broadcast %add3A_127 : f32 to vector<1x128xf32>
      %add3A_129 = arith.addf %mul3A_126, %add3A_128 : vector<1x128xf32>
      %mul3A_130 = arith.mulf %add3A_118, %while3A_69 : vector<1x128xf32>
      %mul3A_131 = arith.mulf %add3A_108, %tanh3A_119 : vector<1x128xf32>
      %add3A_132 = arith.addf %mul3A_130, %mul3A_131 : vector<1x128xf32>
      %tanh3A_133 = math.tanh %add3A_132 : vector<1x128xf32>
      %mul3A_134 = arith.mulf %add3A_129, %tanh3A_133 : vector<1x128xf32>
      %add3A_135 = arith.constant 0 : i32
      %add3A_136 = arith.addi %mul3A_71, %add3A_135 : i32
      %swap3A_137 = arith.index_cast %add3A_136 : i32 to index
      %swap3A_138 = arith.constant 0 : index
      %swap3A_139 = vector.load %arg12[%swap3A_137, %swap3A_138] : memref<1280x128xf32, #tpu.memory_space<vmem>>, vector<1x128xf32>
      tpu.vector_store %arg12[%swap3A_137, %swap3A_138], %mul3A_134 {strides = array<i32>} : memref<1280x128xf32, #tpu.memory_space<vmem>>, vector<1x128xf32>,
      %reshape3A_140 = vector.shape_cast %mul3A_134 : vector<1x128xf32> to vector<128x1xf32>
      %add3A_141 = arith.constant 1 : i32
      %add3A_142 = arith.addi %mul3A_71, %add3A_141 : i32
      %get3A_143 = arith.index_cast %add3A_142 : i32 to index
      %get3A_144 = arith.constant 0 : index
      %get3A_145 = vector.load %arg1[%get3A_143, %get3A_144] : memref<1280x512xf32, #tpu.memory_space<vmem>>, vector<1x512xf32>
      %mul3A_146 = vector.broadcast %reshape3A_140 : vector<128x1xf32> to vector<128x512xf32>
      %mul3A_147 = arith.mulf %get3A_7, %mul3A_146 : vector<128x512xf32>
      %slice3A_148 = vector.extract_strided_slice %mul3A_147 {offsets = [0, 0], sizes = [128, 128], strides = [1, 1]} : vector<128x512xf32> to vector<128x128xf32>
      %reduce_sum3A_149 = arith.constant dense<0.000000e+00> : vector<128xf32>
      %reduce_sum3A_150 = vector.multi_reduction <add>, %slice3A_148, %reduce_sum3A_149 [0] : vector<128x128xf32> to vector<128xf32>
      %broadcast_in_dim3A_151 = vector.shape_cast %reduce_sum3A_150 : vector<128xf32> to vector<1x128xf32>
      %slice3A_152 = vector.extract_strided_slice %get3A_145 {offsets = [0, 0], sizes = [1, 128], strides = [1, 1]} : vector<1x512xf32> to vector<1x128xf32>
      %add3A_153 = arith.addf %broadcast_in_dim3A_151, %slice3A_152 : vector<1x128xf32>
      %slice3A_154 = vector.extract_strided_slice %mul3A_147 {offsets = [0, 128], sizes = [128, 128], strides = [1, 1]} : vector<128x512xf32> to vector<128x128xf32>
      %reduce_sum3A_155 = arith.constant dense<0.000000e+00> : vector<128xf32>
      %reduce_sum3A_156 = vector.multi_reduction <add>, %slice3A_154, %reduce_sum3A_155 [0] : vector<128x128xf32> to vector<128xf32>
      %broadcast_in_dim3A_157 = vector.shape_cast %reduce_sum3A_156 : vector<128xf32> to vector<1x128xf32>
      %slice3A_158 = vector.extract_strided_slice %get3A_145 {offsets = [0, 128], sizes = [1, 128], strides = [1, 1]} : vector<1x512xf32> to vector<1x128xf32>
      %add3A_159 = arith.addf %broadcast_in_dim3A_157, %slice3A_158 : vector<1x128xf32>
      %slice3A_160 = vector.extract_strided_slice %mul3A_147 {offsets = [0, 256], sizes = [128, 128], strides = [1, 1]} : vector<128x512xf32> to vector<128x128xf32>
      %reduce_sum3A_161 = arith.constant dense<0.000000e+00> : vector<128xf32>
      %reduce_sum3A_162 = vector.multi_reduction <add>, %slice3A_160, %reduce_sum3A_161 [0] : vector<128x128xf32> to vector<128xf32>
      %broadcast_in_dim3A_163 = vector.shape_cast %reduce_sum3A_162 : vector<128xf32> to vector<1x128xf32>
      %slice3A_164 = vector.extract_strided_slice %get3A_145 {offsets = [0, 256], sizes = [1, 128], strides = [1, 1]} : vector<1x512xf32> to vector<1x128xf32>
      %add3A_165 = arith.addf %broadcast_in_dim3A_163, %slice3A_164 : vector<1x128xf32>
      %slice3A_166 = vector.extract_strided_slice %mul3A_147 {offsets = [0, 384], sizes = [128, 128], strides = [1, 1]} : vector<128x512xf32> to vector<128x128xf32>
      %reduce_sum3A_167 = arith.constant dense<0.000000e+00> : vector<128xf32>
      %reduce_sum3A_168 = vector.multi_reduction <add>, %slice3A_166, %reduce_sum3A_167 [0] : vector<128x128xf32> to vector<128xf32>
      %broadcast_in_dim3A_169 = vector.shape_cast %reduce_sum3A_168 : vector<128xf32> to vector<1x128xf32>
      %slice3A_170 = vector.extract_strided_slice %get3A_145 {offsets = [0, 384], sizes = [1, 128], strides = [1, 1]} : vector<1x512xf32> to vector<1x128xf32>
      %add3A_171 = arith.addf %broadcast_in_dim3A_169, %slice3A_170 : vector<1x128xf32>
      %mul3A_172 = arith.constant 5.000000e-01 : f32
      %mul3A_173 = vector.broadcast %mul3A_172 : f32 to vector<1x128xf32>
      %mul3A_174 = arith.mulf %mul3A_173, %add3A_153 : vector<1x128xf32>
      %tanh3A_175 = math.tanh %mul3A_174 : vector<1x128xf32>
      %mul3A_176 = arith.constant 5.000000e-01 : f32
      %mul3A_177 = vector.broadcast %mul3A_176 : f32 to vector<1x128xf32>
      %mul3A_178 = arith.mulf %mul3A_177, %tanh3A_175 : vector<1x128xf32>
      %add3A_179 = arith.constant 5.000000e-01 : f32
      %add3A_180 = vector.broadcast %add3A_179 : f32 to vector<1x128xf32>
      %add3A_181 = arith.addf %mul3A_178, %add3A_180 : vector<1x128xf32>
      %mul3A_182 = arith.constant 5.000000e-01 : f32
      %mul3A_183 = vector.broadcast %mul3A_182 : f32 to vector<1x128xf32>
      %mul3A_184 = arith.mulf %mul3A_183, %add3A_159 : vector<1x128xf32>
      %tanh3A_185 = math.tanh %mul3A_184 : vector<1x128xf32>
      %mul3A_186 = arith.constant 5.000000e-01 : f32
      %mul3A_187 = vector.broadcast %mul3A_186 : f32 to vector<1x128xf32>
      %mul3A_188 = arith.mulf %mul3A_187, %tanh3A_185 : vector<1x128xf32>
      %add3A_189 = arith.constant 5.000000e-01 : f32
      %add3A_190 = vector.broadcast %add3A_189 : f32 to vector<1x128xf32>
      %add3A_191 = arith.addf %mul3A_188, %add3A_190 : vector<1x128xf32>
      %tanh3A_192 = math.tanh %add3A_165 : vector<1x128xf32>
      %mul3A_193 = arith.constant 5.000000e-01 : f32
      %mul3A_194 = vector.broadcast %mul3A_193 : f32 to vector<1x128xf32>
      %mul3A_195 = arith.mulf %mul3A_194, %add3A_171 : vector<1x128xf32>
      %tanh3A_196 = math.tanh %mul3A_195 : vector<1x128xf32>
      %mul3A_197 = arith.constant 5.000000e-01 : f32
      %mul3A_198 = vector.broadcast %mul3A_197 : f32 to vector<1x128xf32>
      %mul3A_199 = arith.mulf %mul3A_198, %tanh3A_196 : vector<1x128xf32>
      %add3A_200 = arith.constant 5.000000e-01 : f32
      %add3A_201 = vector.broadcast %add3A_200 : f32 to vector<1x128xf32>
      %add3A_202 = arith.addf %mul3A_199, %add3A_201 : vector<1x128xf32>
      %mul3A_203 = arith.mulf %add3A_191, %add3A_132 : vector<1x128xf32>
      %mul3A_204 = arith.mulf %add3A_181, %tanh3A_192 : vector<1x128xf32>
      %add3A_205 = arith.addf %mul3A_203, %mul3A_204 : vector<1x128xf32>
      %tanh3A_206 = math.tanh %add3A_205 : vector<1x128xf32>
      %mul3A_207 = arith.mulf %add3A_202, %tanh3A_206 : vector<1x128xf32>
      %add3A_208 = arith.constant 1 : i32
      %add3A_209 = arith.addi %mul3A_71, %add3A_208 : i32
      %swap3A_210 = arith.index_cast %add3A_209 : i32 to index
      %swap3A_211 = arith.constant 0 : index
      %swap3A_212 = vector.load %arg12[%swap3A_210, %swap3A_211] : memref<1280x128xf32, #tpu.memory_space<vmem>>, vector<1x128xf32>
      tpu.vector_store %arg12[%swap3A_210, %swap3A_211], %mul3A_207 {strides = array<i32>} : memref<1280x128xf32, #tpu.memory_space<vmem>>, vector<1x128xf32>,
      %reshape3A_213 = vector.shape_cast %mul3A_207 : vector<1x128xf32> to vector<128x1xf32>
      %add3A_214 = arith.constant 2 : i32
      %add3A_215 = arith.addi %mul3A_71, %add3A_214 : i32
      %get3A_216 = arith.index_cast %add3A_215 : i32 to index
      %get3A_217 = arith.constant 0 : index
      %get3A_218 = vector.load %arg1[%get3A_216, %get3A_217] : memref<1280x512xf32, #tpu.memory_space<vmem>>, vector<1x512xf32>
      %mul3A_219 = vector.broadcast %reshape3A_213 : vector<128x1xf32> to vector<128x512xf32>
      %mul3A_220 = arith.mulf %get3A_7, %mul3A_219 : vector<128x512xf32>
      %slice3A_221 = vector.extract_strided_slice %mul3A_220 {offsets = [0, 0], sizes = [128, 128], strides = [1, 1]} : vector<128x512xf32> to vector<128x128xf32>
      %reduce_sum3A_222 = arith.constant dense<0.000000e+00> : vector<128xf32>
      %reduce_sum3A_223 = vector.multi_reduction <add>, %slice3A_221, %reduce_sum3A_222 [0] : vector<128x128xf32> to vector<128xf32>
      %broadcast_in_dim3A_224 = vector.shape_cast %reduce_sum3A_223 : vector<128xf32> to vector<1x128xf32>
      %slice3A_225 = vector.extract_strided_slice %get3A_218 {offsets = [0, 0], sizes = [1, 128], strides = [1, 1]} : vector<1x512xf32> to vector<1x128xf32>
      %add3A_226 = arith.addf %broadcast_in_dim3A_224, %slice3A_225 : vector<1x128xf32>
      %slice3A_227 = vector.extract_strided_slice %mul3A_220 {offsets = [0, 128], sizes = [128, 128], strides = [1, 1]} : vector<128x512xf32> to vector<128x128xf32>
      %reduce_sum3A_228 = arith.constant dense<0.000000e+00> : vector<128xf32>
      %reduce_sum3A_229 = vector.multi_reduction <add>, %slice3A_227, %reduce_sum3A_228 [0] : vector<128x128xf32> to vector<128xf32>
      %broadcast_in_dim3A_230 = vector.shape_cast %reduce_sum3A_229 : vector<128xf32> to vector<1x128xf32>
      %slice3A_231 = vector.extract_strided_slice %get3A_218 {offsets = [0, 128], sizes = [1, 128], strides = [1, 1]} : vector<1x512xf32> to vector<1x128xf32>
      %add3A_232 = arith.addf %broadcast_in_dim3A_230, %slice3A_231 : vector<1x128xf32>
      %slice3A_233 = vector.extract_strided_slice %mul3A_220 {offsets = [0, 256], sizes = [128, 128], strides = [1, 1]} : vector<128x512xf32> to vector<128x128xf32>
      %reduce_sum3A_234 = arith.constant dense<0.000000e+00> : vector<128xf32>
      %reduce_sum3A_235 = vector.multi_reduction <add>, %slice3A_233, %reduce_sum3A_234 [0] : vector<128x128xf32> to vector<128xf32>
      %broadcast_in_dim3A_236 = vector.shape_cast %reduce_sum3A_235 : vector<128xf32> to vector<1x128xf32>
      %slice3A_237 = vector.extract_strided_slice %get3A_218 {offsets = [0, 256], sizes = [1, 128], strides = [1, 1]} : vector<1x512xf32> to vector<1x128xf32>
      %add3A_238 = arith.addf %broadcast_in_dim3A_236, %slice3A_237 : vector<1x128xf32>
      %slice3A_239 = vector.extract_strided_slice %mul3A_220 {offsets = [0, 384], sizes = [128, 128], strides = [1, 1]} : vector<128x512xf32> to vector<128x128xf32>
      %reduce_sum3A_240 = arith.constant dense<0.000000e+00> : vector<128xf32>
      %reduce_sum3A_241 = vector.multi_reduction <add>, %slice3A_239, %reduce_sum3A_240 [0] : vector<128x128xf32> to vector<128xf32>
      %broadcast_in_dim3A_242 = vector.shape_cast %reduce_sum3A_241 : vector<128xf32> to vector<1x128xf32>
      %slice3A_243 = vector.extract_strided_slice %get3A_218 {offsets = [0, 384], sizes = [1, 128], strides = [1, 1]} : vector<1x512xf32> to vector<1x128xf32>
      %add3A_244 = arith.addf %broadcast_in_dim3A_242, %slice3A_243 : vector<1x128xf32>
      %mul3A_245 = arith.constant 5.000000e-01 : f32
      %mul3A_246 = vector.broadcast %mul3A_245 : f32 to vector<1x128xf32>
      %mul3A_247 = arith.mulf %mul3A_246, %add3A_226 : vector<1x128xf32>
      %tanh3A_248 = math.tanh %mul3A_247 : vector<1x128xf32>
      %mul3A_249 = arith.constant 5.000000e-01 : f32
      %mul3A_250 = vector.broadcast %mul3A_249 : f32 to vector<1x128xf32>
      %mul3A_251 = arith.mulf %mul3A_250, %tanh3A_248 : vector<1x128xf32>
      %add3A_252 = arith.constant 5.000000e-01 : f32
      %add3A_253 = vector.broadcast %add3A_252 : f32 to vector<1x128xf32>
      %add3A_254 = arith.addf %mul3A_251, %add3A_253 : vector<1x128xf32>
      %mul3A_255 = arith.constant 5.000000e-01 : f32
      %mul3A_256 = vector.broadcast %mul3A_255 : f32 to vector<1x128xf32>
      %mul3A_257 = arith.mulf %mul3A_256, %add3A_232 : vector<1x128xf32>
      %tanh3A_258 = math.tanh %mul3A_257 : vector<1x128xf32>
      %mul3A_259 = arith.constant 5.000000e-01 : f32
      %mul3A_260 = vector.broadcast %mul3A_259 : f32 to vector<1x128xf32>
      %mul3A_261 = arith.mulf %mul3A_260, %tanh3A_258 : vector<1x128xf32>
      %add3A_262 = arith.constant 5.000000e-01 : f32
      %add3A_263 = vector.broadcast %add3A_262 : f32 to vector<1x128xf32>
      %add3A_264 = arith.addf %mul3A_261, %add3A_263 : vector<1x128xf32>
      %tanh3A_265 = math.tanh %add3A_238 : vector<1x128xf32>
      %mul3A_266 = arith.constant 5.000000e-01 : f32
      %mul3A_267 = vector.broadcast %mul3A_266 : f32 to vector<1x128xf32>
      %mul3A_268 = arith.mulf %mul3A_267, %add3A_244 : vector<1x128xf32>
      %tanh3A_269 = math.tanh %mul3A_268 : vector<1x128xf32>
      %mul3A_270 = arith.constant 5.000000e-01 : f32
      %mul3A_271 = vector.broadcast %mul3A_270 : f32 to vector<1x128xf32>
      %mul3A_272 = arith.mulf %mul3A_271, %tanh3A_269 : vector<1x128xf32>
      %add3A_273 = arith.constant 5.000000e-01 : f32
      %add3A_274 = vector.broadcast %add3A_273 : f32 to vector<1x128xf32>
      %add3A_275 = arith.addf %mul3A_272, %add3A_274 : vector<1x128xf32>
      %mul3A_276 = arith.mulf %add3A_264, %add3A_205 : vector<1x128xf32>
      %mul3A_277 = arith.mulf %add3A_254, %tanh3A_265 : vector<1x128xf32>
      %add3A_278 = arith.addf %mul3A_276, %mul3A_277 : vector<1x128xf32>
      %tanh3A_279 = math.tanh %add3A_278 : vector<1x128xf32>
      %mul3A_280 = arith.mulf %add3A_275, %tanh3A_279 : vector<1x128xf32>
      %add3A_281 = arith.constant 2 : i32
      %add3A_282 = arith.addi %mul3A_71, %add3A_281 : i32
      %swap3A_283 = arith.index_cast %add3A_282 : i32 to index
      %swap3A_284 = arith.constant 0 : index
      %swap3A_285 = vector.load %arg12[%swap3A_283, %swap3A_284] : memref<1280x128xf32, #tpu.memory_space<vmem>>, vector<1x128xf32>
      tpu.vector_store %arg12[%swap3A_283, %swap3A_284], %mul3A_280 {strides = array<i32>} : memref<1280x128xf32, #tpu.memory_space<vmem>>, vector<1x128xf32>,
      %reshape3A_286 = vector.shape_cast %mul3A_280 : vector<1x128xf32> to vector<128x1xf32>
      %add3A_287 = arith.constant 3 : i32
      %add3A_288 = arith.addi %mul3A_71, %add3A_287 : i32
      %get3A_289 = arith.index_cast %add3A_288 : i32 to index
      %get3A_290 = arith.constant 0 : index
      %get3A_291 = vector.load %arg1[%get3A_289, %get3A_290] : memref<1280x512xf32, #tpu.memory_space<vmem>>, vector<1x512xf32>
      %mul3A_292 = vector.broadcast %reshape3A_286 : vector<128x1xf32> to vector<128x512xf32>
      %mul3A_293 = arith.mulf %get3A_7, %mul3A_292 : vector<128x512xf32>
      %slice3A_294 = vector.extract_strided_slice %mul3A_293 {offsets = [0, 0], sizes = [128, 128], strides = [1, 1]} : vector<128x512xf32> to vector<128x128xf32>
      %reduce_sum3A_295 = arith.constant dense<0.000000e+00> : vector<128xf32>
      %reduce_sum3A_296 = vector.multi_reduction <add>, %slice3A_294, %reduce_sum3A_295 [0] : vector<128x128xf32> to vector<128xf32>
      %broadcast_in_dim3A_297 = vector.shape_cast %reduce_sum3A_296 : vector<128xf32> to vector<1x128xf32>
      %slice3A_298 = vector.extract_strided_slice %get3A_291 {offsets = [0, 0], sizes = [1, 128], strides = [1, 1]} : vector<1x512xf32> to vector<1x128xf32>
      %add3A_299 = arith.addf %broadcast_in_dim3A_297, %slice3A_298 : vector<1x128xf32>
      %slice3A_300 = vector.extract_strided_slice %mul3A_293 {offsets = [0, 128], sizes = [128, 128], strides = [1, 1]} : vector<128x512xf32> to vector<128x128xf32>
      %reduce_sum3A_301 = arith.constant dense<0.000000e+00> : vector<128xf32>
      %reduce_sum3A_302 = vector.multi_reduction <add>, %slice3A_300, %reduce_sum3A_301 [0] : vector<128x128xf32> to vector<128xf32>
      %broadcast_in_dim3A_303 = vector.shape_cast %reduce_sum3A_302 : vector<128xf32> to vector<1x128xf32>
      %slice3A_304 = vector.extract_strided_slice %get3A_291 {offsets = [0, 128], sizes = [1, 128], strides = [1, 1]} : vector<1x512xf32> to vector<1x128xf32>
      %add3A_305 = arith.addf %broadcast_in_dim3A_303, %slice3A_304 : vector<1x128xf32>
      %slice3A_306 = vector.extract_strided_slice %mul3A_293 {offsets = [0, 256], sizes = [128, 128], strides = [1, 1]} : vector<128x512xf32> to vector<128x128xf32>
      %reduce_sum3A_307 = arith.constant dense<0.000000e+00> : vector<128xf32>
      %reduce_sum3A_308 = vector.multi_reduction <add>, %slice3A_306, %reduce_sum3A_307 [0] : vector<128x128xf32> to vector<128xf32>
      %broadcast_in_dim3A_309 = vector.shape_cast %reduce_sum3A_308 : vector<128xf32> to vector<1x128xf32>
      %slice3A_310 = vector.extract_strided_slice %get3A_291 {offsets = [0, 256], sizes = [1, 128], strides = [1, 1]} : vector<1x512xf32> to vector<1x128xf32>
      %add3A_311 = arith.addf %broadcast_in_dim3A_309, %slice3A_310 : vector<1x128xf32>
      %slice3A_312 = vector.extract_strided_slice %mul3A_293 {offsets = [0, 384], sizes = [128, 128], strides = [1, 1]} : vector<128x512xf32> to vector<128x128xf32>
      %reduce_sum3A_313 = arith.constant dense<0.000000e+00> : vector<128xf32>
      %reduce_sum3A_314 = vector.multi_reduction <add>, %slice3A_312, %reduce_sum3A_313 [0] : vector<128x128xf32> to vector<128xf32>
      %broadcast_in_dim3A_315 = vector.shape_cast %reduce_sum3A_314 : vector<128xf32> to vector<1x128xf32>
      %slice3A_316 = vector.extract_strided_slice %get3A_291 {offsets = [0, 384], sizes = [1, 128], strides = [1, 1]} : vector<1x512xf32> to vector<1x128xf32>
      %add3A_317 = arith.addf %broadcast_in_dim3A_315, %slice3A_316 : vector<1x128xf32>
      %mul3A_318 = arith.constant 5.000000e-01 : f32
      %mul3A_319 = vector.broadcast %mul3A_318 : f32 to vector<1x128xf32>
      %mul3A_320 = arith.mulf %mul3A_319, %add3A_299 : vector<1x128xf32>
      %tanh3A_321 = math.tanh %mul3A_320 : vector<1x128xf32>
      %mul3A_322 = arith.constant 5.000000e-01 : f32
      %mul3A_323 = vector.broadcast %mul3A_322 : f32 to vector<1x128xf32>
      %mul3A_324 = arith.mulf %mul3A_323, %tanh3A_321 : vector<1x128xf32>
      %add3A_325 = arith.constant 5.000000e-01 : f32
      %add3A_326 = vector.broadcast %add3A_325 : f32 to vector<1x128xf32>
      %add3A_327 = arith.addf %mul3A_324, %add3A_326 : vector<1x128xf32>
      %mul3A_328 = arith.constant 5.000000e-01 : f32
      %mul3A_329 = vector.broadcast %mul3A_328 : f32 to vector<1x128xf32>
      %mul3A_330 = arith.mulf %mul3A_329, %add3A_305 : vector<1x128xf32>
      %tanh3A_331 = math.tanh %mul3A_330 : vector<1x128xf32>
      %mul3A_332 = arith.constant 5.000000e-01 : f32
      %mul3A_333 = vector.broadcast %mul3A_332 : f32 to vector<1x128xf32>
      %mul3A_334 = arith.mulf %mul3A_333, %tanh3A_331 : vector<1x128xf32>
      %add3A_335 = arith.constant 5.000000e-01 : f32
      %add3A_336 = vector.broadcast %add3A_335 : f32 to vector<1x128xf32>
      %add3A_337 = arith.addf %mul3A_334, %add3A_336 : vector<1x128xf32>
      %tanh3A_338 = math.tanh %add3A_311 : vector<1x128xf32>
      %mul3A_339 = arith.constant 5.000000e-01 : f32
      %mul3A_340 = vector.broadcast %mul3A_339 : f32 to vector<1x128xf32>
      %mul3A_341 = arith.mulf %mul3A_340, %add3A_317 : vector<1x128xf32>
      %tanh3A_342 = math.tanh %mul3A_341 : vector<1x128xf32>
      %mul3A_343 = arith.constant 5.000000e-01 : f32
      %mul3A_344 = vector.broadcast %mul3A_343 : f32 to vector<1x128xf32>
      %mul3A_345 = arith.mulf %mul3A_344, %tanh3A_342 : vector<1x128xf32>
      %add3A_346 = arith.constant 5.000000e-01 : f32
      %add3A_347 = vector.broadcast %add3A_346 : f32 to vector<1x128xf32>
      %add3A_348 = arith.addf %mul3A_345, %add3A_347 : vector<1x128xf32>
      %mul3A_349 = arith.mulf %add3A_337, %add3A_278 : vector<1x128xf32>
      %mul3A_350 = arith.mulf %add3A_327, %tanh3A_338 : vector<1x128xf32>
      %add3A_351 = arith.addf %mul3A_349, %mul3A_350 : vector<1x128xf32>
      %tanh3A_352 = math.tanh %add3A_351 : vector<1x128xf32>
      %mul3A_353 = arith.mulf %add3A_348, %tanh3A_352 : vector<1x128xf32>
      %add3A_354 = arith.constant 3 : i32
      %add3A_355 = arith.addi %mul3A_71, %add3A_354 : i32
      %swap3A_356 = arith.index_cast %add3A_355 : i32 to index
      %swap3A_357 = arith.constant 0 : index
      %swap3A_358 = vector.load %arg12[%swap3A_356, %swap3A_357] : memref<1280x128xf32, #tpu.memory_space<vmem>>, vector<1x128xf32>
      tpu.vector_store %arg12[%swap3A_356, %swap3A_357], %mul3A_353 {strides = array<i32>} : memref<1280x128xf32, #tpu.memory_space<vmem>>, vector<1x128xf32>,
      %reshape3A_359 = vector.shape_cast %mul3A_353 : vector<1x128xf32> to vector<128x1xf32>
      %add3A_360 = arith.constant 4 : i32
      %add3A_361 = arith.addi %mul3A_71, %add3A_360 : i32
      %get3A_362 = arith.index_cast %add3A_361 : i32 to index
      %get3A_363 = arith.constant 0 : index
      %get3A_364 = vector.load %arg1[%get3A_362, %get3A_363] : memref<1280x512xf32, #tpu.memory_space<vmem>>, vector<1x512xf32>
      %mul3A_365 = vector.broadcast %reshape3A_359 : vector<128x1xf32> to vector<128x512xf32>
      %mul3A_366 = arith.mulf %get3A_7, %mul3A_365 : vector<128x512xf32>
      %slice3A_367 = vector.extract_strided_slice %mul3A_366 {offsets = [0, 0], sizes = [128, 128], strides = [1, 1]} : vector<128x512xf32> to vector<128x128xf32>
      %reduce_sum3A_368 = arith.constant dense<0.000000e+00> : vector<128xf32>
      %reduce_sum3A_369 = vector.multi_reduction <add>, %slice3A_367, %reduce_sum3A_368 [0] : vector<128x128xf32> to vector<128xf32>
      %broadcast_in_dim3A_370 = vector.shape_cast %reduce_sum3A_369 : vector<128xf32> to vector<1x128xf32>
      %slice3A_371 = vector.extract_strided_slice %get3A_364 {offsets = [0, 0], sizes = [1, 128], strides = [1, 1]} : vector<1x512xf32> to vector<1x128xf32>
      %add3A_372 = arith.addf %broadcast_in_dim3A_370, %slice3A_371 : vector<1x128xf32>
      %slice3A_373 = vector.extract_strided_slice %mul3A_366 {offsets = [0, 128], sizes = [128, 128], strides = [1, 1]} : vector<128x512xf32> to vector<128x128xf32>
      %reduce_sum3A_374 = arith.constant dense<0.000000e+00> : vector<128xf32>
      %reduce_sum3A_375 = vector.multi_reduction <add>, %slice3A_373, %reduce_sum3A_374 [0] : vector<128x128xf32> to vector<128xf32>
      %broadcast_in_dim3A_376 = vector.shape_cast %reduce_sum3A_375 : vector<128xf32> to vector<1x128xf32>
      %slice3A_377 = vector.extract_strided_slice %get3A_364 {offsets = [0, 128], sizes = [1, 128], strides = [1, 1]} : vector<1x512xf32> to vector<1x128xf32>
      %add3A_378 = arith.addf %broadcast_in_dim3A_376, %slice3A_377 : vector<1x128xf32>
      %slice3A_379 = vector.extract_strided_slice %mul3A_366 {offsets = [0, 256], sizes = [128, 128], strides = [1, 1]} : vector<128x512xf32> to vector<128x128xf32>
      %reduce_sum3A_380 = arith.constant dense<0.000000e+00> : vector<128xf32>
      %reduce_sum3A_381 = vector.multi_reduction <add>, %slice3A_379, %reduce_sum3A_380 [0] : vector<128x128xf32> to vector<128xf32>
      %broadcast_in_dim3A_382 = vector.shape_cast %reduce_sum3A_381 : vector<128xf32> to vector<1x128xf32>
      %slice3A_383 = vector.extract_strided_slice %get3A_364 {offsets = [0, 256], sizes = [1, 128], strides = [1, 1]} : vector<1x512xf32> to vector<1x128xf32>
      %add3A_384 = arith.addf %broadcast_in_dim3A_382, %slice3A_383 : vector<1x128xf32>
      %slice3A_385 = vector.extract_strided_slice %mul3A_366 {offsets = [0, 384], sizes = [128, 128], strides = [1, 1]} : vector<128x512xf32> to vector<128x128xf32>
      %reduce_sum3A_386 = arith.constant dense<0.000000e+00> : vector<128xf32>
      %reduce_sum3A_387 = vector.multi_reduction <add>, %slice3A_385, %reduce_sum3A_386 [0] : vector<128x128xf32> to vector<128xf32>
      %broadcast_in_dim3A_388 = vector.shape_cast %reduce_sum3A_387 : vector<128xf32> to vector<1x128xf32>
      %slice3A_389 = vector.extract_strided_slice %get3A_364 {offsets = [0, 384], sizes = [1, 128], strides = [1, 1]} : vector<1x512xf32> to vector<1x128xf32>
      %add3A_390 = arith.addf %broadcast_in_dim3A_388, %slice3A_389 : vector<1x128xf32>
      %mul3A_391 = arith.constant 5.000000e-01 : f32
      %mul3A_392 = vector.broadcast %mul3A_391 : f32 to vector<1x128xf32>
      %mul3A_393 = arith.mulf %mul3A_392, %add3A_372 : vector<1x128xf32>
      %tanh3A_394 = math.tanh %mul3A_393 : vector<1x128xf32>
      %mul3A_395 = arith.constant 5.000000e-01 : f32
      %mul3A_396 = vector.broadcast %mul3A_395 : f32 to vector<1x128xf32>
      %mul3A_397 = arith.mulf %mul3A_396, %tanh3A_394 : vector<1x128xf32>
      %add3A_398 = arith.constant 5.000000e-01 : f32
      %add3A_399 = vector.broadcast %add3A_398 : f32 to vector<1x128xf32>
      %add3A_400 = arith.addf %mul3A_397, %add3A_399 : vector<1x128xf32>
      %mul3A_401 = arith.constant 5.000000e-01 : f32
      %mul3A_402 = vector.broadcast %mul3A_401 : f32 to vector<1x128xf32>
      %mul3A_403 = arith.mulf %mul3A_402, %add3A_378 : vector<1x128xf32>
      %tanh3A_404 = math.tanh %mul3A_403 : vector<1x128xf32>
      %mul3A_405 = arith.constant 5.000000e-01 : f32
      %mul3A_406 = vector.broadcast %mul3A_405 : f32 to vector<1x128xf32>
      %mul3A_407 = arith.mulf %mul3A_406, %tanh3A_404 : vector<1x128xf32>
      %add3A_408 = arith.constant 5.000000e-01 : f32
      %add3A_409 = vector.broadcast %add3A_408 : f32 to vector<1x128xf32>
      %add3A_410 = arith.addf %mul3A_407, %add3A_409 : vector<1x128xf32>
      %tanh3A_411 = math.tanh %add3A_384 : vector<1x128xf32>
      %mul3A_412 = arith.constant 5.000000e-01 : f32
      %mul3A_413 = vector.broadcast %mul3A_412 : f32 to vector<1x128xf32>
      %mul3A_414 = arith.mulf %mul3A_413, %add3A_390 : vector<1x128xf32>
      %tanh3A_415 = math.tanh %mul3A_414 : vector<1x128xf32>
      %mul3A_416 = arith.constant 5.000000e-01 : f32
      %mul3A_417 = vector.broadcast %mul3A_416 : f32 to vector<1x128xf32>
      %mul3A_418 = arith.mulf %mul3A_417, %tanh3A_415 : vector<1x128xf32>
      %add3A_419 = arith.constant 5.000000e-01 : f32
      %add3A_420 = vector.broadcast %add3A_419 : f32 to vector<1x128xf32>
      %add3A_421 = arith.addf %mul3A_418, %add3A_420 : vector<1x128xf32>
      %mul3A_422 = arith.mulf %add3A_410, %add3A_351 : vector<1x128xf32>
      %mul3A_423 = arith.mulf %add3A_400, %tanh3A_411 : vector<1x128xf32>
      %add3A_424 = arith.addf %mul3A_422, %mul3A_423 : vector<1x128xf32>
      %tanh3A_425 = math.tanh %add3A_424 : vector<1x128xf32>
      %mul3A_426 = arith.mulf %add3A_421, %tanh3A_425 : vector<1x128xf32>
      %add3A_427 = arith.constant 4 : i32
      %add3A_428 = arith.addi %mul3A_71, %add3A_427 : i32
      %swap3A_429 = arith.index_cast %add3A_428 : i32 to index
      %swap3A_430 = arith.constant 0 : index
      %swap3A_431 = vector.load %arg12[%swap3A_429, %swap3A_430] : memref<1280x128xf32, #tpu.memory_space<vmem>>, vector<1x128xf32>
      tpu.vector_store %arg12[%swap3A_429, %swap3A_430], %mul3A_426 {strides = array<i32>} : memref<1280x128xf32, #tpu.memory_space<vmem>>, vector<1x128xf32>,
      %reshape3A_432 = vector.shape_cast %mul3A_426 : vector<1x128xf32> to vector<128x1xf32>
      %add3A_433 = arith.constant 5 : i32
      %add3A_434 = arith.addi %mul3A_71, %add3A_433 : i32
      %get3A_435 = arith.index_cast %add3A_434 : i32 to index
      %get3A_436 = arith.constant 0 : index
      %get3A_437 = vector.load %arg1[%get3A_435, %get3A_436] : memref<1280x512xf32, #tpu.memory_space<vmem>>, vector<1x512xf32>
      %mul3A_438 = vector.broadcast %reshape3A_432 : vector<128x1xf32> to vector<128x512xf32>
      %mul3A_439 = arith.mulf %get3A_7, %mul3A_438 : vector<128x512xf32>
      %slice3A_440 = vector.extract_strided_slice %mul3A_439 {offsets = [0, 0], sizes = [128, 128], strides = [1, 1]} : vector<128x512xf32> to vector<128x128xf32>
      %reduce_sum3A_441 = arith.constant dense<0.000000e+00> : vector<128xf32>
      %reduce_sum3A_442 = vector.multi_reduction <add>, %slice3A_440, %reduce_sum3A_441 [0] : vector<128x128xf32> to vector<128xf32>
      %broadcast_in_dim3A_443 = vector.shape_cast %reduce_sum3A_442 : vector<128xf32> to vector<1x128xf32>
      %slice3A_444 = vector.extract_strided_slice %get3A_437 {offsets = [0, 0], sizes = [1, 128], strides = [1, 1]} : vector<1x512xf32> to vector<1x128xf32>
      %add3A_445 = arith.addf %broadcast_in_dim3A_443, %slice3A_444 : vector<1x128xf32>
      %slice3A_446 = vector.extract_strided_slice %mul3A_439 {offsets = [0, 128], sizes = [128, 128], strides = [1, 1]} : vector<128x512xf32> to vector<128x128xf32>
      %reduce_sum3A_447 = arith.constant dense<0.000000e+00> : vector<128xf32>
      %reduce_sum3A_448 = vector.multi_reduction <add>, %slice3A_446, %reduce_sum3A_447 [0] : vector<128x128xf32> to vector<128xf32>
      %broadcast_in_dim3A_449 = vector.shape_cast %reduce_sum3A_448 : vector<128xf32> to vector<1x128xf32>
      %slice3A_450 = vector.extract_strided_slice %get3A_437 {offsets = [0, 128], sizes = [1, 128], strides = [1, 1]} : vector<1x512xf32> to vector<1x128xf32>
      %add3A_451 = arith.addf %broadcast_in_dim3A_449, %slice3A_450 : vector<1x128xf32>
      %slice3A_452 = vector.extract_strided_slice %mul3A_439 {offsets = [0, 256], sizes = [128, 128], strides = [1, 1]} : vector<128x512xf32> to vector<128x128xf32>
      %reduce_sum3A_453 = arith.constant dense<0.000000e+00> : vector<128xf32>
      %reduce_sum3A_454 = vector.multi_reduction <add>, %slice3A_452, %reduce_sum3A_453 [0] : vector<128x128xf32> to vector<128xf32>
      %broadcast_in_dim3A_455 = vector.shape_cast %reduce_sum3A_454 : vector<128xf32> to vector<1x128xf32>
      %slice3A_456 = vector.extract_strided_slice %get3A_437 {offsets = [0, 256], sizes = [1, 128], strides = [1, 1]} : vector<1x512xf32> to vector<1x128xf32>
      %add3A_457 = arith.addf %broadcast_in_dim3A_455, %slice3A_456 : vector<1x128xf32>
      %slice3A_458 = vector.extract_strided_slice %mul3A_439 {offsets = [0, 384], sizes = [128, 128], strides = [1, 1]} : vector<128x512xf32> to vector<128x128xf32>
      %reduce_sum3A_459 = arith.constant dense<0.000000e+00> : vector<128xf32>
      %reduce_sum3A_460 = vector.multi_reduction <add>, %slice3A_458, %reduce_sum3A_459 [0] : vector<128x128xf32> to vector<128xf32>
      %broadcast_in_dim3A_461 = vector.shape_cast %reduce_sum3A_460 : vector<128xf32> to vector<1x128xf32>
      %slice3A_462 = vector.extract_strided_slice %get3A_437 {offsets = [0, 384], sizes = [1, 128], strides = [1, 1]} : vector<1x512xf32> to vector<1x128xf32>
      %add3A_463 = arith.addf %broadcast_in_dim3A_461, %slice3A_462 : vector<1x128xf32>
      %mul3A_464 = arith.constant 5.000000e-01 : f32
      %mul3A_465 = vector.broadcast %mul3A_464 : f32 to vector<1x128xf32>
      %mul3A_466 = arith.mulf %mul3A_465, %add3A_445 : vector<1x128xf32>
      %tanh3A_467 = math.tanh %mul3A_466 : vector<1x128xf32>
      %mul3A_468 = arith.constant 5.000000e-01 : f32
      %mul3A_469 = vector.broadcast %mul3A_468 : f32 to vector<1x128xf32>
      %mul3A_470 = arith.mulf %mul3A_469, %tanh3A_467 : vector<1x128xf32>
      %add3A_471 = arith.constant 5.000000e-01 : f32
      %add3A_472 = vector.broadcast %add3A_471 : f32 to vector<1x128xf32>
      %add3A_473 = arith.addf %mul3A_470, %add3A_472 : vector<1x128xf32>
      %mul3A_474 = arith.constant 5.000000e-01 : f32
      %mul3A_475 = vector.broadcast %mul3A_474 : f32 to vector<1x128xf32>
      %mul3A_476 = arith.mulf %mul3A_475, %add3A_451 : vector<1x128xf32>
      %tanh3A_477 = math.tanh %mul3A_476 : vector<1x128xf32>
      %mul3A_478 = arith.constant 5.000000e-01 : f32
      %mul3A_479 = vector.broadcast %mul3A_478 : f32 to vector<1x128xf32>
      %mul3A_480 = arith.mulf %mul3A_479, %tanh3A_477 : vector<1x128xf32>
      %add3A_481 = arith.constant 5.000000e-01 : f32
      %add3A_482 = vector.broadcast %add3A_481 : f32 to vector<1x128xf32>
      %add3A_483 = arith.addf %mul3A_480, %add3A_482 : vector<1x128xf32>
      %tanh3A_484 = math.tanh %add3A_457 : vector<1x128xf32>
      %mul3A_485 = arith.constant 5.000000e-01 : f32
      %mul3A_486 = vector.broadcast %mul3A_485 : f32 to vector<1x128xf32>
      %mul3A_487 = arith.mulf %mul3A_486, %add3A_463 : vector<1x128xf32>
      %tanh3A_488 = math.tanh %mul3A_487 : vector<1x128xf32>
      %mul3A_489 = arith.constant 5.000000e-01 : f32
      %mul3A_490 = vector.broadcast %mul3A_489 : f32 to vector<1x128xf32>
      %mul3A_491 = arith.mulf %mul3A_490, %tanh3A_488 : vector<1x128xf32>
      %add3A_492 = arith.constant 5.000000e-01 : f32
      %add3A_493 = vector.broadcast %add3A_492 : f32 to vector<1x128xf32>
      %add3A_494 = arith.addf %mul3A_491, %add3A_493 : vector<1x128xf32>
      %mul3A_495 = arith.mulf %add3A_483, %add3A_424 : vector<1x128xf32>
      %mul3A_496 = arith.mulf %add3A_473, %tanh3A_484 : vector<1x128xf32>
      %add3A_497 = arith.addf %mul3A_495, %mul3A_496 : vector<1x128xf32>
      %tanh3A_498 = math.tanh %add3A_497 : vector<1x128xf32>
      %mul3A_499 = arith.mulf %add3A_494, %tanh3A_498 : vector<1x128xf32>
      %add3A_500 = arith.constant 5 : i32
      %add3A_501 = arith.addi %mul3A_71, %add3A_500 : i32
      %swap3A_502 = arith.index_cast %add3A_501 : i32 to index
      %swap3A_503 = arith.constant 0 : index
      %swap3A_504 = vector.load %arg12[%swap3A_502, %swap3A_503] : memref<1280x128xf32, #tpu.memory_space<vmem>>, vector<1x128xf32>
      tpu.vector_store %arg12[%swap3A_502, %swap3A_503], %mul3A_499 {strides = array<i32>} : memref<1280x128xf32, #tpu.memory_space<vmem>>, vector<1x128xf32>,
      %reshape3A_505 = vector.shape_cast %mul3A_499 : vector<1x128xf32> to vector<128x1xf32>
      %add3A_506 = arith.constant 6 : i32
      %add3A_507 = arith.addi %mul3A_71, %add3A_506 : i32
      %get3A_508 = arith.index_cast %add3A_507 : i32 to index
      %get3A_509 = arith.constant 0 : index
      %get3A_510 = vector.load %arg1[%get3A_508, %get3A_509] : memref<1280x512xf32, #tpu.memory_space<vmem>>, vector<1x512xf32>
      %mul3A_511 = vector.broadcast %reshape3A_505 : vector<128x1xf32> to vector<128x512xf32>
      %mul3A_512 = arith.mulf %get3A_7, %mul3A_511 : vector<128x512xf32>
      %slice3A_513 = vector.extract_strided_slice %mul3A_512 {offsets = [0, 0], sizes = [128, 128], strides = [1, 1]} : vector<128x512xf32> to vector<128x128xf32>
      %reduce_sum3A_514 = arith.constant dense<0.000000e+00> : vector<128xf32>
      %reduce_sum3A_515 = vector.multi_reduction <add>, %slice3A_513, %reduce_sum3A_514 [0] : vector<128x128xf32> to vector<128xf32>
      %broadcast_in_dim3A_516 = vector.shape_cast %reduce_sum3A_515 : vector<128xf32> to vector<1x128xf32>
      %slice3A_517 = vector.extract_strided_slice %get3A_510 {offsets = [0, 0], sizes = [1, 128], strides = [1, 1]} : vector<1x512xf32> to vector<1x128xf32>
      %add3A_518 = arith.addf %broadcast_in_dim3A_516, %slice3A_517 : vector<1x128xf32>
      %slice3A_519 = vector.extract_strided_slice %mul3A_512 {offsets = [0, 128], sizes = [128, 128], strides = [1, 1]} : vector<128x512xf32> to vector<128x128xf32>
      %reduce_sum3A_520 = arith.constant dense<0.000000e+00> : vector<128xf32>
      %reduce_sum3A_521 = vector.multi_reduction <add>, %slice3A_519, %reduce_sum3A_520 [0] : vector<128x128xf32> to vector<128xf32>
      %broadcast_in_dim3A_522 = vector.shape_cast %reduce_sum3A_521 : vector<128xf32> to vector<1x128xf32>
      %slice3A_523 = vector.extract_strided_slice %get3A_510 {offsets = [0, 128], sizes = [1, 128], strides = [1, 1]} : vector<1x512xf32> to vector<1x128xf32>
      %add3A_524 = arith.addf %broadcast_in_dim3A_522, %slice3A_523 : vector<1x128xf32>
      %slice3A_525 = vector.extract_strided_slice %mul3A_512 {offsets = [0, 256], sizes = [128, 128], strides = [1, 1]} : vector<128x512xf32> to vector<128x128xf32>
      %reduce_sum3A_526 = arith.constant dense<0.000000e+00> : vector<128xf32>
      %reduce_sum3A_527 = vector.multi_reduction <add>, %slice3A_525, %reduce_sum3A_526 [0] : vector<128x128xf32> to vector<128xf32>
      %broadcast_in_dim3A_528 = vector.shape_cast %reduce_sum3A_527 : vector<128xf32> to vector<1x128xf32>
      %slice3A_529 = vector.extract_strided_slice %get3A_510 {offsets = [0, 256], sizes = [1, 128], strides = [1, 1]} : vector<1x512xf32> to vector<1x128xf32>
      %add3A_530 = arith.addf %broadcast_in_dim3A_528, %slice3A_529 : vector<1x128xf32>
      %slice3A_531 = vector.extract_strided_slice %mul3A_512 {offsets = [0, 384], sizes = [128, 128], strides = [1, 1]} : vector<128x512xf32> to vector<128x128xf32>
      %reduce_sum3A_532 = arith.constant dense<0.000000e+00> : vector<128xf32>
      %reduce_sum3A_533 = vector.multi_reduction <add>, %slice3A_531, %reduce_sum3A_532 [0] : vector<128x128xf32> to vector<128xf32>
      %broadcast_in_dim3A_534 = vector.shape_cast %reduce_sum3A_533 : vector<128xf32> to vector<1x128xf32>
      %slice3A_535 = vector.extract_strided_slice %get3A_510 {offsets = [0, 384], sizes = [1, 128], strides = [1, 1]} : vector<1x512xf32> to vector<1x128xf32>
      %add3A_536 = arith.addf %broadcast_in_dim3A_534, %slice3A_535 : vector<1x128xf32>
      %mul3A_537 = arith.constant 5.000000e-01 : f32
      %mul3A_538 = vector.broadcast %mul3A_537 : f32 to vector<1x128xf32>
      %mul3A_539 = arith.mulf %mul3A_538, %add3A_518 : vector<1x128xf32>
      %tanh3A_540 = math.tanh %mul3A_539 : vector<1x128xf32>
      %mul3A_541 = arith.constant 5.000000e-01 : f32
      %mul3A_542 = vector.broadcast %mul3A_541 : f32 to vector<1x128xf32>
      %mul3A_543 = arith.mulf %mul3A_542, %tanh3A_540 : vector<1x128xf32>
      %add3A_544 = arith.constant 5.000000e-01 : f32
      %add3A_545 = vector.broadcast %add3A_544 : f32 to vector<1x128xf32>
      %add3A_546 = arith.addf %mul3A_543, %add3A_545 : vector<1x128xf32>
      %mul3A_547 = arith.constant 5.000000e-01 : f32
      %mul3A_548 = vector.broadcast %mul3A_547 : f32 to vector<1x128xf32>
      %mul3A_549 = arith.mulf %mul3A_548, %add3A_524 : vector<1x128xf32>
      %tanh3A_550 = math.tanh %mul3A_549 : vector<1x128xf32>
      %mul3A_551 = arith.constant 5.000000e-01 : f32
      %mul3A_552 = vector.broadcast %mul3A_551 : f32 to vector<1x128xf32>
      %mul3A_553 = arith.mulf %mul3A_552, %tanh3A_550 : vector<1x128xf32>
      %add3A_554 = arith.constant 5.000000e-01 : f32
      %add3A_555 = vector.broadcast %add3A_554 : f32 to vector<1x128xf32>
      %add3A_556 = arith.addf %mul3A_553, %add3A_555 : vector<1x128xf32>
      %tanh3A_557 = math.tanh %add3A_530 : vector<1x128xf32>
      %mul3A_558 = arith.constant 5.000000e-01 : f32
      %mul3A_559 = vector.broadcast %mul3A_558 : f32 to vector<1x128xf32>
      %mul3A_560 = arith.mulf %mul3A_559, %add3A_536 : vector<1x128xf32>
      %tanh3A_561 = math.tanh %mul3A_560 : vector<1x128xf32>
      %mul3A_562 = arith.constant 5.000000e-01 : f32
      %mul3A_563 = vector.broadcast %mul3A_562 : f32 to vector<1x128xf32>
      %mul3A_564 = arith.mulf %mul3A_563, %tanh3A_561 : vector<1x128xf32>
      %add3A_565 = arith.constant 5.000000e-01 : f32
      %add3A_566 = vector.broadcast %add3A_565 : f32 to vector<1x128xf32>
      %add3A_567 = arith.addf %mul3A_564, %add3A_566 : vector<1x128xf32>
      %mul3A_568 = arith.mulf %add3A_556, %add3A_497 : vector<1x128xf32>
      %mul3A_569 = arith.mulf %add3A_546, %tanh3A_557 : vector<1x128xf32>
      %add3A_570 = arith.addf %mul3A_568, %mul3A_569 : vector<1x128xf32>
      %tanh3A_571 = math.tanh %add3A_570 : vector<1x128xf32>
      %mul3A_572 = arith.mulf %add3A_567, %tanh3A_571 : vector<1x128xf32>
      %add3A_573 = arith.constant 6 : i32
      %add3A_574 = arith.addi %mul3A_71, %add3A_573 : i32
      %swap3A_575 = arith.index_cast %add3A_574 : i32 to index
      %swap3A_576 = arith.constant 0 : index
      %swap3A_577 = vector.load %arg12[%swap3A_575, %swap3A_576] : memref<1280x128xf32, #tpu.memory_space<vmem>>, vector<1x128xf32>
      tpu.vector_store %arg12[%swap3A_575, %swap3A_576], %mul3A_572 {strides = array<i32>} : memref<1280x128xf32, #tpu.memory_space<vmem>>, vector<1x128xf32>,
      %reshape3A_578 = vector.shape_cast %mul3A_572 : vector<1x128xf32> to vector<128x1xf32>
      %add3A_579 = arith.constant 7 : i32
      %add3A_580 = arith.addi %mul3A_71, %add3A_579 : i32
      %get3A_581 = arith.index_cast %add3A_580 : i32 to index
      %get3A_582 = arith.constant 0 : index
      %get3A_583 = vector.load %arg1[%get3A_581, %get3A_582] : memref<1280x512xf32, #tpu.memory_space<vmem>>, vector<1x512xf32>
      %mul3A_584 = vector.broadcast %reshape3A_578 : vector<128x1xf32> to vector<128x512xf32>
      %mul3A_585 = arith.mulf %get3A_7, %mul3A_584 : vector<128x512xf32>
      %slice3A_586 = vector.extract_strided_slice %mul3A_585 {offsets = [0, 0], sizes = [128, 128], strides = [1, 1]} : vector<128x512xf32> to vector<128x128xf32>
      %reduce_sum3A_587 = arith.constant dense<0.000000e+00> : vector<128xf32>
      %reduce_sum3A_588 = vector.multi_reduction <add>, %slice3A_586, %reduce_sum3A_587 [0] : vector<128x128xf32> to vector<128xf32>
      %broadcast_in_dim3A_589 = vector.shape_cast %reduce_sum3A_588 : vector<128xf32> to vector<1x128xf32>
      %slice3A_590 = vector.extract_strided_slice %get3A_583 {offsets = [0, 0], sizes = [1, 128], strides = [1, 1]} : vector<1x512xf32> to vector<1x128xf32>
      %add3A_591 = arith.addf %broadcast_in_dim3A_589, %slice3A_590 : vector<1x128xf32>
      %slice3A_592 = vector.extract_strided_slice %mul3A_585 {offsets = [0, 128], sizes = [128, 128], strides = [1, 1]} : vector<128x512xf32> to vector<128x128xf32>
      %reduce_sum3A_593 = arith.constant dense<0.000000e+00> : vector<128xf32>
      %reduce_sum3A_594 = vector.multi_reduction <add>, %slice3A_592, %reduce_sum3A_593 [0] : vector<128x128xf32> to vector<128xf32>
      %broadcast_in_dim3A_595 = vector.shape_cast %reduce_sum3A_594 : vector<128xf32> to vector<1x128xf32>
      %slice3A_596 = vector.extract_strided_slice %get3A_583 {offsets = [0, 128], sizes = [1, 128], strides = [1, 1]} : vector<1x512xf32> to vector<1x128xf32>
      %add3A_597 = arith.addf %broadcast_in_dim3A_595, %slice3A_596 : vector<1x128xf32>
      %slice3A_598 = vector.extract_strided_slice %mul3A_585 {offsets = [0, 256], sizes = [128, 128], strides = [1, 1]} : vector<128x512xf32> to vector<128x128xf32>
      %reduce_sum3A_599 = arith.constant dense<0.000000e+00> : vector<128xf32>
      %reduce_sum3A_600 = vector.multi_reduction <add>, %slice3A_598, %reduce_sum3A_599 [0] : vector<128x128xf32> to vector<128xf32>
      %broadcast_in_dim3A_601 = vector.shape_cast %reduce_sum3A_600 : vector<128xf32> to vector<1x128xf32>
      %slice3A_602 = vector.extract_strided_slice %get3A_583 {offsets = [0, 256], sizes = [1, 128], strides = [1, 1]} : vector<1x512xf32> to vector<1x128xf32>
      %add3A_603 = arith.addf %broadcast_in_dim3A_601, %slice3A_602 : vector<1x128xf32>
      %slice3A_604 = vector.extract_strided_slice %mul3A_585 {offsets = [0, 384], sizes = [128, 128], strides = [1, 1]} : vector<128x512xf32> to vector<128x128xf32>
      %reduce_sum3A_605 = arith.constant dense<0.000000e+00> : vector<128xf32>
      %reduce_sum3A_606 = vector.multi_reduction <add>, %slice3A_604, %reduce_sum3A_605 [0] : vector<128x128xf32> to vector<128xf32>
      %broadcast_in_dim3A_607 = vector.shape_cast %reduce_sum3A_606 : vector<128xf32> to vector<1x128xf32>
      %slice3A_608 = vector.extract_strided_slice %get3A_583 {offsets = [0, 384], sizes = [1, 128], strides = [1, 1]} : vector<1x512xf32> to vector<1x128xf32>
      %add3A_609 = arith.addf %broadcast_in_dim3A_607, %slice3A_608 : vector<1x128xf32>
      %mul3A_610 = arith.constant 5.000000e-01 : f32
      %mul3A_611 = vector.broadcast %mul3A_610 : f32 to vector<1x128xf32>
      %mul3A_612 = arith.mulf %mul3A_611, %add3A_591 : vector<1x128xf32>
      %tanh3A_613 = math.tanh %mul3A_612 : vector<1x128xf32>
      %mul3A_614 = arith.constant 5.000000e-01 : f32
      %mul3A_615 = vector.broadcast %mul3A_614 : f32 to vector<1x128xf32>
      %mul3A_616 = arith.mulf %mul3A_615, %tanh3A_613 : vector<1x128xf32>
      %add3A_617 = arith.constant 5.000000e-01 : f32
      %add3A_618 = vector.broadcast %add3A_617 : f32 to vector<1x128xf32>
      %add3A_619 = arith.addf %mul3A_616, %add3A_618 : vector<1x128xf32>
      %mul3A_620 = arith.constant 5.000000e-01 : f32
      %mul3A_621 = vector.broadcast %mul3A_620 : f32 to vector<1x128xf32>
      %mul3A_622 = arith.mulf %mul3A_621, %add3A_597 : vector<1x128xf32>
      %tanh3A_623 = math.tanh %mul3A_622 : vector<1x128xf32>
      %mul3A_624 = arith.constant 5.000000e-01 : f32
      %mul3A_625 = vector.broadcast %mul3A_624 : f32 to vector<1x128xf32>
      %mul3A_626 = arith.mulf %mul3A_625, %tanh3A_623 : vector<1x128xf32>
      %add3A_627 = arith.constant 5.000000e-01 : f32
      %add3A_628 = vector.broadcast %add3A_627 : f32 to vector<1x128xf32>
      %add3A_629 = arith.addf %mul3A_626, %add3A_628 : vector<1x128xf32>
      %tanh3A_630 = math.tanh %add3A_603 : vector<1x128xf32>
      %mul3A_631 = arith.constant 5.000000e-01 : f32
      %mul3A_632 = vector.broadcast %mul3A_631 : f32 to vector<1x128xf32>
      %mul3A_633 = arith.mulf %mul3A_632, %add3A_609 : vector<1x128xf32>
      %tanh3A_634 = math.tanh %mul3A_633 : vector<1x128xf32>
      %mul3A_635 = arith.constant 5.000000e-01 : f32
      %mul3A_636 = vector.broadcast %mul3A_635 : f32 to vector<1x128xf32>
      %mul3A_637 = arith.mulf %mul3A_636, %tanh3A_634 : vector<1x128xf32>
      %add3A_638 = arith.constant 5.000000e-01 : f32
      %add3A_639 = vector.broadcast %add3A_638 : f32 to vector<1x128xf32>
      %add3A_640 = arith.addf %mul3A_637, %add3A_639 : vector<1x128xf32>
      %mul3A_641 = arith.mulf %add3A_629, %add3A_570 : vector<1x128xf32>
      %mul3A_642 = arith.mulf %add3A_619, %tanh3A_630 : vector<1x128xf32>
      %add3A_643 = arith.addf %mul3A_641, %mul3A_642 : vector<1x128xf32>
      %tanh3A_644 = math.tanh %add3A_643 : vector<1x128xf32>
      %mul3A_645 = arith.mulf %add3A_640, %tanh3A_644 : vector<1x128xf32>
      %add3A_646 = arith.constant 7 : i32
      %add3A_647 = arith.addi %mul3A_71, %add3A_646 : i32
      %swap3A_648 = arith.index_cast %add3A_647 : i32 to index
      %swap3A_649 = arith.constant 0 : index
      %swap3A_650 = vector.load %arg12[%swap3A_648, %swap3A_649] : memref<1280x128xf32, #tpu.memory_space<vmem>>, vector<1x128xf32>
      tpu.vector_store %arg12[%swap3A_648, %swap3A_649], %mul3A_645 {strides = array<i32>} : memref<1280x128xf32, #tpu.memory_space<vmem>>, vector<1x128xf32>,
      scf.yield %mul3A_645, %add3A_643 : vector<1x128xf32>, vector<1x128xf32>
    }
    %swap3A = arith.constant 0 : index
    %swap3A_41 = arith.constant 0 : index
    %swap3A_42 = vector.load %arg10[%swap3A, %swap3A_41] : memref<1x128xf32, #tpu.memory_space<vmem>>, vector<1x128xf32>
    tpu.vector_store %arg10[%swap3A, %swap3A_41], %while3A_40#0 {strides = array<i32>} : memref<1x128xf32, #tpu.memory_space<vmem>>, vector<1x128xf32>,
    %swap3A_43 = arith.constant 0 : index
    %swap3A_44 = arith.constant 0 : index
    %swap3A_45 = vector.load %arg11[%swap3A_43, %swap3A_44] : memref<1x128xf32, #tpu.memory_space<vmem>>, vector<1x128xf32>
    tpu.vector_store %arg11[%swap3A_43, %swap3A_44], %while3A_40#1 {strides = array<i32>} : memref<1x128xf32, #tpu.memory_space<vmem>>, vector<1x128xf32>,
    %swap3A_46 = arith.constant 0 : index
    %swap3A_47 = arith.constant 0 : index
    %swap3A_48 = vector.load %arg8[%swap3A_46, %swap3A_47] : memref<1x128xf32, #tpu.memory_space<vmem>>, vector<1x128xf32>
    tpu.vector_store %arg8[%swap3A_46, %swap3A_47], %while3A_40#0 {strides = array<i32>} : memref<1x128xf32, #tpu.memory_space<vmem>>, vector<1x128xf32>,
    %swap3A_49 = arith.constant 0 : index
    %swap3A_50 = arith.constant 0 : index
    %swap3A_51 = vector.load %arg9[%swap3A_49, %swap3A_50] : memref<1x128xf32, #tpu.memory_space<vmem>>, vector<1x128xf32>
    tpu.vector_store %arg9[%swap3A_49, %swap3A_50], %while3A_40#1 {strides = array<i32>} : memref<1x128xf32, #tpu.memory_space<vmem>>, vector<1x128xf32>,
    %get3A_52 = arith.constant 0 : index
    %get3A_53 = arith.constant 0 : index
    %get3A_54 = vector.load %arg12[%get3A_52, %get3A_53] : memref<1280x128xf32, #tpu.memory_space<vmem>>, vector<1280x128xf32>
    %get3A_55 = arith.constant 0 : index
    %get3A_56 = arith.constant 0 : index
    %get3A_57 = vector.load %arg5[%get3A_55, %get3A_56] : memref<128x128xf32, #tpu.memory_space<vmem>>, vector<128x128xf32>
    %dot_general3A = arith.constant dense<0.000000e+00> : vector<1280x128xf32>
    %dot_general3A_58 = tpu.matmul %get3A_54, %get3A_57, %dot_general3A {dimension_numbers = #tpu.dot_dimension_numbers<[1], [0], [0], [1], [0, 0, 1, 1], [], []>, transpose_lhs_hint = false} : vector<1280x128xf32>, vector<128x128xf32>, vector<1280x128xf32> -> vector<1280x128xf32>
    %get3A_59 = arith.constant 0 : index
    %get3A_60 = arith.constant 0 : index
    %get3A_61 = vector.load %arg6[%get3A_59, %get3A_60] : memref<1x128xf32, #tpu.memory_space<vmem>>, vector<1x128xf32>
    %add3A_62 = vector.broadcast %get3A_61 : vector<1x128xf32> to vector<1280x128xf32>
    %add3A_63 = arith.addf %dot_general3A_58, %add3A_62 : vector<1280x128xf32>
    %swap3A_64 = arith.constant 0 : index
    %swap3A_65 = arith.constant 0 : index
    %swap3A_66 = vector.load %arg7[%swap3A_64, %swap3A_65] : memref<1280x128xf32, #tpu.memory_space<vmem>>, vector<1280x128xf32>
    tpu.vector_store %arg7[%swap3A_64, %swap3A_65], %add3A_63 {strides = array<i32>} : memref<1280x128xf32, #tpu.memory_space<vmem>>, vector<1280x128xf32>,
    return
  }
  func.func @transform_0(%arg0: i32) -> (i32, i32) {
    %c0_i32 = arith.constant 0 : i32
    %c0_i32_0 = arith.constant 0 : i32
    return %arg0, %c0_i32 : i32, i32
  }
  func.func @transform_1(%arg0: i32) -> (i32, i32) {
    %c0_i32 = arith.constant 0 : i32
    %c0_i32_0 = arith.constant 0 : i32
    %c0_i32_1 = arith.constant 0 : i32
    return %c0_i32, %c0_i32_0 : i32, i32
  }
  func.func @transform_2(%arg0: i32) -> (i32, i32) {
    %c0_i32 = arith.constant 0 : i32
    %c0_i32_0 = arith.constant 0 : i32
    %c0_i32_1 = arith.constant 0 : i32
    return %c0_i32, %c0_i32_0 : i32, i32
  }
  func.func @transform_3(%arg0: i32) -> (i32, i32) {
    %c0_i32 = arith.constant 0 : i32
    %c0_i32_0 = arith.constant 0 : i32
    %c0_i32_1 = arith.constant 0 : i32
    return %c0_i32, %c0_i32_0 : i32, i32
  }
  func.func @transform_4(%arg0: i32) -> (i32, i32) {
    %c0_i32 = arith.constant 0 : i32
    %c0_i32_0 = arith.constant 0 : i32
    %c0_i32_1 = arith.constant 0 : i32
    return %c0_i32, %c0_i32_0 : i32, i32
  }
  func.func @transform_5(%arg0: i32) -> (i32, i32) {
    %c0_i32 = arith.constant 0 : i32
    %c0_i32_0 = arith.constant 0 : i32
    %c0_i32_1 = arith.constant 0 : i32
    return %c0_i32, %c0_i32_0 : i32, i32
  }
  func.func @transform_6(%arg0: i32) -> (i32, i32) {
    %c0_i32 = arith.constant 0 : i32
    %c0_i32_0 = arith.constant 0 : i32
    return %arg0, %c0_i32 : i32, i32
  }
  func.func @transform_7(%arg0: i32) -> (i32, i32) {
    %c0_i32 = arith.constant 0 : i32
    %c0_i32_0 = arith.constant 0 : i32
    %c0_i32_1 = arith.constant 0 : i32
    return %c0_i32, %c0_i32_0 : i32, i32
  }
  func.func @transform_8(%arg0: i32) -> (i32, i32) {
    %c0_i32 = arith.constant 0 : i32
    %c0_i32_0 = arith.constant 0 : i32
    %c0_i32_1 = arith.constant 0 : i32
    return %c0_i32, %c0_i32_0 : i32, i32
  }
}

</mosaic_0001>

<sc_bundles>
// kernel: kernel.11.cloned.1.call-start
scs
__scs_entry_jumppad:
0x0: {  	(pc) =	sbr.rel $0x88, $3  }
0x1: {  	(tag) =	ssettag $0x0;
	lr =	simm.s32 $0x1  }
0x2: {  	[smem:$0x3F94] =	sst lr;
	_ =	strace $0xD0000000  }
0x3: {  	_ = 	snop  }
0x4: {  	_ = 	snop  }
0x5: {  	_ = 	snop  }
0x6: {  	_ = 	snop  }
0x7: {  	_ = 	snop  }
__scs_overlays_trampoline_lowered:
0x8: {  	[smem:$0x3FA3] =	sst s0  }
0x9: {  	[smem:$0x3FA4] =	sst s1  }
0xa: {  	[smem:$0x3FA5] =	sst s2  }
0xb: {  	[smem:$0x3FA6] =	sst s3  }
0xc: {  	[smem:$0x3FA7] =	sst s4  }
0xd: {  	[smem:$0x3FA8] =	sst s5  }
0xe: {  	[smem:$0x3FA9] =	sst s6  }
0xf: {  	[smem:$0x3FAA] =	sst s7  }
0x10: {  	[smem:$0x3FAB] =	sst s8  }
0x11: {  	[smem:$0x3FAC] =	sst s9;
	s0 =	simm.s32 @!p0 $0x0  }
0x12: {  	s1 =	sld [smem:$0x3F92];
	s0 =	simm.s32 @p0 $0x1  }
0x13: {  	[smem:$0x3FAD] =	sst s0;
	s0 =	simm.s32 @!p1 $0x0  }
0x14: {  	s2 =	sld [smem:$0x3F91];
	s0 =	simm.s32 @p1 $0x1  }
0x15: {  	[smem:$0x3FAE] =	sst s0;
	s0 =	simm.s32 @!p2 $0x0  }
0x16: {  	s3 =	sld [smem:$0x3FDB];
	s0 =	simm.s32 @p2 $0x1  }
0x17: {  	s4 =	simm.s32 $0x1BF5;
	[smem:$0x3FB0] =	sst s0  }
0x18: {  	s0 =	sld [smem:$0x3F93];
	_ =	swait.ge [sflag:s4], $0x0  }
0x19: {  	s7 =	sld [smem:$0x3F94]  }
0x1a: {  	s8 =	sadd.s32 $0xFFFFE003, lr  }
0x1b: {  	s9 =	sadd.s32 $0xFFFFFEF7, lr;
	s5 =	simm.s32 $0xFFFFFFFF;
	p2 =	slt.u32 s8, $0xFFFFF086  }
0x1c: {  	p1 =	slt.u32 s9, $0xF7A;
	s5 =	simm.s32 @!p2 $0x0  }
0x1d: {  	s5 =	simm.s32 @p1 $0x1;
	p0 =	seq.s32 s7, s2  }
0x1e: {  	s7 =	smul.u32 @!p0 $0xF7A, s2;
	p2 =	seq.s32 @!p0 s5, $0x0  }
0x1f: {  	s9 =	smul.u32 $0xF7A, s1;
	s8 =	simm.s32 @!p0 $0x1BF5;
	p2 =	por !p2, p0  }
0x20: {  	[sflag:s8] =	ssyncset.s32 @!p0 $0xFFFFF086;
	s6 =	sadd.s32 @!p0 s3, s7;
	s7 =	simm.s32 @!p0 $0x108  }
0x21: {  	s3 =	sadd.s32 s3, s9;
	s6 =	sadd.s32 @!p0 $0x88, s6;
	s7 =	simm.s32 @p2 $0x1082  }
0x22: {  	[simem:s7], [sflag:s8] =	dma.local @!p0 [hbm:s6], $0xF7A  }
0x23: {  	s9 =	sor.u32 $0xD0000000, s2;
	s6 =	simm.s32 $0x108;
	_ =	swait.ge @!p0 [sflag:s8], $0x0  }
0x24: {  	s3 =	sadd.s32 $0x88, s3;
	s6 =	simm.s32 @!p1 $0x1082;
	[sflag:s4] =	ssyncset.s32 $0xFFFFF086  }
0x25: {  	[simem:s6], [sflag:s4] =	dma.local [hbm:s3], $0xF7A  }
0x26: {  	[smem:$0x3F94] =	sst s1;
	(tag) =	ssettag s2;
	_ =	strace s9  }
0x27: {  	s1 =	sld [smem:$0x3FA4]  }
0x28: {  	s2 =	sld [smem:$0x3FA5]  }
0x29: {  	s4 =	sld [smem:$0x3FA7]  }
0x2a: {  	p0 =	seq.s32 s5, $0x0;
	s5 =	sld [smem:$0x3FA8]  }
0x2b: {  	s6 =	sld [smem:$0x3FA9]  }
0x2c: {  	s7 =	sld [smem:$0x3FAA]  }
0x2d: {  	s3 =	simm.s32 $0x108;
	s8 =	sld [smem:$0x3FAB]  }
0x2e: {  	s3 =	simm.s32 @!p0 $0x1082;
	s9 =	sld [smem:$0x3FAC]  }
0x2f: {  	lr =	sadd.s32 s0, s3;
	s0 =	sld [smem:$0x3FA3]  }
0x30: {  	s3 =	sld [smem:$0x3FA6]  }
0x31: {  	[smem:$0x3FAF] =	sst s10  }
0x32: {  	s10 =	sld [smem:$0x3FAD];
	_ =	sdelay $0x3  }
0x33: {  	p0 =	seq.s32 s10, $0x1;
	s10 =	sld [smem:$0x3FAF];
	_ =	sdelay $0x3  }
0x34: {  	[smem:$0x3FAF] =	sst s10  }
0x35: {  	s10 =	sld [smem:$0x3FAE];
	_ =	sdelay $0x3  }
0x36: {  	p1 =	seq.s32 s10, $0x1;
	s10 =	sld [smem:$0x3FAF];
	_ =	sdelay $0x3  }
0x37: {  	[smem:$0x3FAF] =	sst s10  }
0x38: {  	s10 =	sld [smem:$0x3FB0]  }
0x39: {  	_ = 	snop;
	(pc) =	sbr.ind lr, $3  }
0x3a: {  	_ = 	snop  }
0x3b: {  	_ = 	snop  }
0x3c: {  	p2 =	seq.s32 s10, $0x1;
	s10 =	sld [smem:$0x3FAF]  }
0x3d: {  	_ =	shalt  }
0x3e: {  	_ =	shalt  }
0x3f: {  	_ =	shalt  }
0x40: {  	_ =	shalt  }
0x41: {  	_ =	shalt  }
0x42: {  	_ =	shalt  }
0x43: {  	_ =	shalt  }
0x44: {  	_ =	shalt  }
0x45: {  	_ =	shalt  }
0x46: {  	_ =	shalt  }
0x47: {  	_ =	shalt  }
0x48: {  	_ =	shalt  }
0x49: {  	_ =	shalt  }
0x4a: {  	_ =	shalt  }
0x4b: {  	_ =	shalt  }
0x4c: {  	_ =	shalt  }
0x4d: {  	_ =	shalt  }
0x4e: {  	_ =	shalt  }
0x4f: {  	_ =	shalt  }
0x50: {  	_ =	shalt  }
0x51: {  	_ =	shalt  }
0x52: {  	_ =	shalt  }
0x53: {  	_ =	shalt  }
0x54: {  	_ =	shalt  }
0x55: {  	_ =	shalt  }
0x56: {  	_ =	shalt  }
0x57: {  	_ =	shalt  }
0x58: {  	_ =	shalt  }
0x59: {  	_ =	shalt  }
0x5a: {  	_ =	shalt  }
0x5b: {  	_ =	shalt  }
0x5c: {  	_ =	shalt  }
0x5d: {  	_ =	shalt  }
0x5e: {  	_ =	shalt  }
0x5f: {  	_ =	shalt  }
0x60: {  	_ =	shalt  }
0x61: {  	_ =	shalt  }
0x62: {  	_ =	shalt  }
0x63: {  	_ =	shalt  }
0x64: {  	_ =	shalt  }
0x65: {  	_ =	shalt  }
0x66: {  	_ =	shalt  }
0x67: {  	_ =	shalt  }
0x68: {  	_ =	shalt  }
0x69: {  	_ =	shalt  }
0x6a: {  	_ =	shalt  }
0x6b: {  	_ =	shalt  }
0x6c: {  	_ =	shalt  }
0x6d: {  	_ =	shalt  }
0x6e: {  	_ =	shalt  }
0x6f: {  	_ =	shalt  }
0x70: {  	_ =	shalt  }
0x71: {  	_ =	shalt  }
0x72: {  	_ =	shalt  }
0x73: {  	_ =	shalt  }
0x74: {  	_ =	shalt  }
0x75: {  	_ =	shalt  }
0x76: {  	_ =	shalt  }
0x77: {  	_ =	shalt  }
0x78: {  	_ =	shalt  }
0x79: {  	_ =	shalt  }
0x7a: {  	_ =	shalt  }
0x7b: {  	_ =	shalt  }
0x7c: {  	_ =	shalt  }
0x7d: {  	_ =	shalt  }
0x7e: {  	_ =	shalt  }
0x7f: {  	_ =	shalt  }
0x80: {  	_ =	shalt  }
0x81: {  	_ =	shalt  }
0x82: {  	_ =	shalt  }
0x83: {  	_ =	shalt  }
0x84: {  	_ =	shalt  }
0x85: {  	_ =	shalt  }
0x86: {  	_ =	shalt  }
0x87: {  	_ =	shalt  }
.Lfunc_end0:
.L_simem_size_0:
called_computation.1_lowered:
.L_overlay_start_0:
0x88: {  	s2 =	sld [smem:$0x3FD9]  }
0x89: {  	s3 =	sld [smem:$0x3FFE];
	_ =	sdelay $0x1  }
0x8a: {  	s1 =	srdreg.scid  }
0x8b: {  	s0 =	sand.u32 $0x1, s1  }
0x8c: {  	s17 =	sshll.u32 s0, $0xA;
	s2 =	sadd.s32 s3, s2  }
0x8d: {  	s2 =	sadd.s32 s2, s17  }
0x8e: {  	[smem:$0x3FBB] =	sst s2  }
0x8f: {  	_ = 	snop  }
0x90: {  	s18 =	sld [smem:$0x3FC9]  }
0x91: {  	s4 =	sld [smem:$0x3FD0];
	(tm) =	ssettm $0x1  }
0x92: {  	s19 =	sld [smem:$0x3FFB];
	_ =	sdelay $0x3  }
0x93: {  	_ =	strace s19  }
0x94: {  	s2 =	sld [smem:$0x3FFC];
	_ =	sdelay $0x3  }
0x95: {  	_ =	strace s2  }
0x96: {  	s2 =	sld [smem:$0x3FFD];
	_ =	sdelay $0x3  }
0x97: {  	_ =	strace s2  }
0x98: {  	_ =	strace $0x8FFFFFFF  }
0x99: {  	s20 =	sld [smem:$0x3FDB];
	_ =	sdelay $0x1  }
0x9a: {  	s5 =	simm.s32 $_scs_section_size  }
0x9b: {  	s6 =	simm.s32 $_size__tile_overlayer_lowered;
	s7 =	simm.s32 $_tile_overlayer_lowered  }
0x9c: {  	s8 =	simm.s32 $0x1BFF;
	s21 =	sshll.u32 s7, $0x1;
	s5 =	sadd.s32 s5, s20  }
0x9d: {  	s22 =	simm.s32 $0x0;
	s6 =	sshll.u32 s6, $0x1;
	s7 =	sadd.s32 s21, s5  }
0x9e: {  	[timem:s22], [sflag:s8] =	dma.local [hbm:s7], s6  }
0x9f: {  	_ =	swait.ge [sflag:s8], s6  }
0xa0: {  	s6 =	ssub.s32 $0x0, s6;
	[sflag:s8] =	ssyncset.done $0x0  }
0xa1: {  	[sflag:s8] =	ssyncadd.s32 s6;
	_ =	sdelay $0x1  }
0xa2: {  	s23 =	simm.s32 $0x1B8B  }
0xa3: {  	_ =	swait.ge [sflag:s23], $0x1  }
0xa4: {  	[sflag:s23] =	ssyncset.done $0x0  }
0xa5: {  	[sflag:s23] =	ssyncadd.s32 $0xFFFFFFFF  }
0xa6: {  	s6 =	sld [smem:$0x0]  }
0xa7: {  	s7 =	sand.u32 $0xFFFFFFFE, s1  }
0xa8: {  	p0 =	sne.s32 s1, s7  }
0xa9: {  	s7 =	sshll.u32 @p0 s7, $0xE  }
0xaa: {  	s7 =	sadd.s32 @p0 $0x11B8D, s7;
	s8 =	sshll.u32 @p0 s6, $0x11  }
0xab: {  	s7 =	sor.u32 @p0 s8, s7  }
0xac: {  	[sflag:s7] =	ssyncadd.remote.s32 @p0 $0x1;
	_ =	sdelay $0x1  }
0xad: {  	s7 =	simm.s32 @p0 $0x1B8D  }
0xae: {  	_ =	swait.eq @p0 [sflag:s7], $0x1  }
0xaf: {  	[sflag:s7] =	ssyncadd.s32 @p0 $0xFFFFFFFF  }
0xb0: {  	s8 =	sshll.u32 @!p0 s1, $0xE  }
0xb1: {  	s8 =	sor.u32 @!p0 $0x4000, s8;
	s7 =	simm.s32 @!p0 $0x1B8D  }
0xb2: {  	s6 =	sshll.u32 @!p0 s6, $0x11;
	s8 =	sadd.s32 @!p0 $0x11B8D, s8;
	_ =	swait.eq @!p0 [sflag:s7], $0x1  }
0xb3: {  	s6 =	sor.u32 @!p0 s6, s8;
	[sflag:s7] =	ssyncadd.s32 @!p0 $0xFFFFFFFF  }
0xb4: {  	s25 =	simm.s32 $0x1B8E;
	s24 =	sld [smem:$0x3FFE];
	[sflag:s6] =	ssyncadd.remote.s32 @!p0 $0x1  }
0xb5: {  	s26 =	simm.s32 $execute0_lowered;
	[smem:$0x3FD2] =	sst s25  }
0xb6: {  	s7 =	sshll.u32 s26, $0x1;
	_ =	strace $0x80000049;
	[dreg:$0x1] =	wrdreg $0xFFFFFFFF  }
0xb7: {  	s28 =	simm.s32 $_size_execute0_lowered;
	s5 =	sadd.s32 s5, s7;
	[dreg:$0x0] =	wrdreg $0x0  }
0xb8: {  	s7 =	sshll.u32 s28, $0x1;
	[dreg:$0x2] =	wrdreg s5  }
0xb9: {  	[dreg:$0x3] =	wrdreg s7  }
0xba: {  	[dreg:$0x4] =	wrdreg $0xC0  }
0xbb: {  	_ =	task [dreg:s22], $0x5FFFF  }
0xbc: {  	[dreg:$0x1] =	wrdreg $0xFFFFFFFF  }
0xbd: {  	[dreg:$0x0] =	wrdreg $0x60  }
0xbe: {  	[dreg:$0x2] =	wrdreg s4  }
0xbf: {  	[dreg:$0x3] =	wrdreg s18  }
0xc0: {  	[dreg:$0x4] =	wrdreg s24  }
0xc1: {  	[dreg:$0x5] =	wrdreg $0xA  }
0xc2: {  	_ =	task.clear_ibuf [dreg:s22], $0x6FFFF;
	_ =	strace $0x90000049  }
0xc3: {  	s29 =	simm.s32 $0xA;
	_ =	strace $0x8000004B  }
0xc4: {  	_ =	swait.ge [sflag:s29], $0x1  }
0xc5: {  	[sflag:s29] =	ssyncadd.s32 $0xFFFFFFFF  }
0xc6: {  	_ =	strace $0x9000004B  }
0xc7: {  	_ =	sfence  }
0xc8: {  	s30 =	sld [smem:$0x0];
	_ =	sdelay $0x2  }
0xc9: {  	s31 =	sshll.u32 s1, $0xD;
	s1 =	sshrl.u32 s1, $0x2  }
0xca: {  	s4 =	sand.u32 $0x4000, s31;
	s1 =	sadd.s32 s1, s30  }
0xcb: {  	s0 =	sor.u32 s4, s0;
	s1 =	sshll.u32 s1, $0x11  }
0xcc: {  	s0 =	sor.u32 s1, s0  }
0xcd: {  	s0 =	sadd.s32 $0x8F2B, s0  }
0xce: {  	[sflag:s0] =	ssyncadd.remote.s32 $0x1  }
0xcf: {  	_ =	sfence.sel $0xFFFF  }
0xd0: {  	[dreg:$0x0] =	wrdreg $0xFFFFFFFF;
	(pc) =	sbr.abs _section_cstart, $3  }
0xd1: {  	[dreg:$0x1] =	wrdreg $0xFFFFFFFF  }
0xd2: {  	_ =	task.clear_ibuf [dreg:s22], $0x2FFFF;
	_ =	strace $0x9FFFFFFF  }
0xd3: {  	(tm) =	ssettm $0x7FFFFFFF  }
tec
execute0_lowered:
.L_overlay_start_1:
0x0: {  	(tag) =	ssettag $0x1  }
0x1: {  	s4 =	rddreg [dreg:$0x0];
	s1 =	srdreg.scid  }
0x2: {  	s0 =	stileid.u32;
	s2 =	rddreg [dreg:$0x1]  }
0x3: {  	s5 =	rddreg [dreg:$0x2];
	s3 =	simm.s32 $0x0;
	s15 =	simm.s32 $0x1  }
0x4: {  	s16 =	simm.s32 $0x4C00;
	s17 =	simm.s32 $0x3;
	s18 =	simm.s32 $0x100  }
0x5: {  	s19 =	simm.s32 $0x2;
	s20 =	simm.s32 $0x4;
	s13 =	smul.u32 $0xA0000, s0  }
0x6: {  	s21 =	simm.s32 $0x980;
	s8 =	sand.u32 $0x1, s1;
	s30 =	smul.u32 $0x14000, s0  }
0x7: {  	s22 =	simm.s32 $0x0;
	s24 =	sshll.u32 s0, $0x1;
	s28 =	smul.u32 $0x50000, s8  }
0x8: {  	s1 =	rddreg [dreg:$0x3];
	s6 =	sor.u32 s8, s24;
	s31 =	smul.u32 $0xA000, s8  }
0x9: {  	[smem:$0x7FF] =	sst s3;
	s10 =	ssub.s32 $0x2, s8;
	s7 =	smul.u32 $0x180, s6  }
0xa: {  	s12 =	sadd.s32 $0x145800, s5;
	s9 =	smul.u32 $0x50000, s6;
	s25 =	sshrl.u32 s10, $0x1  }
0xb: {  	_ =	strace $0x8000004A;
	s11 =	smul.u32 $0xA000, s6;
	s5 =	ssub.s32 s10, s25  }
0xc: {  	s26 =	sshrl.u32 s9, $0x3;
	s4 =	sadd.s32 s4, s7;
	s5 =	smax.u32 s5, $0x1  }
0xd: {  	s29 =	sadd.s32 s12, s11;
	s9 =	sadd.s32 s28, s13;
	s11 =	sadd.s32 s30, s12  }
0xe: {  	s13 =	simm.s32 $0x80;
	s6 =	sadd.s32 s12, s26;
	s7 =	sadd.s32 $0x800, s29  }
0xf: {  	s9 =	sor.u32 $0x8000, s9;
	s11 =	sadd.s32 s31, s11;
	s8 =	sadd.s32 $0x9000, s6  }
0x10: {  	s14 =	sshrl.u32 s9, $0x3;
	s9 =	sadd.s32 $0x9800, s29;
	s11 =	sadd.s32 $0x1800, s11  }
0x11: {  	s10 =	sadd.s32 s14, s12;
	s12 =	simm.s32 $0x5;
	s14 =	simm.s32 $0xC00  }
.LBB2_1:
0x12: {  	[tilespmem:s3], [sflag:$0x5] =	stream.linear.gather [hbm4b:s4+s3], $0xA00, $0x38;
	[tilespmem:$0x8C00] =	vst v63  }
0x13: {  	_ =	swait.ge [sflag:s12], $0xA00  }
0x14: {  	[sflag:s12] =	ssyncset.done $0x0  }
0x15: {  	[sflag:s12] =	ssyncadd.s32 $0xFFFFF600  }
0x16: {  	[tilespmem:s14], [sflag:$0x1] =	stream.indirect.gather [hbm4b:s2+s13], $0x80, s3, s13, $0xb8;
	[tilespmem:$0x8C00] =	vst v63  }
0x17: {  	_ =	swait.ge [sflag:s15], $0x4000  }
0x18: {  	[sflag:s15] =	ssyncset.done $0x0  }
0x19: {  	[sflag:s15] =	ssyncadd.s32 $0xFFFFC000  }
0x1a: {  	[hbm4b:s6+s3] =	stream.linear.scatter [tilespmem:s14], [sflag:$0x3], $0x4000, $0x38;
	[tilespmem:$0x8C00] =	vst v63  }
0x1b: {  	_ = 	snop  }
0x1c: {  	[tilespmem:s16], [sflag:$0x2] =	stream.indirect.gather [hbm4b:s2+s13], $0x80, s13, s13, $0xb8;
	[tilespmem:$0x8C00] =	vst v63  }
0x1d: {  	_ =	swait.ge [sflag:s17], $0x4000  }
0x1e: {  	[sflag:s17] =	ssyncset.done $0x0  }
0x1f: {  	[sflag:s17] =	ssyncadd.s32 $0xFFFFC000  }
0x20: {  	[tilespmem:s14], [sflag:$0x1] =	stream.indirect.gather [hbm4b:s2+s13], $0x80, s18, s13, $0xb8;
	[tilespmem:$0x8C00] =	vst v63  }
0x21: {  	_ =	swait.ge [sflag:s19], $0x4000  }
0x22: {  	[sflag:s19] =	ssyncset.done $0x0  }
0x23: {  	[sflag:s19] =	ssyncadd.s32 $0xFFFFC000  }
0x24: {  	[hbm4b:s7+s3] =	stream.linear.scatter [tilespmem:s16], [sflag:$0x4], $0x4000, $0x38;
	[tilespmem:$0x8C00] =	vst v63  }
0x25: {  	_ =	swait.ge [sflag:s15], $0x4000  }
0x26: {  	[sflag:s15] =	ssyncset.done $0x0  }
0x27: {  	s23 =	sadd.s32 $0x0, s10;
	[sflag:s15] =	ssyncadd.s32 $0xFFFFC000  }
0x28: {  	[hbm4b:s23+s3] =	stream.linear.scatter [tilespmem:s14], [sflag:$0x3], $0x4000, $0x38;
	[tilespmem:$0x8C00] =	vst v63  }
0x29: {  	_ =	swait.ge [sflag:s20], $0x4000  }
0x2a: {  	[sflag:s20] =	ssyncset.done $0x0  }
0x2b: {  	s30 =	simm.s32 $0x180;
	[sflag:s20] =	ssyncadd.s32 $0xFFFFC000  }
0x2c: {  	[tilespmem:s16], [sflag:$0x2] =	stream.indirect.gather [hbm4b:s2+s13], $0x80, s30, s13, $0xb8;
	[tilespmem:$0x8C00] =	vst v63  }
0x2d: {  	_ =	swait.ge [sflag:s17], $0x4000  }
0x2e: {  	[sflag:s17] =	ssyncset.done $0x0  }
0x2f: {  	s31 =	simm.s32 $0x200;
	[sflag:s17] =	ssyncadd.s32 $0xFFFFC000  }
0x30: {  	[tilespmem:s14], [sflag:$0x1] =	stream.indirect.gather [hbm4b:s2+s13], $0x80, s31, s13, $0xb8;
	[tilespmem:$0x8C00] =	vst v63  }
0x31: {  	_ =	swait.ge [sflag:s19], $0x4000  }
0x32: {  	s25 =	sadd.s32 $0x0, s11;
	[sflag:s19] =	ssyncset.done $0x0  }
0x33: {  	s24 =	simm.s32 $0x300;
	s23 =	simm.s32 $0x1000;
	[sflag:s19] =	ssyncadd.s32 $0xFFFFC000  }
.LBB2_2:
0x34: {  	[hbm4b:s25+s3] =	stream.linear.scatter [tilespmem:s16], [sflag:$0x4], $0x4000, $0x38;
	[tilespmem:$0x8C00] =	vst v63  }
0x35: {  	s25 =	smov.u32 s23  }
0x36: {  	p0 =	sne.s32 s23, $0x7000;
	s23 =	sadd.s32 $0x1000, s23;
	_ =	swait.ge [sflag:s15], $0x4000  }
0x37: {  	[sflag:s15] =	ssyncset.done $0x0  }
0x38: {  	s26 =	sadd.s32 s25, s10;
	[sflag:s15] =	ssyncadd.s32 $0xFFFFC000  }
0x39: {  	[hbm4b:s26+s3] =	stream.linear.scatter [tilespmem:s14], [sflag:$0x3], $0x4000, $0x38;
	[tilespmem:$0x8C00] =	vst v63  }
0x3a: {  	_ =	swait.ge [sflag:s20], $0x4000  }
0x3b: {  	[sflag:s20] =	ssyncset.done $0x0  }
0x3c: {  	s26 =	sadd.s32 $0xFFFFFF80, s24;
	[sflag:s20] =	ssyncadd.s32 $0xFFFFC000  }
0x3d: {  	[tilespmem:s16], [sflag:$0x2] =	stream.indirect.gather [hbm4b:s2+s13], $0x80, s26, s13, $0xb8;
	[tilespmem:$0x8C00] =	vst v63  }
0x3e: {  	_ =	swait.ge [sflag:s17], $0x4000  }
0x3f: {  	[sflag:s17] =	ssyncset.done $0x0  }
.Ltmp0:
0x40: {  	[sflag:s17] =	ssyncadd.s32 $0xFFFFC000;
	(pc) =	sbr.rel @p0 .LBB2_2-.Ltmp0, $4  }
0x41: {  	[tilespmem:s14], [sflag:$0x1] =	stream.indirect.gather [hbm4b:s2+s13], $0x80, s24, s13, $0xb8;
	[tilespmem:$0x8C00] =	vst v63  }
0x42: {  	_ =	swait.ge [sflag:s19], $0x4000  }
0x43: {  	[sflag:s19] =	ssyncset.done $0x0  }
0x44: {  	s25 =	sadd.s32 s25, s11;
	s24 =	sadd.s32 $0x100, s24;
	[sflag:s19] =	ssyncadd.s32 $0xFFFFC000  }
0x45: {  	[hbm4b:s25+s3] =	stream.linear.scatter [tilespmem:s16], [sflag:$0x4], $0x4000, $0x38;
	[tilespmem:$0x8C00] =	vst v63  }
0x46: {  	_ =	swait.ge [sflag:s15], $0x4000  }
0x47: {  	[sflag:s15] =	ssyncset.done $0x0  }
0x48: {  	[sflag:s15] =	ssyncadd.s32 $0xFFFFC000  }
0x49: {  	[hbm4b:s8+s3] =	stream.linear.scatter [tilespmem:s14], [sflag:$0x3], $0x4000, $0x38;
	[tilespmem:$0x8C00] =	vst v63  }
0x4a: {  	_ =	swait.ge [sflag:s20], $0x4000  }
0x4b: {  	[sflag:s20] =	ssyncset.done $0x0  }
0x4c: {  	[sflag:s20] =	ssyncadd.s32 $0xFFFFC000  }
0x4d: {  	[tilespmem:s16], [sflag:$0x2] =	stream.indirect.gather [hbm4b:s2+s13], $0x80, s21, s13, $0xb8;
	[tilespmem:$0x8C00] =	vst v63  }
0x4e: {  	_ =	swait.ge [sflag:s17], $0x4000  }
0x4f: {  	[sflag:s17] =	ssyncset.done $0x0  }
0x50: {  	[sflag:s17] =	ssyncadd.s32 $0xFFFFC000  }
0x51: {  	s22 =	sadd.s32 $0x1, s22;
	_ =	swait.ge [sflag:s19], $0x4000  }
0x52: {  	p0 =	sne.s32 s22, s5;
	[sflag:s19] =	ssyncset.done $0x0  }
.Ltmp1:
0x53: {  	[sflag:s19] =	ssyncadd.s32 $0xFFFFC000;
	(pc) =	sbr.rel @p0 .LBB2_1-.Ltmp1, $4  }
0x54: {  	[hbm4b:s9+s3] =	stream.linear.scatter [tilespmem:s16], [sflag:$0x4], $0x4000, $0x38;
	[tilespmem:$0x8C00] =	vst v63  }
0x55: {  	_ =	swait.ge [sflag:s20], $0x4000  }
0x56: {  	[sflag:s20] =	ssyncset.done $0x0  }
0x57: {  	[sflag:s20] =	ssyncadd.s32 $0xFFFFC000  }
0x58: {  	_ =	sfence.sel $0x180000  }
0x59: {  	[bflag:$0x0] =	sbarrier.arrive $0xFFFF  }
0x5a: {  	p0 =	sne.s32 s0, $0x0;
	_ =	strace $0x9000004A  }
0x5b: {  	s0 =	sadd.s32 @!p0 $0x100000, s1;
	[bflag:$0x2] =	sbarrier.arrive $0xFFFF  }
0x5c: {  	[sflag:s0] =	ssyncadd.tile.s32 @!p0 $0x1;
	_ =	shalt  }
.Lfunc_end2:
_tile_overlayer_lowered:
.L_overlay_start_2:
0x5d: {  	(tag) =	ssettag $0x2  }
0x5e: {  	s0 =	rddreg [dreg:$0x0];
	s2 =	stileid.u32  }
0x5f: {  	s1 =	rddreg [dreg:$0x1];
	p0 =	sne.s32 s2, $0x0  }
0x60: {  	s3 =	rddreg [dreg:$0x2];
	[bflag:$0x3] =	sbarrier.arrive $0xFFFF;
	s2 =	simm.s32 @!p0 $0x1C05  }
0x61: {  	[timem:s3], [sflag:s2] =	dma.local @!p0 [hbm:s0], s1  }
0x62: {  	s0 =	simm.s32 @!p0 $0x5  }
0x63: {  	_ =	swait.ge @!p0 [sflag:s0], s1  }
0x64: {  	s1 =	ssub.s32 @!p0 $0x0, s1;
	[sflag:s0] =	ssyncset.done @!p0 $0x0  }
0x65: {  	[sflag:s0] =	ssyncadd.s32 @!p0 s1  }
0x66: {  	[bflag:$0x3] =	sbarrier.arrive $0xFFFF  }
0x67: {  	_ =	shalt  }

// kernel: kernel.8.cloned.1.call-start
scs
__scs_entry_jumppad:
0x0: {  	(pc) =	sbr.rel $0x88, $3  }
0x1: {  	(tag) =	ssettag $0x0;
	lr =	simm.s32 $0x1  }
0x2: {  	[smem:$0x3F94] =	sst lr;
	_ =	strace $0xD0000000  }
0x3: {  	_ = 	snop  }
0x4: {  	_ = 	snop  }
0x5: {  	_ = 	snop  }
0x6: {  	_ = 	snop  }
0x7: {  	_ = 	snop  }
__scs_overlays_trampoline_lowered:
0x8: {  	[smem:$0x3FA3] =	sst s0  }
0x9: {  	[smem:$0x3FA4] =	sst s1  }
0xa: {  	[smem:$0x3FA5] =	sst s2  }
0xb: {  	[smem:$0x3FA6] =	sst s3  }
0xc: {  	[smem:$0x3FA7] =	sst s4  }
0xd: {  	[smem:$0x3FA8] =	sst s5  }
0xe: {  	[smem:$0x3FA9] =	sst s6  }
0xf: {  	[smem:$0x3FAA] =	sst s7  }
0x10: {  	[smem:$0x3FAB] =	sst s8  }
0x11: {  	[smem:$0x3FAC] =	sst s9;
	s0 =	simm.s32 @!p0 $0x0  }
0x12: {  	s1 =	sld [smem:$0x3F92];
	s0 =	simm.s32 @p0 $0x1  }
0x13: {  	[smem:$0x3FAD] =	sst s0;
	s0 =	simm.s32 @!p1 $0x0  }
0x14: {  	s2 =	sld [smem:$0x3F91];
	s0 =	simm.s32 @p1 $0x1  }
0x15: {  	[smem:$0x3FAE] =	sst s0;
	s0 =	simm.s32 @!p2 $0x0  }
0x16: {  	s3 =	sld [smem:$0x3FDB];
	s0 =	simm.s32 @p2 $0x1  }
0x17: {  	s4 =	simm.s32 $0x1BF5;
	[smem:$0x3FB0] =	sst s0  }
0x18: {  	s0 =	sld [smem:$0x3F93];
	_ =	swait.ge [sflag:s4], $0x0  }
0x19: {  	s7 =	sld [smem:$0x3F94]  }
0x1a: {  	s8 =	sadd.s32 $0xFFFFE003, lr  }
0x1b: {  	s9 =	sadd.s32 $0xFFFFFEF7, lr;
	s5 =	simm.s32 $0xFFFFFFFF;
	p2 =	slt.u32 s8, $0xFFFFF086  }
0x1c: {  	p1 =	slt.u32 s9, $0xF7A;
	s5 =	simm.s32 @!p2 $0x0  }
0x1d: {  	s5 =	simm.s32 @p1 $0x1;
	p0 =	seq.s32 s7, s2  }
0x1e: {  	s7 =	smul.u32 @!p0 $0xF7A, s2;
	p2 =	seq.s32 @!p0 s5, $0x0  }
0x1f: {  	s9 =	smul.u32 $0xF7A, s1;
	s8 =	simm.s32 @!p0 $0x1BF5;
	p2 =	por !p2, p0  }
0x20: {  	[sflag:s8] =	ssyncset.s32 @!p0 $0xFFFFF086;
	s6 =	sadd.s32 @!p0 s3, s7;
	s7 =	simm.s32 @!p0 $0x108  }
0x21: {  	s3 =	sadd.s32 s3, s9;
	s6 =	sadd.s32 @!p0 $0x88, s6;
	s7 =	simm.s32 @p2 $0x1082  }
0x22: {  	[simem:s7], [sflag:s8] =	dma.local @!p0 [hbm:s6], $0xF7A  }
0x23: {  	s9 =	sor.u32 $0xD0000000, s2;
	s6 =	simm.s32 $0x108;
	_ =	swait.ge @!p0 [sflag:s8], $0x0  }
0x24: {  	s3 =	sadd.s32 $0x88, s3;
	s6 =	simm.s32 @!p1 $0x1082;
	[sflag:s4] =	ssyncset.s32 $0xFFFFF086  }
0x25: {  	[simem:s6], [sflag:s4] =	dma.local [hbm:s3], $0xF7A  }
0x26: {  	[smem:$0x3F94] =	sst s1;
	(tag) =	ssettag s2;
	_ =	strace s9  }
0x27: {  	s1 =	sld [smem:$0x3FA4]  }
0x28: {  	s2 =	sld [smem:$0x3FA5]  }
0x29: {  	s4 =	sld [smem:$0x3FA7]  }
0x2a: {  	p0 =	seq.s32 s5, $0x0;
	s5 =	sld [smem:$0x3FA8]  }
0x2b: {  	s6 =	sld [smem:$0x3FA9]  }
0x2c: {  	s7 =	sld [smem:$0x3FAA]  }
0x2d: {  	s3 =	simm.s32 $0x108;
	s8 =	sld [smem:$0x3FAB]  }
0x2e: {  	s3 =	simm.s32 @!p0 $0x1082;
	s9 =	sld [smem:$0x3FAC]  }
0x2f: {  	lr =	sadd.s32 s0, s3;
	s0 =	sld [smem:$0x3FA3]  }
0x30: {  	s3 =	sld [smem:$0x3FA6]  }
0x31: {  	[smem:$0x3FAF] =	sst s10  }
0x32: {  	s10 =	sld [smem:$0x3FAD];
	_ =	sdelay $0x3  }
0x33: {  	p0 =	seq.s32 s10, $0x1;
	s10 =	sld [smem:$0x3FAF];
	_ =	sdelay $0x3  }
0x34: {  	[smem:$0x3FAF] =	sst s10  }
0x35: {  	s10 =	sld [smem:$0x3FAE];
	_ =	sdelay $0x3  }
0x36: {  	p1 =	seq.s32 s10, $0x1;
	s10 =	sld [smem:$0x3FAF];
	_ =	sdelay $0x3  }
0x37: {  	[smem:$0x3FAF] =	sst s10  }
0x38: {  	s10 =	sld [smem:$0x3FB0]  }
0x39: {  	_ = 	snop;
	(pc) =	sbr.ind lr, $3  }
0x3a: {  	_ = 	snop  }
0x3b: {  	_ = 	snop  }
0x3c: {  	p2 =	seq.s32 s10, $0x1;
	s10 =	sld [smem:$0x3FAF]  }
0x3d: {  	_ =	shalt  }
0x3e: {  	_ =	shalt  }
0x3f: {  	_ =	shalt  }
0x40: {  	_ =	shalt  }
0x41: {  	_ =	shalt  }
0x42: {  	_ =	shalt  }
0x43: {  	_ =	shalt  }
0x44: {  	_ =	shalt  }
0x45: {  	_ =	shalt  }
0x46: {  	_ =	shalt  }
0x47: {  	_ =	shalt  }
0x48: {  	_ =	shalt  }
0x49: {  	_ =	shalt  }
0x4a: {  	_ =	shalt  }
0x4b: {  	_ =	shalt  }
0x4c: {  	_ =	shalt  }
0x4d: {  	_ =	shalt  }
0x4e: {  	_ =	shalt  }
0x4f: {  	_ =	shalt  }
0x50: {  	_ =	shalt  }
0x51: {  	_ =	shalt  }
0x52: {  	_ =	shalt  }
0x53: {  	_ =	shalt  }
0x54: {  	_ =	shalt  }
0x55: {  	_ =	shalt  }
0x56: {  	_ =	shalt  }
0x57: {  	_ =	shalt  }
0x58: {  	_ =	shalt  }
0x59: {  	_ =	shalt  }
0x5a: {  	_ =	shalt  }
0x5b: {  	_ =	shalt  }
0x5c: {  	_ =	shalt  }
0x5d: {  	_ =	shalt  }
0x5e: {  	_ =	shalt  }
0x5f: {  	_ =	shalt  }
0x60: {  	_ =	shalt  }
0x61: {  	_ =	shalt  }
0x62: {  	_ =	shalt  }
0x63: {  	_ =	shalt  }
0x64: {  	_ =	shalt  }
0x65: {  	_ =	shalt  }
0x66: {  	_ =	shalt  }
0x67: {  	_ =	shalt  }
0x68: {  	_ =	shalt  }
0x69: {  	_ =	shalt  }
0x6a: {  	_ =	shalt  }
0x6b: {  	_ =	shalt  }
0x6c: {  	_ =	shalt  }
0x6d: {  	_ =	shalt  }
0x6e: {  	_ =	shalt  }
0x6f: {  	_ =	shalt  }
0x70: {  	_ =	shalt  }
0x71: {  	_ =	shalt  }
0x72: {  	_ =	shalt  }
0x73: {  	_ =	shalt  }
0x74: {  	_ =	shalt  }
0x75: {  	_ =	shalt  }
0x76: {  	_ =	shalt  }
0x77: {  	_ =	shalt  }
0x78: {  	_ =	shalt  }
0x79: {  	_ =	shalt  }
0x7a: {  	_ =	shalt  }
0x7b: {  	_ =	shalt  }
0x7c: {  	_ =	shalt  }
0x7d: {  	_ =	shalt  }
0x7e: {  	_ =	shalt  }
0x7f: {  	_ =	shalt  }
0x80: {  	_ =	shalt  }
0x81: {  	_ =	shalt  }
0x82: {  	_ =	shalt  }
0x83: {  	_ =	shalt  }
0x84: {  	_ =	shalt  }
0x85: {  	_ =	shalt  }
0x86: {  	_ =	shalt  }
0x87: {  	_ =	shalt  }
.Lfunc_end0:
.L_simem_size_0:
called_computation_lowered:
.L_overlay_start_0:
0x88: {  	s2 =	sld [smem:$0x3FD9]  }
0x89: {  	s3 =	sld [smem:$0x3FFE];
	_ =	sdelay $0x1  }
0x8a: {  	s1 =	srdreg.scid  }
0x8b: {  	s0 =	sand.u32 $0x1, s1  }
0x8c: {  	s17 =	sshll.u32 s0, $0xA;
	s2 =	sadd.s32 s3, s2  }
0x8d: {  	s2 =	sadd.s32 s2, s17  }
0x8e: {  	[smem:$0x3FBB] =	sst s2  }
0x8f: {  	_ = 	snop  }
0x90: {  	s2 =	sld [smem:$0x3FC9];
	(tm) =	ssettm $0x1  }
0x91: {  	s18 =	sld [smem:$0x3FFB];
	_ =	sdelay $0x3  }
0x92: {  	_ =	strace s18  }
0x93: {  	s3 =	sld [smem:$0x3FFC];
	_ =	sdelay $0x3  }
0x94: {  	_ =	strace s3  }
0x95: {  	s3 =	sld [smem:$0x3FFD];
	_ =	sdelay $0x3  }
0x96: {  	_ =	strace s3  }
0x97: {  	_ =	strace $0x8FFFFFFF  }
0x98: {  	s19 =	sld [smem:$0x3FDB];
	_ =	sdelay $0x1  }
0x99: {  	s4 =	simm.s32 $_scs_section_size  }
0x9a: {  	s5 =	simm.s32 $_size__tile_overlayer_lowered;
	s6 =	simm.s32 $_tile_overlayer_lowered  }
0x9b: {  	s22 =	simm.s32 $0x1BFF;
	s21 =	sshll.u32 s6, $0x1;
	s3 =	sadd.s32 s4, s19  }
0x9c: {  	s7 =	simm.s32 $0x0;
	s20 =	sshll.u32 s5, $0x1;
	s5 =	sadd.s32 s21, s3  }
0x9d: {  	[timem:s7], [sflag:s22] =	dma.local [hbm:s5], s20  }
0x9e: {  	_ =	swait.ge [sflag:s22], s20  }
0x9f: {  	s4 =	ssub.s32 $0x0, s20;
	[sflag:s22] =	ssyncset.done $0x0  }
0xa0: {  	[sflag:s22] =	ssyncadd.s32 s4;
	_ =	sdelay $0x1  }
0xa1: {  	s23 =	simm.s32 $0x1B8B  }
0xa2: {  	_ =	swait.ge [sflag:s23], $0x1  }
0xa3: {  	[sflag:s23] =	ssyncset.done $0x0  }
0xa4: {  	s25 =	simm.s32 $0x1B8E;
	s24 =	sld [smem:$0x3FFE];
	[sflag:s23] =	ssyncadd.s32 $0xFFFFFFFF  }
0xa5: {  	s26 =	simm.s32 $execute0_lowered;
	[smem:$0x3FD2] =	sst s25  }
0xa6: {  	s5 =	sshll.u32 s26, $0x1;
	_ =	strace $0x80000046;
	[dreg:$0x1] =	wrdreg $0xFFFFFFFF  }
0xa7: {  	s28 =	simm.s32 $_size_execute0_lowered;
	s3 =	sadd.s32 s3, s5;
	[dreg:$0x0] =	wrdreg $0x0  }
0xa8: {  	s5 =	sshll.u32 s28, $0x1;
	[dreg:$0x2] =	wrdreg s3  }
0xa9: {  	[dreg:$0x3] =	wrdreg s5  }
0xaa: {  	[dreg:$0x4] =	wrdreg $0xC0  }
0xab: {  	_ =	task [dreg:s7], $0x5FFFF  }
0xac: {  	[dreg:$0x1] =	wrdreg $0xFFFFFFFF  }
0xad: {  	[dreg:$0x0] =	wrdreg $0x60  }
0xae: {  	[dreg:$0x2] =	wrdreg s24  }
0xaf: {  	[dreg:$0x3] =	wrdreg s2  }
0xb0: {  	[dreg:$0x4] =	wrdreg $0x9  }
0xb1: {  	_ =	task.clear_ibuf [dreg:s7], $0x5FFFF;
	_ =	strace $0x90000046  }
0xb2: {  	s29 =	simm.s32 $0x9;
	_ =	strace $0x80000048  }
0xb3: {  	_ =	swait.ge [sflag:s29], $0x1  }
0xb4: {  	[sflag:s29] =	ssyncadd.s32 $0xFFFFFFFF  }
0xb5: {  	_ =	strace $0x90000048  }
0xb6: {  	_ =	sfence  }
0xb7: {  	s30 =	sld [smem:$0x0];
	_ =	sdelay $0x2  }
0xb8: {  	s31 =	sshll.u32 s1, $0xD;
	s1 =	sshrl.u32 s1, $0x2  }
0xb9: {  	s3 =	sand.u32 $0x4000, s31;
	s1 =	sadd.s32 s1, s30  }
0xba: {  	s0 =	sor.u32 s3, s0;
	s1 =	sshll.u32 s1, $0x11  }
0xbb: {  	s0 =	sor.u32 s1, s0  }
0xbc: {  	s0 =	sadd.s32 $0x8F2B, s0  }
0xbd: {  	[sflag:s0] =	ssyncadd.remote.s32 $0x1  }
0xbe: {  	_ =	sfence.sel $0xFFFF  }
0xbf: {  	[dreg:$0x0] =	wrdreg $0xFFFFFFFF;
	(pc) =	sbr.abs _section_cstart, $3  }
0xc0: {  	[dreg:$0x1] =	wrdreg $0xFFFFFFFF  }
0xc1: {  	_ =	task.clear_ibuf [dreg:s7], $0x2FFFF;
	_ =	strace $0x9FFFFFFF  }
0xc2: {  	(tm) =	ssettm $0x7FFFFFFF  }
0xc3: {  	_ =	shalt  }
tec
execute0_lowered:
.L_overlay_start_1:
0x0: {  	(tag) =	ssettag $0x1  }
0x1: {  	s4 =	rddreg [dreg:$0x0];
	s1 =	srdreg.scid  }
0x2: {  	s0 =	stileid.u32;
	s2 =	rddreg [dreg:$0x1]  }
0x3: {  	s3 =	simm.s32 $0x0;
	s15 =	simm.s32 $0x1;
	s16 =	simm.s32 $0x4C00  }
0x4: {  	s17 =	simm.s32 $0x3;
	s18 =	simm.s32 $0x100;
	s19 =	simm.s32 $0x2  }
0x5: {  	s20 =	simm.s32 $0x4;
	s21 =	simm.s32 $0x980;
	s12 =	smul.u32 $0xA0000, s0  }
0x6: {  	s22 =	simm.s32 $0x0;
	s8 =	sand.u32 $0x1, s1;
	s30 =	smul.u32 $0x14000, s0  }
0x7: {  	s5 =	sshll.u32 s0, $0x1;
	s1 =	rddreg [dreg:$0x2];
	s29 =	smul.u32 $0x50000, s8  }
0x8: {  	[smem:$0x7FF] =	sst s3;
	s5 =	sor.u32 s8, s5;
	s13 =	smul.u32 $0xA000, s8  }
0x9: {  	s11 =	sadd.s32 $0x5800, s4;
	s9 =	ssub.s32 $0x2, s8;
	s6 =	smul.u32 $0x180, s5  }
0xa: {  	_ =	strace $0x80000047;
	s7 =	smul.u32 $0x50000, s5;
	s26 =	sshrl.u32 s9, $0x1  }
0xb: {  	s10 =	smul.u32 $0xA000, s5;
	s28 =	ssub.s32 s9, s26;
	s9 =	sadd.s32 s29, s12  }
0xc: {  	s12 =	sadd.s32 s30, s11;
	s6 =	sadd.s32 s6, s4;
	s7 =	sshrl.u32 s7, $0x3  }
0xd: {  	s5 =	smax.u32 s28, $0x1;
	s10 =	sadd.s32 s11, s10;
	s9 =	sor.u32 $0x8000, s9  }
0xe: {  	s31 =	sadd.s32 s13, s12;
	s12 =	simm.s32 $0x5;
	s13 =	simm.s32 $0x80  }
0xf: {  	s4 =	sadd.s32 $0x2800, s6;
	s6 =	sadd.s32 s11, s7;
	s7 =	sadd.s32 $0x800, s10  }
0x10: {  	s14 =	sshrl.u32 s9, $0x3;
	s9 =	sadd.s32 $0x9800, s10;
	s8 =	sadd.s32 $0x9000, s6  }
0x11: {  	s10 =	sadd.s32 s14, s11;
	s11 =	sadd.s32 $0x1800, s31;
	s14 =	simm.s32 $0xC00  }
.LBB2_1:
0x12: {  	[tilespmem:s3], [sflag:$0x5] =	stream.linear.gather [hbm4b:s4+s3], $0xA00, $0x38;
	[tilespmem:$0x8C00] =	vst v63  }
0x13: {  	_ =	swait.ge [sflag:s12], $0xA00  }
0x14: {  	[sflag:s12] =	ssyncset.done $0x0  }
0x15: {  	[sflag:s12] =	ssyncadd.s32 $0xFFFFF600  }
0x16: {  	[tilespmem:s14], [sflag:$0x1] =	stream.indirect.gather [hbm4b:s2+s13], $0x80, s3, s13, $0xb8;
	[tilespmem:$0x8C00] =	vst v63  }
0x17: {  	_ =	swait.ge [sflag:s15], $0x4000  }
0x18: {  	[sflag:s15] =	ssyncset.done $0x0  }
0x19: {  	[sflag:s15] =	ssyncadd.s32 $0xFFFFC000  }
0x1a: {  	[hbm4b:s6+s3] =	stream.linear.scatter [tilespmem:s14], [sflag:$0x3], $0x4000, $0x38;
	[tilespmem:$0x8C00] =	vst v63  }
0x1b: {  	_ = 	snop  }
0x1c: {  	[tilespmem:s16], [sflag:$0x2] =	stream.indirect.gather [hbm4b:s2+s13], $0x80, s13, s13, $0xb8;
	[tilespmem:$0x8C00] =	vst v63  }
0x1d: {  	_ =	swait.ge [sflag:s17], $0x4000  }
0x1e: {  	[sflag:s17] =	ssyncset.done $0x0  }
0x1f: {  	[sflag:s17] =	ssyncadd.s32 $0xFFFFC000  }
0x20: {  	[tilespmem:s14], [sflag:$0x1] =	stream.indirect.gather [hbm4b:s2+s13], $0x80, s18, s13, $0xb8;
	[tilespmem:$0x8C00] =	vst v63  }
0x21: {  	_ =	swait.ge [sflag:s19], $0x4000  }
0x22: {  	[sflag:s19] =	ssyncset.done $0x0  }
0x23: {  	[sflag:s19] =	ssyncadd.s32 $0xFFFFC000  }
0x24: {  	[hbm4b:s7+s3] =	stream.linear.scatter [tilespmem:s16], [sflag:$0x4], $0x4000, $0x38;
	[tilespmem:$0x8C00] =	vst v63  }
0x25: {  	_ =	swait.ge [sflag:s15], $0x4000  }
0x26: {  	[sflag:s15] =	ssyncset.done $0x0  }
0x27: {  	s23 =	sadd.s32 $0x0, s10;
	[sflag:s15] =	ssyncadd.s32 $0xFFFFC000  }
0x28: {  	[hbm4b:s23+s3] =	stream.linear.scatter [tilespmem:s14], [sflag:$0x3], $0x4000, $0x38;
	[tilespmem:$0x8C00] =	vst v63  }
0x29: {  	_ =	swait.ge [sflag:s20], $0x4000  }
0x2a: {  	[sflag:s20] =	ssyncset.done $0x0  }
0x2b: {  	s30 =	simm.s32 $0x180;
	[sflag:s20] =	ssyncadd.s32 $0xFFFFC000  }
0x2c: {  	[tilespmem:s16], [sflag:$0x2] =	stream.indirect.gather [hbm4b:s2+s13], $0x80, s30, s13, $0xb8;
	[tilespmem:$0x8C00] =	vst v63  }
0x2d: {  	_ =	swait.ge [sflag:s17], $0x4000  }
0x2e: {  	[sflag:s17] =	ssyncset.done $0x0  }
0x2f: {  	s31 =	simm.s32 $0x200;
	[sflag:s17] =	ssyncadd.s32 $0xFFFFC000  }
0x30: {  	[tilespmem:s14], [sflag:$0x1] =	stream.indirect.gather [hbm4b:s2+s13], $0x80, s31, s13, $0xb8;
	[tilespmem:$0x8C00] =	vst v63  }
0x31: {  	_ =	swait.ge [sflag:s19], $0x4000  }
0x32: {  	s25 =	sadd.s32 $0x0, s11;
	[sflag:s19] =	ssyncset.done $0x0  }
0x33: {  	s24 =	simm.s32 $0x300;
	s23 =	simm.s32 $0x1000;
	[sflag:s19] =	ssyncadd.s32 $0xFFFFC000  }
.LBB2_2:
0x34: {  	[hbm4b:s25+s3] =	stream.linear.scatter [tilespmem:s16], [sflag:$0x4], $0x4000, $0x38;
	[tilespmem:$0x8C00] =	vst v63  }
0x35: {  	s25 =	smov.u32 s23  }
0x36: {  	p0 =	sne.s32 s23, $0x7000;
	s23 =	sadd.s32 $0x1000, s23;
	_ =	swait.ge [sflag:s15], $0x4000  }
0x37: {  	[sflag:s15] =	ssyncset.done $0x0  }
0x38: {  	s26 =	sadd.s32 s25, s10;
	[sflag:s15] =	ssyncadd.s32 $0xFFFFC000  }
0x39: {  	[hbm4b:s26+s3] =	stream.linear.scatter [tilespmem:s14], [sflag:$0x3], $0x4000, $0x38;
	[tilespmem:$0x8C00] =	vst v63  }
0x3a: {  	_ =	swait.ge [sflag:s20], $0x4000  }
0x3b: {  	[sflag:s20] =	ssyncset.done $0x0  }
0x3c: {  	s26 =	sadd.s32 $0xFFFFFF80, s24;
	[sflag:s20] =	ssyncadd.s32 $0xFFFFC000  }
0x3d: {  	[tilespmem:s16], [sflag:$0x2] =	stream.indirect.gather [hbm4b:s2+s13], $0x80, s26, s13, $0xb8;
	[tilespmem:$0x8C00] =	vst v63  }
0x3e: {  	_ =	swait.ge [sflag:s17], $0x4000  }
0x3f: {  	[sflag:s17] =	ssyncset.done $0x0  }
.Ltmp0:
0x40: {  	[sflag:s17] =	ssyncadd.s32 $0xFFFFC000;
	(pc) =	sbr.rel @p0 .LBB2_2-.Ltmp0, $4  }
0x41: {  	[tilespmem:s14], [sflag:$0x1] =	stream.indirect.gather [hbm4b:s2+s13], $0x80, s24, s13, $0xb8;
	[tilespmem:$0x8C00] =	vst v63  }
0x42: {  	_ =	swait.ge [sflag:s19], $0x4000  }
0x43: {  	[sflag:s19] =	ssyncset.done $0x0  }
0x44: {  	s25 =	sadd.s32 s25, s11;
	s24 =	sadd.s32 $0x100, s24;
	[sflag:s19] =	ssyncadd.s32 $0xFFFFC000  }
0x45: {  	[hbm4b:s25+s3] =	stream.linear.scatter [tilespmem:s16], [sflag:$0x4], $0x4000, $0x38;
	[tilespmem:$0x8C00] =	vst v63  }
0x46: {  	_ =	swait.ge [sflag:s15], $0x4000  }
0x47: {  	[sflag:s15] =	ssyncset.done $0x0  }
0x48: {  	[sflag:s15] =	ssyncadd.s32 $0xFFFFC000  }
0x49: {  	[hbm4b:s8+s3] =	stream.linear.scatter [tilespmem:s14], [sflag:$0x3], $0x4000, $0x38;
	[tilespmem:$0x8C00] =	vst v63  }
0x4a: {  	_ =	swait.ge [sflag:s20], $0x4000  }
0x4b: {  	[sflag:s20] =	ssyncset.done $0x0  }
0x4c: {  	[sflag:s20] =	ssyncadd.s32 $0xFFFFC000  }
0x4d: {  	[tilespmem:s16], [sflag:$0x2] =	stream.indirect.gather [hbm4b:s2+s13], $0x80, s21, s13, $0xb8;
	[tilespmem:$0x8C00] =	vst v63  }
0x4e: {  	_ =	swait.ge [sflag:s17], $0x4000  }
0x4f: {  	[sflag:s17] =	ssyncset.done $0x0  }
0x50: {  	[sflag:s17] =	ssyncadd.s32 $0xFFFFC000  }
0x51: {  	s22 =	sadd.s32 $0x1, s22;
	_ =	swait.ge [sflag:s19], $0x4000  }
0x52: {  	p0 =	sne.s32 s22, s5;
	[sflag:s19] =	ssyncset.done $0x0  }
.Ltmp1:
0x53: {  	[sflag:s19] =	ssyncadd.s32 $0xFFFFC000;
	(pc) =	sbr.rel @p0 .LBB2_1-.Ltmp1, $4  }
0x54: {  	[hbm4b:s9+s3] =	stream.linear.scatter [tilespmem:s16], [sflag:$0x4], $0x4000, $0x38;
	[tilespmem:$0x8C00] =	vst v63  }
0x55: {  	_ =	swait.ge [sflag:s20], $0x4000  }
0x56: {  	[sflag:s20] =	ssyncset.done $0x0  }
0x57: {  	[sflag:s20] =	ssyncadd.s32 $0xFFFFC000  }
0x58: {  	_ =	sfence.sel $0x180000  }
0x59: {  	[bflag:$0x0] =	sbarrier.arrive $0xFFFF  }
0x5a: {  	p0 =	sne.s32 s0, $0x0;
	_ =	strace $0x90000047  }
0x5b: {  	s0 =	sadd.s32 @!p0 $0x100000, s1;
	[bflag:$0x2] =	sbarrier.arrive $0xFFFF  }
0x5c: {  	[sflag:s0] =	ssyncadd.tile.s32 @!p0 $0x1;
	_ =	shalt  }
.Lfunc_end2:
_tile_overlayer_lowered:
.L_overlay_start_2:
0x5d: {  	(tag) =	ssettag $0x2  }
0x5e: {  	s0 =	rddreg [dreg:$0x0];
	s2 =	stileid.u32  }
0x5f: {  	s1 =	rddreg [dreg:$0x1];
	p0 =	sne.s32 s2, $0x0  }
0x60: {  	s3 =	rddreg [dreg:$0x2];
	[bflag:$0x3] =	sbarrier.arrive $0xFFFF;
	s2 =	simm.s32 @!p0 $0x1C05  }
0x61: {  	[timem:s3], [sflag:s2] =	dma.local @!p0 [hbm:s0], s1  }
0x62: {  	s0 =	simm.s32 @!p0 $0x5  }
0x63: {  	_ =	swait.ge @!p0 [sflag:s0], s1  }
0x64: {  	s1 =	ssub.s32 @!p0 $0x0, s1;
	[sflag:s0] =	ssyncset.done @!p0 $0x0  }
0x65: {  	[sflag:s0] =	ssyncadd.s32 @!p0 s1  }
0x66: {  	[bflag:$0x3] =	sbarrier.arrive $0xFFFF  }
0x67: {  	_ =	shalt  }

</sc_bundles>
